<compile_context>
chip_gen: v7x
topology: tpu7x:2x2x1
jax: 0.10.2.dev20260603
libtpu: 0.0.44.dev20260713+nightly
codegen_flags: <defaults>
</compile_context>

<pallas_src>
import functools

import jax
import jax.numpy as jnp
from jax import lax
from jax.experimental import pallas as pl
from jax.experimental.pallas import tpu as pltpu
from jax.experimental.pallas import tpu_sc as plsc

N = 10000
E = 320000
D = 128
NUM_LAYERS = 4
EPS = 1e-5

NC = 2
NS = 16
NW = NC * NS
N_PAD = 10240
E_PAD = 327680
ROWS_PER_W = E_PAD // NW // 128
NROW_PER_TILE = N_PAD // NS

BLK = 256
GRID = N_PAD // BLK


def _sc_mesh():
    return plsc.VectorSubcoreMesh(core_axis_name="c", subcore_axis_name="s",
                                  num_cores=NC, num_subcores=NS)




def _deg_body(dst_hbm, degp_hbm, ones_v, idx_v, acc_sh):
    c = lax.axis_index("c")
    s = lax.axis_index("s")
    w = c * NS + s

    @pl.loop(0, 128)
    def _z(r):
        for kk in range(8):
            ones_v[r, pl.ds(kk * 16, 16)] = jnp.zeros((16,), jnp.float32)

    for t in range(NROW_PER_TILE // 128):
        pltpu.sync_copy(ones_v, acc_sh.at[pl.ds(s * NROW_PER_TILE + t * 128, 128), :])
    plsc.subcore_barrier()

    @pl.loop(0, 128)
    def _o(r):
        for kk in range(8):
            ones_v[r, pl.ds(kk * 16, 16)] = jnp.ones((16,), jnp.float32)

    pltpu.sync_copy(dst_hbm.at[pl.ds(w * ROWS_PER_W, ROWS_PER_W), :], idx_v)

    @pl.loop(0, ROWS_PER_W)
    def _scat(j):
        pltpu.sync_copy(ones_v, acc_sh.at[idx_v.at[j]], add=True)

    plsc.subcore_barrier()
    for t in range(NROW_PER_TILE // 128):
        r0 = s * NROW_PER_TILE + t * 128
        pltpu.sync_copy(acc_sh.at[pl.ds(r0, 128), :], degp_hbm.at[c, pl.ds(r0, 128), :])


def _deg_counts(dst2d):
    k = pl.kernel(
        _deg_body,
        out_type=jax.ShapeDtypeStruct((NC, N_PAD, D), jnp.float32),
        mesh=_sc_mesh(),
        scratch_types=[
            pltpu.VMEM((128, D), jnp.float32),
            pltpu.VMEM((ROWS_PER_W, 128), jnp.int32),
            pltpu.VMEM_SHARED((N_PAD, D), jnp.float32),
        ],
    )
    return k(dst2d)


def _agg_body(hh_hbm, src_hbm, dst_hbm, accp_hbm, rows_v, sidx_v,
              didx_v, acc_sh, sem0, sem1):
    c = lax.axis_index("c")
    s = lax.axis_index("s")
    w = c * NS + s

    @pl.loop(0, 128)
    def _z(r):
        for kk in range(8):
            rows_v[0, r, pl.ds(kk * 16, 16)] = jnp.zeros((16,), jnp.float32)

    for t in range(NROW_PER_TILE // 128):
        pltpu.sync_copy(rows_v.at[0],
                        acc_sh.at[pl.ds(s * NROW_PER_TILE + t * 128, 128), :])
    plsc.subcore_barrier()

    HB = ROWS_PER_W // 2
    for half in range(2):
        base = w * ROWS_PER_W + half * HB
        pltpu.sync_copy(src_hbm.at[pl.ds(base, HB), :], sidx_v)
        pltpu.sync_copy(dst_hbm.at[pl.ds(base, HB), :], didx_v)
        pltpu.async_copy(hh_hbm.at[sidx_v.at[0]], rows_v.at[0], sem0)

        @pl.loop(0, HB // 2)
        def _edge(t):
            j = t * 2
            pltpu.async_copy(hh_hbm.at[sidx_v.at[j + 1]], rows_v.at[1], sem1)
            pltpu.make_async_copy(hh_hbm.at[sidx_v.at[j]], rows_v.at[0], sem0).wait()
            pltpu.sync_copy(rows_v.at[0], acc_sh.at[didx_v.at[j]], add=True)

            @pl.when(t < HB // 2 - 1)
            def _():
                pltpu.async_copy(hh_hbm.at[sidx_v.at[j + 2]], rows_v.at[0], sem0)

            pltpu.make_async_copy(hh_hbm.at[sidx_v.at[j + 1]], rows_v.at[1], sem1).wait()
            pltpu.sync_copy(rows_v.at[1], acc_sh.at[didx_v.at[j + 1]], add=True)

    plsc.subcore_barrier()
    for t in range(NROW_PER_TILE // 128):
        r0 = s * NROW_PER_TILE + t * 128
        pltpu.sync_copy(acc_sh.at[pl.ds(r0, 128), :], accp_hbm.at[c, pl.ds(r0, 128), :])


def _aggregate(hh, src2d, dst2d):
    k = pl.kernel(
        _agg_body,
        out_type=jax.ShapeDtypeStruct((NC, N_PAD, D), jnp.float32),
        mesh=_sc_mesh(),
        scratch_types=[
            pltpu.VMEM((2, 128, D), jnp.float32),
            pltpu.VMEM((ROWS_PER_W // 2, 128), jnp.int32),
            pltpu.VMEM((ROWS_PER_W // 2, 128), jnp.int32),
            pltpu.VMEM_SHARED((N_PAD, D), jnp.float32),
            pltpu.SemaphoreType.DMA,
            pltpu.SemaphoreType.DMA,
        ],
    )
    return k(hh, src2d, dst2d)




def _dinv_body(degp_ref, dinv_ref):
    deg = 1.0 + degp_ref[0, :, 0:1] + degp_ref[1, :, 0:1]
    dinv = lax.rsqrt(deg)
    row = lax.broadcasted_iota(jnp.int32, (N_PAD, 1), 0)
    dinv_ref[...] = jnp.where(row < N, dinv, 0.0)


def _dinv_kernel(degp):
    return pl.pallas_call(
        _dinv_body,
        out_shape=jax.ShapeDtypeStruct((N_PAD, 1), jnp.float32),
    )(degp)


def _bf16_mm(a, b):
    return lax.dot_general(a.astype(jnp.bfloat16), b.astype(jnp.bfloat16),
                           (((1,), (0,)), ((), ())),
                           preferred_element_type=jnp.float32)


def _mm1_body(z_ref, w_ref, dinv_ref, hh_ref):
    hh_ref[...] = _bf16_mm(z_ref[...], w_ref[...]) * dinv_ref[...]


def _mm1(z, W, dinv):
    return pl.pallas_call(
        _mm1_body,
        grid=(GRID,),
        in_specs=[
            pl.BlockSpec((BLK, D), lambda i: (i, 0)),
            pl.BlockSpec((D, D), lambda i: (0, 0)),
            pl.BlockSpec((BLK, 1), lambda i: (i, 0)),
        ],
        out_specs=pl.BlockSpec((BLK, D), lambda i: (i, 0)),
        out_shape=jax.ShapeDtypeStruct((N_PAD, D), jnp.float32),
    )(z, W, dinv)


def _mm_bn_body(r_ref, stats_ref, g_ref, be_ref, w_ref, dinv_ref, hh_ref):
    mu = stats_ref[0:1, :] * (1.0 / N)
    var = stats_ref[1:2, :] * (1.0 / N) - mu * mu
    sinv = lax.rsqrt(var + EPS)
    zbn = (r_ref[...] - mu) * sinv * g_ref[...] + be_ref[...]
    hh_ref[...] = _bf16_mm(zbn, w_ref[...]) * dinv_ref[...]


def _mm_bn(r, stats, g, be, W, dinv):
    return pl.pallas_call(
        _mm_bn_body,
        grid=(GRID,),
        in_specs=[
            pl.BlockSpec((BLK, D), lambda i: (i, 0)),
            pl.BlockSpec((8, D), lambda i: (0, 0)),
            pl.BlockSpec((1, D), lambda i: (0, 0)),
            pl.BlockSpec((1, D), lambda i: (0, 0)),
            pl.BlockSpec((D, D), lambda i: (0, 0)),
            pl.BlockSpec((BLK, 1), lambda i: (i, 0)),
        ],
        out_specs=pl.BlockSpec((BLK, D), lambda i: (i, 0)),
        out_shape=jax.ShapeDtypeStruct((N_PAD, D), jnp.float32),
    )(r, stats, g, be, W, dinv)


def _post_body(accp_ref, hh_ref, dinv_ref, b_ref, r_ref, stats_ref):
    i = pl.program_id(0)
    a = accp_ref[0] + accp_ref[1]
    o = dinv_ref[...] * (a + hh_ref[...]) + b_ref[...]
    r = jnp.maximum(o, 0.0)
    row = lax.broadcasted_iota(jnp.int32, (BLK, D), 0) + i * BLK
    rm = jnp.where(row < N, r, 0.0)
    r_ref[...] = rm

    @pl.when(i == 0)
    def _():
        stats_ref[...] = jnp.zeros((8, D), jnp.float32)

    stats_ref[0:1, :] += jnp.sum(rm, axis=0, keepdims=True)
    stats_ref[1:2, :] += jnp.sum(rm * rm, axis=0, keepdims=True)


def _post(accp, hh, dinv, b):
    return pl.pallas_call(
        _post_body,
        grid=(GRID,),
        in_specs=[
            pl.BlockSpec((NC, BLK, D), lambda i: (0, i, 0)),
            pl.BlockSpec((BLK, D), lambda i: (i, 0)),
            pl.BlockSpec((BLK, 1), lambda i: (i, 0)),
            pl.BlockSpec((1, D), lambda i: (0, 0)),
        ],
        out_specs=[
            pl.BlockSpec((BLK, D), lambda i: (i, 0)),
            pl.BlockSpec((8, D), lambda i: (0, 0)),
        ],
        out_shape=[
            jax.ShapeDtypeStruct((N_PAD, D), jnp.float32),
            jax.ShapeDtypeStruct((8, D), jnp.float32),
        ],
        compiler_params=pltpu.CompilerParams(
            dimension_semantics=("arbitrary",)),
    )(accp, hh, dinv, b)


def _bn_apply_body(r_ref, stats_ref, g_ref, be_ref, z_ref):
    mu = stats_ref[0:1, :] * (1.0 / N)
    var = stats_ref[1:2, :] * (1.0 / N) - mu * mu
    sinv = lax.rsqrt(var + EPS)
    z_ref[...] = (r_ref[...] - mu) * sinv * g_ref[...] + be_ref[...]


def _bn_apply(r, stats, g, be):
    return pl.pallas_call(
        _bn_apply_body,
        grid=(GRID,),
        in_specs=[
            pl.BlockSpec((BLK, D), lambda i: (i, 0)),
            pl.BlockSpec((8, D), lambda i: (0, 0)),
            pl.BlockSpec((1, D), lambda i: (0, 0)),
            pl.BlockSpec((1, D), lambda i: (0, 0)),
        ],
        out_specs=pl.BlockSpec((BLK, D), lambda i: (i, 0)),
        out_shape=jax.ShapeDtypeStruct((N_PAD, D), jnp.float32),
    )(r, stats, g, be)




def kernel(x, edge_index, W1, b1, g1, be1, W2, b2, g2, be2, W3, b3, g3, be3,
           W4, b4, g4, be4):
    src = edge_index[0]
    dst = edge_index[1]
    npad_e = E_PAD - E
    spread = N + (jnp.arange(npad_e, dtype=jnp.int32) % (N_PAD - N))
    src2d = jnp.concatenate([src, spread]).reshape(E_PAD // 128, 128)
    dst2d = jnp.concatenate([dst, spread]).reshape(E_PAD // 128, 128)

    xp = jnp.concatenate([x, jnp.zeros((N_PAD - N, D), x.dtype)], axis=0)

    degp = _deg_counts(dst2d)
    dinv = _dinv_kernel(degp)

    params = [(W1, b1, g1, be1), (W2, b2, g2, be2),
              (W3, b3, g3, be3), (W4, b4, g4, be4)]

    r = None
    stats = None
    for li, (W, b, g, be) in enumerate(params):
        if li == 0:
            hh = _mm1(xp, W, dinv)
        else:
            hh = _mm_bn(r, stats, params[li - 1][2].reshape(1, D),
                        params[li - 1][3].reshape(1, D), W, dinv)
        accp = _aggregate(hh, src2d, dst2d)
        r, stats = _post(accp, hh, dinv, b.reshape(1, D))

    z = _bn_apply(r, stats, g4.reshape(1, D), be4.reshape(1, D))
    return z[:N]

# --- scband reference (transcript-rebuilt; emitter-appended) ---
"""Pipeline reference for scband-gcnencoder-31774168056018 (READ-ONLY COPY).

The authoritative reference and input builder live on the scoring server;
editing this copy changes nothing except your own understanding.
"""

import jax, jax.numpy as jnp
import numpy as np

N = 10000
E = 320000
D = 128
H = 128
NUM_LAYERS = 4


def setup_inputs(seed: int = 0) -> dict:
    key = jax.random.key(seed)
    ks = jax.random.split(key, 2 + 4 * NUM_LAYERS)
    inp = {}
    inp["x"] = jax.random.normal(ks[0], (N, D), dtype=jnp.float32)
    inp["edge_index"] = jax.random.randint(ks[1], (2, E), 0, N, dtype=jnp.int32)
    dims_in = [D] + [H] * (NUM_LAYERS - 1)
    for i in range(NUM_LAYERS):
        di = dims_in[i]
        inp[f"W{i+1}"] = jax.random.normal(ks[2 + i], (di, H), dtype=jnp.float32) * (1.0 / np.sqrt(di))
        inp[f"b{i+1}"] = jnp.zeros((H,), dtype=jnp.float32)
        inp[f"g{i+1}"] = jnp.ones((H,), dtype=jnp.float32)
        inp[f"be{i+1}"] = jnp.zeros((H,), dtype=jnp.float32)
    return inp


def _gcn_conv(z, src, dst, W, b):
    # PyG-style GCNConv: linear transform, add self loops, symmetric norm, scatter-add
    h = z @ W
    loop = jnp.arange(N, dtype=src.dtype)
    s = jnp.concatenate([src, loop])
    d = jnp.concatenate([dst, loop])
    deg = jnp.zeros((N,), dtype=h.dtype).at[d].add(1.0)
    dinv = jax.lax.rsqrt(jnp.maximum(deg, 1.0))
    norm = dinv[s] * dinv[d]
    msg = h[s] * norm[:, None]
    out = jnp.zeros_like(h).at[d].add(msg)
    return out + b


def _batchnorm(z, g, be, eps=1e-5):
    mu = jnp.mean(z, axis=0)
    var = jnp.var(z, axis=0)
    return (z - mu) * jax.lax.rsqrt(var + eps) * g + be


def reference(x, edge_index, W1, b1, g1, be1, W2, b2, g2, be2, W3, b3, g3, be3, W4, b4, g4, be4):
    src = edge_index[0]
    dst = edge_index[1]
    params = [(W1, b1, g1, be1), (W2, b2, g2, be2), (W3, b3, g3, be3), (W4, b4, g4, be4)]
    z = x
    for (W, b, g, be) in params:
        z = _gcn_conv(z, src, dst, W, b)
        z = jax.nn.relu(z)
        z = _batchnorm(z, g, be)
        # dropout is identity in eval / deterministic reference
    return z

if __name__ == "__main__":
    import jax
    _d = setup_inputs()
    print(jax.jit(kernel)(*tuple(_d.values())))

</pallas_src>

<mosaic_0001>
#map = affine_map<(d0, d1) -> (0, 0)>
#map1 = affine_map<(d0, d1) -> (0, 0, 0)>
module attributes {stable_mosaic.version = 14 : i64} {
  func.func @_agg_body(%arg0: i32, %arg1: i32, %arg2: memref<10240x128xf32, #tpu.memory_space<hbm>>, %arg3: memref<2560x128xi32, #tpu.memory_space<hbm>>, %arg4: memref<2560x128xi32, #tpu.memory_space<hbm>>, %arg5: memref<2x10240x128xf32, #tpu.memory_space<hbm>>, %arg6: memref<2x128x128xf32, #tpu.memory_space<vmem>>, %arg7: memref<40x128xi32, #tpu.memory_space<vmem>>, %arg8: memref<40x128xi32, #tpu.memory_space<vmem>>, %arg9: memref<10240x128xf32, #tpu.memory_space<vmem_shared>>, %arg10: memref<!tpu.dma_semaphore, #tpu.memory_space<semaphore_mem>>, %arg11: memref<!tpu.dma_semaphore, #tpu.memory_space<semaphore_mem>>) attributes {dimension_semantics = [#tpu.dimension_semantics<core_parallel>, #tpu.dimension_semantics<subcore_parallel>], iteration_bounds = array<i64: 2, 16>, scalar_prefetch = 0 : i64, scratch_operands = 6 : i64, tpu.core_type = #tpu.core_type<sc_vector_subcore>, window_params = [{transform_indices = #map}, {transform_indices = #map}, {transform_indices = #map}, {transform_indices = #map1}]} {
    %mul3A = arith.constant 16 : i32
    %mul3A_0 = arith.muli %arg0, %mul3A : i32
    %add3A = arith.addi %mul3A_0, %arg1 : i32
    %scan3A = arith.constant 0 : i32
    %scan3A_1 = arith.constant 128 : i32
    %scan3A_2 = arith.addi %scan3A, %scan3A_1 : i32
    %scan3A_3 = arith.constant 1 : i32
    scf.for %scan3A_91 = %scan3A to %scan3A_2 step %scan3A_3  : i32 {
      %mul3A_92 = arith.constant 1 : i32
      %mul3A_93 = arith.muli %scan3A_91, %mul3A_92 : i32
      %add3A_94 = arith.constant 0 : i32
      %add3A_95 = arith.addi %add3A_94, %mul3A_93 : i32
      %broadcast_in_dim3A = arith.constant 0.000000e+00 : f32
      %broadcast_in_dim3A_96 = vector.broadcast %broadcast_in_dim3A : f32 to vector<16xf32>
      %swap3A = arith.constant 0 : i32
      %swap3A_97 = arith.index_cast %swap3A : i32 to index
      %swap3A_98 = arith.index_cast %add3A_95 : i32 to index
      %swap3A_99 = arith.constant 0 : index
      %swap3A_100 = tpu.vector_load %arg6[%swap3A_97, %swap3A_98, %swap3A_99] {strides = array<i32>} : memref<2x128x128xf32, #tpu.memory_space<vmem>>, vector<1x1x16xf32>,
      %swap3A_101 = vector.shape_cast %swap3A_100 : vector<1x1x16xf32> to vector<16xf32>
      %swap3A_102 = vector.shape_cast %broadcast_in_dim3A_96 : vector<16xf32> to vector<1x1x16xf32>
      tpu.vector_store %arg6[%swap3A_97, %swap3A_98, %swap3A_99], %swap3A_102 {strides = array<i32>} : memref<2x128x128xf32, #tpu.memory_space<vmem>>, vector<1x1x16xf32>,
      %broadcast_in_dim3A_103 = arith.constant 0.000000e+00 : f32
      %broadcast_in_dim3A_104 = vector.broadcast %broadcast_in_dim3A_103 : f32 to vector<16xf32>
      %swap3A_105 = arith.constant 0 : i32
      %swap3A_106 = arith.index_cast %swap3A_105 : i32 to index
      %swap3A_107 = arith.index_cast %add3A_95 : i32 to index
      %swap3A_108 = arith.constant 16 : index
      %swap3A_109 = tpu.vector_load %arg6[%swap3A_106, %swap3A_107, %swap3A_108] {strides = array<i32>} : memref<2x128x128xf32, #tpu.memory_space<vmem>>, vector<1x1x16xf32>,
      %swap3A_110 = vector.shape_cast %swap3A_109 : vector<1x1x16xf32> to vector<16xf32>
      %swap3A_111 = vector.shape_cast %broadcast_in_dim3A_104 : vector<16xf32> to vector<1x1x16xf32>
      tpu.vector_store %arg6[%swap3A_106, %swap3A_107, %swap3A_108], %swap3A_111 {strides = array<i32>} : memref<2x128x128xf32, #tpu.memory_space<vmem>>, vector<1x1x16xf32>,
      %broadcast_in_dim3A_112 = arith.constant 0.000000e+00 : f32
      %broadcast_in_dim3A_113 = vector.broadcast %broadcast_in_dim3A_112 : f32 to vector<16xf32>
      %swap3A_114 = arith.constant 0 : i32
      %swap3A_115 = arith.index_cast %swap3A_114 : i32 to index
      %swap3A_116 = arith.index_cast %add3A_95 : i32 to index
      %swap3A_117 = arith.constant 32 : index
      %swap3A_118 = tpu.vector_load %arg6[%swap3A_115, %swap3A_116, %swap3A_117] {strides = array<i32>} : memref<2x128x128xf32, #tpu.memory_space<vmem>>, vector<1x1x16xf32>,
      %swap3A_119 = vector.shape_cast %swap3A_118 : vector<1x1x16xf32> to vector<16xf32>
      %swap3A_120 = vector.shape_cast %broadcast_in_dim3A_113 : vector<16xf32> to vector<1x1x16xf32>
      tpu.vector_store %arg6[%swap3A_115, %swap3A_116, %swap3A_117], %swap3A_120 {strides = array<i32>} : memref<2x128x128xf32, #tpu.memory_space<vmem>>, vector<1x1x16xf32>,
      %broadcast_in_dim3A_121 = arith.constant 0.000000e+00 : f32
      %broadcast_in_dim3A_122 = vector.broadcast %broadcast_in_dim3A_121 : f32 to vector<16xf32>
      %swap3A_123 = arith.constant 0 : i32
      %swap3A_124 = arith.index_cast %swap3A_123 : i32 to index
      %swap3A_125 = arith.index_cast %add3A_95 : i32 to index
      %swap3A_126 = arith.constant 48 : index
      %swap3A_127 = tpu.vector_load %arg6[%swap3A_124, %swap3A_125, %swap3A_126] {strides = array<i32>} : memref<2x128x128xf32, #tpu.memory_space<vmem>>, vector<1x1x16xf32>,
      %swap3A_128 = vector.shape_cast %swap3A_127 : vector<1x1x16xf32> to vector<16xf32>
      %swap3A_129 = vector.shape_cast %broadcast_in_dim3A_122 : vector<16xf32> to vector<1x1x16xf32>
      tpu.vector_store %arg6[%swap3A_124, %swap3A_125, %swap3A_126], %swap3A_129 {strides = array<i32>} : memref<2x128x128xf32, #tpu.memory_space<vmem>>, vector<1x1x16xf32>,
      %broadcast_in_dim3A_130 = arith.constant 0.000000e+00 : f32
      %broadcast_in_dim3A_131 = vector.broadcast %broadcast_in_dim3A_130 : f32 to vector<16xf32>
      %swap3A_132 = arith.constant 0 : i32
      %swap3A_133 = arith.index_cast %swap3A_132 : i32 to index
      %swap3A_134 = arith.index_cast %add3A_95 : i32 to index
      %swap3A_135 = arith.constant 64 : index
      %swap3A_136 = tpu.vector_load %arg6[%swap3A_133, %swap3A_134, %swap3A_135] {strides = array<i32>} : memref<2x128x128xf32, #tpu.memory_space<vmem>>, vector<1x1x16xf32>,
      %swap3A_137 = vector.shape_cast %swap3A_136 : vector<1x1x16xf32> to vector<16xf32>
      %swap3A_138 = vector.shape_cast %broadcast_in_dim3A_131 : vector<16xf32> to vector<1x1x16xf32>
      tpu.vector_store %arg6[%swap3A_133, %swap3A_134, %swap3A_135], %swap3A_138 {strides = array<i32>} : memref<2x128x128xf32, #tpu.memory_space<vmem>>, vector<1x1x16xf32>,
      %broadcast_in_dim3A_139 = arith.constant 0.000000e+00 : f32
      %broadcast_in_dim3A_140 = vector.broadcast %broadcast_in_dim3A_139 : f32 to vector<16xf32>
      %swap3A_141 = arith.constant 0 : i32
      %swap3A_142 = arith.index_cast %swap3A_141 : i32 to index
      %swap3A_143 = arith.index_cast %add3A_95 : i32 to index
      %swap3A_144 = arith.constant 80 : index
      %swap3A_145 = tpu.vector_load %arg6[%swap3A_142, %swap3A_143, %swap3A_144] {strides = array<i32>} : memref<2x128x128xf32, #tpu.memory_space<vmem>>, vector<1x1x16xf32>,
      %swap3A_146 = vector.shape_cast %swap3A_145 : vector<1x1x16xf32> to vector<16xf32>
      %swap3A_147 = vector.shape_cast %broadcast_in_dim3A_140 : vector<16xf32> to vector<1x1x16xf32>
      tpu.vector_store %arg6[%swap3A_142, %swap3A_143, %swap3A_144], %swap3A_147 {strides = array<i32>} : memref<2x128x128xf32, #tpu.memory_space<vmem>>, vector<1x1x16xf32>,
      %broadcast_in_dim3A_148 = arith.constant 0.000000e+00 : f32
      %broadcast_in_dim3A_149 = vector.broadcast %broadcast_in_dim3A_148 : f32 to vector<16xf32>
      %swap3A_150 = arith.constant 0 : i32
      %swap3A_151 = arith.index_cast %swap3A_150 : i32 to index
      %swap3A_152 = arith.index_cast %add3A_95 : i32 to index
      %swap3A_153 = arith.constant 96 : index
      %swap3A_154 = tpu.vector_load %arg6[%swap3A_151, %swap3A_152, %swap3A_153] {strides = array<i32>} : memref<2x128x128xf32, #tpu.memory_space<vmem>>, vector<1x1x16xf32>,
      %swap3A_155 = vector.shape_cast %swap3A_154 : vector<1x1x16xf32> to vector<16xf32>
      %swap3A_156 = vector.shape_cast %broadcast_in_dim3A_149 : vector<16xf32> to vector<1x1x16xf32>
      tpu.vector_store %arg6[%swap3A_151, %swap3A_152, %swap3A_153], %swap3A_156 {strides = array<i32>} : memref<2x128x128xf32, #tpu.memory_space<vmem>>, vector<1x1x16xf32>,
      %broadcast_in_dim3A_157 = arith.constant 0.000000e+00 : f32
      %broadcast_in_dim3A_158 = vector.broadcast %broadcast_in_dim3A_157 : f32 to vector<16xf32>
      %swap3A_159 = arith.constant 0 : i32
      %swap3A_160 = arith.index_cast %swap3A_159 : i32 to index
      %swap3A_161 = arith.index_cast %add3A_95 : i32 to index
      %swap3A_162 = arith.constant 112 : index
      %swap3A_163 = tpu.vector_load %arg6[%swap3A_160, %swap3A_161, %swap3A_162] {strides = array<i32>} : memref<2x128x128xf32, #tpu.memory_space<vmem>>, vector<1x1x16xf32>,
      %swap3A_164 = vector.shape_cast %swap3A_163 : vector<1x1x16xf32> to vector<16xf32>
      %swap3A_165 = vector.shape_cast %broadcast_in_dim3A_158 : vector<16xf32> to vector<1x1x16xf32>
      tpu.vector_store %arg6[%swap3A_160, %swap3A_161, %swap3A_162], %swap3A_165 {strides = array<i32>} : memref<2x128x128xf32, #tpu.memory_space<vmem>>, vector<1x1x16xf32>,
    }
    %scan3A_4 = arith.constant 128 : i32
    %mul3A_5 = arith.constant 640 : i32
    %mul3A_6 = arith.muli %arg1, %mul3A_5 : i32
    %add3A_7 = arith.constant 0 : i32
    %add3A_8 = arith.addi %mul3A_6, %add3A_7 : i32
    %run_scoped3A = arith.constant 0 : i32
    "tpu.region"() ({
      %run_scoped3A_91 = tpu.sem_alloc : memref<!tpu.dma_semaphore, #tpu.memory_space<semaphore_mem>>
      %dma_start3A_92 = arith.constant 0 : i32
      %dma_start3A_93 = arith.constant 0 : i32
      %dma_start3A_94 = tpu.memref_slice %arg6[%run_scoped3A, %dma_start3A_92, %dma_start3A_93] : memref<2x128x128xf32, #tpu.memory_space<vmem>> -> memref<1x128x128xf32, #tpu.memory_space<vmem>>
      %dma_start3A_95 = tpu.memref_squeeze %dma_start3A_94 : memref<1x128x128xf32, #tpu.memory_space<vmem>> -> memref<128x128xf32, #tpu.memory_space<vmem>>
      %dma_start3A_96 = arith.constant 0 : i32
      %dma_start3A_97 = tpu.memref_slice %arg9[%add3A_8, %dma_start3A_96] : memref<10240x128xf32, #tpu.memory_space<vmem_shared>> -> memref<128x128xf32, #tpu.memory_space<vmem_shared>>
      %dma_start3A_98 = arith.constant 0 : i32
      %dma_start3A_99 = tpu.memref_slice %arg9[%add3A_8, %dma_start3A_98] : memref<10240x128xf32, #tpu.memory_space<vmem_shared>> -> memref<128x128xf32, #tpu.memory_space<vmem_shared>>
      %dma_start3A_100 = arith.constant 0 : i32
      %dma_start3A_101 = arith.constant 0 : i32
      %dma_start3A_102 = tpu.memref_slice %arg6[%run_scoped3A, %dma_start3A_100, %dma_start3A_101] : memref<2x128x128xf32, #tpu.memory_space<vmem>> -> memref<1x128x128xf32, #tpu.memory_space<vmem>>
      %dma_start3A_103 = tpu.memref_squeeze %dma_start3A_102 : memref<1x128x128xf32, #tpu.memory_space<vmem>> -> memref<128x128xf32, #tpu.memory_space<vmem>>
      tpu.enqueue_dma source(%dma_start3A_103 : memref<128x128xf32, #tpu.memory_space<vmem>>) target(%dma_start3A_99 : memref<128x128xf32, #tpu.memory_space<vmem_shared>>) target_semaphore(%run_scoped3A_91 : memref<!tpu.dma_semaphore, #tpu.memory_space<semaphore_mem>>)
      %dma_wait3A = arith.constant 0 : i32
      %dma_wait3A_104 = arith.constant 0 : i32
      %dma_wait3A_105 = tpu.memref_slice %arg6[%run_scoped3A, %dma_wait3A, %dma_wait3A_104] : memref<2x128x128xf32, #tpu.memory_space<vmem>> -> memref<1x128x128xf32, #tpu.memory_space<vmem>>
      %dma_wait3A_106 = tpu.memref_squeeze %dma_wait3A_105 : memref<1x128x128xf32, #tpu.memory_space<vmem>> -> memref<128x128xf32, #tpu.memory_space<vmem>>
      %dma_wait3A_107 = arith.constant 0 : i32
      %dma_wait3A_108 = tpu.memref_slice %arg9[%add3A_8, %dma_wait3A_107] : memref<10240x128xf32, #tpu.memory_space<vmem_shared>> -> memref<128x128xf32, #tpu.memory_space<vmem_shared>>
      %dma_wait3A_109 = arith.constant 0 : i32
      %dma_wait3A_110 = tpu.memref_slice %arg9[%add3A_8, %dma_wait3A_109] : memref<10240x128xf32, #tpu.memory_space<vmem_shared>> -> memref<128x128xf32, #tpu.memory_space<vmem_shared>>
      %dma_wait3A_111 = arith.constant 0 : i32
      %dma_wait3A_112 = arith.constant 0 : i32
      %dma_wait3A_113 = tpu.memref_slice %arg6[%run_scoped3A, %dma_wait3A_111, %dma_wait3A_112] : memref<2x128x128xf32, #tpu.memory_space<vmem>> -> memref<1x128x128xf32, #tpu.memory_space<vmem>>
      %dma_wait3A_114 = tpu.memref_squeeze %dma_wait3A_113 : memref<1x128x128xf32, #tpu.memory_space<vmem>> -> memref<128x128xf32, #tpu.memory_space<vmem>>
      tpu.wait_dma2 semaphore(%run_scoped3A_91 : memref<!tpu.dma_semaphore, #tpu.memory_space<semaphore_mem>>) src(%dma_wait3A_114 : memref<128x128xf32, #tpu.memory_space<vmem>>) dst(%dma_wait3A_110 : memref<128x128xf32, #tpu.memory_space<vmem_shared>>)
      tpu.yield
    }) : () -> ()
    %mul3A_9 = arith.constant 640 : i32
    %mul3A_10 = arith.muli %arg1, %mul3A_9 : i32
    %add3A_11 = arith.constant 128 : i32
    %add3A_12 = arith.addi %mul3A_10, %add3A_11 : i32
    %run_scoped3A_13 = arith.constant 0 : i32
    "tpu.region"() ({
      %run_scoped3A_91 = tpu.sem_alloc : memref<!tpu.dma_semaphore, #tpu.memory_space<semaphore_mem>>
      %dma_start3A_92 = arith.constant 0 : i32
      %dma_start3A_93 = arith.constant 0 : i32
      %dma_start3A_94 = tpu.memref_slice %arg6[%run_scoped3A_13, %dma_start3A_92, %dma_start3A_93] : memref<2x128x128xf32, #tpu.memory_space<vmem>> -> memref<1x128x128xf32, #tpu.memory_space<vmem>>
      %dma_start3A_95 = tpu.memref_squeeze %dma_start3A_94 : memref<1x128x128xf32, #tpu.memory_space<vmem>> -> memref<128x128xf32, #tpu.memory_space<vmem>>
      %dma_start3A_96 = arith.constant 0 : i32
      %dma_start3A_97 = tpu.memref_slice %arg9[%add3A_12, %dma_start3A_96] : memref<10240x128xf32, #tpu.memory_space<vmem_shared>> -> memref<128x128xf32, #tpu.memory_space<vmem_shared>>
      %dma_start3A_98 = arith.constant 0 : i32
      %dma_start3A_99 = tpu.memref_slice %arg9[%add3A_12, %dma_start3A_98] : memref<10240x128xf32, #tpu.memory_space<vmem_shared>> -> memref<128x128xf32, #tpu.memory_space<vmem_shared>>
      %dma_start3A_100 = arith.constant 0 : i32
      %dma_start3A_101 = arith.constant 0 : i32
      %dma_start3A_102 = tpu.memref_slice %arg6[%run_scoped3A_13, %dma_start3A_100, %dma_start3A_101] : memref<2x128x128xf32, #tpu.memory_space<vmem>> -> memref<1x128x128xf32, #tpu.memory_space<vmem>>
      %dma_start3A_103 = tpu.memref_squeeze %dma_start3A_102 : memref<1x128x128xf32, #tpu.memory_space<vmem>> -> memref<128x128xf32, #tpu.memory_space<vmem>>
      tpu.enqueue_dma source(%dma_start3A_103 : memref<128x128xf32, #tpu.memory_space<vmem>>) target(%dma_start3A_99 : memref<128x128xf32, #tpu.memory_space<vmem_shared>>) target_semaphore(%run_scoped3A_91 : memref<!tpu.dma_semaphore, #tpu.memory_space<semaphore_mem>>)
      %dma_wait3A = arith.constant 0 : i32
      %dma_wait3A_104 = arith.constant 0 : i32
      %dma_wait3A_105 = tpu.memref_slice %arg6[%run_scoped3A_13, %dma_wait3A, %dma_wait3A_104] : memref<2x128x128xf32, #tpu.memory_space<vmem>> -> memref<1x128x128xf32, #tpu.memory_space<vmem>>
      %dma_wait3A_106 = tpu.memref_squeeze %dma_wait3A_105 : memref<1x128x128xf32, #tpu.memory_space<vmem>> -> memref<128x128xf32, #tpu.memory_space<vmem>>
      %dma_wait3A_107 = arith.constant 0 : i32
      %dma_wait3A_108 = tpu.memref_slice %arg9[%add3A_12, %dma_wait3A_107] : memref<10240x128xf32, #tpu.memory_space<vmem_shared>> -> memref<128x128xf32, #tpu.memory_space<vmem_shared>>
      %dma_wait3A_109 = arith.constant 0 : i32
      %dma_wait3A_110 = tpu.memref_slice %arg9[%add3A_12, %dma_wait3A_109] : memref<10240x128xf32, #tpu.memory_space<vmem_shared>> -> memref<128x128xf32, #tpu.memory_space<vmem_shared>>
      %dma_wait3A_111 = arith.constant 0 : i32
      %dma_wait3A_112 = arith.constant 0 : i32
      %dma_wait3A_113 = tpu.memref_slice %arg6[%run_scoped3A_13, %dma_wait3A_111, %dma_wait3A_112] : memref<2x128x128xf32, #tpu.memory_space<vmem>> -> memref<1x128x128xf32, #tpu.memory_space<vmem>>
      %dma_wait3A_114 = tpu.memref_squeeze %dma_wait3A_113 : memref<1x128x128xf32, #tpu.memory_space<vmem>> -> memref<128x128xf32, #tpu.memory_space<vmem>>
      tpu.wait_dma2 semaphore(%run_scoped3A_91 : memref<!tpu.dma_semaphore, #tpu.memory_space<semaphore_mem>>) src(%dma_wait3A_114 : memref<128x128xf32, #tpu.memory_space<vmem>>) dst(%dma_wait3A_110 : memref<128x128xf32, #tpu.memory_space<vmem_shared>>)
      tpu.yield
    }) : () -> ()
    %mul3A_14 = arith.constant 640 : i32
    %mul3A_15 = arith.muli %arg1, %mul3A_14 : i32
    %add3A_16 = arith.constant 256 : i32
    %add3A_17 = arith.addi %mul3A_15, %add3A_16 : i32
    %run_scoped3A_18 = arith.constant 0 : i32
    "tpu.region"() ({
      %run_scoped3A_91 = tpu.sem_alloc : memref<!tpu.dma_semaphore, #tpu.memory_space<semaphore_mem>>
      %dma_start3A_92 = arith.constant 0 : i32
      %dma_start3A_93 = arith.constant 0 : i32
      %dma_start3A_94 = tpu.memref_slice %arg6[%run_scoped3A_18, %dma_start3A_92, %dma_start3A_93] : memref<2x128x128xf32, #tpu.memory_space<vmem>> -> memref<1x128x128xf32, #tpu.memory_space<vmem>>
      %dma_start3A_95 = tpu.memref_squeeze %dma_start3A_94 : memref<1x128x128xf32, #tpu.memory_space<vmem>> -> memref<128x128xf32, #tpu.memory_space<vmem>>
      %dma_start3A_96 = arith.constant 0 : i32
      %dma_start3A_97 = tpu.memref_slice %arg9[%add3A_17, %dma_start3A_96] : memref<10240x128xf32, #tpu.memory_space<vmem_shared>> -> memref<128x128xf32, #tpu.memory_space<vmem_shared>>
      %dma_start3A_98 = arith.constant 0 : i32
      %dma_start3A_99 = tpu.memref_slice %arg9[%add3A_17, %dma_start3A_98] : memref<10240x128xf32, #tpu.memory_space<vmem_shared>> -> memref<128x128xf32, #tpu.memory_space<vmem_shared>>
      %dma_start3A_100 = arith.constant 0 : i32
      %dma_start3A_101 = arith.constant 0 : i32
      %dma_start3A_102 = tpu.memref_slice %arg6[%run_scoped3A_18, %dma_start3A_100, %dma_start3A_101] : memref<2x128x128xf32, #tpu.memory_space<vmem>> -> memref<1x128x128xf32, #tpu.memory_space<vmem>>
      %dma_start3A_103 = tpu.memref_squeeze %dma_start3A_102 : memref<1x128x128xf32, #tpu.memory_space<vmem>> -> memref<128x128xf32, #tpu.memory_space<vmem>>
      tpu.enqueue_dma source(%dma_start3A_103 : memref<128x128xf32, #tpu.memory_space<vmem>>) target(%dma_start3A_99 : memref<128x128xf32, #tpu.memory_space<vmem_shared>>) target_semaphore(%run_scoped3A_91 : memref<!tpu.dma_semaphore, #tpu.memory_space<semaphore_mem>>)
      %dma_wait3A = arith.constant 0 : i32
      %dma_wait3A_104 = arith.constant 0 : i32
      %dma_wait3A_105 = tpu.memref_slice %arg6[%run_scoped3A_18, %dma_wait3A, %dma_wait3A_104] : memref<2x128x128xf32, #tpu.memory_space<vmem>> -> memref<1x128x128xf32, #tpu.memory_space<vmem>>
      %dma_wait3A_106 = tpu.memref_squeeze %dma_wait3A_105 : memref<1x128x128xf32, #tpu.memory_space<vmem>> -> memref<128x128xf32, #tpu.memory_space<vmem>>
      %dma_wait3A_107 = arith.constant 0 : i32
      %dma_wait3A_108 = tpu.memref_slice %arg9[%add3A_17, %dma_wait3A_107] : memref<10240x128xf32, #tpu.memory_space<vmem_shared>> -> memref<128x128xf32, #tpu.memory_space<vmem_shared>>
      %dma_wait3A_109 = arith.constant 0 : i32
      %dma_wait3A_110 = tpu.memref_slice %arg9[%add3A_17, %dma_wait3A_109] : memref<10240x128xf32, #tpu.memory_space<vmem_shared>> -> memref<128x128xf32, #tpu.memory_space<vmem_shared>>
      %dma_wait3A_111 = arith.constant 0 : i32
      %dma_wait3A_112 = arith.constant 0 : i32
      %dma_wait3A_113 = tpu.memref_slice %arg6[%run_scoped3A_18, %dma_wait3A_111, %dma_wait3A_112] : memref<2x128x128xf32, #tpu.memory_space<vmem>> -> memref<1x128x128xf32, #tpu.memory_space<vmem>>
      %dma_wait3A_114 = tpu.memref_squeeze %dma_wait3A_113 : memref<1x128x128xf32, #tpu.memory_space<vmem>> -> memref<128x128xf32, #tpu.memory_space<vmem>>
      tpu.wait_dma2 semaphore(%run_scoped3A_91 : memref<!tpu.dma_semaphore, #tpu.memory_space<semaphore_mem>>) src(%dma_wait3A_114 : memref<128x128xf32, #tpu.memory_space<vmem>>) dst(%dma_wait3A_110 : memref<128x128xf32, #tpu.memory_space<vmem_shared>>)
      tpu.yield
    }) : () -> ()
    %mul3A_19 = arith.constant 640 : i32
    %mul3A_20 = arith.muli %arg1, %mul3A_19 : i32
    %add3A_21 = arith.constant 384 : i32
    %add3A_22 = arith.addi %mul3A_20, %add3A_21 : i32
    %run_scoped3A_23 = arith.constant 0 : i32
    "tpu.region"() ({
      %run_scoped3A_91 = tpu.sem_alloc : memref<!tpu.dma_semaphore, #tpu.memory_space<semaphore_mem>>
      %dma_start3A_92 = arith.constant 0 : i32
      %dma_start3A_93 = arith.constant 0 : i32
      %dma_start3A_94 = tpu.memref_slice %arg6[%run_scoped3A_23, %dma_start3A_92, %dma_start3A_93] : memref<2x128x128xf32, #tpu.memory_space<vmem>> -> memref<1x128x128xf32, #tpu.memory_space<vmem>>
      %dma_start3A_95 = tpu.memref_squeeze %dma_start3A_94 : memref<1x128x128xf32, #tpu.memory_space<vmem>> -> memref<128x128xf32, #tpu.memory_space<vmem>>
      %dma_start3A_96 = arith.constant 0 : i32
      %dma_start3A_97 = tpu.memref_slice %arg9[%add3A_22, %dma_start3A_96] : memref<10240x128xf32, #tpu.memory_space<vmem_shared>> -> memref<128x128xf32, #tpu.memory_space<vmem_shared>>
      %dma_start3A_98 = arith.constant 0 : i32
      %dma_start3A_99 = tpu.memref_slice %arg9[%add3A_22, %dma_start3A_98] : memref<10240x128xf32, #tpu.memory_space<vmem_shared>> -> memref<128x128xf32, #tpu.memory_space<vmem_shared>>
      %dma_start3A_100 = arith.constant 0 : i32
      %dma_start3A_101 = arith.constant 0 : i32
      %dma_start3A_102 = tpu.memref_slice %arg6[%run_scoped3A_23, %dma_start3A_100, %dma_start3A_101] : memref<2x128x128xf32, #tpu.memory_space<vmem>> -> memref<1x128x128xf32, #tpu.memory_space<vmem>>
      %dma_start3A_103 = tpu.memref_squeeze %dma_start3A_102 : memref<1x128x128xf32, #tpu.memory_space<vmem>> -> memref<128x128xf32, #tpu.memory_space<vmem>>
      tpu.enqueue_dma source(%dma_start3A_103 : memref<128x128xf32, #tpu.memory_space<vmem>>) target(%dma_start3A_99 : memref<128x128xf32, #tpu.memory_space<vmem_shared>>) target_semaphore(%run_scoped3A_91 : memref<!tpu.dma_semaphore, #tpu.memory_space<semaphore_mem>>)
      %dma_wait3A = arith.constant 0 : i32
      %dma_wait3A_104 = arith.constant 0 : i32
      %dma_wait3A_105 = tpu.memref_slice %arg6[%run_scoped3A_23, %dma_wait3A, %dma_wait3A_104] : memref<2x128x128xf32, #tpu.memory_space<vmem>> -> memref<1x128x128xf32, #tpu.memory_space<vmem>>
      %dma_wait3A_106 = tpu.memref_squeeze %dma_wait3A_105 : memref<1x128x128xf32, #tpu.memory_space<vmem>> -> memref<128x128xf32, #tpu.memory_space<vmem>>
      %dma_wait3A_107 = arith.constant 0 : i32
      %dma_wait3A_108 = tpu.memref_slice %arg9[%add3A_22, %dma_wait3A_107] : memref<10240x128xf32, #tpu.memory_space<vmem_shared>> -> memref<128x128xf32, #tpu.memory_space<vmem_shared>>
      %dma_wait3A_109 = arith.constant 0 : i32
      %dma_wait3A_110 = tpu.memref_slice %arg9[%add3A_22, %dma_wait3A_109] : memref<10240x128xf32, #tpu.memory_space<vmem_shared>> -> memref<128x128xf32, #tpu.memory_space<vmem_shared>>
      %dma_wait3A_111 = arith.constant 0 : i32
      %dma_wait3A_112 = arith.constant 0 : i32
      %dma_wait3A_113 = tpu.memref_slice %arg6[%run_scoped3A_23, %dma_wait3A_111, %dma_wait3A_112] : memref<2x128x128xf32, #tpu.memory_space<vmem>> -> memref<1x128x128xf32, #tpu.memory_space<vmem>>
      %dma_wait3A_114 = tpu.memref_squeeze %dma_wait3A_113 : memref<1x128x128xf32, #tpu.memory_space<vmem>> -> memref<128x128xf32, #tpu.memory_space<vmem>>
      tpu.wait_dma2 semaphore(%run_scoped3A_91 : memref<!tpu.dma_semaphore, #tpu.memory_space<semaphore_mem>>) src(%dma_wait3A_114 : memref<128x128xf32, #tpu.memory_space<vmem>>) dst(%dma_wait3A_110 : memref<128x128xf32, #tpu.memory_space<vmem_shared>>)
      tpu.yield
    }) : () -> ()
    %mul3A_24 = arith.constant 640 : i32
    %mul3A_25 = arith.muli %arg1, %mul3A_24 : i32
    %add3A_26 = arith.constant 512 : i32
    %add3A_27 = arith.addi %mul3A_25, %add3A_26 : i32
    %run_scoped3A_28 = arith.constant 0 : i32
    "tpu.region"() ({
      %run_scoped3A_91 = tpu.sem_alloc : memref<!tpu.dma_semaphore, #tpu.memory_space<semaphore_mem>>
      %dma_start3A_92 = arith.constant 0 : i32
      %dma_start3A_93 = arith.constant 0 : i32
      %dma_start3A_94 = tpu.memref_slice %arg6[%run_scoped3A_28, %dma_start3A_92, %dma_start3A_93] : memref<2x128x128xf32, #tpu.memory_space<vmem>> -> memref<1x128x128xf32, #tpu.memory_space<vmem>>
      %dma_start3A_95 = tpu.memref_squeeze %dma_start3A_94 : memref<1x128x128xf32, #tpu.memory_space<vmem>> -> memref<128x128xf32, #tpu.memory_space<vmem>>
      %dma_start3A_96 = arith.constant 0 : i32
      %dma_start3A_97 = tpu.memref_slice %arg9[%add3A_27, %dma_start3A_96] : memref<10240x128xf32, #tpu.memory_space<vmem_shared>> -> memref<128x128xf32, #tpu.memory_space<vmem_shared>>
      %dma_start3A_98 = arith.constant 0 : i32
      %dma_start3A_99 = tpu.memref_slice %arg9[%add3A_27, %dma_start3A_98] : memref<10240x128xf32, #tpu.memory_space<vmem_shared>> -> memref<128x128xf32, #tpu.memory_space<vmem_shared>>
      %dma_start3A_100 = arith.constant 0 : i32
      %dma_start3A_101 = arith.constant 0 : i32
      %dma_start3A_102 = tpu.memref_slice %arg6[%run_scoped3A_28, %dma_start3A_100, %dma_start3A_101] : memref<2x128x128xf32, #tpu.memory_space<vmem>> -> memref<1x128x128xf32, #tpu.memory_space<vmem>>
      %dma_start3A_103 = tpu.memref_squeeze %dma_start3A_102 : memref<1x128x128xf32, #tpu.memory_space<vmem>> -> memref<128x128xf32, #tpu.memory_space<vmem>>
      tpu.enqueue_dma source(%dma_start3A_103 : memref<128x128xf32, #tpu.memory_space<vmem>>) target(%dma_start3A_99 : memref<128x128xf32, #tpu.memory_space<vmem_shared>>) target_semaphore(%run_scoped3A_91 : memref<!tpu.dma_semaphore, #tpu.memory_space<semaphore_mem>>)
      %dma_wait3A = arith.constant 0 : i32
      %dma_wait3A_104 = arith.constant 0 : i32
      %dma_wait3A_105 = tpu.memref_slice %arg6[%run_scoped3A_28, %dma_wait3A, %dma_wait3A_104] : memref<2x128x128xf32, #tpu.memory_space<vmem>> -> memref<1x128x128xf32, #tpu.memory_space<vmem>>
      %dma_wait3A_106 = tpu.memref_squeeze %dma_wait3A_105 : memref<1x128x128xf32, #tpu.memory_space<vmem>> -> memref<128x128xf32, #tpu.memory_space<vmem>>
      %dma_wait3A_107 = arith.constant 0 : i32
      %dma_wait3A_108 = tpu.memref_slice %arg9[%add3A_27, %dma_wait3A_107] : memref<10240x128xf32, #tpu.memory_space<vmem_shared>> -> memref<128x128xf32, #tpu.memory_space<vmem_shared>>
      %dma_wait3A_109 = arith.constant 0 : i32
      %dma_wait3A_110 = tpu.memref_slice %arg9[%add3A_27, %dma_wait3A_109] : memref<10240x128xf32, #tpu.memory_space<vmem_shared>> -> memref<128x128xf32, #tpu.memory_space<vmem_shared>>
      %dma_wait3A_111 = arith.constant 0 : i32
      %dma_wait3A_112 = arith.constant 0 : i32
      %dma_wait3A_113 = tpu.memref_slice %arg6[%run_scoped3A_28, %dma_wait3A_111, %dma_wait3A_112] : memref<2x128x128xf32, #tpu.memory_space<vmem>> -> memref<1x128x128xf32, #tpu.memory_space<vmem>>
      %dma_wait3A_114 = tpu.memref_squeeze %dma_wait3A_113 : memref<1x128x128xf32, #tpu.memory_space<vmem>> -> memref<128x128xf32, #tpu.memory_space<vmem>>
      tpu.wait_dma2 semaphore(%run_scoped3A_91 : memref<!tpu.dma_semaphore, #tpu.memory_space<semaphore_mem>>) src(%dma_wait3A_114 : memref<128x128xf32, #tpu.memory_space<vmem>>) dst(%dma_wait3A_110 : memref<128x128xf32, #tpu.memory_space<vmem_shared>>)
      tpu.yield
    }) : () -> ()
    %barrier3A = arith.constant 0 : index
    tpu.barrier barrier_id(%barrier3A)
    %mul3A_29 = arith.constant 80 : i32
    %mul3A_30 = arith.muli %add3A, %mul3A_29 : i32
    %add3A_31 = arith.constant 0 : i32
    %add3A_32 = arith.addi %mul3A_30, %add3A_31 : i32
    "tpu.region"() ({
      %run_scoped3A_91 = tpu.sem_alloc : memref<!tpu.dma_semaphore, #tpu.memory_space<semaphore_mem>>
      %dma_start3A_92 = arith.constant 0 : i32
      %dma_start3A_93 = tpu.memref_slice %arg3[%add3A_32, %dma_start3A_92] : memref<2560x128xi32, #tpu.memory_space<hbm>> -> memref<40x128xi32, #tpu.memory_space<hbm>>
      %dma_start3A_94 = arith.constant 0 : i32
      %dma_start3A_95 = tpu.memref_slice %arg3[%add3A_32, %dma_start3A_94] : memref<2560x128xi32, #tpu.memory_space<hbm>> -> memref<40x128xi32, #tpu.memory_space<hbm>>
      tpu.enqueue_dma source(%dma_start3A_95 : memref<40x128xi32, #tpu.memory_space<hbm>>) target(%arg7 : memref<40x128xi32, #tpu.memory_space<vmem>>) target_semaphore(%run_scoped3A_91 : memref<!tpu.dma_semaphore, #tpu.memory_space<semaphore_mem>>)
      %dma_wait3A = arith.constant 0 : i32
      %dma_wait3A_96 = tpu.memref_slice %arg3[%add3A_32, %dma_wait3A] : memref<2560x128xi32, #tpu.memory_space<hbm>> -> memref<40x128xi32, #tpu.memory_space<hbm>>
      %dma_wait3A_97 = arith.constant 0 : i32
      %dma_wait3A_98 = tpu.memref_slice %arg3[%add3A_32, %dma_wait3A_97] : memref<2560x128xi32, #tpu.memory_space<hbm>> -> memref<40x128xi32, #tpu.memory_space<hbm>>
      tpu.wait_dma2 semaphore(%run_scoped3A_91 : memref<!tpu.dma_semaphore, #tpu.memory_space<semaphore_mem>>) src(%dma_wait3A_98 : memref<40x128xi32, #tpu.memory_space<hbm>>) dst(%arg7 : memref<40x128xi32, #tpu.memory_space<vmem>>)
      tpu.yield
    }) : () -> ()
    "tpu.region"() ({
      %run_scoped3A_91 = tpu.sem_alloc : memref<!tpu.dma_semaphore, #tpu.memory_space<semaphore_mem>>
      %dma_start3A_92 = arith.constant 0 : i32
      %dma_start3A_93 = tpu.memref_slice %arg4[%add3A_32, %dma_start3A_92] : memref<2560x128xi32, #tpu.memory_space<hbm>> -> memref<40x128xi32, #tpu.memory_space<hbm>>
      %dma_start3A_94 = arith.constant 0 : i32
      %dma_start3A_95 = tpu.memref_slice %arg4[%add3A_32, %dma_start3A_94] : memref<2560x128xi32, #tpu.memory_space<hbm>> -> memref<40x128xi32, #tpu.memory_space<hbm>>
      tpu.enqueue_dma source(%dma_start3A_95 : memref<40x128xi32, #tpu.memory_space<hbm>>) target(%arg8 : memref<40x128xi32, #tpu.memory_space<vmem>>) target_semaphore(%run_scoped3A_91 : memref<!tpu.dma_semaphore, #tpu.memory_space<semaphore_mem>>)
      %dma_wait3A = arith.constant 0 : i32
      %dma_wait3A_96 = tpu.memref_slice %arg4[%add3A_32, %dma_wait3A] : memref<2560x128xi32, #tpu.memory_space<hbm>> -> memref<40x128xi32, #tpu.memory_space<hbm>>
      %dma_wait3A_97 = arith.constant 0 : i32
      %dma_wait3A_98 = tpu.memref_slice %arg4[%add3A_32, %dma_wait3A_97] : memref<2560x128xi32, #tpu.memory_space<hbm>> -> memref<40x128xi32, #tpu.memory_space<hbm>>
      tpu.wait_dma2 semaphore(%run_scoped3A_91 : memref<!tpu.dma_semaphore, #tpu.memory_space<semaphore_mem>>) src(%dma_wait3A_98 : memref<40x128xi32, #tpu.memory_space<hbm>>) dst(%arg8 : memref<40x128xi32, #tpu.memory_space<vmem>>)
      tpu.yield
    }) : () -> ()
    %dma_start3A = arith.constant 0 : i32
    %dma_start3A_33 = arith.constant 0 : i32
    %dma_start3A_34 = arith.constant 0 : i32
    %dma_start3A_35 = arith.constant 0 : i32
    %dma_start3A_36 = tpu.memref_slice %arg6[%dma_start3A_33, %dma_start3A_34, %dma_start3A_35] : memref<2x128x128xf32, #tpu.memory_space<vmem>> -> memref<1x128x128xf32, #tpu.memory_space<vmem>>
    %dma_start3A_37 = tpu.memref_squeeze %dma_start3A_36 : memref<1x128x128xf32, #tpu.memory_space<vmem>> -> memref<128x128xf32, #tpu.memory_space<vmem>>
    %dma_start3A_38 = arith.constant 0 : i32
    %dma_start3A_39 = tpu.memref_slice %arg7[%dma_start3A, %dma_start3A_38] : memref<40x128xi32, #tpu.memory_space<vmem>> -> memref<1x128xi32, #tpu.memory_space<vmem>>
    %dma_start3A_40 = tpu.memref_squeeze %dma_start3A_39 : memref<1x128xi32, #tpu.memory_space<vmem>> -> memref<128xi32, #tpu.memory_space<vmem>>
    %dma_start3A_41 = arith.constant 0 : i32
    %dma_start3A_42 = arith.constant 0 : i32
    %dma_start3A_43 = tpu.memref_slice %arg2[%dma_start3A_41, %dma_start3A_42] : memref<10240x128xf32, #tpu.memory_space<hbm>> -> memref<10240x128xf32, #tpu.memory_space<hbm>>
    tpu.enqueue_indirect_dma source(%dma_start3A_43 : memref<10240x128xf32, #tpu.memory_space<hbm>>) target(%dma_start3A_37 : memref<128x128xf32, #tpu.memory_space<vmem>>) offsets(%dma_start3A_40 : memref<128xi32, #tpu.memory_space<vmem>>) semaphore(%arg10 : memref<!tpu.dma_semaphore, #tpu.memory_space<semaphore_mem>>)
    %scan3A_44 = arith.constant 0 : i32
    %scan3A_45 = arith.constant 20 : i32
    %scan3A_46 = arith.addi %scan3A_44, %scan3A_45 : i32
    %scan3A_47 = arith.constant 1 : i32
    scf.for %scan3A_91 = %scan3A_44 to %scan3A_46 step %scan3A_47  : i32 {
      %mul3A_92 = arith.constant 1 : i32
      %mul3A_93 = arith.muli %scan3A_91, %mul3A_92 : i32
      %add3A_94 = arith.constant 0 : i32
      %add3A_95 = arith.addi %add3A_94, %mul3A_93 : i32
      %mul3A_96 = arith.constant 2 : i32
      %mul3A_97 = arith.muli %add3A_95, %mul3A_96 : i32
      %add3A_98 = arith.constant 1 : i32
      %add3A_99 = arith.addi %mul3A_97, %add3A_98 : i32
      %dma_start3A_100 = arith.constant 1 : i32
      %dma_start3A_101 = arith.constant 0 : i32
      %dma_start3A_102 = arith.constant 0 : i32
      %dma_start3A_103 = tpu.memref_slice %arg6[%dma_start3A_100, %dma_start3A_101, %dma_start3A_102] : memref<2x128x128xf32, #tpu.memory_space<vmem>> -> memref<1x128x128xf32, #tpu.memory_space<vmem>>
      %dma_start3A_104 = tpu.memref_squeeze %dma_start3A_103 : memref<1x128x128xf32, #tpu.memory_space<vmem>> -> memref<128x128xf32, #tpu.memory_space<vmem>>
      %dma_start3A_105 = arith.constant 0 : i32
      %dma_start3A_106 = tpu.memref_slice %arg7[%add3A_99, %dma_start3A_105] : memref<40x128xi32, #tpu.memory_space<vmem>> -> memref<1x128xi32, #tpu.memory_space<vmem>>
      %dma_start3A_107 = tpu.memref_squeeze %dma_start3A_106 : memref<1x128xi32, #tpu.memory_space<vmem>> -> memref<128xi32, #tpu.memory_space<vmem>>
      %dma_start3A_108 = arith.constant 0 : i32
      %dma_start3A_109 = arith.constant 0 : i32
      %dma_start3A_110 = tpu.memref_slice %arg2[%dma_start3A_108, %dma_start3A_109] : memref<10240x128xf32, #tpu.memory_space<hbm>> -> memref<10240x128xf32, #tpu.memory_space<hbm>>
      tpu.enqueue_indirect_dma source(%dma_start3A_110 : memref<10240x128xf32, #tpu.memory_space<hbm>>) target(%dma_start3A_104 : memref<128x128xf32, #tpu.memory_space<vmem>>) offsets(%dma_start3A_107 : memref<128xi32, #tpu.memory_space<vmem>>) semaphore(%arg11 : memref<!tpu.dma_semaphore, #tpu.memory_space<semaphore_mem>>)
      %dma_wait3A = arith.constant 0 : i32
      %dma_wait3A_111 = arith.constant 0 : i32
      %dma_wait3A_112 = arith.constant 0 : i32
      %dma_wait3A_113 = tpu.memref_slice %arg6[%dma_wait3A, %dma_wait3A_111, %dma_wait3A_112] : memref<2x128x128xf32, #tpu.memory_space<vmem>> -> memref<1x128x128xf32, #tpu.memory_space<vmem>>
      %dma_wait3A_114 = tpu.memref_squeeze %dma_wait3A_113 : memref<1x128x128xf32, #tpu.memory_space<vmem>> -> memref<128x128xf32, #tpu.memory_space<vmem>>
      %dma_wait3A_115 = arith.constant 0 : i32
      %dma_wait3A_116 = tpu.memref_slice %arg7[%mul3A_97, %dma_wait3A_115] : memref<40x128xi32, #tpu.memory_space<vmem>> -> memref<1x128xi32, #tpu.memory_space<vmem>>
      %dma_wait3A_117 = tpu.memref_squeeze %dma_wait3A_116 : memref<1x128xi32, #tpu.memory_space<vmem>> -> memref<128xi32, #tpu.memory_space<vmem>>
      %dma_wait3A_118 = arith.constant 0 : i32
      %dma_wait3A_119 = arith.constant 0 : i32
      %dma_wait3A_120 = tpu.memref_slice %arg2[%dma_wait3A_118, %dma_wait3A_119] : memref<10240x128xf32, #tpu.memory_space<hbm>> -> memref<10240x128xf32, #tpu.memory_space<hbm>>
      tpu.wait_indirect_dma semaphore(%arg10 : memref<!tpu.dma_semaphore, #tpu.memory_space<semaphore_mem>>) src(%dma_wait3A_120 : memref<10240x128xf32, #tpu.memory_space<hbm>>) dst(%dma_wait3A_114 : memref<128x128xf32, #tpu.memory_space<vmem>>)
      %run_scoped3A_121 = arith.constant 0 : i32
      "tpu.region"() ({
        %run_scoped3A_140 = tpu.sem_alloc : memref<!tpu.dma_semaphore, #tpu.memory_space<semaphore_mem>>
        %dma_start3A_141 = arith.constant 0 : i32
        %dma_start3A_142 = arith.constant 0 : i32
        %dma_start3A_143 = tpu.memref_slice %arg6[%run_scoped3A_121, %dma_start3A_141, %dma_start3A_142] : memref<2x128x128xf32, #tpu.memory_space<vmem>> -> memref<1x128x128xf32, #tpu.memory_space<vmem>>
        %dma_start3A_144 = tpu.memref_squeeze %dma_start3A_143 : memref<1x128x128xf32, #tpu.memory_space<vmem>> -> memref<128x128xf32, #tpu.memory_space<vmem>>
        %dma_start3A_145 = arith.constant 0 : i32
        %dma_start3A_146 = tpu.memref_slice %arg8[%mul3A_97, %dma_start3A_145] : memref<40x128xi32, #tpu.memory_space<vmem>> -> memref<1x128xi32, #tpu.memory_space<vmem>>
        %dma_start3A_147 = tpu.memref_squeeze %dma_start3A_146 : memref<1x128xi32, #tpu.memory_space<vmem>> -> memref<128xi32, #tpu.memory_space<vmem>>
        %dma_start3A_148 = arith.constant 0 : i32
        %dma_start3A_149 = arith.constant 0 : i32
        %dma_start3A_150 = tpu.memref_slice %arg9[%dma_start3A_148, %dma_start3A_149] : memref<10240x128xf32, #tpu.memory_space<vmem_shared>> -> memref<10240x128xf32, #tpu.memory_space<vmem_shared>>
        tpu.enqueue_indirect_dma source(%dma_start3A_144 : memref<128x128xf32, #tpu.memory_space<vmem>>) target(%dma_start3A_150 : memref<10240x128xf32, #tpu.memory_space<vmem_shared>>) offsets(%dma_start3A_147 : memref<128xi32, #tpu.memory_space<vmem>>) semaphore(%run_scoped3A_140 : memref<!tpu.dma_semaphore, #tpu.memory_space<semaphore_mem>>) {add = true}
        %dma_wait3A_151 = arith.constant 0 : i32
        %dma_wait3A_152 = arith.constant 0 : i32
        %dma_wait3A_153 = tpu.memref_slice %arg6[%run_scoped3A_121, %dma_wait3A_151, %dma_wait3A_152] : memref<2x128x128xf32, #tpu.memory_space<vmem>> -> memref<1x128x128xf32, #tpu.memory_space<vmem>>
        %dma_wait3A_154 = tpu.memref_squeeze %dma_wait3A_153 : memref<1x128x128xf32, #tpu.memory_space<vmem>> -> memref<128x128xf32, #tpu.memory_space<vmem>>
        %dma_wait3A_155 = arith.constant 0 : i32
        %dma_wait3A_156 = tpu.memref_slice %arg8[%mul3A_97, %dma_wait3A_155] : memref<40x128xi32, #tpu.memory_space<vmem>> -> memref<1x128xi32, #tpu.memory_space<vmem>>
        %dma_wait3A_157 = tpu.memref_squeeze %dma_wait3A_156 : memref<1x128xi32, #tpu.memory_space<vmem>> -> memref<128xi32, #tpu.memory_space<vmem>>
        %dma_wait3A_158 = arith.constant 0 : i32
        %dma_wait3A_159 = arith.constant 0 : i32
        %dma_wait3A_160 = tpu.memref_slice %arg9[%dma_wait3A_158, %dma_wait3A_159] : memref<10240x128xf32, #tpu.memory_space<vmem_shared>> -> memref<10240x128xf32, #tpu.memory_space<vmem_shared>>
        tpu.wait_indirect_dma semaphore(%run_scoped3A_140 : memref<!tpu.dma_semaphore, #tpu.memory_space<semaphore_mem>>) src(%dma_wait3A_154 : memref<128x128xf32, #tpu.memory_space<vmem>>) dst(%dma_wait3A_160 : memref<10240x128xf32, #tpu.memory_space<vmem_shared>>)
        tpu.yield
      }) : () -> ()
      %lt3A = arith.constant 19 : i32
      %lt3A_122 = arith.cmpi slt, %add3A_95, %lt3A : i32
      %convert_element_type3A = arith.extui %lt3A_122 : i1 to i32
      %cond3A = arith.constant 0 : i32
      %cond3A_123 = arith.cmpi ne, %convert_element_type3A, %cond3A : i32
      scf.if %cond3A_123 {
        %add3A_140 = arith.constant 2 : i32
        %add3A_141 = arith.addi %mul3A_97, %add3A_140 : i32
        %dma_start3A_142 = arith.constant 0 : i32
        %dma_start3A_143 = arith.constant 0 : i32
        %dma_start3A_144 = arith.constant 0 : i32
        %dma_start3A_145 = tpu.memref_slice %arg6[%dma_start3A_142, %dma_start3A_143, %dma_start3A_144] : memref<2x128x128xf32, #tpu.memory_space<vmem>> -> memref<1x128x128xf32, #tpu.memory_space<vmem>>
        %dma_start3A_146 = tpu.memref_squeeze %dma_start3A_145 : memref<1x128x128xf32, #tpu.memory_space<vmem>> -> memref<128x128xf32, #tpu.memory_space<vmem>>
        %dma_start3A_147 = arith.constant 0 : i32
        %dma_start3A_148 = tpu.memref_slice %arg7[%add3A_141, %dma_start3A_147] : memref<40x128xi32, #tpu.memory_space<vmem>> -> memref<1x128xi32, #tpu.memory_space<vmem>>
        %dma_start3A_149 = tpu.memref_squeeze %dma_start3A_148 : memref<1x128xi32, #tpu.memory_space<vmem>> -> memref<128xi32, #tpu.memory_space<vmem>>
        %dma_start3A_150 = arith.constant 0 : i32
        %dma_start3A_151 = arith.constant 0 : i32
        %dma_start3A_152 = tpu.memref_slice %arg2[%dma_start3A_150, %dma_start3A_151] : memref<10240x128xf32, #tpu.memory_space<hbm>> -> memref<10240x128xf32, #tpu.memory_space<hbm>>
        tpu.enqueue_indirect_dma source(%dma_start3A_152 : memref<10240x128xf32, #tpu.memory_space<hbm>>) target(%dma_start3A_146 : memref<128x128xf32, #tpu.memory_space<vmem>>) offsets(%dma_start3A_149 : memref<128xi32, #tpu.memory_space<vmem>>) semaphore(%arg10 : memref<!tpu.dma_semaphore, #tpu.memory_space<semaphore_mem>>)
      } else {
      }
      %add3A_124 = arith.constant 1 : i32
      %add3A_125 = arith.addi %mul3A_97, %add3A_124 : i32
      %dma_wait3A_126 = arith.constant 1 : i32
      %dma_wait3A_127 = arith.constant 0 : i32
      %dma_wait3A_128 = arith.constant 0 : i32
      %dma_wait3A_129 = tpu.memref_slice %arg6[%dma_wait3A_126, %dma_wait3A_127, %dma_wait3A_128] : memref<2x128x128xf32, #tpu.memory_space<vmem>> -> memref<1x128x128xf32, #tpu.memory_space<vmem>>
      %dma_wait3A_130 = tpu.memref_squeeze %dma_wait3A_129 : memref<1x128x128xf32, #tpu.memory_space<vmem>> -> memref<128x128xf32, #tpu.memory_space<vmem>>
      %dma_wait3A_131 = arith.constant 0 : i32
      %dma_wait3A_132 = tpu.memref_slice %arg7[%add3A_125, %dma_wait3A_131] : memref<40x128xi32, #tpu.memory_space<vmem>> -> memref<1x128xi32, #tpu.memory_space<vmem>>
      %dma_wait3A_133 = tpu.memref_squeeze %dma_wait3A_132 : memref<1x128xi32, #tpu.memory_space<vmem>> -> memref<128xi32, #tpu.memory_space<vmem>>
      %dma_wait3A_134 = arith.constant 0 : i32
      %dma_wait3A_135 = arith.constant 0 : i32
      %dma_wait3A_136 = tpu.memref_slice %arg2[%dma_wait3A_134, %dma_wait3A_135] : memref<10240x128xf32, #tpu.memory_space<hbm>> -> memref<10240x128xf32, #tpu.memory_space<hbm>>
      tpu.wait_indirect_dma semaphore(%arg11 : memref<!tpu.dma_semaphore, #tpu.memory_space<semaphore_mem>>) src(%dma_wait3A_136 : memref<10240x128xf32, #tpu.memory_space<hbm>>) dst(%dma_wait3A_130 : memref<128x128xf32, #tpu.memory_space<vmem>>)
      %add3A_137 = arith.constant 1 : i32
      %add3A_138 = arith.addi %mul3A_97, %add3A_137 : i32
      %run_scoped3A_139 = arith.constant 1 : i32
      "tpu.region"() ({
        %run_scoped3A_140 = tpu.sem_alloc : memref<!tpu.dma_semaphore, #tpu.memory_space<semaphore_mem>>
        %dma_start3A_141 = arith.constant 0 : i32
        %dma_start3A_142 = arith.constant 0 : i32
        %dma_start3A_143 = tpu.memref_slice %arg6[%run_scoped3A_139, %dma_start3A_141, %dma_start3A_142] : memref<2x128x128xf32, #tpu.memory_space<vmem>> -> memref<1x128x128xf32, #tpu.memory_space<vmem>>
        %dma_start3A_144 = tpu.memref_squeeze %dma_start3A_143 : memref<1x128x128xf32, #tpu.memory_space<vmem>> -> memref<128x128xf32, #tpu.memory_space<vmem>>
        %dma_start3A_145 = arith.constant 0 : i32
        %dma_start3A_146 = tpu.memref_slice %arg8[%add3A_138, %dma_start3A_145] : memref<40x128xi32, #tpu.memory_space<vmem>> -> memref<1x128xi32, #tpu.memory_space<vmem>>
        %dma_start3A_147 = tpu.memref_squeeze %dma_start3A_146 : memref<1x128xi32, #tpu.memory_space<vmem>> -> memref<128xi32, #tpu.memory_space<vmem>>
        %dma_start3A_148 = arith.constant 0 : i32
        %dma_start3A_149 = arith.constant 0 : i32
        %dma_start3A_150 = tpu.memref_slice %arg9[%dma_start3A_148, %dma_start3A_149] : memref<10240x128xf32, #tpu.memory_space<vmem_shared>> -> memref<10240x128xf32, #tpu.memory_space<vmem_shared>>
        tpu.enqueue_indirect_dma source(%dma_start3A_144 : memref<128x128xf32, #tpu.memory_space<vmem>>) target(%dma_start3A_150 : memref<10240x128xf32, #tpu.memory_space<vmem_shared>>) offsets(%dma_start3A_147 : memref<128xi32, #tpu.memory_space<vmem>>) semaphore(%run_scoped3A_140 : memref<!tpu.dma_semaphore, #tpu.memory_space<semaphore_mem>>) {add = true}
        %dma_wait3A_151 = arith.constant 0 : i32
        %dma_wait3A_152 = arith.constant 0 : i32
        %dma_wait3A_153 = tpu.memref_slice %arg6[%run_scoped3A_139, %dma_wait3A_151, %dma_wait3A_152] : memref<2x128x128xf32, #tpu.memory_space<vmem>> -> memref<1x128x128xf32, #tpu.memory_space<vmem>>
        %dma_wait3A_154 = tpu.memref_squeeze %dma_wait3A_153 : memref<1x128x128xf32, #tpu.memory_space<vmem>> -> memref<128x128xf32, #tpu.memory_space<vmem>>
        %dma_wait3A_155 = arith.constant 0 : i32
        %dma_wait3A_156 = tpu.memref_slice %arg8[%add3A_138, %dma_wait3A_155] : memref<40x128xi32, #tpu.memory_space<vmem>> -> memref<1x128xi32, #tpu.memory_space<vmem>>
        %dma_wait3A_157 = tpu.memref_squeeze %dma_wait3A_156 : memref<1x128xi32, #tpu.memory_space<vmem>> -> memref<128xi32, #tpu.memory_space<vmem>>
        %dma_wait3A_158 = arith.constant 0 : i32
        %dma_wait3A_159 = arith.constant 0 : i32
        %dma_wait3A_160 = tpu.memref_slice %arg9[%dma_wait3A_158, %dma_wait3A_159] : memref<10240x128xf32, #tpu.memory_space<vmem_shared>> -> memref<10240x128xf32, #tpu.memory_space<vmem_shared>>
        tpu.wait_indirect_dma semaphore(%run_scoped3A_140 : memref<!tpu.dma_semaphore, #tpu.memory_space<semaphore_mem>>) src(%dma_wait3A_154 : memref<128x128xf32, #tpu.memory_space<vmem>>) dst(%dma_wait3A_160 : memref<10240x128xf32, #tpu.memory_space<vmem_shared>>)
        tpu.yield
      }) : () -> ()
    }
    %scan3A_48 = arith.constant 20 : i32
    %mul3A_49 = arith.constant 80 : i32
    %mul3A_50 = arith.muli %add3A, %mul3A_49 : i32
    %add3A_51 = arith.constant 40 : i32
    %add3A_52 = arith.addi %mul3A_50, %add3A_51 : i32
    "tpu.region"() ({
      %run_scoped3A_91 = tpu.sem_alloc : memref<!tpu.dma_semaphore, #tpu.memory_space<semaphore_mem>>
      %dma_start3A_92 = arith.constant 0 : i32
      %dma_start3A_93 = tpu.memref_slice %arg3[%add3A_52, %dma_start3A_92] : memref<2560x128xi32, #tpu.memory_space<hbm>> -> memref<40x128xi32, #tpu.memory_space<hbm>>
      %dma_start3A_94 = arith.constant 0 : i32
      %dma_start3A_95 = tpu.memref_slice %arg3[%add3A_52, %dma_start3A_94] : memref<2560x128xi32, #tpu.memory_space<hbm>> -> memref<40x128xi32, #tpu.memory_space<hbm>>
      tpu.enqueue_dma source(%dma_start3A_95 : memref<40x128xi32, #tpu.memory_space<hbm>>) target(%arg7 : memref<40x128xi32, #tpu.memory_space<vmem>>) target_semaphore(%run_scoped3A_91 : memref<!tpu.dma_semaphore, #tpu.memory_space<semaphore_mem>>)
      %dma_wait3A = arith.constant 0 : i32
      %dma_wait3A_96 = tpu.memref_slice %arg3[%add3A_52, %dma_wait3A] : memref<2560x128xi32, #tpu.memory_space<hbm>> -> memref<40x128xi32, #tpu.memory_space<hbm>>
      %dma_wait3A_97 = arith.constant 0 : i32
      %dma_wait3A_98 = tpu.memref_slice %arg3[%add3A_52, %dma_wait3A_97] : memref<2560x128xi32, #tpu.memory_space<hbm>> -> memref<40x128xi32, #tpu.memory_space<hbm>>
      tpu.wait_dma2 semaphore(%run_scoped3A_91 : memref<!tpu.dma_semaphore, #tpu.memory_space<semaphore_mem>>) src(%dma_wait3A_98 : memref<40x128xi32, #tpu.memory_space<hbm>>) dst(%arg7 : memref<40x128xi32, #tpu.memory_space<vmem>>)
      tpu.yield
    }) : () -> ()
    "tpu.region"() ({
      %run_scoped3A_91 = tpu.sem_alloc : memref<!tpu.dma_semaphore, #tpu.memory_space<semaphore_mem>>
      %dma_start3A_92 = arith.constant 0 : i32
      %dma_start3A_93 = tpu.memref_slice %arg4[%add3A_52, %dma_start3A_92] : memref<2560x128xi32, #tpu.memory_space<hbm>> -> memref<40x128xi32, #tpu.memory_space<hbm>>
      %dma_start3A_94 = arith.constant 0 : i32
      %dma_start3A_95 = tpu.memref_slice %arg4[%add3A_52, %dma_start3A_94] : memref<2560x128xi32, #tpu.memory_space<hbm>> -> memref<40x128xi32, #tpu.memory_space<hbm>>
      tpu.enqueue_dma source(%dma_start3A_95 : memref<40x128xi32, #tpu.memory_space<hbm>>) target(%arg8 : memref<40x128xi32, #tpu.memory_space<vmem>>) target_semaphore(%run_scoped3A_91 : memref<!tpu.dma_semaphore, #tpu.memory_space<semaphore_mem>>)
      %dma_wait3A = arith.constant 0 : i32
      %dma_wait3A_96 = tpu.memref_slice %arg4[%add3A_52, %dma_wait3A] : memref<2560x128xi32, #tpu.memory_space<hbm>> -> memref<40x128xi32, #tpu.memory_space<hbm>>
      %dma_wait3A_97 = arith.constant 0 : i32
      %dma_wait3A_98 = tpu.memref_slice %arg4[%add3A_52, %dma_wait3A_97] : memref<2560x128xi32, #tpu.memory_space<hbm>> -> memref<40x128xi32, #tpu.memory_space<hbm>>
      tpu.wait_dma2 semaphore(%run_scoped3A_91 : memref<!tpu.dma_semaphore, #tpu.memory_space<semaphore_mem>>) src(%dma_wait3A_98 : memref<40x128xi32, #tpu.memory_space<hbm>>) dst(%arg8 : memref<40x128xi32, #tpu.memory_space<vmem>>)
      tpu.yield
    }) : () -> ()
    %dma_start3A_53 = arith.constant 0 : i32
    %dma_start3A_54 = arith.constant 0 : i32
    %dma_start3A_55 = arith.constant 0 : i32
    %dma_start3A_56 = arith.constant 0 : i32
    %dma_start3A_57 = tpu.memref_slice %arg6[%dma_start3A_54, %dma_start3A_55, %dma_start3A_56] : memref<2x128x128xf32, #tpu.memory_space<vmem>> -> memref<1x128x128xf32, #tpu.memory_space<vmem>>
    %dma_start3A_58 = tpu.memref_squeeze %dma_start3A_57 : memref<1x128x128xf32, #tpu.memory_space<vmem>> -> memref<128x128xf32, #tpu.memory_space<vmem>>
    %dma_start3A_59 = arith.constant 0 : i32
    %dma_start3A_60 = tpu.memref_slice %arg7[%dma_start3A_53, %dma_start3A_59] : memref<40x128xi32, #tpu.memory_space<vmem>> -> memref<1x128xi32, #tpu.memory_space<vmem>>
    %dma_start3A_61 = tpu.memref_squeeze %dma_start3A_60 : memref<1x128xi32, #tpu.memory_space<vmem>> -> memref<128xi32, #tpu.memory_space<vmem>>
    %dma_start3A_62 = arith.constant 0 : i32
    %dma_start3A_63 = arith.constant 0 : i32
    %dma_start3A_64 = tpu.memref_slice %arg2[%dma_start3A_62, %dma_start3A_63] : memref<10240x128xf32, #tpu.memory_space<hbm>> -> memref<10240x128xf32, #tpu.memory_space<hbm>>
    tpu.enqueue_indirect_dma source(%dma_start3A_64 : memref<10240x128xf32, #tpu.memory_space<hbm>>) target(%dma_start3A_58 : memref<128x128xf32, #tpu.memory_space<vmem>>) offsets(%dma_start3A_61 : memref<128xi32, #tpu.memory_space<vmem>>) semaphore(%arg10 : memref<!tpu.dma_semaphore, #tpu.memory_space<semaphore_mem>>)
    %scan3A_65 = arith.constant 0 : i32
    %scan3A_66 = arith.constant 20 : i32
    %scan3A_67 = arith.addi %scan3A_65, %scan3A_66 : i32
    %scan3A_68 = arith.constant 1 : i32
    scf.for %scan3A_91 = %scan3A_65 to %scan3A_67 step %scan3A_68  : i32 {
      %mul3A_92 = arith.constant 1 : i32
      %mul3A_93 = arith.muli %scan3A_91, %mul3A_92 : i32
      %add3A_94 = arith.constant 0 : i32
      %add3A_95 = arith.addi %add3A_94, %mul3A_93 : i32
      %mul3A_96 = arith.constant 2 : i32
      %mul3A_97 = arith.muli %add3A_95, %mul3A_96 : i32
      %add3A_98 = arith.constant 1 : i32
      %add3A_99 = arith.addi %mul3A_97, %add3A_98 : i32
      %dma_start3A_100 = arith.constant 1 : i32
      %dma_start3A_101 = arith.constant 0 : i32
      %dma_start3A_102 = arith.constant 0 : i32
      %dma_start3A_103 = tpu.memref_slice %arg6[%dma_start3A_100, %dma_start3A_101, %dma_start3A_102] : memref<2x128x128xf32, #tpu.memory_space<vmem>> -> memref<1x128x128xf32, #tpu.memory_space<vmem>>
      %dma_start3A_104 = tpu.memref_squeeze %dma_start3A_103 : memref<1x128x128xf32, #tpu.memory_space<vmem>> -> memref<128x128xf32, #tpu.memory_space<vmem>>
      %dma_start3A_105 = arith.constant 0 : i32
      %dma_start3A_106 = tpu.memref_slice %arg7[%add3A_99, %dma_start3A_105] : memref<40x128xi32, #tpu.memory_space<vmem>> -> memref<1x128xi32, #tpu.memory_space<vmem>>
      %dma_start3A_107 = tpu.memref_squeeze %dma_start3A_106 : memref<1x128xi32, #tpu.memory_space<vmem>> -> memref<128xi32, #tpu.memory_space<vmem>>
      %dma_start3A_108 = arith.constant 0 : i32
      %dma_start3A_109 = arith.constant 0 : i32
      %dma_start3A_110 = tpu.memref_slice %arg2[%dma_start3A_108, %dma_start3A_109] : memref<10240x128xf32, #tpu.memory_space<hbm>> -> memref<10240x128xf32, #tpu.memory_space<hbm>>
      tpu.enqueue_indirect_dma source(%dma_start3A_110 : memref<10240x128xf32, #tpu.memory_space<hbm>>) target(%dma_start3A_104 : memref<128x128xf32, #tpu.memory_space<vmem>>) offsets(%dma_start3A_107 : memref<128xi32, #tpu.memory_space<vmem>>) semaphore(%arg11 : memref<!tpu.dma_semaphore, #tpu.memory_space<semaphore_mem>>)
      %dma_wait3A = arith.constant 0 : i32
      %dma_wait3A_111 = arith.constant 0 : i32
      %dma_wait3A_112 = arith.constant 0 : i32
      %dma_wait3A_113 = tpu.memref_slice %arg6[%dma_wait3A, %dma_wait3A_111, %dma_wait3A_112] : memref<2x128x128xf32, #tpu.memory_space<vmem>> -> memref<1x128x128xf32, #tpu.memory_space<vmem>>
      %dma_wait3A_114 = tpu.memref_squeeze %dma_wait3A_113 : memref<1x128x128xf32, #tpu.memory_space<vmem>> -> memref<128x128xf32, #tpu.memory_space<vmem>>
      %dma_wait3A_115 = arith.constant 0 : i32
      %dma_wait3A_116 = tpu.memref_slice %arg7[%mul3A_97, %dma_wait3A_115] : memref<40x128xi32, #tpu.memory_space<vmem>> -> memref<1x128xi32, #tpu.memory_space<vmem>>
      %dma_wait3A_117 = tpu.memref_squeeze %dma_wait3A_116 : memref<1x128xi32, #tpu.memory_space<vmem>> -> memref<128xi32, #tpu.memory_space<vmem>>
      %dma_wait3A_118 = arith.constant 0 : i32
      %dma_wait3A_119 = arith.constant 0 : i32
      %dma_wait3A_120 = tpu.memref_slice %arg2[%dma_wait3A_118, %dma_wait3A_119] : memref<10240x128xf32, #tpu.memory_space<hbm>> -> memref<10240x128xf32, #tpu.memory_space<hbm>>
      tpu.wait_indirect_dma semaphore(%arg10 : memref<!tpu.dma_semaphore, #tpu.memory_space<semaphore_mem>>) src(%dma_wait3A_120 : memref<10240x128xf32, #tpu.memory_space<hbm>>) dst(%dma_wait3A_114 : memref<128x128xf32, #tpu.memory_space<vmem>>)
      %run_scoped3A_121 = arith.constant 0 : i32
      "tpu.region"() ({
        %run_scoped3A_140 = tpu.sem_alloc : memref<!tpu.dma_semaphore, #tpu.memory_space<semaphore_mem>>
        %dma_start3A_141 = arith.constant 0 : i32
        %dma_start3A_142 = arith.constant 0 : i32
        %dma_start3A_143 = tpu.memref_slice %arg6[%run_scoped3A_121, %dma_start3A_141, %dma_start3A_142] : memref<2x128x128xf32, #tpu.memory_space<vmem>> -> memref<1x128x128xf32, #tpu.memory_space<vmem>>
        %dma_start3A_144 = tpu.memref_squeeze %dma_start3A_143 : memref<1x128x128xf32, #tpu.memory_space<vmem>> -> memref<128x128xf32, #tpu.memory_space<vmem>>
        %dma_start3A_145 = arith.constant 0 : i32
        %dma_start3A_146 = tpu.memref_slice %arg8[%mul3A_97, %dma_start3A_145] : memref<40x128xi32, #tpu.memory_space<vmem>> -> memref<1x128xi32, #tpu.memory_space<vmem>>
        %dma_start3A_147 = tpu.memref_squeeze %dma_start3A_146 : memref<1x128xi32, #tpu.memory_space<vmem>> -> memref<128xi32, #tpu.memory_space<vmem>>
        %dma_start3A_148 = arith.constant 0 : i32
        %dma_start3A_149 = arith.constant 0 : i32
        %dma_start3A_150 = tpu.memref_slice %arg9[%dma_start3A_148, %dma_start3A_149] : memref<10240x128xf32, #tpu.memory_space<vmem_shared>> -> memref<10240x128xf32, #tpu.memory_space<vmem_shared>>
        tpu.enqueue_indirect_dma source(%dma_start3A_144 : memref<128x128xf32, #tpu.memory_space<vmem>>) target(%dma_start3A_150 : memref<10240x128xf32, #tpu.memory_space<vmem_shared>>) offsets(%dma_start3A_147 : memref<128xi32, #tpu.memory_space<vmem>>) semaphore(%run_scoped3A_140 : memref<!tpu.dma_semaphore, #tpu.memory_space<semaphore_mem>>) {add = true}
        %dma_wait3A_151 = arith.constant 0 : i32
        %dma_wait3A_152 = arith.constant 0 : i32
        %dma_wait3A_153 = tpu.memref_slice %arg6[%run_scoped3A_121, %dma_wait3A_151, %dma_wait3A_152] : memref<2x128x128xf32, #tpu.memory_space<vmem>> -> memref<1x128x128xf32, #tpu.memory_space<vmem>>
        %dma_wait3A_154 = tpu.memref_squeeze %dma_wait3A_153 : memref<1x128x128xf32, #tpu.memory_space<vmem>> -> memref<128x128xf32, #tpu.memory_space<vmem>>
        %dma_wait3A_155 = arith.constant 0 : i32
        %dma_wait3A_156 = tpu.memref_slice %arg8[%mul3A_97, %dma_wait3A_155] : memref<40x128xi32, #tpu.memory_space<vmem>> -> memref<1x128xi32, #tpu.memory_space<vmem>>
        %dma_wait3A_157 = tpu.memref_squeeze %dma_wait3A_156 : memref<1x128xi32, #tpu.memory_space<vmem>> -> memref<128xi32, #tpu.memory_space<vmem>>
        %dma_wait3A_158 = arith.constant 0 : i32
        %dma_wait3A_159 = arith.constant 0 : i32
        %dma_wait3A_160 = tpu.memref_slice %arg9[%dma_wait3A_158, %dma_wait3A_159] : memref<10240x128xf32, #tpu.memory_space<vmem_shared>> -> memref<10240x128xf32, #tpu.memory_space<vmem_shared>>
        tpu.wait_indirect_dma semaphore(%run_scoped3A_140 : memref<!tpu.dma_semaphore, #tpu.memory_space<semaphore_mem>>) src(%dma_wait3A_154 : memref<128x128xf32, #tpu.memory_space<vmem>>) dst(%dma_wait3A_160 : memref<10240x128xf32, #tpu.memory_space<vmem_shared>>)
        tpu.yield
      }) : () -> ()
      %lt3A = arith.constant 19 : i32
      %lt3A_122 = arith.cmpi slt, %add3A_95, %lt3A : i32
      %convert_element_type3A = arith.extui %lt3A_122 : i1 to i32
      %cond3A = arith.constant 0 : i32
      %cond3A_123 = arith.cmpi ne, %convert_element_type3A, %cond3A : i32
      scf.if %cond3A_123 {
        %add3A_140 = arith.constant 2 : i32
        %add3A_141 = arith.addi %mul3A_97, %add3A_140 : i32
        %dma_start3A_142 = arith.constant 0 : i32
        %dma_start3A_143 = arith.constant 0 : i32
        %dma_start3A_144 = arith.constant 0 : i32
        %dma_start3A_145 = tpu.memref_slice %arg6[%dma_start3A_142, %dma_start3A_143, %dma_start3A_144] : memref<2x128x128xf32, #tpu.memory_space<vmem>> -> memref<1x128x128xf32, #tpu.memory_space<vmem>>
        %dma_start3A_146 = tpu.memref_squeeze %dma_start3A_145 : memref<1x128x128xf32, #tpu.memory_space<vmem>> -> memref<128x128xf32, #tpu.memory_space<vmem>>
        %dma_start3A_147 = arith.constant 0 : i32
        %dma_start3A_148 = tpu.memref_slice %arg7[%add3A_141, %dma_start3A_147] : memref<40x128xi32, #tpu.memory_space<vmem>> -> memref<1x128xi32, #tpu.memory_space<vmem>>
        %dma_start3A_149 = tpu.memref_squeeze %dma_start3A_148 : memref<1x128xi32, #tpu.memory_space<vmem>> -> memref<128xi32, #tpu.memory_space<vmem>>
        %dma_start3A_150 = arith.constant 0 : i32
        %dma_start3A_151 = arith.constant 0 : i32
        %dma_start3A_152 = tpu.memref_slice %arg2[%dma_start3A_150, %dma_start3A_151] : memref<10240x128xf32, #tpu.memory_space<hbm>> -> memref<10240x128xf32, #tpu.memory_space<hbm>>
        tpu.enqueue_indirect_dma source(%dma_start3A_152 : memref<10240x128xf32, #tpu.memory_space<hbm>>) target(%dma_start3A_146 : memref<128x128xf32, #tpu.memory_space<vmem>>) offsets(%dma_start3A_149 : memref<128xi32, #tpu.memory_space<vmem>>) semaphore(%arg10 : memref<!tpu.dma_semaphore, #tpu.memory_space<semaphore_mem>>)
      } else {
      }
      %add3A_124 = arith.constant 1 : i32
      %add3A_125 = arith.addi %mul3A_97, %add3A_124 : i32
      %dma_wait3A_126 = arith.constant 1 : i32
      %dma_wait3A_127 = arith.constant 0 : i32
      %dma_wait3A_128 = arith.constant 0 : i32
      %dma_wait3A_129 = tpu.memref_slice %arg6[%dma_wait3A_126, %dma_wait3A_127, %dma_wait3A_128] : memref<2x128x128xf32, #tpu.memory_space<vmem>> -> memref<1x128x128xf32, #tpu.memory_space<vmem>>
      %dma_wait3A_130 = tpu.memref_squeeze %dma_wait3A_129 : memref<1x128x128xf32, #tpu.memory_space<vmem>> -> memref<128x128xf32, #tpu.memory_space<vmem>>
      %dma_wait3A_131 = arith.constant 0 : i32
      %dma_wait3A_132 = tpu.memref_slice %arg7[%add3A_125, %dma_wait3A_131] : memref<40x128xi32, #tpu.memory_space<vmem>> -> memref<1x128xi32, #tpu.memory_space<vmem>>
      %dma_wait3A_133 = tpu.memref_squeeze %dma_wait3A_132 : memref<1x128xi32, #tpu.memory_space<vmem>> -> memref<128xi32, #tpu.memory_space<vmem>>
      %dma_wait3A_134 = arith.constant 0 : i32
      %dma_wait3A_135 = arith.constant 0 : i32
      %dma_wait3A_136 = tpu.memref_slice %arg2[%dma_wait3A_134, %dma_wait3A_135] : memref<10240x128xf32, #tpu.memory_space<hbm>> -> memref<10240x128xf32, #tpu.memory_space<hbm>>
      tpu.wait_indirect_dma semaphore(%arg11 : memref<!tpu.dma_semaphore, #tpu.memory_space<semaphore_mem>>) src(%dma_wait3A_136 : memref<10240x128xf32, #tpu.memory_space<hbm>>) dst(%dma_wait3A_130 : memref<128x128xf32, #tpu.memory_space<vmem>>)
      %add3A_137 = arith.constant 1 : i32
      %add3A_138 = arith.addi %mul3A_97, %add3A_137 : i32
      %run_scoped3A_139 = arith.constant 1 : i32
      "tpu.region"() ({
        %run_scoped3A_140 = tpu.sem_alloc : memref<!tpu.dma_semaphore, #tpu.memory_space<semaphore_mem>>
        %dma_start3A_141 = arith.constant 0 : i32
        %dma_start3A_142 = arith.constant 0 : i32
        %dma_start3A_143 = tpu.memref_slice %arg6[%run_scoped3A_139, %dma_start3A_141, %dma_start3A_142] : memref<2x128x128xf32, #tpu.memory_space<vmem>> -> memref<1x128x128xf32, #tpu.memory_space<vmem>>
        %dma_start3A_144 = tpu.memref_squeeze %dma_start3A_143 : memref<1x128x128xf32, #tpu.memory_space<vmem>> -> memref<128x128xf32, #tpu.memory_space<vmem>>
        %dma_start3A_145 = arith.constant 0 : i32
        %dma_start3A_146 = tpu.memref_slice %arg8[%add3A_138, %dma_start3A_145] : memref<40x128xi32, #tpu.memory_space<vmem>> -> memref<1x128xi32, #tpu.memory_space<vmem>>
        %dma_start3A_147 = tpu.memref_squeeze %dma_start3A_146 : memref<1x128xi32, #tpu.memory_space<vmem>> -> memref<128xi32, #tpu.memory_space<vmem>>
        %dma_start3A_148 = arith.constant 0 : i32
        %dma_start3A_149 = arith.constant 0 : i32
        %dma_start3A_150 = tpu.memref_slice %arg9[%dma_start3A_148, %dma_start3A_149] : memref<10240x128xf32, #tpu.memory_space<vmem_shared>> -> memref<10240x128xf32, #tpu.memory_space<vmem_shared>>
        tpu.enqueue_indirect_dma source(%dma_start3A_144 : memref<128x128xf32, #tpu.memory_space<vmem>>) target(%dma_start3A_150 : memref<10240x128xf32, #tpu.memory_space<vmem_shared>>) offsets(%dma_start3A_147 : memref<128xi32, #tpu.memory_space<vmem>>) semaphore(%run_scoped3A_140 : memref<!tpu.dma_semaphore, #tpu.memory_space<semaphore_mem>>) {add = true}
        %dma_wait3A_151 = arith.constant 0 : i32
        %dma_wait3A_152 = arith.constant 0 : i32
        %dma_wait3A_153 = tpu.memref_slice %arg6[%run_scoped3A_139, %dma_wait3A_151, %dma_wait3A_152] : memref<2x128x128xf32, #tpu.memory_space<vmem>> -> memref<1x128x128xf32, #tpu.memory_space<vmem>>
        %dma_wait3A_154 = tpu.memref_squeeze %dma_wait3A_153 : memref<1x128x128xf32, #tpu.memory_space<vmem>> -> memref<128x128xf32, #tpu.memory_space<vmem>>
        %dma_wait3A_155 = arith.constant 0 : i32
        %dma_wait3A_156 = tpu.memref_slice %arg8[%add3A_138, %dma_wait3A_155] : memref<40x128xi32, #tpu.memory_space<vmem>> -> memref<1x128xi32, #tpu.memory_space<vmem>>
        %dma_wait3A_157 = tpu.memref_squeeze %dma_wait3A_156 : memref<1x128xi32, #tpu.memory_space<vmem>> -> memref<128xi32, #tpu.memory_space<vmem>>
        %dma_wait3A_158 = arith.constant 0 : i32
        %dma_wait3A_159 = arith.constant 0 : i32
        %dma_wait3A_160 = tpu.memref_slice %arg9[%dma_wait3A_158, %dma_wait3A_159] : memref<10240x128xf32, #tpu.memory_space<vmem_shared>> -> memref<10240x128xf32, #tpu.memory_space<vmem_shared>>
        tpu.wait_indirect_dma semaphore(%run_scoped3A_140 : memref<!tpu.dma_semaphore, #tpu.memory_space<semaphore_mem>>) src(%dma_wait3A_154 : memref<128x128xf32, #tpu.memory_space<vmem>>) dst(%dma_wait3A_160 : memref<10240x128xf32, #tpu.memory_space<vmem_shared>>)
        tpu.yield
      }) : () -> ()
    }
    %scan3A_69 = arith.constant 20 : i32
    %barrier3A_70 = arith.constant 0 : index
    tpu.barrier barrier_id(%barrier3A_70)
    %mul3A_71 = arith.constant 640 : i32
    %mul3A_72 = arith.muli %arg1, %mul3A_71 : i32
    %add3A_73 = arith.constant 0 : i32
    %add3A_74 = arith.addi %mul3A_72, %add3A_73 : i32
    "tpu.region"() ({
      %run_scoped3A_91 = tpu.sem_alloc : memref<!tpu.dma_semaphore, #tpu.memory_space<semaphore_mem>>
      %dma_start3A_92 = arith.constant 0 : i32
      %dma_start3A_93 = tpu.memref_slice %arg5[%arg0, %add3A_74, %dma_start3A_92] : memref<2x10240x128xf32, #tpu.memory_space<hbm>> -> memref<1x128x128xf32, #tpu.memory_space<hbm>>
      %dma_start3A_94 = tpu.memref_squeeze %dma_start3A_93 : memref<1x128x128xf32, #tpu.memory_space<hbm>> -> memref<128x128xf32, #tpu.memory_space<hbm>>
      %dma_start3A_95 = arith.constant 0 : i32
      %dma_start3A_96 = tpu.memref_slice %arg9[%add3A_74, %dma_start3A_95] : memref<10240x128xf32, #tpu.memory_space<vmem_shared>> -> memref<128x128xf32, #tpu.memory_space<vmem_shared>>
      tpu.enqueue_dma source(%dma_start3A_96 : memref<128x128xf32, #tpu.memory_space<vmem_shared>>) target(%dma_start3A_94 : memref<128x128xf32, #tpu.memory_space<hbm>>) target_semaphore(%run_scoped3A_91 : memref<!tpu.dma_semaphore, #tpu.memory_space<semaphore_mem>>)
      %dma_wait3A = arith.constant 0 : i32
      %dma_wait3A_97 = tpu.memref_slice %arg5[%arg0, %add3A_74, %dma_wait3A] : memref<2x10240x128xf32, #tpu.memory_space<hbm>> -> memref<1x128x128xf32, #tpu.memory_space<hbm>>
      %dma_wait3A_98 = tpu.memref_squeeze %dma_wait3A_97 : memref<1x128x128xf32, #tpu.memory_space<hbm>> -> memref<128x128xf32, #tpu.memory_space<hbm>>
      %dma_wait3A_99 = arith.constant 0 : i32
      %dma_wait3A_100 = tpu.memref_slice %arg9[%add3A_74, %dma_wait3A_99] : memref<10240x128xf32, #tpu.memory_space<vmem_shared>> -> memref<128x128xf32, #tpu.memory_space<vmem_shared>>
      tpu.wait_dma2 semaphore(%run_scoped3A_91 : memref<!tpu.dma_semaphore, #tpu.memory_space<semaphore_mem>>) src(%dma_wait3A_100 : memref<128x128xf32, #tpu.memory_space<vmem_shared>>) dst(%dma_wait3A_98 : memref<128x128xf32, #tpu.memory_space<hbm>>)
      tpu.yield
    }) : () -> ()
    %mul3A_75 = arith.constant 640 : i32
    %mul3A_76 = arith.muli %arg1, %mul3A_75 : i32
    %add3A_77 = arith.constant 128 : i32
    %add3A_78 = arith.addi %mul3A_76, %add3A_77 : i32
    "tpu.region"() ({
      %run_scoped3A_91 = tpu.sem_alloc : memref<!tpu.dma_semaphore, #tpu.memory_space<semaphore_mem>>
      %dma_start3A_92 = arith.constant 0 : i32
      %dma_start3A_93 = tpu.memref_slice %arg5[%arg0, %add3A_78, %dma_start3A_92] : memref<2x10240x128xf32, #tpu.memory_space<hbm>> -> memref<1x128x128xf32, #tpu.memory_space<hbm>>
      %dma_start3A_94 = tpu.memref_squeeze %dma_start3A_93 : memref<1x128x128xf32, #tpu.memory_space<hbm>> -> memref<128x128xf32, #tpu.memory_space<hbm>>
      %dma_start3A_95 = arith.constant 0 : i32
      %dma_start3A_96 = tpu.memref_slice %arg9[%add3A_78, %dma_start3A_95] : memref<10240x128xf32, #tpu.memory_space<vmem_shared>> -> memref<128x128xf32, #tpu.memory_space<vmem_shared>>
      tpu.enqueue_dma source(%dma_start3A_96 : memref<128x128xf32, #tpu.memory_space<vmem_shared>>) target(%dma_start3A_94 : memref<128x128xf32, #tpu.memory_space<hbm>>) target_semaphore(%run_scoped3A_91 : memref<!tpu.dma_semaphore, #tpu.memory_space<semaphore_mem>>)
      %dma_wait3A = arith.constant 0 : i32
      %dma_wait3A_97 = tpu.memref_slice %arg5[%arg0, %add3A_78, %dma_wait3A] : memref<2x10240x128xf32, #tpu.memory_space<hbm>> -> memref<1x128x128xf32, #tpu.memory_space<hbm>>
      %dma_wait3A_98 = tpu.memref_squeeze %dma_wait3A_97 : memref<1x128x128xf32, #tpu.memory_space<hbm>> -> memref<128x128xf32, #tpu.memory_space<hbm>>
      %dma_wait3A_99 = arith.constant 0 : i32
      %dma_wait3A_100 = tpu.memref_slice %arg9[%add3A_78, %dma_wait3A_99] : memref<10240x128xf32, #tpu.memory_space<vmem_shared>> -> memref<128x128xf32, #tpu.memory_space<vmem_shared>>
      tpu.wait_dma2 semaphore(%run_scoped3A_91 : memref<!tpu.dma_semaphore, #tpu.memory_space<semaphore_mem>>) src(%dma_wait3A_100 : memref<128x128xf32, #tpu.memory_space<vmem_shared>>) dst(%dma_wait3A_98 : memref<128x128xf32, #tpu.memory_space<hbm>>)
      tpu.yield
    }) : () -> ()
    %mul3A_79 = arith.constant 640 : i32
    %mul3A_80 = arith.muli %arg1, %mul3A_79 : i32
    %add3A_81 = arith.constant 256 : i32
    %add3A_82 = arith.addi %mul3A_80, %add3A_81 : i32
    "tpu.region"() ({
      %run_scoped3A_91 = tpu.sem_alloc : memref<!tpu.dma_semaphore, #tpu.memory_space<semaphore_mem>>
      %dma_start3A_92 = arith.constant 0 : i32
      %dma_start3A_93 = tpu.memref_slice %arg5[%arg0, %add3A_82, %dma_start3A_92] : memref<2x10240x128xf32, #tpu.memory_space<hbm>> -> memref<1x128x128xf32, #tpu.memory_space<hbm>>
      %dma_start3A_94 = tpu.memref_squeeze %dma_start3A_93 : memref<1x128x128xf32, #tpu.memory_space<hbm>> -> memref<128x128xf32, #tpu.memory_space<hbm>>
      %dma_start3A_95 = arith.constant 0 : i32
      %dma_start3A_96 = tpu.memref_slice %arg9[%add3A_82, %dma_start3A_95] : memref<10240x128xf32, #tpu.memory_space<vmem_shared>> -> memref<128x128xf32, #tpu.memory_space<vmem_shared>>
      tpu.enqueue_dma source(%dma_start3A_96 : memref<128x128xf32, #tpu.memory_space<vmem_shared>>) target(%dma_start3A_94 : memref<128x128xf32, #tpu.memory_space<hbm>>) target_semaphore(%run_scoped3A_91 : memref<!tpu.dma_semaphore, #tpu.memory_space<semaphore_mem>>)
      %dma_wait3A = arith.constant 0 : i32
      %dma_wait3A_97 = tpu.memref_slice %arg5[%arg0, %add3A_82, %dma_wait3A] : memref<2x10240x128xf32, #tpu.memory_space<hbm>> -> memref<1x128x128xf32, #tpu.memory_space<hbm>>
      %dma_wait3A_98 = tpu.memref_squeeze %dma_wait3A_97 : memref<1x128x128xf32, #tpu.memory_space<hbm>> -> memref<128x128xf32, #tpu.memory_space<hbm>>
      %dma_wait3A_99 = arith.constant 0 : i32
      %dma_wait3A_100 = tpu.memref_slice %arg9[%add3A_82, %dma_wait3A_99] : memref<10240x128xf32, #tpu.memory_space<vmem_shared>> -> memref<128x128xf32, #tpu.memory_space<vmem_shared>>
      tpu.wait_dma2 semaphore(%run_scoped3A_91 : memref<!tpu.dma_semaphore, #tpu.memory_space<semaphore_mem>>) src(%dma_wait3A_100 : memref<128x128xf32, #tpu.memory_space<vmem_shared>>) dst(%dma_wait3A_98 : memref<128x128xf32, #tpu.memory_space<hbm>>)
      tpu.yield
    }) : () -> ()
    %mul3A_83 = arith.constant 640 : i32
    %mul3A_84 = arith.muli %arg1, %mul3A_83 : i32
    %add3A_85 = arith.constant 384 : i32
    %add3A_86 = arith.addi %mul3A_84, %add3A_85 : i32
    "tpu.region"() ({
      %run_scoped3A_91 = tpu.sem_alloc : memref<!tpu.dma_semaphore, #tpu.memory_space<semaphore_mem>>
      %dma_start3A_92 = arith.constant 0 : i32
      %dma_start3A_93 = tpu.memref_slice %arg5[%arg0, %add3A_86, %dma_start3A_92] : memref<2x10240x128xf32, #tpu.memory_space<hbm>> -> memref<1x128x128xf32, #tpu.memory_space<hbm>>
      %dma_start3A_94 = tpu.memref_squeeze %dma_start3A_93 : memref<1x128x128xf32, #tpu.memory_space<hbm>> -> memref<128x128xf32, #tpu.memory_space<hbm>>
      %dma_start3A_95 = arith.constant 0 : i32
      %dma_start3A_96 = tpu.memref_slice %arg9[%add3A_86, %dma_start3A_95] : memref<10240x128xf32, #tpu.memory_space<vmem_shared>> -> memref<128x128xf32, #tpu.memory_space<vmem_shared>>
      tpu.enqueue_dma source(%dma_start3A_96 : memref<128x128xf32, #tpu.memory_space<vmem_shared>>) target(%dma_start3A_94 : memref<128x128xf32, #tpu.memory_space<hbm>>) target_semaphore(%run_scoped3A_91 : memref<!tpu.dma_semaphore, #tpu.memory_space<semaphore_mem>>)
      %dma_wait3A = arith.constant 0 : i32
      %dma_wait3A_97 = tpu.memref_slice %arg5[%arg0, %add3A_86, %dma_wait3A] : memref<2x10240x128xf32, #tpu.memory_space<hbm>> -> memref<1x128x128xf32, #tpu.memory_space<hbm>>
      %dma_wait3A_98 = tpu.memref_squeeze %dma_wait3A_97 : memref<1x128x128xf32, #tpu.memory_space<hbm>> -> memref<128x128xf32, #tpu.memory_space<hbm>>
      %dma_wait3A_99 = arith.constant 0 : i32
      %dma_wait3A_100 = tpu.memref_slice %arg9[%add3A_86, %dma_wait3A_99] : memref<10240x128xf32, #tpu.memory_space<vmem_shared>> -> memref<128x128xf32, #tpu.memory_space<vmem_shared>>
      tpu.wait_dma2 semaphore(%run_scoped3A_91 : memref<!tpu.dma_semaphore, #tpu.memory_space<semaphore_mem>>) src(%dma_wait3A_100 : memref<128x128xf32, #tpu.memory_space<vmem_shared>>) dst(%dma_wait3A_98 : memref<128x128xf32, #tpu.memory_space<hbm>>)
      tpu.yield
    }) : () -> ()
    %mul3A_87 = arith.constant 640 : i32
    %mul3A_88 = arith.muli %arg1, %mul3A_87 : i32
    %add3A_89 = arith.constant 512 : i32
    %add3A_90 = arith.addi %mul3A_88, %add3A_89 : i32
    "tpu.region"() ({
      %run_scoped3A_91 = tpu.sem_alloc : memref<!tpu.dma_semaphore, #tpu.memory_space<semaphore_mem>>
      %dma_start3A_92 = arith.constant 0 : i32
      %dma_start3A_93 = tpu.memref_slice %arg5[%arg0, %add3A_90, %dma_start3A_92] : memref<2x10240x128xf32, #tpu.memory_space<hbm>> -> memref<1x128x128xf32, #tpu.memory_space<hbm>>
      %dma_start3A_94 = tpu.memref_squeeze %dma_start3A_93 : memref<1x128x128xf32, #tpu.memory_space<hbm>> -> memref<128x128xf32, #tpu.memory_space<hbm>>
      %dma_start3A_95 = arith.constant 0 : i32
      %dma_start3A_96 = tpu.memref_slice %arg9[%add3A_90, %dma_start3A_95] : memref<10240x128xf32, #tpu.memory_space<vmem_shared>> -> memref<128x128xf32, #tpu.memory_space<vmem_shared>>
      tpu.enqueue_dma source(%dma_start3A_96 : memref<128x128xf32, #tpu.memory_space<vmem_shared>>) target(%dma_start3A_94 : memref<128x128xf32, #tpu.memory_space<hbm>>) target_semaphore(%run_scoped3A_91 : memref<!tpu.dma_semaphore, #tpu.memory_space<semaphore_mem>>)
      %dma_wait3A = arith.constant 0 : i32
      %dma_wait3A_97 = tpu.memref_slice %arg5[%arg0, %add3A_90, %dma_wait3A] : memref<2x10240x128xf32, #tpu.memory_space<hbm>> -> memref<1x128x128xf32, #tpu.memory_space<hbm>>
      %dma_wait3A_98 = tpu.memref_squeeze %dma_wait3A_97 : memref<1x128x128xf32, #tpu.memory_space<hbm>> -> memref<128x128xf32, #tpu.memory_space<hbm>>
      %dma_wait3A_99 = arith.constant 0 : i32
      %dma_wait3A_100 = tpu.memref_slice %arg9[%add3A_90, %dma_wait3A_99] : memref<10240x128xf32, #tpu.memory_space<vmem_shared>> -> memref<128x128xf32, #tpu.memory_space<vmem_shared>>
      tpu.wait_dma2 semaphore(%run_scoped3A_91 : memref<!tpu.dma_semaphore, #tpu.memory_space<semaphore_mem>>) src(%dma_wait3A_100 : memref<128x128xf32, #tpu.memory_space<vmem_shared>>) dst(%dma_wait3A_98 : memref<128x128xf32, #tpu.memory_space<hbm>>)
      tpu.yield
    }) : () -> ()
    return
  }
}

#map = affine_map<(d0, d1) -> (0, 0)>
#map1 = affine_map<(d0, d1) -> (0, 0, 0)>
module attributes {stable_mosaic.version = 14 : i64} {
  func.func @_deg_body(%arg0: i32, %arg1: i32, %arg2: memref<2560x128xi32, #tpu.memory_space<hbm>>, %arg3: memref<2x10240x128xf32, #tpu.memory_space<hbm>>, %arg4: memref<128x128xf32, #tpu.memory_space<vmem>>, %arg5: memref<80x128xi32, #tpu.memory_space<vmem>>, %arg6: memref<10240x128xf32, #tpu.memory_space<vmem_shared>>) attributes {dimension_semantics = [#tpu.dimension_semantics<core_parallel>, #tpu.dimension_semantics<subcore_parallel>], iteration_bounds = array<i64: 2, 16>, scalar_prefetch = 0 : i64, scratch_operands = 3 : i64, tpu.core_type = #tpu.core_type<sc_vector_subcore>, window_params = [{transform_indices = #map}, {transform_indices = #map1}]} {
    %mul3A = arith.constant 16 : i32
    %mul3A_0 = arith.muli %arg0, %mul3A : i32
    %add3A = arith.addi %mul3A_0, %arg1 : i32
    %scan3A = arith.constant 0 : i32
    %scan3A_1 = arith.constant 128 : i32
    %scan3A_2 = arith.addi %scan3A, %scan3A_1 : i32
    %scan3A_3 = arith.constant 1 : i32
    scf.for %scan3A_58 = %scan3A to %scan3A_2 step %scan3A_3  : i32 {
      %mul3A_59 = arith.constant 1 : i32
      %mul3A_60 = arith.muli %scan3A_58, %mul3A_59 : i32
      %add3A_61 = arith.constant 0 : i32
      %add3A_62 = arith.addi %add3A_61, %mul3A_60 : i32
      %broadcast_in_dim3A = arith.constant 0.000000e+00 : f32
      %broadcast_in_dim3A_63 = vector.broadcast %broadcast_in_dim3A : f32 to vector<16xf32>
      %swap3A = arith.index_cast %add3A_62 : i32 to index
      %swap3A_64 = arith.constant 0 : index
      %swap3A_65 = tpu.vector_load %arg4[%swap3A, %swap3A_64] {strides = array<i32>} : memref<128x128xf32, #tpu.memory_space<vmem>>, vector<1x16xf32>,
      %swap3A_66 = vector.shape_cast %swap3A_65 : vector<1x16xf32> to vector<16xf32>
      %swap3A_67 = vector.shape_cast %broadcast_in_dim3A_63 : vector<16xf32> to vector<1x16xf32>
      tpu.vector_store %arg4[%swap3A, %swap3A_64], %swap3A_67 {strides = array<i32>} : memref<128x128xf32, #tpu.memory_space<vmem>>, vector<1x16xf32>,
      %broadcast_in_dim3A_68 = arith.constant 0.000000e+00 : f32
      %broadcast_in_dim3A_69 = vector.broadcast %broadcast_in_dim3A_68 : f32 to vector<16xf32>
      %swap3A_70 = arith.index_cast %add3A_62 : i32 to index
      %swap3A_71 = arith.constant 16 : index
      %swap3A_72 = tpu.vector_load %arg4[%swap3A_70, %swap3A_71] {strides = array<i32>} : memref<128x128xf32, #tpu.memory_space<vmem>>, vector<1x16xf32>,
      %swap3A_73 = vector.shape_cast %swap3A_72 : vector<1x16xf32> to vector<16xf32>
      %swap3A_74 = vector.shape_cast %broadcast_in_dim3A_69 : vector<16xf32> to vector<1x16xf32>
      tpu.vector_store %arg4[%swap3A_70, %swap3A_71], %swap3A_74 {strides = array<i32>} : memref<128x128xf32, #tpu.memory_space<vmem>>, vector<1x16xf32>,
      %broadcast_in_dim3A_75 = arith.constant 0.000000e+00 : f32
      %broadcast_in_dim3A_76 = vector.broadcast %broadcast_in_dim3A_75 : f32 to vector<16xf32>
      %swap3A_77 = arith.index_cast %add3A_62 : i32 to index
      %swap3A_78 = arith.constant 32 : index
      %swap3A_79 = tpu.vector_load %arg4[%swap3A_77, %swap3A_78] {strides = array<i32>} : memref<128x128xf32, #tpu.memory_space<vmem>>, vector<1x16xf32>,
      %swap3A_80 = vector.shape_cast %swap3A_79 : vector<1x16xf32> to vector<16xf32>
      %swap3A_81 = vector.shape_cast %broadcast_in_dim3A_76 : vector<16xf32> to vector<1x16xf32>
      tpu.vector_store %arg4[%swap3A_77, %swap3A_78], %swap3A_81 {strides = array<i32>} : memref<128x128xf32, #tpu.memory_space<vmem>>, vector<1x16xf32>,
      %broadcast_in_dim3A_82 = arith.constant 0.000000e+00 : f32
      %broadcast_in_dim3A_83 = vector.broadcast %broadcast_in_dim3A_82 : f32 to vector<16xf32>
      %swap3A_84 = arith.index_cast %add3A_62 : i32 to index
      %swap3A_85 = arith.constant 48 : index
      %swap3A_86 = tpu.vector_load %arg4[%swap3A_84, %swap3A_85] {strides = array<i32>} : memref<128x128xf32, #tpu.memory_space<vmem>>, vector<1x16xf32>,
      %swap3A_87 = vector.shape_cast %swap3A_86 : vector<1x16xf32> to vector<16xf32>
      %swap3A_88 = vector.shape_cast %broadcast_in_dim3A_83 : vector<16xf32> to vector<1x16xf32>
      tpu.vector_store %arg4[%swap3A_84, %swap3A_85], %swap3A_88 {strides = array<i32>} : memref<128x128xf32, #tpu.memory_space<vmem>>, vector<1x16xf32>,
      %broadcast_in_dim3A_89 = arith.constant 0.000000e+00 : f32
      %broadcast_in_dim3A_90 = vector.broadcast %broadcast_in_dim3A_89 : f32 to vector<16xf32>
      %swap3A_91 = arith.index_cast %add3A_62 : i32 to index
      %swap3A_92 = arith.constant 64 : index
      %swap3A_93 = tpu.vector_load %arg4[%swap3A_91, %swap3A_92] {strides = array<i32>} : memref<128x128xf32, #tpu.memory_space<vmem>>, vector<1x16xf32>,
      %swap3A_94 = vector.shape_cast %swap3A_93 : vector<1x16xf32> to vector<16xf32>
      %swap3A_95 = vector.shape_cast %broadcast_in_dim3A_90 : vector<16xf32> to vector<1x16xf32>
      tpu.vector_store %arg4[%swap3A_91, %swap3A_92], %swap3A_95 {strides = array<i32>} : memref<128x128xf32, #tpu.memory_space<vmem>>, vector<1x16xf32>,
      %broadcast_in_dim3A_96 = arith.constant 0.000000e+00 : f32
      %broadcast_in_dim3A_97 = vector.broadcast %broadcast_in_dim3A_96 : f32 to vector<16xf32>
      %swap3A_98 = arith.index_cast %add3A_62 : i32 to index
      %swap3A_99 = arith.constant 80 : index
      %swap3A_100 = tpu.vector_load %arg4[%swap3A_98, %swap3A_99] {strides = array<i32>} : memref<128x128xf32, #tpu.memory_space<vmem>>, vector<1x16xf32>,
      %swap3A_101 = vector.shape_cast %swap3A_100 : vector<1x16xf32> to vector<16xf32>
      %swap3A_102 = vector.shape_cast %broadcast_in_dim3A_97 : vector<16xf32> to vector<1x16xf32>
      tpu.vector_store %arg4[%swap3A_98, %swap3A_99], %swap3A_102 {strides = array<i32>} : memref<128x128xf32, #tpu.memory_space<vmem>>, vector<1x16xf32>,
      %broadcast_in_dim3A_103 = arith.constant 0.000000e+00 : f32
      %broadcast_in_dim3A_104 = vector.broadcast %broadcast_in_dim3A_103 : f32 to vector<16xf32>
      %swap3A_105 = arith.index_cast %add3A_62 : i32 to index
      %swap3A_106 = arith.constant 96 : index
      %swap3A_107 = tpu.vector_load %arg4[%swap3A_105, %swap3A_106] {strides = array<i32>} : memref<128x128xf32, #tpu.memory_space<vmem>>, vector<1x16xf32>,
      %swap3A_108 = vector.shape_cast %swap3A_107 : vector<1x16xf32> to vector<16xf32>
      %swap3A_109 = vector.shape_cast %broadcast_in_dim3A_104 : vector<16xf32> to vector<1x16xf32>
      tpu.vector_store %arg4[%swap3A_105, %swap3A_106], %swap3A_109 {strides = array<i32>} : memref<128x128xf32, #tpu.memory_space<vmem>>, vector<1x16xf32>,
      %broadcast_in_dim3A_110 = arith.constant 0.000000e+00 : f32
      %broadcast_in_dim3A_111 = vector.broadcast %broadcast_in_dim3A_110 : f32 to vector<16xf32>
      %swap3A_112 = arith.index_cast %add3A_62 : i32 to index
      %swap3A_113 = arith.constant 112 : index
      %swap3A_114 = tpu.vector_load %arg4[%swap3A_112, %swap3A_113] {strides = array<i32>} : memref<128x128xf32, #tpu.memory_space<vmem>>, vector<1x16xf32>,
      %swap3A_115 = vector.shape_cast %swap3A_114 : vector<1x16xf32> to vector<16xf32>
      %swap3A_116 = vector.shape_cast %broadcast_in_dim3A_111 : vector<16xf32> to vector<1x16xf32>
      tpu.vector_store %arg4[%swap3A_112, %swap3A_113], %swap3A_116 {strides = array<i32>} : memref<128x128xf32, #tpu.memory_space<vmem>>, vector<1x16xf32>,
    }
    %scan3A_4 = arith.constant 128 : i32
    %mul3A_5 = arith.constant 640 : i32
    %mul3A_6 = arith.muli %arg1, %mul3A_5 : i32
    %add3A_7 = arith.constant 0 : i32
    %add3A_8 = arith.addi %mul3A_6, %add3A_7 : i32
    "tpu.region"() ({
      %run_scoped3A = tpu.sem_alloc : memref<!tpu.dma_semaphore, #tpu.memory_space<semaphore_mem>>
      %dma_start3A = arith.constant 0 : i32
      %dma_start3A_58 = tpu.memref_slice %arg6[%add3A_8, %dma_start3A] : memref<10240x128xf32, #tpu.memory_space<vmem_shared>> -> memref<128x128xf32, #tpu.memory_space<vmem_shared>>
      %dma_start3A_59 = arith.constant 0 : i32
      %dma_start3A_60 = tpu.memref_slice %arg6[%add3A_8, %dma_start3A_59] : memref<10240x128xf32, #tpu.memory_space<vmem_shared>> -> memref<128x128xf32, #tpu.memory_space<vmem_shared>>
      tpu.enqueue_dma source(%arg4 : memref<128x128xf32, #tpu.memory_space<vmem>>) target(%dma_start3A_60 : memref<128x128xf32, #tpu.memory_space<vmem_shared>>) target_semaphore(%run_scoped3A : memref<!tpu.dma_semaphore, #tpu.memory_space<semaphore_mem>>)
      %dma_wait3A = arith.constant 0 : i32
      %dma_wait3A_61 = tpu.memref_slice %arg6[%add3A_8, %dma_wait3A] : memref<10240x128xf32, #tpu.memory_space<vmem_shared>> -> memref<128x128xf32, #tpu.memory_space<vmem_shared>>
      %dma_wait3A_62 = arith.constant 0 : i32
      %dma_wait3A_63 = tpu.memref_slice %arg6[%add3A_8, %dma_wait3A_62] : memref<10240x128xf32, #tpu.memory_space<vmem_shared>> -> memref<128x128xf32, #tpu.memory_space<vmem_shared>>
      tpu.wait_dma2 semaphore(%run_scoped3A : memref<!tpu.dma_semaphore, #tpu.memory_space<semaphore_mem>>) src(%arg4 : memref<128x128xf32, #tpu.memory_space<vmem>>) dst(%dma_wait3A_63 : memref<128x128xf32, #tpu.memory_space<vmem_shared>>)
      tpu.yield
    }) : () -> ()
    %mul3A_9 = arith.constant 640 : i32
    %mul3A_10 = arith.muli %arg1, %mul3A_9 : i32
    %add3A_11 = arith.constant 128 : i32
    %add3A_12 = arith.addi %mul3A_10, %add3A_11 : i32
    "tpu.region"() ({
      %run_scoped3A = tpu.sem_alloc : memref<!tpu.dma_semaphore, #tpu.memory_space<semaphore_mem>>
      %dma_start3A = arith.constant 0 : i32
      %dma_start3A_58 = tpu.memref_slice %arg6[%add3A_12, %dma_start3A] : memref<10240x128xf32, #tpu.memory_space<vmem_shared>> -> memref<128x128xf32, #tpu.memory_space<vmem_shared>>
      %dma_start3A_59 = arith.constant 0 : i32
      %dma_start3A_60 = tpu.memref_slice %arg6[%add3A_12, %dma_start3A_59] : memref<10240x128xf32, #tpu.memory_space<vmem_shared>> -> memref<128x128xf32, #tpu.memory_space<vmem_shared>>
      tpu.enqueue_dma source(%arg4 : memref<128x128xf32, #tpu.memory_space<vmem>>) target(%dma_start3A_60 : memref<128x128xf32, #tpu.memory_space<vmem_shared>>) target_semaphore(%run_scoped3A : memref<!tpu.dma_semaphore, #tpu.memory_space<semaphore_mem>>)
      %dma_wait3A = arith.constant 0 : i32
      %dma_wait3A_61 = tpu.memref_slice %arg6[%add3A_12, %dma_wait3A] : memref<10240x128xf32, #tpu.memory_space<vmem_shared>> -> memref<128x128xf32, #tpu.memory_space<vmem_shared>>
      %dma_wait3A_62 = arith.constant 0 : i32
      %dma_wait3A_63 = tpu.memref_slice %arg6[%add3A_12, %dma_wait3A_62] : memref<10240x128xf32, #tpu.memory_space<vmem_shared>> -> memref<128x128xf32, #tpu.memory_space<vmem_shared>>
      tpu.wait_dma2 semaphore(%run_scoped3A : memref<!tpu.dma_semaphore, #tpu.memory_space<semaphore_mem>>) src(%arg4 : memref<128x128xf32, #tpu.memory_space<vmem>>) dst(%dma_wait3A_63 : memref<128x128xf32, #tpu.memory_space<vmem_shared>>)
      tpu.yield
    }) : () -> ()
    %mul3A_13 = arith.constant 640 : i32
    %mul3A_14 = arith.muli %arg1, %mul3A_13 : i32
    %add3A_15 = arith.constant 256 : i32
    %add3A_16 = arith.addi %mul3A_14, %add3A_15 : i32
    "tpu.region"() ({
      %run_scoped3A = tpu.sem_alloc : memref<!tpu.dma_semaphore, #tpu.memory_space<semaphore_mem>>
      %dma_start3A = arith.constant 0 : i32
      %dma_start3A_58 = tpu.memref_slice %arg6[%add3A_16, %dma_start3A] : memref<10240x128xf32, #tpu.memory_space<vmem_shared>> -> memref<128x128xf32, #tpu.memory_space<vmem_shared>>
      %dma_start3A_59 = arith.constant 0 : i32
      %dma_start3A_60 = tpu.memref_slice %arg6[%add3A_16, %dma_start3A_59] : memref<10240x128xf32, #tpu.memory_space<vmem_shared>> -> memref<128x128xf32, #tpu.memory_space<vmem_shared>>
      tpu.enqueue_dma source(%arg4 : memref<128x128xf32, #tpu.memory_space<vmem>>) target(%dma_start3A_60 : memref<128x128xf32, #tpu.memory_space<vmem_shared>>) target_semaphore(%run_scoped3A : memref<!tpu.dma_semaphore, #tpu.memory_space<semaphore_mem>>)
      %dma_wait3A = arith.constant 0 : i32
      %dma_wait3A_61 = tpu.memref_slice %arg6[%add3A_16, %dma_wait3A] : memref<10240x128xf32, #tpu.memory_space<vmem_shared>> -> memref<128x128xf32, #tpu.memory_space<vmem_shared>>
      %dma_wait3A_62 = arith.constant 0 : i32
      %dma_wait3A_63 = tpu.memref_slice %arg6[%add3A_16, %dma_wait3A_62] : memref<10240x128xf32, #tpu.memory_space<vmem_shared>> -> memref<128x128xf32, #tpu.memory_space<vmem_shared>>
      tpu.wait_dma2 semaphore(%run_scoped3A : memref<!tpu.dma_semaphore, #tpu.memory_space<semaphore_mem>>) src(%arg4 : memref<128x128xf32, #tpu.memory_space<vmem>>) dst(%dma_wait3A_63 : memref<128x128xf32, #tpu.memory_space<vmem_shared>>)
      tpu.yield
    }) : () -> ()
    %mul3A_17 = arith.constant 640 : i32
    %mul3A_18 = arith.muli %arg1, %mul3A_17 : i32
    %add3A_19 = arith.constant 384 : i32
    %add3A_20 = arith.addi %mul3A_18, %add3A_19 : i32
    "tpu.region"() ({
      %run_scoped3A = tpu.sem_alloc : memref<!tpu.dma_semaphore, #tpu.memory_space<semaphore_mem>>
      %dma_start3A = arith.constant 0 : i32
      %dma_start3A_58 = tpu.memref_slice %arg6[%add3A_20, %dma_start3A] : memref<10240x128xf32, #tpu.memory_space<vmem_shared>> -> memref<128x128xf32, #tpu.memory_space<vmem_shared>>
      %dma_start3A_59 = arith.constant 0 : i32
      %dma_start3A_60 = tpu.memref_slice %arg6[%add3A_20, %dma_start3A_59] : memref<10240x128xf32, #tpu.memory_space<vmem_shared>> -> memref<128x128xf32, #tpu.memory_space<vmem_shared>>
      tpu.enqueue_dma source(%arg4 : memref<128x128xf32, #tpu.memory_space<vmem>>) target(%dma_start3A_60 : memref<128x128xf32, #tpu.memory_space<vmem_shared>>) target_semaphore(%run_scoped3A : memref<!tpu.dma_semaphore, #tpu.memory_space<semaphore_mem>>)
      %dma_wait3A = arith.constant 0 : i32
      %dma_wait3A_61 = tpu.memref_slice %arg6[%add3A_20, %dma_wait3A] : memref<10240x128xf32, #tpu.memory_space<vmem_shared>> -> memref<128x128xf32, #tpu.memory_space<vmem_shared>>
      %dma_wait3A_62 = arith.constant 0 : i32
      %dma_wait3A_63 = tpu.memref_slice %arg6[%add3A_20, %dma_wait3A_62] : memref<10240x128xf32, #tpu.memory_space<vmem_shared>> -> memref<128x128xf32, #tpu.memory_space<vmem_shared>>
      tpu.wait_dma2 semaphore(%run_scoped3A : memref<!tpu.dma_semaphore, #tpu.memory_space<semaphore_mem>>) src(%arg4 : memref<128x128xf32, #tpu.memory_space<vmem>>) dst(%dma_wait3A_63 : memref<128x128xf32, #tpu.memory_space<vmem_shared>>)
      tpu.yield
    }) : () -> ()
    %mul3A_21 = arith.constant 640 : i32
    %mul3A_22 = arith.muli %arg1, %mul3A_21 : i32
    %add3A_23 = arith.constant 512 : i32
    %add3A_24 = arith.addi %mul3A_22, %add3A_23 : i32
    "tpu.region"() ({
      %run_scoped3A = tpu.sem_alloc : memref<!tpu.dma_semaphore, #tpu.memory_space<semaphore_mem>>
      %dma_start3A = arith.constant 0 : i32
      %dma_start3A_58 = tpu.memref_slice %arg6[%add3A_24, %dma_start3A] : memref<10240x128xf32, #tpu.memory_space<vmem_shared>> -> memref<128x128xf32, #tpu.memory_space<vmem_shared>>
      %dma_start3A_59 = arith.constant 0 : i32
      %dma_start3A_60 = tpu.memref_slice %arg6[%add3A_24, %dma_start3A_59] : memref<10240x128xf32, #tpu.memory_space<vmem_shared>> -> memref<128x128xf32, #tpu.memory_space<vmem_shared>>
      tpu.enqueue_dma source(%arg4 : memref<128x128xf32, #tpu.memory_space<vmem>>) target(%dma_start3A_60 : memref<128x128xf32, #tpu.memory_space<vmem_shared>>) target_semaphore(%run_scoped3A : memref<!tpu.dma_semaphore, #tpu.memory_space<semaphore_mem>>)
      %dma_wait3A = arith.constant 0 : i32
      %dma_wait3A_61 = tpu.memref_slice %arg6[%add3A_24, %dma_wait3A] : memref<10240x128xf32, #tpu.memory_space<vmem_shared>> -> memref<128x128xf32, #tpu.memory_space<vmem_shared>>
      %dma_wait3A_62 = arith.constant 0 : i32
      %dma_wait3A_63 = tpu.memref_slice %arg6[%add3A_24, %dma_wait3A_62] : memref<10240x128xf32, #tpu.memory_space<vmem_shared>> -> memref<128x128xf32, #tpu.memory_space<vmem_shared>>
      tpu.wait_dma2 semaphore(%run_scoped3A : memref<!tpu.dma_semaphore, #tpu.memory_space<semaphore_mem>>) src(%arg4 : memref<128x128xf32, #tpu.memory_space<vmem>>) dst(%dma_wait3A_63 : memref<128x128xf32, #tpu.memory_space<vmem_shared>>)
      tpu.yield
    }) : () -> ()
    %barrier3A = arith.constant 0 : index
    tpu.barrier barrier_id(%barrier3A)
    %scan3A_25 = arith.constant 0 : i32
    %scan3A_26 = arith.constant 128 : i32
    %scan3A_27 = arith.addi %scan3A_25, %scan3A_26 : i32
    %scan3A_28 = arith.constant 1 : i32
    scf.for %scan3A_58 = %scan3A_25 to %scan3A_27 step %scan3A_28  : i32 {
      %mul3A_59 = arith.constant 1 : i32
      %mul3A_60 = arith.muli %scan3A_58, %mul3A_59 : i32
      %add3A_61 = arith.constant 0 : i32
      %add3A_62 = arith.addi %add3A_61, %mul3A_60 : i32
      %broadcast_in_dim3A = arith.constant 1.000000e+00 : f32
      %broadcast_in_dim3A_63 = vector.broadcast %broadcast_in_dim3A : f32 to vector<16xf32>
      %swap3A = arith.index_cast %add3A_62 : i32 to index
      %swap3A_64 = arith.constant 0 : index
      %swap3A_65 = tpu.vector_load %arg4[%swap3A, %swap3A_64] {strides = array<i32>} : memref<128x128xf32, #tpu.memory_space<vmem>>, vector<1x16xf32>,
      %swap3A_66 = vector.shape_cast %swap3A_65 : vector<1x16xf32> to vector<16xf32>
      %swap3A_67 = vector.shape_cast %broadcast_in_dim3A_63 : vector<16xf32> to vector<1x16xf32>
      tpu.vector_store %arg4[%swap3A, %swap3A_64], %swap3A_67 {strides = array<i32>} : memref<128x128xf32, #tpu.memory_space<vmem>>, vector<1x16xf32>,
      %broadcast_in_dim3A_68 = arith.constant 1.000000e+00 : f32
      %broadcast_in_dim3A_69 = vector.broadcast %broadcast_in_dim3A_68 : f32 to vector<16xf32>
      %swap3A_70 = arith.index_cast %add3A_62 : i32 to index
      %swap3A_71 = arith.constant 16 : index
      %swap3A_72 = tpu.vector_load %arg4[%swap3A_70, %swap3A_71] {strides = array<i32>} : memref<128x128xf32, #tpu.memory_space<vmem>>, vector<1x16xf32>,
      %swap3A_73 = vector.shape_cast %swap3A_72 : vector<1x16xf32> to vector<16xf32>
      %swap3A_74 = vector.shape_cast %broadcast_in_dim3A_69 : vector<16xf32> to vector<1x16xf32>
      tpu.vector_store %arg4[%swap3A_70, %swap3A_71], %swap3A_74 {strides = array<i32>} : memref<128x128xf32, #tpu.memory_space<vmem>>, vector<1x16xf32>,
      %broadcast_in_dim3A_75 = arith.constant 1.000000e+00 : f32
      %broadcast_in_dim3A_76 = vector.broadcast %broadcast_in_dim3A_75 : f32 to vector<16xf32>
      %swap3A_77 = arith.index_cast %add3A_62 : i32 to index
      %swap3A_78 = arith.constant 32 : index
      %swap3A_79 = tpu.vector_load %arg4[%swap3A_77, %swap3A_78] {strides = array<i32>} : memref<128x128xf32, #tpu.memory_space<vmem>>, vector<1x16xf32>,
      %swap3A_80 = vector.shape_cast %swap3A_79 : vector<1x16xf32> to vector<16xf32>
      %swap3A_81 = vector.shape_cast %broadcast_in_dim3A_76 : vector<16xf32> to vector<1x16xf32>
      tpu.vector_store %arg4[%swap3A_77, %swap3A_78], %swap3A_81 {strides = array<i32>} : memref<128x128xf32, #tpu.memory_space<vmem>>, vector<1x16xf32>,
      %broadcast_in_dim3A_82 = arith.constant 1.000000e+00 : f32
      %broadcast_in_dim3A_83 = vector.broadcast %broadcast_in_dim3A_82 : f32 to vector<16xf32>
      %swap3A_84 = arith.index_cast %add3A_62 : i32 to index
      %swap3A_85 = arith.constant 48 : index
      %swap3A_86 = tpu.vector_load %arg4[%swap3A_84, %swap3A_85] {strides = array<i32>} : memref<128x128xf32, #tpu.memory_space<vmem>>, vector<1x16xf32>,
      %swap3A_87 = vector.shape_cast %swap3A_86 : vector<1x16xf32> to vector<16xf32>
      %swap3A_88 = vector.shape_cast %broadcast_in_dim3A_83 : vector<16xf32> to vector<1x16xf32>
      tpu.vector_store %arg4[%swap3A_84, %swap3A_85], %swap3A_88 {strides = array<i32>} : memref<128x128xf32, #tpu.memory_space<vmem>>, vector<1x16xf32>,
      %broadcast_in_dim3A_89 = arith.constant 1.000000e+00 : f32
      %broadcast_in_dim3A_90 = vector.broadcast %broadcast_in_dim3A_89 : f32 to vector<16xf32>
      %swap3A_91 = arith.index_cast %add3A_62 : i32 to index
      %swap3A_92 = arith.constant 64 : index
      %swap3A_93 = tpu.vector_load %arg4[%swap3A_91, %swap3A_92] {strides = array<i32>} : memref<128x128xf32, #tpu.memory_space<vmem>>, vector<1x16xf32>,
      %swap3A_94 = vector.shape_cast %swap3A_93 : vector<1x16xf32> to vector<16xf32>
      %swap3A_95 = vector.shape_cast %broadcast_in_dim3A_90 : vector<16xf32> to vector<1x16xf32>
      tpu.vector_store %arg4[%swap3A_91, %swap3A_92], %swap3A_95 {strides = array<i32>} : memref<128x128xf32, #tpu.memory_space<vmem>>, vector<1x16xf32>,
      %broadcast_in_dim3A_96 = arith.constant 1.000000e+00 : f32
      %broadcast_in_dim3A_97 = vector.broadcast %broadcast_in_dim3A_96 : f32 to vector<16xf32>
      %swap3A_98 = arith.index_cast %add3A_62 : i32 to index
      %swap3A_99 = arith.constant 80 : index
      %swap3A_100 = tpu.vector_load %arg4[%swap3A_98, %swap3A_99] {strides = array<i32>} : memref<128x128xf32, #tpu.memory_space<vmem>>, vector<1x16xf32>,
      %swap3A_101 = vector.shape_cast %swap3A_100 : vector<1x16xf32> to vector<16xf32>
      %swap3A_102 = vector.shape_cast %broadcast_in_dim3A_97 : vector<16xf32> to vector<1x16xf32>
      tpu.vector_store %arg4[%swap3A_98, %swap3A_99], %swap3A_102 {strides = array<i32>} : memref<128x128xf32, #tpu.memory_space<vmem>>, vector<1x16xf32>,
      %broadcast_in_dim3A_103 = arith.constant 1.000000e+00 : f32
      %broadcast_in_dim3A_104 = vector.broadcast %broadcast_in_dim3A_103 : f32 to vector<16xf32>
      %swap3A_105 = arith.index_cast %add3A_62 : i32 to index
      %swap3A_106 = arith.constant 96 : index
      %swap3A_107 = tpu.vector_load %arg4[%swap3A_105, %swap3A_106] {strides = array<i32>} : memref<128x128xf32, #tpu.memory_space<vmem>>, vector<1x16xf32>,
      %swap3A_108 = vector.shape_cast %swap3A_107 : vector<1x16xf32> to vector<16xf32>
      %swap3A_109 = vector.shape_cast %broadcast_in_dim3A_104 : vector<16xf32> to vector<1x16xf32>
      tpu.vector_store %arg4[%swap3A_105, %swap3A_106], %swap3A_109 {strides = array<i32>} : memref<128x128xf32, #tpu.memory_space<vmem>>, vector<1x16xf32>,
      %broadcast_in_dim3A_110 = arith.constant 1.000000e+00 : f32
      %broadcast_in_dim3A_111 = vector.broadcast %broadcast_in_dim3A_110 : f32 to vector<16xf32>
      %swap3A_112 = arith.index_cast %add3A_62 : i32 to index
      %swap3A_113 = arith.constant 112 : index
      %swap3A_114 = tpu.vector_load %arg4[%swap3A_112, %swap3A_113] {strides = array<i32>} : memref<128x128xf32, #tpu.memory_space<vmem>>, vector<1x16xf32>,
      %swap3A_115 = vector.shape_cast %swap3A_114 : vector<1x16xf32> to vector<16xf32>
      %swap3A_116 = vector.shape_cast %broadcast_in_dim3A_111 : vector<16xf32> to vector<1x16xf32>
      tpu.vector_store %arg4[%swap3A_112, %swap3A_113], %swap3A_116 {strides = array<i32>} : memref<128x128xf32, #tpu.memory_space<vmem>>, vector<1x16xf32>,
    }
    %scan3A_29 = arith.constant 128 : i32
    %mul3A_30 = arith.constant 80 : i32
    %mul3A_31 = arith.muli %add3A, %mul3A_30 : i32
    "tpu.region"() ({
      %run_scoped3A = tpu.sem_alloc : memref<!tpu.dma_semaphore, #tpu.memory_space<semaphore_mem>>
      %dma_start3A = arith.constant 0 : i32
      %dma_start3A_58 = tpu.memref_slice %arg2[%mul3A_31, %dma_start3A] : memref<2560x128xi32, #tpu.memory_space<hbm>> -> memref<80x128xi32, #tpu.memory_space<hbm>>
      %dma_start3A_59 = arith.constant 0 : i32
      %dma_start3A_60 = tpu.memref_slice %arg2[%mul3A_31, %dma_start3A_59] : memref<2560x128xi32, #tpu.memory_space<hbm>> -> memref<80x128xi32, #tpu.memory_space<hbm>>
      tpu.enqueue_dma source(%dma_start3A_60 : memref<80x128xi32, #tpu.memory_space<hbm>>) target(%arg5 : memref<80x128xi32, #tpu.memory_space<vmem>>) target_semaphore(%run_scoped3A : memref<!tpu.dma_semaphore, #tpu.memory_space<semaphore_mem>>)
      %dma_wait3A = arith.constant 0 : i32
      %dma_wait3A_61 = tpu.memref_slice %arg2[%mul3A_31, %dma_wait3A] : memref<2560x128xi32, #tpu.memory_space<hbm>> -> memref<80x128xi32, #tpu.memory_space<hbm>>
      %dma_wait3A_62 = arith.constant 0 : i32
      %dma_wait3A_63 = tpu.memref_slice %arg2[%mul3A_31, %dma_wait3A_62] : memref<2560x128xi32, #tpu.memory_space<hbm>> -> memref<80x128xi32, #tpu.memory_space<hbm>>
      tpu.wait_dma2 semaphore(%run_scoped3A : memref<!tpu.dma_semaphore, #tpu.memory_space<semaphore_mem>>) src(%dma_wait3A_63 : memref<80x128xi32, #tpu.memory_space<hbm>>) dst(%arg5 : memref<80x128xi32, #tpu.memory_space<vmem>>)
      tpu.yield
    }) : () -> ()
    %scan3A_32 = arith.constant 0 : i32
    %scan3A_33 = arith.constant 80 : i32
    %scan3A_34 = arith.addi %scan3A_32, %scan3A_33 : i32
    %scan3A_35 = arith.constant 1 : i32
    scf.for %scan3A_58 = %scan3A_32 to %scan3A_34 step %scan3A_35  : i32 {
      %mul3A_59 = arith.constant 1 : i32
      %mul3A_60 = arith.muli %scan3A_58, %mul3A_59 : i32
      %add3A_61 = arith.constant 0 : i32
      %add3A_62 = arith.addi %add3A_61, %mul3A_60 : i32
      "tpu.region"() ({
        %run_scoped3A = tpu.sem_alloc : memref<!tpu.dma_semaphore, #tpu.memory_space<semaphore_mem>>
        %dma_start3A = arith.constant 0 : i32
        %dma_start3A_63 = tpu.memref_slice %arg5[%add3A_62, %dma_start3A] : memref<80x128xi32, #tpu.memory_space<vmem>> -> memref<1x128xi32, #tpu.memory_space<vmem>>
        %dma_start3A_64 = tpu.memref_squeeze %dma_start3A_63 : memref<1x128xi32, #tpu.memory_space<vmem>> -> memref<128xi32, #tpu.memory_space<vmem>>
        %dma_start3A_65 = arith.constant 0 : i32
        %dma_start3A_66 = arith.constant 0 : i32
        %dma_start3A_67 = tpu.memref_slice %arg6[%dma_start3A_65, %dma_start3A_66] : memref<10240x128xf32, #tpu.memory_space<vmem_shared>> -> memref<10240x128xf32, #tpu.memory_space<vmem_shared>>
        tpu.enqueue_indirect_dma source(%arg4 : memref<128x128xf32, #tpu.memory_space<vmem>>) target(%dma_start3A_67 : memref<10240x128xf32, #tpu.memory_space<vmem_shared>>) offsets(%dma_start3A_64 : memref<128xi32, #tpu.memory_space<vmem>>) semaphore(%run_scoped3A : memref<!tpu.dma_semaphore, #tpu.memory_space<semaphore_mem>>) {add = true}
        %dma_wait3A = arith.constant 0 : i32
        %dma_wait3A_68 = tpu.memref_slice %arg5[%add3A_62, %dma_wait3A] : memref<80x128xi32, #tpu.memory_space<vmem>> -> memref<1x128xi32, #tpu.memory_space<vmem>>
        %dma_wait3A_69 = tpu.memref_squeeze %dma_wait3A_68 : memref<1x128xi32, #tpu.memory_space<vmem>> -> memref<128xi32, #tpu.memory_space<vmem>>
        %dma_wait3A_70 = arith.constant 0 : i32
        %dma_wait3A_71 = arith.constant 0 : i32
        %dma_wait3A_72 = tpu.memref_slice %arg6[%dma_wait3A_70, %dma_wait3A_71] : memref<10240x128xf32, #tpu.memory_space<vmem_shared>> -> memref<10240x128xf32, #tpu.memory_space<vmem_shared>>
        tpu.wait_indirect_dma semaphore(%run_scoped3A : memref<!tpu.dma_semaphore, #tpu.memory_space<semaphore_mem>>) src(%arg4 : memref<128x128xf32, #tpu.memory_space<vmem>>) dst(%dma_wait3A_72 : memref<10240x128xf32, #tpu.memory_space<vmem_shared>>)
        tpu.yield
      }) : () -> ()
    }
    %scan3A_36 = arith.constant 80 : i32
    %barrier3A_37 = arith.constant 0 : index
    tpu.barrier barrier_id(%barrier3A_37)
    %mul3A_38 = arith.constant 640 : i32
    %mul3A_39 = arith.muli %arg1, %mul3A_38 : i32
    %add3A_40 = arith.constant 0 : i32
    %add3A_41 = arith.addi %mul3A_39, %add3A_40 : i32
    "tpu.region"() ({
      %run_scoped3A = tpu.sem_alloc : memref<!tpu.dma_semaphore, #tpu.memory_space<semaphore_mem>>
      %dma_start3A = arith.constant 0 : i32
      %dma_start3A_58 = tpu.memref_slice %arg3[%arg0, %add3A_41, %dma_start3A] : memref<2x10240x128xf32, #tpu.memory_space<hbm>> -> memref<1x128x128xf32, #tpu.memory_space<hbm>>
      %dma_start3A_59 = tpu.memref_squeeze %dma_start3A_58 : memref<1x128x128xf32, #tpu.memory_space<hbm>> -> memref<128x128xf32, #tpu.memory_space<hbm>>
      %dma_start3A_60 = arith.constant 0 : i32
      %dma_start3A_61 = tpu.memref_slice %arg6[%add3A_41, %dma_start3A_60] : memref<10240x128xf32, #tpu.memory_space<vmem_shared>> -> memref<128x128xf32, #tpu.memory_space<vmem_shared>>
      tpu.enqueue_dma source(%dma_start3A_61 : memref<128x128xf32, #tpu.memory_space<vmem_shared>>) target(%dma_start3A_59 : memref<128x128xf32, #tpu.memory_space<hbm>>) target_semaphore(%run_scoped3A : memref<!tpu.dma_semaphore, #tpu.memory_space<semaphore_mem>>)
      %dma_wait3A = arith.constant 0 : i32
      %dma_wait3A_62 = tpu.memref_slice %arg3[%arg0, %add3A_41, %dma_wait3A] : memref<2x10240x128xf32, #tpu.memory_space<hbm>> -> memref<1x128x128xf32, #tpu.memory_space<hbm>>
      %dma_wait3A_63 = tpu.memref_squeeze %dma_wait3A_62 : memref<1x128x128xf32, #tpu.memory_space<hbm>> -> memref<128x128xf32, #tpu.memory_space<hbm>>
      %dma_wait3A_64 = arith.constant 0 : i32
      %dma_wait3A_65 = tpu.memref_slice %arg6[%add3A_41, %dma_wait3A_64] : memref<10240x128xf32, #tpu.memory_space<vmem_shared>> -> memref<128x128xf32, #tpu.memory_space<vmem_shared>>
      tpu.wait_dma2 semaphore(%run_scoped3A : memref<!tpu.dma_semaphore, #tpu.memory_space<semaphore_mem>>) src(%dma_wait3A_65 : memref<128x128xf32, #tpu.memory_space<vmem_shared>>) dst(%dma_wait3A_63 : memref<128x128xf32, #tpu.memory_space<hbm>>)
      tpu.yield
    }) : () -> ()
    %mul3A_42 = arith.constant 640 : i32
    %mul3A_43 = arith.muli %arg1, %mul3A_42 : i32
    %add3A_44 = arith.constant 128 : i32
    %add3A_45 = arith.addi %mul3A_43, %add3A_44 : i32
    "tpu.region"() ({
      %run_scoped3A = tpu.sem_alloc : memref<!tpu.dma_semaphore, #tpu.memory_space<semaphore_mem>>
      %dma_start3A = arith.constant 0 : i32
      %dma_start3A_58 = tpu.memref_slice %arg3[%arg0, %add3A_45, %dma_start3A] : memref<2x10240x128xf32, #tpu.memory_space<hbm>> -> memref<1x128x128xf32, #tpu.memory_space<hbm>>
      %dma_start3A_59 = tpu.memref_squeeze %dma_start3A_58 : memref<1x128x128xf32, #tpu.memory_space<hbm>> -> memref<128x128xf32, #tpu.memory_space<hbm>>
      %dma_start3A_60 = arith.constant 0 : i32
      %dma_start3A_61 = tpu.memref_slice %arg6[%add3A_45, %dma_start3A_60] : memref<10240x128xf32, #tpu.memory_space<vmem_shared>> -> memref<128x128xf32, #tpu.memory_space<vmem_shared>>
      tpu.enqueue_dma source(%dma_start3A_61 : memref<128x128xf32, #tpu.memory_space<vmem_shared>>) target(%dma_start3A_59 : memref<128x128xf32, #tpu.memory_space<hbm>>) target_semaphore(%run_scoped3A : memref<!tpu.dma_semaphore, #tpu.memory_space<semaphore_mem>>)
      %dma_wait3A = arith.constant 0 : i32
      %dma_wait3A_62 = tpu.memref_slice %arg3[%arg0, %add3A_45, %dma_wait3A] : memref<2x10240x128xf32, #tpu.memory_space<hbm>> -> memref<1x128x128xf32, #tpu.memory_space<hbm>>
      %dma_wait3A_63 = tpu.memref_squeeze %dma_wait3A_62 : memref<1x128x128xf32, #tpu.memory_space<hbm>> -> memref<128x128xf32, #tpu.memory_space<hbm>>
      %dma_wait3A_64 = arith.constant 0 : i32
      %dma_wait3A_65 = tpu.memref_slice %arg6[%add3A_45, %dma_wait3A_64] : memref<10240x128xf32, #tpu.memory_space<vmem_shared>> -> memref<128x128xf32, #tpu.memory_space<vmem_shared>>
      tpu.wait_dma2 semaphore(%run_scoped3A : memref<!tpu.dma_semaphore, #tpu.memory_space<semaphore_mem>>) src(%dma_wait3A_65 : memref<128x128xf32, #tpu.memory_space<vmem_shared>>) dst(%dma_wait3A_63 : memref<128x128xf32, #tpu.memory_space<hbm>>)
      tpu.yield
    }) : () -> ()
    %mul3A_46 = arith.constant 640 : i32
    %mul3A_47 = arith.muli %arg1, %mul3A_46 : i32
    %add3A_48 = arith.constant 256 : i32
    %add3A_49 = arith.addi %mul3A_47, %add3A_48 : i32
    "tpu.region"() ({
      %run_scoped3A = tpu.sem_alloc : memref<!tpu.dma_semaphore, #tpu.memory_space<semaphore_mem>>
      %dma_start3A = arith.constant 0 : i32
      %dma_start3A_58 = tpu.memref_slice %arg3[%arg0, %add3A_49, %dma_start3A] : memref<2x10240x128xf32, #tpu.memory_space<hbm>> -> memref<1x128x128xf32, #tpu.memory_space<hbm>>
      %dma_start3A_59 = tpu.memref_squeeze %dma_start3A_58 : memref<1x128x128xf32, #tpu.memory_space<hbm>> -> memref<128x128xf32, #tpu.memory_space<hbm>>
      %dma_start3A_60 = arith.constant 0 : i32
      %dma_start3A_61 = tpu.memref_slice %arg6[%add3A_49, %dma_start3A_60] : memref<10240x128xf32, #tpu.memory_space<vmem_shared>> -> memref<128x128xf32, #tpu.memory_space<vmem_shared>>
      tpu.enqueue_dma source(%dma_start3A_61 : memref<128x128xf32, #tpu.memory_space<vmem_shared>>) target(%dma_start3A_59 : memref<128x128xf32, #tpu.memory_space<hbm>>) target_semaphore(%run_scoped3A : memref<!tpu.dma_semaphore, #tpu.memory_space<semaphore_mem>>)
      %dma_wait3A = arith.constant 0 : i32
      %dma_wait3A_62 = tpu.memref_slice %arg3[%arg0, %add3A_49, %dma_wait3A] : memref<2x10240x128xf32, #tpu.memory_space<hbm>> -> memref<1x128x128xf32, #tpu.memory_space<hbm>>
      %dma_wait3A_63 = tpu.memref_squeeze %dma_wait3A_62 : memref<1x128x128xf32, #tpu.memory_space<hbm>> -> memref<128x128xf32, #tpu.memory_space<hbm>>
      %dma_wait3A_64 = arith.constant 0 : i32
      %dma_wait3A_65 = tpu.memref_slice %arg6[%add3A_49, %dma_wait3A_64] : memref<10240x128xf32, #tpu.memory_space<vmem_shared>> -> memref<128x128xf32, #tpu.memory_space<vmem_shared>>
      tpu.wait_dma2 semaphore(%run_scoped3A : memref<!tpu.dma_semaphore, #tpu.memory_space<semaphore_mem>>) src(%dma_wait3A_65 : memref<128x128xf32, #tpu.memory_space<vmem_shared>>) dst(%dma_wait3A_63 : memref<128x128xf32, #tpu.memory_space<hbm>>)
      tpu.yield
    }) : () -> ()
    %mul3A_50 = arith.constant 640 : i32
    %mul3A_51 = arith.muli %arg1, %mul3A_50 : i32
    %add3A_52 = arith.constant 384 : i32
    %add3A_53 = arith.addi %mul3A_51, %add3A_52 : i32
    "tpu.region"() ({
      %run_scoped3A = tpu.sem_alloc : memref<!tpu.dma_semaphore, #tpu.memory_space<semaphore_mem>>
      %dma_start3A = arith.constant 0 : i32
      %dma_start3A_58 = tpu.memref_slice %arg3[%arg0, %add3A_53, %dma_start3A] : memref<2x10240x128xf32, #tpu.memory_space<hbm>> -> memref<1x128x128xf32, #tpu.memory_space<hbm>>
      %dma_start3A_59 = tpu.memref_squeeze %dma_start3A_58 : memref<1x128x128xf32, #tpu.memory_space<hbm>> -> memref<128x128xf32, #tpu.memory_space<hbm>>
      %dma_start3A_60 = arith.constant 0 : i32
      %dma_start3A_61 = tpu.memref_slice %arg6[%add3A_53, %dma_start3A_60] : memref<10240x128xf32, #tpu.memory_space<vmem_shared>> -> memref<128x128xf32, #tpu.memory_space<vmem_shared>>
      tpu.enqueue_dma source(%dma_start3A_61 : memref<128x128xf32, #tpu.memory_space<vmem_shared>>) target(%dma_start3A_59 : memref<128x128xf32, #tpu.memory_space<hbm>>) target_semaphore(%run_scoped3A : memref<!tpu.dma_semaphore, #tpu.memory_space<semaphore_mem>>)
      %dma_wait3A = arith.constant 0 : i32
      %dma_wait3A_62 = tpu.memref_slice %arg3[%arg0, %add3A_53, %dma_wait3A] : memref<2x10240x128xf32, #tpu.memory_space<hbm>> -> memref<1x128x128xf32, #tpu.memory_space<hbm>>
      %dma_wait3A_63 = tpu.memref_squeeze %dma_wait3A_62 : memref<1x128x128xf32, #tpu.memory_space<hbm>> -> memref<128x128xf32, #tpu.memory_space<hbm>>
      %dma_wait3A_64 = arith.constant 0 : i32
      %dma_wait3A_65 = tpu.memref_slice %arg6[%add3A_53, %dma_wait3A_64] : memref<10240x128xf32, #tpu.memory_space<vmem_shared>> -> memref<128x128xf32, #tpu.memory_space<vmem_shared>>
      tpu.wait_dma2 semaphore(%run_scoped3A : memref<!tpu.dma_semaphore, #tpu.memory_space<semaphore_mem>>) src(%dma_wait3A_65 : memref<128x128xf32, #tpu.memory_space<vmem_shared>>) dst(%dma_wait3A_63 : memref<128x128xf32, #tpu.memory_space<hbm>>)
      tpu.yield
    }) : () -> ()
    %mul3A_54 = arith.constant 640 : i32
    %mul3A_55 = arith.muli %arg1, %mul3A_54 : i32
    %add3A_56 = arith.constant 512 : i32
    %add3A_57 = arith.addi %mul3A_55, %add3A_56 : i32
    "tpu.region"() ({
      %run_scoped3A = tpu.sem_alloc : memref<!tpu.dma_semaphore, #tpu.memory_space<semaphore_mem>>
      %dma_start3A = arith.constant 0 : i32
      %dma_start3A_58 = tpu.memref_slice %arg3[%arg0, %add3A_57, %dma_start3A] : memref<2x10240x128xf32, #tpu.memory_space<hbm>> -> memref<1x128x128xf32, #tpu.memory_space<hbm>>
      %dma_start3A_59 = tpu.memref_squeeze %dma_start3A_58 : memref<1x128x128xf32, #tpu.memory_space<hbm>> -> memref<128x128xf32, #tpu.memory_space<hbm>>
      %dma_start3A_60 = arith.constant 0 : i32
      %dma_start3A_61 = tpu.memref_slice %arg6[%add3A_57, %dma_start3A_60] : memref<10240x128xf32, #tpu.memory_space<vmem_shared>> -> memref<128x128xf32, #tpu.memory_space<vmem_shared>>
      tpu.enqueue_dma source(%dma_start3A_61 : memref<128x128xf32, #tpu.memory_space<vmem_shared>>) target(%dma_start3A_59 : memref<128x128xf32, #tpu.memory_space<hbm>>) target_semaphore(%run_scoped3A : memref<!tpu.dma_semaphore, #tpu.memory_space<semaphore_mem>>)
      %dma_wait3A = arith.constant 0 : i32
      %dma_wait3A_62 = tpu.memref_slice %arg3[%arg0, %add3A_57, %dma_wait3A] : memref<2x10240x128xf32, #tpu.memory_space<hbm>> -> memref<1x128x128xf32, #tpu.memory_space<hbm>>
      %dma_wait3A_63 = tpu.memref_squeeze %dma_wait3A_62 : memref<1x128x128xf32, #tpu.memory_space<hbm>> -> memref<128x128xf32, #tpu.memory_space<hbm>>
      %dma_wait3A_64 = arith.constant 0 : i32
      %dma_wait3A_65 = tpu.memref_slice %arg6[%add3A_57, %dma_wait3A_64] : memref<10240x128xf32, #tpu.memory_space<vmem_shared>> -> memref<128x128xf32, #tpu.memory_space<vmem_shared>>
      tpu.wait_dma2 semaphore(%run_scoped3A : memref<!tpu.dma_semaphore, #tpu.memory_space<semaphore_mem>>) src(%dma_wait3A_65 : memref<128x128xf32, #tpu.memory_space<vmem_shared>>) dst(%dma_wait3A_63 : memref<128x128xf32, #tpu.memory_space<hbm>>)
      tpu.yield
    }) : () -> ()
    return
  }
}

#map = affine_map<(d0, d1) -> (0, 0)>
#map1 = affine_map<(d0, d1) -> (0, 0, 0)>
module attributes {stable_mosaic.version = 14 : i64} {
  func.func @_agg_body(%arg0: i32, %arg1: i32, %arg2: memref<10240x128xf32, #tpu.memory_space<hbm>>, %arg3: memref<2560x128xi32, #tpu.memory_space<hbm>>, %arg4: memref<2560x128xi32, #tpu.memory_space<hbm>>, %arg5: memref<2x10240x128xf32, #tpu.memory_space<hbm>>, %arg6: memref<2x128x128xf32, #tpu.memory_space<vmem>>, %arg7: memref<40x128xi32, #tpu.memory_space<vmem>>, %arg8: memref<40x128xi32, #tpu.memory_space<vmem>>, %arg9: memref<10240x128xf32, #tpu.memory_space<vmem_shared>>, %arg10: memref<!tpu.dma_semaphore, #tpu.memory_space<semaphore_mem>>, %arg11: memref<!tpu.dma_semaphore, #tpu.memory_space<semaphore_mem>>) attributes {dimension_semantics = [#tpu.dimension_semantics<core_parallel>, #tpu.dimension_semantics<subcore_parallel>], iteration_bounds = array<i64: 2, 16>, scalar_prefetch = 0 : i64, scratch_operands = 6 : i64, tpu.core_type = #tpu.core_type<sc_vector_subcore>, window_params = [{transform_indices = #map}, {transform_indices = #map}, {transform_indices = #map}, {transform_indices = #map1}]} {
    %mul3A = arith.constant 16 : i32
    %mul3A_0 = arith.muli %arg0, %mul3A : i32
    %add3A = arith.addi %mul3A_0, %arg1 : i32
    %scan3A = arith.constant 0 : i32
    %scan3A_1 = arith.constant 128 : i32
    %scan3A_2 = arith.addi %scan3A, %scan3A_1 : i32
    %scan3A_3 = arith.constant 1 : i32
    scf.for %scan3A_91 = %scan3A to %scan3A_2 step %scan3A_3  : i32 {
      %mul3A_92 = arith.constant 1 : i32
      %mul3A_93 = arith.muli %scan3A_91, %mul3A_92 : i32
      %add3A_94 = arith.constant 0 : i32
      %add3A_95 = arith.addi %add3A_94, %mul3A_93 : i32
      %broadcast_in_dim3A = arith.constant 0.000000e+00 : f32
      %broadcast_in_dim3A_96 = vector.broadcast %broadcast_in_dim3A : f32 to vector<16xf32>
      %swap3A = arith.constant 0 : i32
      %swap3A_97 = arith.index_cast %swap3A : i32 to index
      %swap3A_98 = arith.index_cast %add3A_95 : i32 to index
      %swap3A_99 = arith.constant 0 : index
      %swap3A_100 = tpu.vector_load %arg6[%swap3A_97, %swap3A_98, %swap3A_99] {strides = array<i32>} : memref<2x128x128xf32, #tpu.memory_space<vmem>>, vector<1x1x16xf32>,
      %swap3A_101 = vector.shape_cast %swap3A_100 : vector<1x1x16xf32> to vector<16xf32>
      %swap3A_102 = vector.shape_cast %broadcast_in_dim3A_96 : vector<16xf32> to vector<1x1x16xf32>
      tpu.vector_store %arg6[%swap3A_97, %swap3A_98, %swap3A_99], %swap3A_102 {strides = array<i32>} : memref<2x128x128xf32, #tpu.memory_space<vmem>>, vector<1x1x16xf32>,
      %broadcast_in_dim3A_103 = arith.constant 0.000000e+00 : f32
      %broadcast_in_dim3A_104 = vector.broadcast %broadcast_in_dim3A_103 : f32 to vector<16xf32>
      %swap3A_105 = arith.constant 0 : i32
      %swap3A_106 = arith.index_cast %swap3A_105 : i32 to index
      %swap3A_107 = arith.index_cast %add3A_95 : i32 to index
      %swap3A_108 = arith.constant 16 : index
      %swap3A_109 = tpu.vector_load %arg6[%swap3A_106, %swap3A_107, %swap3A_108] {strides = array<i32>} : memref<2x128x128xf32, #tpu.memory_space<vmem>>, vector<1x1x16xf32>,
      %swap3A_110 = vector.shape_cast %swap3A_109 : vector<1x1x16xf32> to vector<16xf32>
      %swap3A_111 = vector.shape_cast %broadcast_in_dim3A_104 : vector<16xf32> to vector<1x1x16xf32>
      tpu.vector_store %arg6[%swap3A_106, %swap3A_107, %swap3A_108], %swap3A_111 {strides = array<i32>} : memref<2x128x128xf32, #tpu.memory_space<vmem>>, vector<1x1x16xf32>,
      %broadcast_in_dim3A_112 = arith.constant 0.000000e+00 : f32
      %broadcast_in_dim3A_113 = vector.broadcast %broadcast_in_dim3A_112 : f32 to vector<16xf32>
      %swap3A_114 = arith.constant 0 : i32
      %swap3A_115 = arith.index_cast %swap3A_114 : i32 to index
      %swap3A_116 = arith.index_cast %add3A_95 : i32 to index
      %swap3A_117 = arith.constant 32 : index
      %swap3A_118 = tpu.vector_load %arg6[%swap3A_115, %swap3A_116, %swap3A_117] {strides = array<i32>} : memref<2x128x128xf32, #tpu.memory_space<vmem>>, vector<1x1x16xf32>,
      %swap3A_119 = vector.shape_cast %swap3A_118 : vector<1x1x16xf32> to vector<16xf32>
      %swap3A_120 = vector.shape_cast %broadcast_in_dim3A_113 : vector<16xf32> to vector<1x1x16xf32>
      tpu.vector_store %arg6[%swap3A_115, %swap3A_116, %swap3A_117], %swap3A_120 {strides = array<i32>} : memref<2x128x128xf32, #tpu.memory_space<vmem>>, vector<1x1x16xf32>,
      %broadcast_in_dim3A_121 = arith.constant 0.000000e+00 : f32
      %broadcast_in_dim3A_122 = vector.broadcast %broadcast_in_dim3A_121 : f32 to vector<16xf32>
      %swap3A_123 = arith.constant 0 : i32
      %swap3A_124 = arith.index_cast %swap3A_123 : i32 to index
      %swap3A_125 = arith.index_cast %add3A_95 : i32 to index
      %swap3A_126 = arith.constant 48 : index
      %swap3A_127 = tpu.vector_load %arg6[%swap3A_124, %swap3A_125, %swap3A_126] {strides = array<i32>} : memref<2x128x128xf32, #tpu.memory_space<vmem>>, vector<1x1x16xf32>,
      %swap3A_128 = vector.shape_cast %swap3A_127 : vector<1x1x16xf32> to vector<16xf32>
      %swap3A_129 = vector.shape_cast %broadcast_in_dim3A_122 : vector<16xf32> to vector<1x1x16xf32>
      tpu.vector_store %arg6[%swap3A_124, %swap3A_125, %swap3A_126], %swap3A_129 {strides = array<i32>} : memref<2x128x128xf32, #tpu.memory_space<vmem>>, vector<1x1x16xf32>,
      %broadcast_in_dim3A_130 = arith.constant 0.000000e+00 : f32
      %broadcast_in_dim3A_131 = vector.broadcast %broadcast_in_dim3A_130 : f32 to vector<16xf32>
      %swap3A_132 = arith.constant 0 : i32
      %swap3A_133 = arith.index_cast %swap3A_132 : i32 to index
      %swap3A_134 = arith.index_cast %add3A_95 : i32 to index
      %swap3A_135 = arith.constant 64 : index
      %swap3A_136 = tpu.vector_load %arg6[%swap3A_133, %swap3A_134, %swap3A_135] {strides = array<i32>} : memref<2x128x128xf32, #tpu.memory_space<vmem>>, vector<1x1x16xf32>,
      %swap3A_137 = vector.shape_cast %swap3A_136 : vector<1x1x16xf32> to vector<16xf32>
      %swap3A_138 = vector.shape_cast %broadcast_in_dim3A_131 : vector<16xf32> to vector<1x1x16xf32>
      tpu.vector_store %arg6[%swap3A_133, %swap3A_134, %swap3A_135], %swap3A_138 {strides = array<i32>} : memref<2x128x128xf32, #tpu.memory_space<vmem>>, vector<1x1x16xf32>,
      %broadcast_in_dim3A_139 = arith.constant 0.000000e+00 : f32
      %broadcast_in_dim3A_140 = vector.broadcast %broadcast_in_dim3A_139 : f32 to vector<16xf32>
      %swap3A_141 = arith.constant 0 : i32
      %swap3A_142 = arith.index_cast %swap3A_141 : i32 to index
      %swap3A_143 = arith.index_cast %add3A_95 : i32 to index
      %swap3A_144 = arith.constant 80 : index
      %swap3A_145 = tpu.vector_load %arg6[%swap3A_142, %swap3A_143, %swap3A_144] {strides = array<i32>} : memref<2x128x128xf32, #tpu.memory_space<vmem>>, vector<1x1x16xf32>,
      %swap3A_146 = vector.shape_cast %swap3A_145 : vector<1x1x16xf32> to vector<16xf32>
      %swap3A_147 = vector.shape_cast %broadcast_in_dim3A_140 : vector<16xf32> to vector<1x1x16xf32>
      tpu.vector_store %arg6[%swap3A_142, %swap3A_143, %swap3A_144], %swap3A_147 {strides = array<i32>} : memref<2x128x128xf32, #tpu.memory_space<vmem>>, vector<1x1x16xf32>,
      %broadcast_in_dim3A_148 = arith.constant 0.000000e+00 : f32
      %broadcast_in_dim3A_149 = vector.broadcast %broadcast_in_dim3A_148 : f32 to vector<16xf32>
      %swap3A_150 = arith.constant 0 : i32
      %swap3A_151 = arith.index_cast %swap3A_150 : i32 to index
      %swap3A_152 = arith.index_cast %add3A_95 : i32 to index
      %swap3A_153 = arith.constant 96 : index
      %swap3A_154 = tpu.vector_load %arg6[%swap3A_151, %swap3A_152, %swap3A_153] {strides = array<i32>} : memref<2x128x128xf32, #tpu.memory_space<vmem>>, vector<1x1x16xf32>,
      %swap3A_155 = vector.shape_cast %swap3A_154 : vector<1x1x16xf32> to vector<16xf32>
      %swap3A_156 = vector.shape_cast %broadcast_in_dim3A_149 : vector<16xf32> to vector<1x1x16xf32>
      tpu.vector_store %arg6[%swap3A_151, %swap3A_152, %swap3A_153], %swap3A_156 {strides = array<i32>} : memref<2x128x128xf32, #tpu.memory_space<vmem>>, vector<1x1x16xf32>,
      %broadcast_in_dim3A_157 = arith.constant 0.000000e+00 : f32
      %broadcast_in_dim3A_158 = vector.broadcast %broadcast_in_dim3A_157 : f32 to vector<16xf32>
      %swap3A_159 = arith.constant 0 : i32
      %swap3A_160 = arith.index_cast %swap3A_159 : i32 to index
      %swap3A_161 = arith.index_cast %add3A_95 : i32 to index
      %swap3A_162 = arith.constant 112 : index
      %swap3A_163 = tpu.vector_load %arg6[%swap3A_160, %swap3A_161, %swap3A_162] {strides = array<i32>} : memref<2x128x128xf32, #tpu.memory_space<vmem>>, vector<1x1x16xf32>,
      %swap3A_164 = vector.shape_cast %swap3A_163 : vector<1x1x16xf32> to vector<16xf32>
      %swap3A_165 = vector.shape_cast %broadcast_in_dim3A_158 : vector<16xf32> to vector<1x1x16xf32>
      tpu.vector_store %arg6[%swap3A_160, %swap3A_161, %swap3A_162], %swap3A_165 {strides = array<i32>} : memref<2x128x128xf32, #tpu.memory_space<vmem>>, vector<1x1x16xf32>,
    }
    %scan3A_4 = arith.constant 128 : i32
    %mul3A_5 = arith.constant 640 : i32
    %mul3A_6 = arith.muli %arg1, %mul3A_5 : i32
    %add3A_7 = arith.constant 0 : i32
    %add3A_8 = arith.addi %mul3A_6, %add3A_7 : i32
    %run_scoped3A = arith.constant 0 : i32
    "tpu.region"() ({
      %run_scoped3A_91 = tpu.sem_alloc : memref<!tpu.dma_semaphore, #tpu.memory_space<semaphore_mem>>
      %dma_start3A_92 = arith.constant 0 : i32
      %dma_start3A_93 = arith.constant 0 : i32
      %dma_start3A_94 = tpu.memref_slice %arg6[%run_scoped3A, %dma_start3A_92, %dma_start3A_93] : memref<2x128x128xf32, #tpu.memory_space<vmem>> -> memref<1x128x128xf32, #tpu.memory_space<vmem>>
      %dma_start3A_95 = tpu.memref_squeeze %dma_start3A_94 : memref<1x128x128xf32, #tpu.memory_space<vmem>> -> memref<128x128xf32, #tpu.memory_space<vmem>>
      %dma_start3A_96 = arith.constant 0 : i32
      %dma_start3A_97 = tpu.memref_slice %arg9[%add3A_8, %dma_start3A_96] : memref<10240x128xf32, #tpu.memory_space<vmem_shared>> -> memref<128x128xf32, #tpu.memory_space<vmem_shared>>
      %dma_start3A_98 = arith.constant 0 : i32
      %dma_start3A_99 = tpu.memref_slice %arg9[%add3A_8, %dma_start3A_98] : memref<10240x128xf32, #tpu.memory_space<vmem_shared>> -> memref<128x128xf32, #tpu.memory_space<vmem_shared>>
      %dma_start3A_100 = arith.constant 0 : i32
      %dma_start3A_101 = arith.constant 0 : i32
      %dma_start3A_102 = tpu.memref_slice %arg6[%run_scoped3A, %dma_start3A_100, %dma_start3A_101] : memref<2x128x128xf32, #tpu.memory_space<vmem>> -> memref<1x128x128xf32, #tpu.memory_space<vmem>>
      %dma_start3A_103 = tpu.memref_squeeze %dma_start3A_102 : memref<1x128x128xf32, #tpu.memory_space<vmem>> -> memref<128x128xf32, #tpu.memory_space<vmem>>
      tpu.enqueue_dma source(%dma_start3A_103 : memref<128x128xf32, #tpu.memory_space<vmem>>) target(%dma_start3A_99 : memref<128x128xf32, #tpu.memory_space<vmem_shared>>) target_semaphore(%run_scoped3A_91 : memref<!tpu.dma_semaphore, #tpu.memory_space<semaphore_mem>>)
      %dma_wait3A = arith.constant 0 : i32
      %dma_wait3A_104 = arith.constant 0 : i32
      %dma_wait3A_105 = tpu.memref_slice %arg6[%run_scoped3A, %dma_wait3A, %dma_wait3A_104] : memref<2x128x128xf32, #tpu.memory_space<vmem>> -> memref<1x128x128xf32, #tpu.memory_space<vmem>>
      %dma_wait3A_106 = tpu.memref_squeeze %dma_wait3A_105 : memref<1x128x128xf32, #tpu.memory_space<vmem>> -> memref<128x128xf32, #tpu.memory_space<vmem>>
      %dma_wait3A_107 = arith.constant 0 : i32
      %dma_wait3A_108 = tpu.memref_slice %arg9[%add3A_8, %dma_wait3A_107] : memref<10240x128xf32, #tpu.memory_space<vmem_shared>> -> memref<128x128xf32, #tpu.memory_space<vmem_shared>>
      %dma_wait3A_109 = arith.constant 0 : i32
      %dma_wait3A_110 = tpu.memref_slice %arg9[%add3A_8, %dma_wait3A_109] : memref<10240x128xf32, #tpu.memory_space<vmem_shared>> -> memref<128x128xf32, #tpu.memory_space<vmem_shared>>
      %dma_wait3A_111 = arith.constant 0 : i32
      %dma_wait3A_112 = arith.constant 0 : i32
      %dma_wait3A_113 = tpu.memref_slice %arg6[%run_scoped3A, %dma_wait3A_111, %dma_wait3A_112] : memref<2x128x128xf32, #tpu.memory_space<vmem>> -> memref<1x128x128xf32, #tpu.memory_space<vmem>>
      %dma_wait3A_114 = tpu.memref_squeeze %dma_wait3A_113 : memref<1x128x128xf32, #tpu.memory_space<vmem>> -> memref<128x128xf32, #tpu.memory_space<vmem>>
      tpu.wait_dma2 semaphore(%run_scoped3A_91 : memref<!tpu.dma_semaphore, #tpu.memory_space<semaphore_mem>>) src(%dma_wait3A_114 : memref<128x128xf32, #tpu.memory_space<vmem>>) dst(%dma_wait3A_110 : memref<128x128xf32, #tpu.memory_space<vmem_shared>>)
      tpu.yield
    }) : () -> ()
    %mul3A_9 = arith.constant 640 : i32
    %mul3A_10 = arith.muli %arg1, %mul3A_9 : i32
    %add3A_11 = arith.constant 128 : i32
    %add3A_12 = arith.addi %mul3A_10, %add3A_11 : i32
    %run_scoped3A_13 = arith.constant 0 : i32
    "tpu.region"() ({
      %run_scoped3A_91 = tpu.sem_alloc : memref<!tpu.dma_semaphore, #tpu.memory_space<semaphore_mem>>
      %dma_start3A_92 = arith.constant 0 : i32
      %dma_start3A_93 = arith.constant 0 : i32
      %dma_start3A_94 = tpu.memref_slice %arg6[%run_scoped3A_13, %dma_start3A_92, %dma_start3A_93] : memref<2x128x128xf32, #tpu.memory_space<vmem>> -> memref<1x128x128xf32, #tpu.memory_space<vmem>>
      %dma_start3A_95 = tpu.memref_squeeze %dma_start3A_94 : memref<1x128x128xf32, #tpu.memory_space<vmem>> -> memref<128x128xf32, #tpu.memory_space<vmem>>
      %dma_start3A_96 = arith.constant 0 : i32
      %dma_start3A_97 = tpu.memref_slice %arg9[%add3A_12, %dma_start3A_96] : memref<10240x128xf32, #tpu.memory_space<vmem_shared>> -> memref<128x128xf32, #tpu.memory_space<vmem_shared>>
      %dma_start3A_98 = arith.constant 0 : i32
      %dma_start3A_99 = tpu.memref_slice %arg9[%add3A_12, %dma_start3A_98] : memref<10240x128xf32, #tpu.memory_space<vmem_shared>> -> memref<128x128xf32, #tpu.memory_space<vmem_shared>>
      %dma_start3A_100 = arith.constant 0 : i32
      %dma_start3A_101 = arith.constant 0 : i32
      %dma_start3A_102 = tpu.memref_slice %arg6[%run_scoped3A_13, %dma_start3A_100, %dma_start3A_101] : memref<2x128x128xf32, #tpu.memory_space<vmem>> -> memref<1x128x128xf32, #tpu.memory_space<vmem>>
      %dma_start3A_103 = tpu.memref_squeeze %dma_start3A_102 : memref<1x128x128xf32, #tpu.memory_space<vmem>> -> memref<128x128xf32, #tpu.memory_space<vmem>>
      tpu.enqueue_dma source(%dma_start3A_103 : memref<128x128xf32, #tpu.memory_space<vmem>>) target(%dma_start3A_99 : memref<128x128xf32, #tpu.memory_space<vmem_shared>>) target_semaphore(%run_scoped3A_91 : memref<!tpu.dma_semaphore, #tpu.memory_space<semaphore_mem>>)
      %dma_wait3A = arith.constant 0 : i32
      %dma_wait3A_104 = arith.constant 0 : i32
      %dma_wait3A_105 = tpu.memref_slice %arg6[%run_scoped3A_13, %dma_wait3A, %dma_wait3A_104] : memref<2x128x128xf32, #tpu.memory_space<vmem>> -> memref<1x128x128xf32, #tpu.memory_space<vmem>>
      %dma_wait3A_106 = tpu.memref_squeeze %dma_wait3A_105 : memref<1x128x128xf32, #tpu.memory_space<vmem>> -> memref<128x128xf32, #tpu.memory_space<vmem>>
      %dma_wait3A_107 = arith.constant 0 : i32
      %dma_wait3A_108 = tpu.memref_slice %arg9[%add3A_12, %dma_wait3A_107] : memref<10240x128xf32, #tpu.memory_space<vmem_shared>> -> memref<128x128xf32, #tpu.memory_space<vmem_shared>>
      %dma_wait3A_109 = arith.constant 0 : i32
      %dma_wait3A_110 = tpu.memref_slice %arg9[%add3A_12, %dma_wait3A_109] : memref<10240x128xf32, #tpu.memory_space<vmem_shared>> -> memref<128x128xf32, #tpu.memory_space<vmem_shared>>
      %dma_wait3A_111 = arith.constant 0 : i32
      %dma_wait3A_112 = arith.constant 0 : i32
      %dma_wait3A_113 = tpu.memref_slice %arg6[%run_scoped3A_13, %dma_wait3A_111, %dma_wait3A_112] : memref<2x128x128xf32, #tpu.memory_space<vmem>> -> memref<1x128x128xf32, #tpu.memory_space<vmem>>
      %dma_wait3A_114 = tpu.memref_squeeze %dma_wait3A_113 : memref<1x128x128xf32, #tpu.memory_space<vmem>> -> memref<128x128xf32, #tpu.memory_space<vmem>>
      tpu.wait_dma2 semaphore(%run_scoped3A_91 : memref<!tpu.dma_semaphore, #tpu.memory_space<semaphore_mem>>) src(%dma_wait3A_114 : memref<128x128xf32, #tpu.memory_space<vmem>>) dst(%dma_wait3A_110 : memref<128x128xf32, #tpu.memory_space<vmem_shared>>)
      tpu.yield
    }) : () -> ()
    %mul3A_14 = arith.constant 640 : i32
    %mul3A_15 = arith.muli %arg1, %mul3A_14 : i32
    %add3A_16 = arith.constant 256 : i32
    %add3A_17 = arith.addi %mul3A_15, %add3A_16 : i32
    %run_scoped3A_18 = arith.constant 0 : i32
    "tpu.region"() ({
      %run_scoped3A_91 = tpu.sem_alloc : memref<!tpu.dma_semaphore, #tpu.memory_space<semaphore_mem>>
      %dma_start3A_92 = arith.constant 0 : i32
      %dma_start3A_93 = arith.constant 0 : i32
      %dma_start3A_94 = tpu.memref_slice %arg6[%run_scoped3A_18, %dma_start3A_92, %dma_start3A_93] : memref<2x128x128xf32, #tpu.memory_space<vmem>> -> memref<1x128x128xf32, #tpu.memory_space<vmem>>
      %dma_start3A_95 = tpu.memref_squeeze %dma_start3A_94 : memref<1x128x128xf32, #tpu.memory_space<vmem>> -> memref<128x128xf32, #tpu.memory_space<vmem>>
      %dma_start3A_96 = arith.constant 0 : i32
      %dma_start3A_97 = tpu.memref_slice %arg9[%add3A_17, %dma_start3A_96] : memref<10240x128xf32, #tpu.memory_space<vmem_shared>> -> memref<128x128xf32, #tpu.memory_space<vmem_shared>>
      %dma_start3A_98 = arith.constant 0 : i32
      %dma_start3A_99 = tpu.memref_slice %arg9[%add3A_17, %dma_start3A_98] : memref<10240x128xf32, #tpu.memory_space<vmem_shared>> -> memref<128x128xf32, #tpu.memory_space<vmem_shared>>
      %dma_start3A_100 = arith.constant 0 : i32
      %dma_start3A_101 = arith.constant 0 : i32
      %dma_start3A_102 = tpu.memref_slice %arg6[%run_scoped3A_18, %dma_start3A_100, %dma_start3A_101] : memref<2x128x128xf32, #tpu.memory_space<vmem>> -> memref<1x128x128xf32, #tpu.memory_space<vmem>>
      %dma_start3A_103 = tpu.memref_squeeze %dma_start3A_102 : memref<1x128x128xf32, #tpu.memory_space<vmem>> -> memref<128x128xf32, #tpu.memory_space<vmem>>
      tpu.enqueue_dma source(%dma_start3A_103 : memref<128x128xf32, #tpu.memory_space<vmem>>) target(%dma_start3A_99 : memref<128x128xf32, #tpu.memory_space<vmem_shared>>) target_semaphore(%run_scoped3A_91 : memref<!tpu.dma_semaphore, #tpu.memory_space<semaphore_mem>>)
      %dma_wait3A = arith.constant 0 : i32
      %dma_wait3A_104 = arith.constant 0 : i32
      %dma_wait3A_105 = tpu.memref_slice %arg6[%run_scoped3A_18, %dma_wait3A, %dma_wait3A_104] : memref<2x128x128xf32, #tpu.memory_space<vmem>> -> memref<1x128x128xf32, #tpu.memory_space<vmem>>
      %dma_wait3A_106 = tpu.memref_squeeze %dma_wait3A_105 : memref<1x128x128xf32, #tpu.memory_space<vmem>> -> memref<128x128xf32, #tpu.memory_space<vmem>>
      %dma_wait3A_107 = arith.constant 0 : i32
      %dma_wait3A_108 = tpu.memref_slice %arg9[%add3A_17, %dma_wait3A_107] : memref<10240x128xf32, #tpu.memory_space<vmem_shared>> -> memref<128x128xf32, #tpu.memory_space<vmem_shared>>
      %dma_wait3A_109 = arith.constant 0 : i32
      %dma_wait3A_110 = tpu.memref_slice %arg9[%add3A_17, %dma_wait3A_109] : memref<10240x128xf32, #tpu.memory_space<vmem_shared>> -> memref<128x128xf32, #tpu.memory_space<vmem_shared>>
      %dma_wait3A_111 = arith.constant 0 : i32
      %dma_wait3A_112 = arith.constant 0 : i32
      %dma_wait3A_113 = tpu.memref_slice %arg6[%run_scoped3A_18, %dma_wait3A_111, %dma_wait3A_112] : memref<2x128x128xf32, #tpu.memory_space<vmem>> -> memref<1x128x128xf32, #tpu.memory_space<vmem>>
      %dma_wait3A_114 = tpu.memref_squeeze %dma_wait3A_113 : memref<1x128x128xf32, #tpu.memory_space<vmem>> -> memref<128x128xf32, #tpu.memory_space<vmem>>
      tpu.wait_dma2 semaphore(%run_scoped3A_91 : memref<!tpu.dma_semaphore, #tpu.memory_space<semaphore_mem>>) src(%dma_wait3A_114 : memref<128x128xf32, #tpu.memory_space<vmem>>) dst(%dma_wait3A_110 : memref<128x128xf32, #tpu.memory_space<vmem_shared>>)
      tpu.yield
    }) : () -> ()
    %mul3A_19 = arith.constant 640 : i32
    %mul3A_20 = arith.muli %arg1, %mul3A_19 : i32
    %add3A_21 = arith.constant 384 : i32
    %add3A_22 = arith.addi %mul3A_20, %add3A_21 : i32
    %run_scoped3A_23 = arith.constant 0 : i32
    "tpu.region"() ({
      %run_scoped3A_91 = tpu.sem_alloc : memref<!tpu.dma_semaphore, #tpu.memory_space<semaphore_mem>>
      %dma_start3A_92 = arith.constant 0 : i32
      %dma_start3A_93 = arith.constant 0 : i32
      %dma_start3A_94 = tpu.memref_slice %arg6[%run_scoped3A_23, %dma_start3A_92, %dma_start3A_93] : memref<2x128x128xf32, #tpu.memory_space<vmem>> -> memref<1x128x128xf32, #tpu.memory_space<vmem>>
      %dma_start3A_95 = tpu.memref_squeeze %dma_start3A_94 : memref<1x128x128xf32, #tpu.memory_space<vmem>> -> memref<128x128xf32, #tpu.memory_space<vmem>>
      %dma_start3A_96 = arith.constant 0 : i32
      %dma_start3A_97 = tpu.memref_slice %arg9[%add3A_22, %dma_start3A_96] : memref<10240x128xf32, #tpu.memory_space<vmem_shared>> -> memref<128x128xf32, #tpu.memory_space<vmem_shared>>
      %dma_start3A_98 = arith.constant 0 : i32
      %dma_start3A_99 = tpu.memref_slice %arg9[%add3A_22, %dma_start3A_98] : memref<10240x128xf32, #tpu.memory_space<vmem_shared>> -> memref<128x128xf32, #tpu.memory_space<vmem_shared>>
      %dma_start3A_100 = arith.constant 0 : i32
      %dma_start3A_101 = arith.constant 0 : i32
      %dma_start3A_102 = tpu.memref_slice %arg6[%run_scoped3A_23, %dma_start3A_100, %dma_start3A_101] : memref<2x128x128xf32, #tpu.memory_space<vmem>> -> memref<1x128x128xf32, #tpu.memory_space<vmem>>
      %dma_start3A_103 = tpu.memref_squeeze %dma_start3A_102 : memref<1x128x128xf32, #tpu.memory_space<vmem>> -> memref<128x128xf32, #tpu.memory_space<vmem>>
      tpu.enqueue_dma source(%dma_start3A_103 : memref<128x128xf32, #tpu.memory_space<vmem>>) target(%dma_start3A_99 : memref<128x128xf32, #tpu.memory_space<vmem_shared>>) target_semaphore(%run_scoped3A_91 : memref<!tpu.dma_semaphore, #tpu.memory_space<semaphore_mem>>)
      %dma_wait3A = arith.constant 0 : i32
      %dma_wait3A_104 = arith.constant 0 : i32
      %dma_wait3A_105 = tpu.memref_slice %arg6[%run_scoped3A_23, %dma_wait3A, %dma_wait3A_104] : memref<2x128x128xf32, #tpu.memory_space<vmem>> -> memref<1x128x128xf32, #tpu.memory_space<vmem>>
      %dma_wait3A_106 = tpu.memref_squeeze %dma_wait3A_105 : memref<1x128x128xf32, #tpu.memory_space<vmem>> -> memref<128x128xf32, #tpu.memory_space<vmem>>
      %dma_wait3A_107 = arith.constant 0 : i32
      %dma_wait3A_108 = tpu.memref_slice %arg9[%add3A_22, %dma_wait3A_107] : memref<10240x128xf32, #tpu.memory_space<vmem_shared>> -> memref<128x128xf32, #tpu.memory_space<vmem_shared>>
      %dma_wait3A_109 = arith.constant 0 : i32
      %dma_wait3A_110 = tpu.memref_slice %arg9[%add3A_22, %dma_wait3A_109] : memref<10240x128xf32, #tpu.memory_space<vmem_shared>> -> memref<128x128xf32, #tpu.memory_space<vmem_shared>>
      %dma_wait3A_111 = arith.constant 0 : i32
      %dma_wait3A_112 = arith.constant 0 : i32
      %dma_wait3A_113 = tpu.memref_slice %arg6[%run_scoped3A_23, %dma_wait3A_111, %dma_wait3A_112] : memref<2x128x128xf32, #tpu.memory_space<vmem>> -> memref<1x128x128xf32, #tpu.memory_space<vmem>>
      %dma_wait3A_114 = tpu.memref_squeeze %dma_wait3A_113 : memref<1x128x128xf32, #tpu.memory_space<vmem>> -> memref<128x128xf32, #tpu.memory_space<vmem>>
      tpu.wait_dma2 semaphore(%run_scoped3A_91 : memref<!tpu.dma_semaphore, #tpu.memory_space<semaphore_mem>>) src(%dma_wait3A_114 : memref<128x128xf32, #tpu.memory_space<vmem>>) dst(%dma_wait3A_110 : memref<128x128xf32, #tpu.memory_space<vmem_shared>>)
      tpu.yield
    }) : () -> ()
    %mul3A_24 = arith.constant 640 : i32
    %mul3A_25 = arith.muli %arg1, %mul3A_24 : i32
    %add3A_26 = arith.constant 512 : i32
    %add3A_27 = arith.addi %mul3A_25, %add3A_26 : i32
    %run_scoped3A_28 = arith.constant 0 : i32
    "tpu.region"() ({
      %run_scoped3A_91 = tpu.sem_alloc : memref<!tpu.dma_semaphore, #tpu.memory_space<semaphore_mem>>
      %dma_start3A_92 = arith.constant 0 : i32
      %dma_start3A_93 = arith.constant 0 : i32
      %dma_start3A_94 = tpu.memref_slice %arg6[%run_scoped3A_28, %dma_start3A_92, %dma_start3A_93] : memref<2x128x128xf32, #tpu.memory_space<vmem>> -> memref<1x128x128xf32, #tpu.memory_space<vmem>>
      %dma_start3A_95 = tpu.memref_squeeze %dma_start3A_94 : memref<1x128x128xf32, #tpu.memory_space<vmem>> -> memref<128x128xf32, #tpu.memory_space<vmem>>
      %dma_start3A_96 = arith.constant 0 : i32
      %dma_start3A_97 = tpu.memref_slice %arg9[%add3A_27, %dma_start3A_96] : memref<10240x128xf32, #tpu.memory_space<vmem_shared>> -> memref<128x128xf32, #tpu.memory_space<vmem_shared>>
      %dma_start3A_98 = arith.constant 0 : i32
      %dma_start3A_99 = tpu.memref_slice %arg9[%add3A_27, %dma_start3A_98] : memref<10240x128xf32, #tpu.memory_space<vmem_shared>> -> memref<128x128xf32, #tpu.memory_space<vmem_shared>>
      %dma_start3A_100 = arith.constant 0 : i32
      %dma_start3A_101 = arith.constant 0 : i32
      %dma_start3A_102 = tpu.memref_slice %arg6[%run_scoped3A_28, %dma_start3A_100, %dma_start3A_101] : memref<2x128x128xf32, #tpu.memory_space<vmem>> -> memref<1x128x128xf32, #tpu.memory_space<vmem>>
      %dma_start3A_103 = tpu.memref_squeeze %dma_start3A_102 : memref<1x128x128xf32, #tpu.memory_space<vmem>> -> memref<128x128xf32, #tpu.memory_space<vmem>>
      tpu.enqueue_dma source(%dma_start3A_103 : memref<128x128xf32, #tpu.memory_space<vmem>>) target(%dma_start3A_99 : memref<128x128xf32, #tpu.memory_space<vmem_shared>>) target_semaphore(%run_scoped3A_91 : memref<!tpu.dma_semaphore, #tpu.memory_space<semaphore_mem>>)
      %dma_wait3A = arith.constant 0 : i32
      %dma_wait3A_104 = arith.constant 0 : i32
      %dma_wait3A_105 = tpu.memref_slice %arg6[%run_scoped3A_28, %dma_wait3A, %dma_wait3A_104] : memref<2x128x128xf32, #tpu.memory_space<vmem>> -> memref<1x128x128xf32, #tpu.memory_space<vmem>>
      %dma_wait3A_106 = tpu.memref_squeeze %dma_wait3A_105 : memref<1x128x128xf32, #tpu.memory_space<vmem>> -> memref<128x128xf32, #tpu.memory_space<vmem>>
      %dma_wait3A_107 = arith.constant 0 : i32
      %dma_wait3A_108 = tpu.memref_slice %arg9[%add3A_27, %dma_wait3A_107] : memref<10240x128xf32, #tpu.memory_space<vmem_shared>> -> memref<128x128xf32, #tpu.memory_space<vmem_shared>>
      %dma_wait3A_109 = arith.constant 0 : i32
      %dma_wait3A_110 = tpu.memref_slice %arg9[%add3A_27, %dma_wait3A_109] : memref<10240x128xf32, #tpu.memory_space<vmem_shared>> -> memref<128x128xf32, #tpu.memory_space<vmem_shared>>
      %dma_wait3A_111 = arith.constant 0 : i32
      %dma_wait3A_112 = arith.constant 0 : i32
      %dma_wait3A_113 = tpu.memref_slice %arg6[%run_scoped3A_28, %dma_wait3A_111, %dma_wait3A_112] : memref<2x128x128xf32, #tpu.memory_space<vmem>> -> memref<1x128x128xf32, #tpu.memory_space<vmem>>
      %dma_wait3A_114 = tpu.memref_squeeze %dma_wait3A_113 : memref<1x128x128xf32, #tpu.memory_space<vmem>> -> memref<128x128xf32, #tpu.memory_space<vmem>>
      tpu.wait_dma2 semaphore(%run_scoped3A_91 : memref<!tpu.dma_semaphore, #tpu.memory_space<semaphore_mem>>) src(%dma_wait3A_114 : memref<128x128xf32, #tpu.memory_space<vmem>>) dst(%dma_wait3A_110 : memref<128x128xf32, #tpu.memory_space<vmem_shared>>)
      tpu.yield
    }) : () -> ()
    %barrier3A = arith.constant 0 : index
    tpu.barrier barrier_id(%barrier3A)
    %mul3A_29 = arith.constant 80 : i32
    %mul3A_30 = arith.muli %add3A, %mul3A_29 : i32
    %add3A_31 = arith.constant 0 : i32
    %add3A_32 = arith.addi %mul3A_30, %add3A_31 : i32
    "tpu.region"() ({
      %run_scoped3A_91 = tpu.sem_alloc : memref<!tpu.dma_semaphore, #tpu.memory_space<semaphore_mem>>
      %dma_start3A_92 = arith.constant 0 : i32
      %dma_start3A_93 = tpu.memref_slice %arg3[%add3A_32, %dma_start3A_92] : memref<2560x128xi32, #tpu.memory_space<hbm>> -> memref<40x128xi32, #tpu.memory_space<hbm>>
      %dma_start3A_94 = arith.constant 0 : i32
      %dma_start3A_95 = tpu.memref_slice %arg3[%add3A_32, %dma_start3A_94] : memref<2560x128xi32, #tpu.memory_space<hbm>> -> memref<40x128xi32, #tpu.memory_space<hbm>>
      tpu.enqueue_dma source(%dma_start3A_95 : memref<40x128xi32, #tpu.memory_space<hbm>>) target(%arg7 : memref<40x128xi32, #tpu.memory_space<vmem>>) target_semaphore(%run_scoped3A_91 : memref<!tpu.dma_semaphore, #tpu.memory_space<semaphore_mem>>)
      %dma_wait3A = arith.constant 0 : i32
      %dma_wait3A_96 = tpu.memref_slice %arg3[%add3A_32, %dma_wait3A] : memref<2560x128xi32, #tpu.memory_space<hbm>> -> memref<40x128xi32, #tpu.memory_space<hbm>>
      %dma_wait3A_97 = arith.constant 0 : i32
      %dma_wait3A_98 = tpu.memref_slice %arg3[%add3A_32, %dma_wait3A_97] : memref<2560x128xi32, #tpu.memory_space<hbm>> -> memref<40x128xi32, #tpu.memory_space<hbm>>
      tpu.wait_dma2 semaphore(%run_scoped3A_91 : memref<!tpu.dma_semaphore, #tpu.memory_space<semaphore_mem>>) src(%dma_wait3A_98 : memref<40x128xi32, #tpu.memory_space<hbm>>) dst(%arg7 : memref<40x128xi32, #tpu.memory_space<vmem>>)
      tpu.yield
    }) : () -> ()
    "tpu.region"() ({
      %run_scoped3A_91 = tpu.sem_alloc : memref<!tpu.dma_semaphore, #tpu.memory_space<semaphore_mem>>
      %dma_start3A_92 = arith.constant 0 : i32
      %dma_start3A_93 = tpu.memref_slice %arg4[%add3A_32, %dma_start3A_92] : memref<2560x128xi32, #tpu.memory_space<hbm>> -> memref<40x128xi32, #tpu.memory_space<hbm>>
      %dma_start3A_94 = arith.constant 0 : i32
      %dma_start3A_95 = tpu.memref_slice %arg4[%add3A_32, %dma_start3A_94] : memref<2560x128xi32, #tpu.memory_space<hbm>> -> memref<40x128xi32, #tpu.memory_space<hbm>>
      tpu.enqueue_dma source(%dma_start3A_95 : memref<40x128xi32, #tpu.memory_space<hbm>>) target(%arg8 : memref<40x128xi32, #tpu.memory_space<vmem>>) target_semaphore(%run_scoped3A_91 : memref<!tpu.dma_semaphore, #tpu.memory_space<semaphore_mem>>)
      %dma_wait3A = arith.constant 0 : i32
      %dma_wait3A_96 = tpu.memref_slice %arg4[%add3A_32, %dma_wait3A] : memref<2560x128xi32, #tpu.memory_space<hbm>> -> memref<40x128xi32, #tpu.memory_space<hbm>>
      %dma_wait3A_97 = arith.constant 0 : i32
      %dma_wait3A_98 = tpu.memref_slice %arg4[%add3A_32, %dma_wait3A_97] : memref<2560x128xi32, #tpu.memory_space<hbm>> -> memref<40x128xi32, #tpu.memory_space<hbm>>
      tpu.wait_dma2 semaphore(%run_scoped3A_91 : memref<!tpu.dma_semaphore, #tpu.memory_space<semaphore_mem>>) src(%dma_wait3A_98 : memref<40x128xi32, #tpu.memory_space<hbm>>) dst(%arg8 : memref<40x128xi32, #tpu.memory_space<vmem>>)
      tpu.yield
    }) : () -> ()
    %dma_start3A = arith.constant 0 : i32
    %dma_start3A_33 = arith.constant 0 : i32
    %dma_start3A_34 = arith.constant 0 : i32
    %dma_start3A_35 = arith.constant 0 : i32
    %dma_start3A_36 = tpu.memref_slice %arg6[%dma_start3A_33, %dma_start3A_34, %dma_start3A_35] : memref<2x128x128xf32, #tpu.memory_space<vmem>> -> memref<1x128x128xf32, #tpu.memory_space<vmem>>
    %dma_start3A_37 = tpu.memref_squeeze %dma_start3A_36 : memref<1x128x128xf32, #tpu.memory_space<vmem>> -> memref<128x128xf32, #tpu.memory_space<vmem>>
    %dma_start3A_38 = arith.constant 0 : i32
    %dma_start3A_39 = tpu.memref_slice %arg7[%dma_start3A, %dma_start3A_38] : memref<40x128xi32, #tpu.memory_space<vmem>> -> memref<1x128xi32, #tpu.memory_space<vmem>>
    %dma_start3A_40 = tpu.memref_squeeze %dma_start3A_39 : memref<1x128xi32, #tpu.memory_space<vmem>> -> memref<128xi32, #tpu.memory_space<vmem>>
    %dma_start3A_41 = arith.constant 0 : i32
    %dma_start3A_42 = arith.constant 0 : i32
    %dma_start3A_43 = tpu.memref_slice %arg2[%dma_start3A_41, %dma_start3A_42] : memref<10240x128xf32, #tpu.memory_space<hbm>> -> memref<10240x128xf32, #tpu.memory_space<hbm>>
    tpu.enqueue_indirect_dma source(%dma_start3A_43 : memref<10240x128xf32, #tpu.memory_space<hbm>>) target(%dma_start3A_37 : memref<128x128xf32, #tpu.memory_space<vmem>>) offsets(%dma_start3A_40 : memref<128xi32, #tpu.memory_space<vmem>>) semaphore(%arg10 : memref<!tpu.dma_semaphore, #tpu.memory_space<semaphore_mem>>)
    %scan3A_44 = arith.constant 0 : i32
    %scan3A_45 = arith.constant 20 : i32
    %scan3A_46 = arith.addi %scan3A_44, %scan3A_45 : i32
    %scan3A_47 = arith.constant 1 : i32
    scf.for %scan3A_91 = %scan3A_44 to %scan3A_46 step %scan3A_47  : i32 {
      %mul3A_92 = arith.constant 1 : i32
      %mul3A_93 = arith.muli %scan3A_91, %mul3A_92 : i32
      %add3A_94 = arith.constant 0 : i32
      %add3A_95 = arith.addi %add3A_94, %mul3A_93 : i32
      %mul3A_96 = arith.constant 2 : i32
      %mul3A_97 = arith.muli %add3A_95, %mul3A_96 : i32
      %add3A_98 = arith.constant 1 : i32
      %add3A_99 = arith.addi %mul3A_97, %add3A_98 : i32
      %dma_start3A_100 = arith.constant 1 : i32
      %dma_start3A_101 = arith.constant 0 : i32
      %dma_start3A_102 = arith.constant 0 : i32
      %dma_start3A_103 = tpu.memref_slice %arg6[%dma_start3A_100, %dma_start3A_101, %dma_start3A_102] : memref<2x128x128xf32, #tpu.memory_space<vmem>> -> memref<1x128x128xf32, #tpu.memory_space<vmem>>
      %dma_start3A_104 = tpu.memref_squeeze %dma_start3A_103 : memref<1x128x128xf32, #tpu.memory_space<vmem>> -> memref<128x128xf32, #tpu.memory_space<vmem>>
      %dma_start3A_105 = arith.constant 0 : i32
      %dma_start3A_106 = tpu.memref_slice %arg7[%add3A_99, %dma_start3A_105] : memref<40x128xi32, #tpu.memory_space<vmem>> -> memref<1x128xi32, #tpu.memory_space<vmem>>
      %dma_start3A_107 = tpu.memref_squeeze %dma_start3A_106 : memref<1x128xi32, #tpu.memory_space<vmem>> -> memref<128xi32, #tpu.memory_space<vmem>>
      %dma_start3A_108 = arith.constant 0 : i32
      %dma_start3A_109 = arith.constant 0 : i32
      %dma_start3A_110 = tpu.memref_slice %arg2[%dma_start3A_108, %dma_start3A_109] : memref<10240x128xf32, #tpu.memory_space<hbm>> -> memref<10240x128xf32, #tpu.memory_space<hbm>>
      tpu.enqueue_indirect_dma source(%dma_start3A_110 : memref<10240x128xf32, #tpu.memory_space<hbm>>) target(%dma_start3A_104 : memref<128x128xf32, #tpu.memory_space<vmem>>) offsets(%dma_start3A_107 : memref<128xi32, #tpu.memory_space<vmem>>) semaphore(%arg11 : memref<!tpu.dma_semaphore, #tpu.memory_space<semaphore_mem>>)
      %dma_wait3A = arith.constant 0 : i32
      %dma_wait3A_111 = arith.constant 0 : i32
      %dma_wait3A_112 = arith.constant 0 : i32
      %dma_wait3A_113 = tpu.memref_slice %arg6[%dma_wait3A, %dma_wait3A_111, %dma_wait3A_112] : memref<2x128x128xf32, #tpu.memory_space<vmem>> -> memref<1x128x128xf32, #tpu.memory_space<vmem>>
      %dma_wait3A_114 = tpu.memref_squeeze %dma_wait3A_113 : memref<1x128x128xf32, #tpu.memory_space<vmem>> -> memref<128x128xf32, #tpu.memory_space<vmem>>
      %dma_wait3A_115 = arith.constant 0 : i32
      %dma_wait3A_116 = tpu.memref_slice %arg7[%mul3A_97, %dma_wait3A_115] : memref<40x128xi32, #tpu.memory_space<vmem>> -> memref<1x128xi32, #tpu.memory_space<vmem>>
      %dma_wait3A_117 = tpu.memref_squeeze %dma_wait3A_116 : memref<1x128xi32, #tpu.memory_space<vmem>> -> memref<128xi32, #tpu.memory_space<vmem>>
      %dma_wait3A_118 = arith.constant 0 : i32
      %dma_wait3A_119 = arith.constant 0 : i32
      %dma_wait3A_120 = tpu.memref_slice %arg2[%dma_wait3A_118, %dma_wait3A_119] : memref<10240x128xf32, #tpu.memory_space<hbm>> -> memref<10240x128xf32, #tpu.memory_space<hbm>>
      tpu.wait_indirect_dma semaphore(%arg10 : memref<!tpu.dma_semaphore, #tpu.memory_space<semaphore_mem>>) src(%dma_wait3A_120 : memref<10240x128xf32, #tpu.memory_space<hbm>>) dst(%dma_wait3A_114 : memref<128x128xf32, #tpu.memory_space<vmem>>)
      %run_scoped3A_121 = arith.constant 0 : i32
      "tpu.region"() ({
        %run_scoped3A_140 = tpu.sem_alloc : memref<!tpu.dma_semaphore, #tpu.memory_space<semaphore_mem>>
        %dma_start3A_141 = arith.constant 0 : i32
        %dma_start3A_142 = arith.constant 0 : i32
        %dma_start3A_143 = tpu.memref_slice %arg6[%run_scoped3A_121, %dma_start3A_141, %dma_start3A_142] : memref<2x128x128xf32, #tpu.memory_space<vmem>> -> memref<1x128x128xf32, #tpu.memory_space<vmem>>
        %dma_start3A_144 = tpu.memref_squeeze %dma_start3A_143 : memref<1x128x128xf32, #tpu.memory_space<vmem>> -> memref<128x128xf32, #tpu.memory_space<vmem>>
        %dma_start3A_145 = arith.constant 0 : i32
        %dma_start3A_146 = tpu.memref_slice %arg8[%mul3A_97, %dma_start3A_145] : memref<40x128xi32, #tpu.memory_space<vmem>> -> memref<1x128xi32, #tpu.memory_space<vmem>>
        %dma_start3A_147 = tpu.memref_squeeze %dma_start3A_146 : memref<1x128xi32, #tpu.memory_space<vmem>> -> memref<128xi32, #tpu.memory_space<vmem>>
        %dma_start3A_148 = arith.constant 0 : i32
        %dma_start3A_149 = arith.constant 0 : i32
        %dma_start3A_150 = tpu.memref_slice %arg9[%dma_start3A_148, %dma_start3A_149] : memref<10240x128xf32, #tpu.memory_space<vmem_shared>> -> memref<10240x128xf32, #tpu.memory_space<vmem_shared>>
        tpu.enqueue_indirect_dma source(%dma_start3A_144 : memref<128x128xf32, #tpu.memory_space<vmem>>) target(%dma_start3A_150 : memref<10240x128xf32, #tpu.memory_space<vmem_shared>>) offsets(%dma_start3A_147 : memref<128xi32, #tpu.memory_space<vmem>>) semaphore(%run_scoped3A_140 : memref<!tpu.dma_semaphore, #tpu.memory_space<semaphore_mem>>) {add = true}
        %dma_wait3A_151 = arith.constant 0 : i32
        %dma_wait3A_152 = arith.constant 0 : i32
        %dma_wait3A_153 = tpu.memref_slice %arg6[%run_scoped3A_121, %dma_wait3A_151, %dma_wait3A_152] : memref<2x128x128xf32, #tpu.memory_space<vmem>> -> memref<1x128x128xf32, #tpu.memory_space<vmem>>
        %dma_wait3A_154 = tpu.memref_squeeze %dma_wait3A_153 : memref<1x128x128xf32, #tpu.memory_space<vmem>> -> memref<128x128xf32, #tpu.memory_space<vmem>>
        %dma_wait3A_155 = arith.constant 0 : i32
        %dma_wait3A_156 = tpu.memref_slice %arg8[%mul3A_97, %dma_wait3A_155] : memref<40x128xi32, #tpu.memory_space<vmem>> -> memref<1x128xi32, #tpu.memory_space<vmem>>
        %dma_wait3A_157 = tpu.memref_squeeze %dma_wait3A_156 : memref<1x128xi32, #tpu.memory_space<vmem>> -> memref<128xi32, #tpu.memory_space<vmem>>
        %dma_wait3A_158 = arith.constant 0 : i32
        %dma_wait3A_159 = arith.constant 0 : i32
        %dma_wait3A_160 = tpu.memref_slice %arg9[%dma_wait3A_158, %dma_wait3A_159] : memref<10240x128xf32, #tpu.memory_space<vmem_shared>> -> memref<10240x128xf32, #tpu.memory_space<vmem_shared>>
        tpu.wait_indirect_dma semaphore(%run_scoped3A_140 : memref<!tpu.dma_semaphore, #tpu.memory_space<semaphore_mem>>) src(%dma_wait3A_154 : memref<128x128xf32, #tpu.memory_space<vmem>>) dst(%dma_wait3A_160 : memref<10240x128xf32, #tpu.memory_space<vmem_shared>>)
        tpu.yield
      }) : () -> ()
      %lt3A = arith.constant 19 : i32
      %lt3A_122 = arith.cmpi slt, %add3A_95, %lt3A : i32
      %convert_element_type3A = arith.extui %lt3A_122 : i1 to i32
      %cond3A = arith.constant 0 : i32
      %cond3A_123 = arith.cmpi ne, %convert_element_type3A, %cond3A : i32
      scf.if %cond3A_123 {
        %add3A_140 = arith.constant 2 : i32
        %add3A_141 = arith.addi %mul3A_97, %add3A_140 : i32
        %dma_start3A_142 = arith.constant 0 : i32
        %dma_start3A_143 = arith.constant 0 : i32
        %dma_start3A_144 = arith.constant 0 : i32
        %dma_start3A_145 = tpu.memref_slice %arg6[%dma_start3A_142, %dma_start3A_143, %dma_start3A_144] : memref<2x128x128xf32, #tpu.memory_space<vmem>> -> memref<1x128x128xf32, #tpu.memory_space<vmem>>
        %dma_start3A_146 = tpu.memref_squeeze %dma_start3A_145 : memref<1x128x128xf32, #tpu.memory_space<vmem>> -> memref<128x128xf32, #tpu.memory_space<vmem>>
        %dma_start3A_147 = arith.constant 0 : i32
        %dma_start3A_148 = tpu.memref_slice %arg7[%add3A_141, %dma_start3A_147] : memref<40x128xi32, #tpu.memory_space<vmem>> -> memref<1x128xi32, #tpu.memory_space<vmem>>
        %dma_start3A_149 = tpu.memref_squeeze %dma_start3A_148 : memref<1x128xi32, #tpu.memory_space<vmem>> -> memref<128xi32, #tpu.memory_space<vmem>>
        %dma_start3A_150 = arith.constant 0 : i32
        %dma_start3A_151 = arith.constant 0 : i32
        %dma_start3A_152 = tpu.memref_slice %arg2[%dma_start3A_150, %dma_start3A_151] : memref<10240x128xf32, #tpu.memory_space<hbm>> -> memref<10240x128xf32, #tpu.memory_space<hbm>>
        tpu.enqueue_indirect_dma source(%dma_start3A_152 : memref<10240x128xf32, #tpu.memory_space<hbm>>) target(%dma_start3A_146 : memref<128x128xf32, #tpu.memory_space<vmem>>) offsets(%dma_start3A_149 : memref<128xi32, #tpu.memory_space<vmem>>) semaphore(%arg10 : memref<!tpu.dma_semaphore, #tpu.memory_space<semaphore_mem>>)
      } else {
      }
      %add3A_124 = arith.constant 1 : i32
      %add3A_125 = arith.addi %mul3A_97, %add3A_124 : i32
      %dma_wait3A_126 = arith.constant 1 : i32
      %dma_wait3A_127 = arith.constant 0 : i32
      %dma_wait3A_128 = arith.constant 0 : i32
      %dma_wait3A_129 = tpu.memref_slice %arg6[%dma_wait3A_126, %dma_wait3A_127, %dma_wait3A_128] : memref<2x128x128xf32, #tpu.memory_space<vmem>> -> memref<1x128x128xf32, #tpu.memory_space<vmem>>
      %dma_wait3A_130 = tpu.memref_squeeze %dma_wait3A_129 : memref<1x128x128xf32, #tpu.memory_space<vmem>> -> memref<128x128xf32, #tpu.memory_space<vmem>>
      %dma_wait3A_131 = arith.constant 0 : i32
      %dma_wait3A_132 = tpu.memref_slice %arg7[%add3A_125, %dma_wait3A_131] : memref<40x128xi32, #tpu.memory_space<vmem>> -> memref<1x128xi32, #tpu.memory_space<vmem>>
      %dma_wait3A_133 = tpu.memref_squeeze %dma_wait3A_132 : memref<1x128xi32, #tpu.memory_space<vmem>> -> memref<128xi32, #tpu.memory_space<vmem>>
      %dma_wait3A_134 = arith.constant 0 : i32
      %dma_wait3A_135 = arith.constant 0 : i32
      %dma_wait3A_136 = tpu.memref_slice %arg2[%dma_wait3A_134, %dma_wait3A_135] : memref<10240x128xf32, #tpu.memory_space<hbm>> -> memref<10240x128xf32, #tpu.memory_space<hbm>>
      tpu.wait_indirect_dma semaphore(%arg11 : memref<!tpu.dma_semaphore, #tpu.memory_space<semaphore_mem>>) src(%dma_wait3A_136 : memref<10240x128xf32, #tpu.memory_space<hbm>>) dst(%dma_wait3A_130 : memref<128x128xf32, #tpu.memory_space<vmem>>)
      %add3A_137 = arith.constant 1 : i32
      %add3A_138 = arith.addi %mul3A_97, %add3A_137 : i32
      %run_scoped3A_139 = arith.constant 1 : i32
      "tpu.region"() ({
        %run_scoped3A_140 = tpu.sem_alloc : memref<!tpu.dma_semaphore, #tpu.memory_space<semaphore_mem>>
        %dma_start3A_141 = arith.constant 0 : i32
        %dma_start3A_142 = arith.constant 0 : i32
        %dma_start3A_143 = tpu.memref_slice %arg6[%run_scoped3A_139, %dma_start3A_141, %dma_start3A_142] : memref<2x128x128xf32, #tpu.memory_space<vmem>> -> memref<1x128x128xf32, #tpu.memory_space<vmem>>
        %dma_start3A_144 = tpu.memref_squeeze %dma_start3A_143 : memref<1x128x128xf32, #tpu.memory_space<vmem>> -> memref<128x128xf32, #tpu.memory_space<vmem>>
        %dma_start3A_145 = arith.constant 0 : i32
        %dma_start3A_146 = tpu.memref_slice %arg8[%add3A_138, %dma_start3A_145] : memref<40x128xi32, #tpu.memory_space<vmem>> -> memref<1x128xi32, #tpu.memory_space<vmem>>
        %dma_start3A_147 = tpu.memref_squeeze %dma_start3A_146 : memref<1x128xi32, #tpu.memory_space<vmem>> -> memref<128xi32, #tpu.memory_space<vmem>>
        %dma_start3A_148 = arith.constant 0 : i32
        %dma_start3A_149 = arith.constant 0 : i32
        %dma_start3A_150 = tpu.memref_slice %arg9[%dma_start3A_148, %dma_start3A_149] : memref<10240x128xf32, #tpu.memory_space<vmem_shared>> -> memref<10240x128xf32, #tpu.memory_space<vmem_shared>>
        tpu.enqueue_indirect_dma source(%dma_start3A_144 : memref<128x128xf32, #tpu.memory_space<vmem>>) target(%dma_start3A_150 : memref<10240x128xf32, #tpu.memory_space<vmem_shared>>) offsets(%dma_start3A_147 : memref<128xi32, #tpu.memory_space<vmem>>) semaphore(%run_scoped3A_140 : memref<!tpu.dma_semaphore, #tpu.memory_space<semaphore_mem>>) {add = true}
        %dma_wait3A_151 = arith.constant 0 : i32
        %dma_wait3A_152 = arith.constant 0 : i32
        %dma_wait3A_153 = tpu.memref_slice %arg6[%run_scoped3A_139, %dma_wait3A_151, %dma_wait3A_152] : memref<2x128x128xf32, #tpu.memory_space<vmem>> -> memref<1x128x128xf32, #tpu.memory_space<vmem>>
        %dma_wait3A_154 = tpu.memref_squeeze %dma_wait3A_153 : memref<1x128x128xf32, #tpu.memory_space<vmem>> -> memref<128x128xf32, #tpu.memory_space<vmem>>
        %dma_wait3A_155 = arith.constant 0 : i32
        %dma_wait3A_156 = tpu.memref_slice %arg8[%add3A_138, %dma_wait3A_155] : memref<40x128xi32, #tpu.memory_space<vmem>> -> memref<1x128xi32, #tpu.memory_space<vmem>>
        %dma_wait3A_157 = tpu.memref_squeeze %dma_wait3A_156 : memref<1x128xi32, #tpu.memory_space<vmem>> -> memref<128xi32, #tpu.memory_space<vmem>>
        %dma_wait3A_158 = arith.constant 0 : i32
        %dma_wait3A_159 = arith.constant 0 : i32
        %dma_wait3A_160 = tpu.memref_slice %arg9[%dma_wait3A_158, %dma_wait3A_159] : memref<10240x128xf32, #tpu.memory_space<vmem_shared>> -> memref<10240x128xf32, #tpu.memory_space<vmem_shared>>
        tpu.wait_indirect_dma semaphore(%run_scoped3A_140 : memref<!tpu.dma_semaphore, #tpu.memory_space<semaphore_mem>>) src(%dma_wait3A_154 : memref<128x128xf32, #tpu.memory_space<vmem>>) dst(%dma_wait3A_160 : memref<10240x128xf32, #tpu.memory_space<vmem_shared>>)
        tpu.yield
      }) : () -> ()
    }
    %scan3A_48 = arith.constant 20 : i32
    %mul3A_49 = arith.constant 80 : i32
    %mul3A_50 = arith.muli %add3A, %mul3A_49 : i32
    %add3A_51 = arith.constant 40 : i32
    %add3A_52 = arith.addi %mul3A_50, %add3A_51 : i32
    "tpu.region"() ({
      %run_scoped3A_91 = tpu.sem_alloc : memref<!tpu.dma_semaphore, #tpu.memory_space<semaphore_mem>>
      %dma_start3A_92 = arith.constant 0 : i32
      %dma_start3A_93 = tpu.memref_slice %arg3[%add3A_52, %dma_start3A_92] : memref<2560x128xi32, #tpu.memory_space<hbm>> -> memref<40x128xi32, #tpu.memory_space<hbm>>
      %dma_start3A_94 = arith.constant 0 : i32
      %dma_start3A_95 = tpu.memref_slice %arg3[%add3A_52, %dma_start3A_94] : memref<2560x128xi32, #tpu.memory_space<hbm>> -> memref<40x128xi32, #tpu.memory_space<hbm>>
      tpu.enqueue_dma source(%dma_start3A_95 : memref<40x128xi32, #tpu.memory_space<hbm>>) target(%arg7 : memref<40x128xi32, #tpu.memory_space<vmem>>) target_semaphore(%run_scoped3A_91 : memref<!tpu.dma_semaphore, #tpu.memory_space<semaphore_mem>>)
      %dma_wait3A = arith.constant 0 : i32
      %dma_wait3A_96 = tpu.memref_slice %arg3[%add3A_52, %dma_wait3A] : memref<2560x128xi32, #tpu.memory_space<hbm>> -> memref<40x128xi32, #tpu.memory_space<hbm>>
      %dma_wait3A_97 = arith.constant 0 : i32
      %dma_wait3A_98 = tpu.memref_slice %arg3[%add3A_52, %dma_wait3A_97] : memref<2560x128xi32, #tpu.memory_space<hbm>> -> memref<40x128xi32, #tpu.memory_space<hbm>>
      tpu.wait_dma2 semaphore(%run_scoped3A_91 : memref<!tpu.dma_semaphore, #tpu.memory_space<semaphore_mem>>) src(%dma_wait3A_98 : memref<40x128xi32, #tpu.memory_space<hbm>>) dst(%arg7 : memref<40x128xi32, #tpu.memory_space<vmem>>)
      tpu.yield
    }) : () -> ()
    "tpu.region"() ({
      %run_scoped3A_91 = tpu.sem_alloc : memref<!tpu.dma_semaphore, #tpu.memory_space<semaphore_mem>>
      %dma_start3A_92 = arith.constant 0 : i32
      %dma_start3A_93 = tpu.memref_slice %arg4[%add3A_52, %dma_start3A_92] : memref<2560x128xi32, #tpu.memory_space<hbm>> -> memref<40x128xi32, #tpu.memory_space<hbm>>
      %dma_start3A_94 = arith.constant 0 : i32
      %dma_start3A_95 = tpu.memref_slice %arg4[%add3A_52, %dma_start3A_94] : memref<2560x128xi32, #tpu.memory_space<hbm>> -> memref<40x128xi32, #tpu.memory_space<hbm>>
      tpu.enqueue_dma source(%dma_start3A_95 : memref<40x128xi32, #tpu.memory_space<hbm>>) target(%arg8 : memref<40x128xi32, #tpu.memory_space<vmem>>) target_semaphore(%run_scoped3A_91 : memref<!tpu.dma_semaphore, #tpu.memory_space<semaphore_mem>>)
      %dma_wait3A = arith.constant 0 : i32
      %dma_wait3A_96 = tpu.memref_slice %arg4[%add3A_52, %dma_wait3A] : memref<2560x128xi32, #tpu.memory_space<hbm>> -> memref<40x128xi32, #tpu.memory_space<hbm>>
      %dma_wait3A_97 = arith.constant 0 : i32
      %dma_wait3A_98 = tpu.memref_slice %arg4[%add3A_52, %dma_wait3A_97] : memref<2560x128xi32, #tpu.memory_space<hbm>> -> memref<40x128xi32, #tpu.memory_space<hbm>>
      tpu.wait_dma2 semaphore(%run_scoped3A_91 : memref<!tpu.dma_semaphore, #tpu.memory_space<semaphore_mem>>) src(%dma_wait3A_98 : memref<40x128xi32, #tpu.memory_space<hbm>>) dst(%arg8 : memref<40x128xi32, #tpu.memory_space<vmem>>)
      tpu.yield
    }) : () -> ()
    %dma_start3A_53 = arith.constant 0 : i32
    %dma_start3A_54 = arith.constant 0 : i32
    %dma_start3A_55 = arith.constant 0 : i32
    %dma_start3A_56 = arith.constant 0 : i32
    %dma_start3A_57 = tpu.memref_slice %arg6[%dma_start3A_54, %dma_start3A_55, %dma_start3A_56] : memref<2x128x128xf32, #tpu.memory_space<vmem>> -> memref<1x128x128xf32, #tpu.memory_space<vmem>>
    %dma_start3A_58 = tpu.memref_squeeze %dma_start3A_57 : memref<1x128x128xf32, #tpu.memory_space<vmem>> -> memref<128x128xf32, #tpu.memory_space<vmem>>
    %dma_start3A_59 = arith.constant 0 : i32
    %dma_start3A_60 = tpu.memref_slice %arg7[%dma_start3A_53, %dma_start3A_59] : memref<40x128xi32, #tpu.memory_space<vmem>> -> memref<1x128xi32, #tpu.memory_space<vmem>>
    %dma_start3A_61 = tpu.memref_squeeze %dma_start3A_60 : memref<1x128xi32, #tpu.memory_space<vmem>> -> memref<128xi32, #tpu.memory_space<vmem>>
    %dma_start3A_62 = arith.constant 0 : i32
    %dma_start3A_63 = arith.constant 0 : i32
    %dma_start3A_64 = tpu.memref_slice %arg2[%dma_start3A_62, %dma_start3A_63] : memref<10240x128xf32, #tpu.memory_space<hbm>> -> memref<10240x128xf32, #tpu.memory_space<hbm>>
    tpu.enqueue_indirect_dma source(%dma_start3A_64 : memref<10240x128xf32, #tpu.memory_space<hbm>>) target(%dma_start3A_58 : memref<128x128xf32, #tpu.memory_space<vmem>>) offsets(%dma_start3A_61 : memref<128xi32, #tpu.memory_space<vmem>>) semaphore(%arg10 : memref<!tpu.dma_semaphore, #tpu.memory_space<semaphore_mem>>)
    %scan3A_65 = arith.constant 0 : i32
    %scan3A_66 = arith.constant 20 : i32
    %scan3A_67 = arith.addi %scan3A_65, %scan3A_66 : i32
    %scan3A_68 = arith.constant 1 : i32
    scf.for %scan3A_91 = %scan3A_65 to %scan3A_67 step %scan3A_68  : i32 {
      %mul3A_92 = arith.constant 1 : i32
      %mul3A_93 = arith.muli %scan3A_91, %mul3A_92 : i32
      %add3A_94 = arith.constant 0 : i32
      %add3A_95 = arith.addi %add3A_94, %mul3A_93 : i32
      %mul3A_96 = arith.constant 2 : i32
      %mul3A_97 = arith.muli %add3A_95, %mul3A_96 : i32
      %add3A_98 = arith.constant 1 : i32
      %add3A_99 = arith.addi %mul3A_97, %add3A_98 : i32
      %dma_start3A_100 = arith.constant 1 : i32
      %dma_start3A_101 = arith.constant 0 : i32
      %dma_start3A_102 = arith.constant 0 : i32
      %dma_start3A_103 = tpu.memref_slice %arg6[%dma_start3A_100, %dma_start3A_101, %dma_start3A_102] : memref<2x128x128xf32, #tpu.memory_space<vmem>> -> memref<1x128x128xf32, #tpu.memory_space<vmem>>
      %dma_start3A_104 = tpu.memref_squeeze %dma_start3A_103 : memref<1x128x128xf32, #tpu.memory_space<vmem>> -> memref<128x128xf32, #tpu.memory_space<vmem>>
      %dma_start3A_105 = arith.constant 0 : i32
      %dma_start3A_106 = tpu.memref_slice %arg7[%add3A_99, %dma_start3A_105] : memref<40x128xi32, #tpu.memory_space<vmem>> -> memref<1x128xi32, #tpu.memory_space<vmem>>
      %dma_start3A_107 = tpu.memref_squeeze %dma_start3A_106 : memref<1x128xi32, #tpu.memory_space<vmem>> -> memref<128xi32, #tpu.memory_space<vmem>>
      %dma_start3A_108 = arith.constant 0 : i32
      %dma_start3A_109 = arith.constant 0 : i32
      %dma_start3A_110 = tpu.memref_slice %arg2[%dma_start3A_108, %dma_start3A_109] : memref<10240x128xf32, #tpu.memory_space<hbm>> -> memref<10240x128xf32, #tpu.memory_space<hbm>>
      tpu.enqueue_indirect_dma source(%dma_start3A_110 : memref<10240x128xf32, #tpu.memory_space<hbm>>) target(%dma_start3A_104 : memref<128x128xf32, #tpu.memory_space<vmem>>) offsets(%dma_start3A_107 : memref<128xi32, #tpu.memory_space<vmem>>) semaphore(%arg11 : memref<!tpu.dma_semaphore, #tpu.memory_space<semaphore_mem>>)
      %dma_wait3A = arith.constant 0 : i32
      %dma_wait3A_111 = arith.constant 0 : i32
      %dma_wait3A_112 = arith.constant 0 : i32
      %dma_wait3A_113 = tpu.memref_slice %arg6[%dma_wait3A, %dma_wait3A_111, %dma_wait3A_112] : memref<2x128x128xf32, #tpu.memory_space<vmem>> -> memref<1x128x128xf32, #tpu.memory_space<vmem>>
      %dma_wait3A_114 = tpu.memref_squeeze %dma_wait3A_113 : memref<1x128x128xf32, #tpu.memory_space<vmem>> -> memref<128x128xf32, #tpu.memory_space<vmem>>
      %dma_wait3A_115 = arith.constant 0 : i32
      %dma_wait3A_116 = tpu.memref_slice %arg7[%mul3A_97, %dma_wait3A_115] : memref<40x128xi32, #tpu.memory_space<vmem>> -> memref<1x128xi32, #tpu.memory_space<vmem>>
      %dma_wait3A_117 = tpu.memref_squeeze %dma_wait3A_116 : memref<1x128xi32, #tpu.memory_space<vmem>> -> memref<128xi32, #tpu.memory_space<vmem>>
      %dma_wait3A_118 = arith.constant 0 : i32
      %dma_wait3A_119 = arith.constant 0 : i32
      %dma_wait3A_120 = tpu.memref_slice %arg2[%dma_wait3A_118, %dma_wait3A_119] : memref<10240x128xf32, #tpu.memory_space<hbm>> -> memref<10240x128xf32, #tpu.memory_space<hbm>>
      tpu.wait_indirect_dma semaphore(%arg10 : memref<!tpu.dma_semaphore, #tpu.memory_space<semaphore_mem>>) src(%dma_wait3A_120 : memref<10240x128xf32, #tpu.memory_space<hbm>>) dst(%dma_wait3A_114 : memref<128x128xf32, #tpu.memory_space<vmem>>)
      %run_scoped3A_121 = arith.constant 0 : i32
      "tpu.region"() ({
        %run_scoped3A_140 = tpu.sem_alloc : memref<!tpu.dma_semaphore, #tpu.memory_space<semaphore_mem>>
        %dma_start3A_141 = arith.constant 0 : i32
        %dma_start3A_142 = arith.constant 0 : i32
        %dma_start3A_143 = tpu.memref_slice %arg6[%run_scoped3A_121, %dma_start3A_141, %dma_start3A_142] : memref<2x128x128xf32, #tpu.memory_space<vmem>> -> memref<1x128x128xf32, #tpu.memory_space<vmem>>
        %dma_start3A_144 = tpu.memref_squeeze %dma_start3A_143 : memref<1x128x128xf32, #tpu.memory_space<vmem>> -> memref<128x128xf32, #tpu.memory_space<vmem>>
        %dma_start3A_145 = arith.constant 0 : i32
        %dma_start3A_146 = tpu.memref_slice %arg8[%mul3A_97, %dma_start3A_145] : memref<40x128xi32, #tpu.memory_space<vmem>> -> memref<1x128xi32, #tpu.memory_space<vmem>>
        %dma_start3A_147 = tpu.memref_squeeze %dma_start3A_146 : memref<1x128xi32, #tpu.memory_space<vmem>> -> memref<128xi32, #tpu.memory_space<vmem>>
        %dma_start3A_148 = arith.constant 0 : i32
        %dma_start3A_149 = arith.constant 0 : i32
        %dma_start3A_150 = tpu.memref_slice %arg9[%dma_start3A_148, %dma_start3A_149] : memref<10240x128xf32, #tpu.memory_space<vmem_shared>> -> memref<10240x128xf32, #tpu.memory_space<vmem_shared>>
        tpu.enqueue_indirect_dma source(%dma_start3A_144 : memref<128x128xf32, #tpu.memory_space<vmem>>) target(%dma_start3A_150 : memref<10240x128xf32, #tpu.memory_space<vmem_shared>>) offsets(%dma_start3A_147 : memref<128xi32, #tpu.memory_space<vmem>>) semaphore(%run_scoped3A_140 : memref<!tpu.dma_semaphore, #tpu.memory_space<semaphore_mem>>) {add = true}
        %dma_wait3A_151 = arith.constant 0 : i32
        %dma_wait3A_152 = arith.constant 0 : i32
        %dma_wait3A_153 = tpu.memref_slice %arg6[%run_scoped3A_121, %dma_wait3A_151, %dma_wait3A_152] : memref<2x128x128xf32, #tpu.memory_space<vmem>> -> memref<1x128x128xf32, #tpu.memory_space<vmem>>
        %dma_wait3A_154 = tpu.memref_squeeze %dma_wait3A_153 : memref<1x128x128xf32, #tpu.memory_space<vmem>> -> memref<128x128xf32, #tpu.memory_space<vmem>>
        %dma_wait3A_155 = arith.constant 0 : i32
        %dma_wait3A_156 = tpu.memref_slice %arg8[%mul3A_97, %dma_wait3A_155] : memref<40x128xi32, #tpu.memory_space<vmem>> -> memref<1x128xi32, #tpu.memory_space<vmem>>
        %dma_wait3A_157 = tpu.memref_squeeze %dma_wait3A_156 : memref<1x128xi32, #tpu.memory_space<vmem>> -> memref<128xi32, #tpu.memory_space<vmem>>
        %dma_wait3A_158 = arith.constant 0 : i32
        %dma_wait3A_159 = arith.constant 0 : i32
        %dma_wait3A_160 = tpu.memref_slice %arg9[%dma_wait3A_158, %dma_wait3A_159] : memref<10240x128xf32, #tpu.memory_space<vmem_shared>> -> memref<10240x128xf32, #tpu.memory_space<vmem_shared>>
        tpu.wait_indirect_dma semaphore(%run_scoped3A_140 : memref<!tpu.dma_semaphore, #tpu.memory_space<semaphore_mem>>) src(%dma_wait3A_154 : memref<128x128xf32, #tpu.memory_space<vmem>>) dst(%dma_wait3A_160 : memref<10240x128xf32, #tpu.memory_space<vmem_shared>>)
        tpu.yield
      }) : () -> ()
      %lt3A = arith.constant 19 : i32
      %lt3A_122 = arith.cmpi slt, %add3A_95, %lt3A : i32
      %convert_element_type3A = arith.extui %lt3A_122 : i1 to i32
      %cond3A = arith.constant 0 : i32
      %cond3A_123 = arith.cmpi ne, %convert_element_type3A, %cond3A : i32
      scf.if %cond3A_123 {
        %add3A_140 = arith.constant 2 : i32
        %add3A_141 = arith.addi %mul3A_97, %add3A_140 : i32
        %dma_start3A_142 = arith.constant 0 : i32
        %dma_start3A_143 = arith.constant 0 : i32
        %dma_start3A_144 = arith.constant 0 : i32
        %dma_start3A_145 = tpu.memref_slice %arg6[%dma_start3A_142, %dma_start3A_143, %dma_start3A_144] : memref<2x128x128xf32, #tpu.memory_space<vmem>> -> memref<1x128x128xf32, #tpu.memory_space<vmem>>
        %dma_start3A_146 = tpu.memref_squeeze %dma_start3A_145 : memref<1x128x128xf32, #tpu.memory_space<vmem>> -> memref<128x128xf32, #tpu.memory_space<vmem>>
        %dma_start3A_147 = arith.constant 0 : i32
        %dma_start3A_148 = tpu.memref_slice %arg7[%add3A_141, %dma_start3A_147] : memref<40x128xi32, #tpu.memory_space<vmem>> -> memref<1x128xi32, #tpu.memory_space<vmem>>
        %dma_start3A_149 = tpu.memref_squeeze %dma_start3A_148 : memref<1x128xi32, #tpu.memory_space<vmem>> -> memref<128xi32, #tpu.memory_space<vmem>>
        %dma_start3A_150 = arith.constant 0 : i32
        %dma_start3A_151 = arith.constant 0 : i32
        %dma_start3A_152 = tpu.memref_slice %arg2[%dma_start3A_150, %dma_start3A_151] : memref<10240x128xf32, #tpu.memory_space<hbm>> -> memref<10240x128xf32, #tpu.memory_space<hbm>>
        tpu.enqueue_indirect_dma source(%dma_start3A_152 : memref<10240x128xf32, #tpu.memory_space<hbm>>) target(%dma_start3A_146 : memref<128x128xf32, #tpu.memory_space<vmem>>) offsets(%dma_start3A_149 : memref<128xi32, #tpu.memory_space<vmem>>) semaphore(%arg10 : memref<!tpu.dma_semaphore, #tpu.memory_space<semaphore_mem>>)
      } else {
      }
      %add3A_124 = arith.constant 1 : i32
      %add3A_125 = arith.addi %mul3A_97, %add3A_124 : i32
      %dma_wait3A_126 = arith.constant 1 : i32
      %dma_wait3A_127 = arith.constant 0 : i32
      %dma_wait3A_128 = arith.constant 0 : i32
      %dma_wait3A_129 = tpu.memref_slice %arg6[%dma_wait3A_126, %dma_wait3A_127, %dma_wait3A_128] : memref<2x128x128xf32, #tpu.memory_space<vmem>> -> memref<1x128x128xf32, #tpu.memory_space<vmem>>
      %dma_wait3A_130 = tpu.memref_squeeze %dma_wait3A_129 : memref<1x128x128xf32, #tpu.memory_space<vmem>> -> memref<128x128xf32, #tpu.memory_space<vmem>>
      %dma_wait3A_131 = arith.constant 0 : i32
      %dma_wait3A_132 = tpu.memref_slice %arg7[%add3A_125, %dma_wait3A_131] : memref<40x128xi32, #tpu.memory_space<vmem>> -> memref<1x128xi32, #tpu.memory_space<vmem>>
      %dma_wait3A_133 = tpu.memref_squeeze %dma_wait3A_132 : memref<1x128xi32, #tpu.memory_space<vmem>> -> memref<128xi32, #tpu.memory_space<vmem>>
      %dma_wait3A_134 = arith.constant 0 : i32
      %dma_wait3A_135 = arith.constant 0 : i32
      %dma_wait3A_136 = tpu.memref_slice %arg2[%dma_wait3A_134, %dma_wait3A_135] : memref<10240x128xf32, #tpu.memory_space<hbm>> -> memref<10240x128xf32, #tpu.memory_space<hbm>>
      tpu.wait_indirect_dma semaphore(%arg11 : memref<!tpu.dma_semaphore, #tpu.memory_space<semaphore_mem>>) src(%dma_wait3A_136 : memref<10240x128xf32, #tpu.memory_space<hbm>>) dst(%dma_wait3A_130 : memref<128x128xf32, #tpu.memory_space<vmem>>)
      %add3A_137 = arith.constant 1 : i32
      %add3A_138 = arith.addi %mul3A_97, %add3A_137 : i32
      %run_scoped3A_139 = arith.constant 1 : i32
      "tpu.region"() ({
        %run_scoped3A_140 = tpu.sem_alloc : memref<!tpu.dma_semaphore, #tpu.memory_space<semaphore_mem>>
        %dma_start3A_141 = arith.constant 0 : i32
        %dma_start3A_142 = arith.constant 0 : i32
        %dma_start3A_143 = tpu.memref_slice %arg6[%run_scoped3A_139, %dma_start3A_141, %dma_start3A_142] : memref<2x128x128xf32, #tpu.memory_space<vmem>> -> memref<1x128x128xf32, #tpu.memory_space<vmem>>
        %dma_start3A_144 = tpu.memref_squeeze %dma_start3A_143 : memref<1x128x128xf32, #tpu.memory_space<vmem>> -> memref<128x128xf32, #tpu.memory_space<vmem>>
        %dma_start3A_145 = arith.constant 0 : i32
        %dma_start3A_146 = tpu.memref_slice %arg8[%add3A_138, %dma_start3A_145] : memref<40x128xi32, #tpu.memory_space<vmem>> -> memref<1x128xi32, #tpu.memory_space<vmem>>
        %dma_start3A_147 = tpu.memref_squeeze %dma_start3A_146 : memref<1x128xi32, #tpu.memory_space<vmem>> -> memref<128xi32, #tpu.memory_space<vmem>>
        %dma_start3A_148 = arith.constant 0 : i32
        %dma_start3A_149 = arith.constant 0 : i32
        %dma_start3A_150 = tpu.memref_slice %arg9[%dma_start3A_148, %dma_start3A_149] : memref<10240x128xf32, #tpu.memory_space<vmem_shared>> -> memref<10240x128xf32, #tpu.memory_space<vmem_shared>>
        tpu.enqueue_indirect_dma source(%dma_start3A_144 : memref<128x128xf32, #tpu.memory_space<vmem>>) target(%dma_start3A_150 : memref<10240x128xf32, #tpu.memory_space<vmem_shared>>) offsets(%dma_start3A_147 : memref<128xi32, #tpu.memory_space<vmem>>) semaphore(%run_scoped3A_140 : memref<!tpu.dma_semaphore, #tpu.memory_space<semaphore_mem>>) {add = true}
        %dma_wait3A_151 = arith.constant 0 : i32
        %dma_wait3A_152 = arith.constant 0 : i32
        %dma_wait3A_153 = tpu.memref_slice %arg6[%run_scoped3A_139, %dma_wait3A_151, %dma_wait3A_152] : memref<2x128x128xf32, #tpu.memory_space<vmem>> -> memref<1x128x128xf32, #tpu.memory_space<vmem>>
        %dma_wait3A_154 = tpu.memref_squeeze %dma_wait3A_153 : memref<1x128x128xf32, #tpu.memory_space<vmem>> -> memref<128x128xf32, #tpu.memory_space<vmem>>
        %dma_wait3A_155 = arith.constant 0 : i32
        %dma_wait3A_156 = tpu.memref_slice %arg8[%add3A_138, %dma_wait3A_155] : memref<40x128xi32, #tpu.memory_space<vmem>> -> memref<1x128xi32, #tpu.memory_space<vmem>>
        %dma_wait3A_157 = tpu.memref_squeeze %dma_wait3A_156 : memref<1x128xi32, #tpu.memory_space<vmem>> -> memref<128xi32, #tpu.memory_space<vmem>>
        %dma_wait3A_158 = arith.constant 0 : i32
        %dma_wait3A_159 = arith.constant 0 : i32
        %dma_wait3A_160 = tpu.memref_slice %arg9[%dma_wait3A_158, %dma_wait3A_159] : memref<10240x128xf32, #tpu.memory_space<vmem_shared>> -> memref<10240x128xf32, #tpu.memory_space<vmem_shared>>
        tpu.wait_indirect_dma semaphore(%run_scoped3A_140 : memref<!tpu.dma_semaphore, #tpu.memory_space<semaphore_mem>>) src(%dma_wait3A_154 : memref<128x128xf32, #tpu.memory_space<vmem>>) dst(%dma_wait3A_160 : memref<10240x128xf32, #tpu.memory_space<vmem_shared>>)
        tpu.yield
      }) : () -> ()
    }
    %scan3A_69 = arith.constant 20 : i32
    %barrier3A_70 = arith.constant 0 : index
    tpu.barrier barrier_id(%barrier3A_70)
    %mul3A_71 = arith.constant 640 : i32
    %mul3A_72 = arith.muli %arg1, %mul3A_71 : i32
    %add3A_73 = arith.constant 0 : i32
    %add3A_74 = arith.addi %mul3A_72, %add3A_73 : i32
    "tpu.region"() ({
      %run_scoped3A_91 = tpu.sem_alloc : memref<!tpu.dma_semaphore, #tpu.memory_space<semaphore_mem>>
      %dma_start3A_92 = arith.constant 0 : i32
      %dma_start3A_93 = tpu.memref_slice %arg5[%arg0, %add3A_74, %dma_start3A_92] : memref<2x10240x128xf32, #tpu.memory_space<hbm>> -> memref<1x128x128xf32, #tpu.memory_space<hbm>>
      %dma_start3A_94 = tpu.memref_squeeze %dma_start3A_93 : memref<1x128x128xf32, #tpu.memory_space<hbm>> -> memref<128x128xf32, #tpu.memory_space<hbm>>
      %dma_start3A_95 = arith.constant 0 : i32
      %dma_start3A_96 = tpu.memref_slice %arg9[%add3A_74, %dma_start3A_95] : memref<10240x128xf32, #tpu.memory_space<vmem_shared>> -> memref<128x128xf32, #tpu.memory_space<vmem_shared>>
      tpu.enqueue_dma source(%dma_start3A_96 : memref<128x128xf32, #tpu.memory_space<vmem_shared>>) target(%dma_start3A_94 : memref<128x128xf32, #tpu.memory_space<hbm>>) target_semaphore(%run_scoped3A_91 : memref<!tpu.dma_semaphore, #tpu.memory_space<semaphore_mem>>)
      %dma_wait3A = arith.constant 0 : i32
      %dma_wait3A_97 = tpu.memref_slice %arg5[%arg0, %add3A_74, %dma_wait3A] : memref<2x10240x128xf32, #tpu.memory_space<hbm>> -> memref<1x128x128xf32, #tpu.memory_space<hbm>>
      %dma_wait3A_98 = tpu.memref_squeeze %dma_wait3A_97 : memref<1x128x128xf32, #tpu.memory_space<hbm>> -> memref<128x128xf32, #tpu.memory_space<hbm>>
      %dma_wait3A_99 = arith.constant 0 : i32
      %dma_wait3A_100 = tpu.memref_slice %arg9[%add3A_74, %dma_wait3A_99] : memref<10240x128xf32, #tpu.memory_space<vmem_shared>> -> memref<128x128xf32, #tpu.memory_space<vmem_shared>>
      tpu.wait_dma2 semaphore(%run_scoped3A_91 : memref<!tpu.dma_semaphore, #tpu.memory_space<semaphore_mem>>) src(%dma_wait3A_100 : memref<128x128xf32, #tpu.memory_space<vmem_shared>>) dst(%dma_wait3A_98 : memref<128x128xf32, #tpu.memory_space<hbm>>)
      tpu.yield
    }) : () -> ()
    %mul3A_75 = arith.constant 640 : i32
    %mul3A_76 = arith.muli %arg1, %mul3A_75 : i32
    %add3A_77 = arith.constant 128 : i32
    %add3A_78 = arith.addi %mul3A_76, %add3A_77 : i32
    "tpu.region"() ({
      %run_scoped3A_91 = tpu.sem_alloc : memref<!tpu.dma_semaphore, #tpu.memory_space<semaphore_mem>>
      %dma_start3A_92 = arith.constant 0 : i32
      %dma_start3A_93 = tpu.memref_slice %arg5[%arg0, %add3A_78, %dma_start3A_92] : memref<2x10240x128xf32, #tpu.memory_space<hbm>> -> memref<1x128x128xf32, #tpu.memory_space<hbm>>
      %dma_start3A_94 = tpu.memref_squeeze %dma_start3A_93 : memref<1x128x128xf32, #tpu.memory_space<hbm>> -> memref<128x128xf32, #tpu.memory_space<hbm>>
      %dma_start3A_95 = arith.constant 0 : i32
      %dma_start3A_96 = tpu.memref_slice %arg9[%add3A_78, %dma_start3A_95] : memref<10240x128xf32, #tpu.memory_space<vmem_shared>> -> memref<128x128xf32, #tpu.memory_space<vmem_shared>>
      tpu.enqueue_dma source(%dma_start3A_96 : memref<128x128xf32, #tpu.memory_space<vmem_shared>>) target(%dma_start3A_94 : memref<128x128xf32, #tpu.memory_space<hbm>>) target_semaphore(%run_scoped3A_91 : memref<!tpu.dma_semaphore, #tpu.memory_space<semaphore_mem>>)
      %dma_wait3A = arith.constant 0 : i32
      %dma_wait3A_97 = tpu.memref_slice %arg5[%arg0, %add3A_78, %dma_wait3A] : memref<2x10240x128xf32, #tpu.memory_space<hbm>> -> memref<1x128x128xf32, #tpu.memory_space<hbm>>
      %dma_wait3A_98 = tpu.memref_squeeze %dma_wait3A_97 : memref<1x128x128xf32, #tpu.memory_space<hbm>> -> memref<128x128xf32, #tpu.memory_space<hbm>>
      %dma_wait3A_99 = arith.constant 0 : i32
      %dma_wait3A_100 = tpu.memref_slice %arg9[%add3A_78, %dma_wait3A_99] : memref<10240x128xf32, #tpu.memory_space<vmem_shared>> -> memref<128x128xf32, #tpu.memory_space<vmem_shared>>
      tpu.wait_dma2 semaphore(%run_scoped3A_91 : memref<!tpu.dma_semaphore, #tpu.memory_space<semaphore_mem>>) src(%dma_wait3A_100 : memref<128x128xf32, #tpu.memory_space<vmem_shared>>) dst(%dma_wait3A_98 : memref<128x128xf32, #tpu.memory_space<hbm>>)
      tpu.yield
    }) : () -> ()
    %mul3A_79 = arith.constant 640 : i32
    %mul3A_80 = arith.muli %arg1, %mul3A_79 : i32
    %add3A_81 = arith.constant 256 : i32
    %add3A_82 = arith.addi %mul3A_80, %add3A_81 : i32
    "tpu.region"() ({
      %run_scoped3A_91 = tpu.sem_alloc : memref<!tpu.dma_semaphore, #tpu.memory_space<semaphore_mem>>
      %dma_start3A_92 = arith.constant 0 : i32
      %dma_start3A_93 = tpu.memref_slice %arg5[%arg0, %add3A_82, %dma_start3A_92] : memref<2x10240x128xf32, #tpu.memory_space<hbm>> -> memref<1x128x128xf32, #tpu.memory_space<hbm>>
      %dma_start3A_94 = tpu.memref_squeeze %dma_start3A_93 : memref<1x128x128xf32, #tpu.memory_space<hbm>> -> memref<128x128xf32, #tpu.memory_space<hbm>>
      %dma_start3A_95 = arith.constant 0 : i32
      %dma_start3A_96 = tpu.memref_slice %arg9[%add3A_82, %dma_start3A_95] : memref<10240x128xf32, #tpu.memory_space<vmem_shared>> -> memref<128x128xf32, #tpu.memory_space<vmem_shared>>
      tpu.enqueue_dma source(%dma_start3A_96 : memref<128x128xf32, #tpu.memory_space<vmem_shared>>) target(%dma_start3A_94 : memref<128x128xf32, #tpu.memory_space<hbm>>) target_semaphore(%run_scoped3A_91 : memref<!tpu.dma_semaphore, #tpu.memory_space<semaphore_mem>>)
      %dma_wait3A = arith.constant 0 : i32
      %dma_wait3A_97 = tpu.memref_slice %arg5[%arg0, %add3A_82, %dma_wait3A] : memref<2x10240x128xf32, #tpu.memory_space<hbm>> -> memref<1x128x128xf32, #tpu.memory_space<hbm>>
      %dma_wait3A_98 = tpu.memref_squeeze %dma_wait3A_97 : memref<1x128x128xf32, #tpu.memory_space<hbm>> -> memref<128x128xf32, #tpu.memory_space<hbm>>
      %dma_wait3A_99 = arith.constant 0 : i32
      %dma_wait3A_100 = tpu.memref_slice %arg9[%add3A_82, %dma_wait3A_99] : memref<10240x128xf32, #tpu.memory_space<vmem_shared>> -> memref<128x128xf32, #tpu.memory_space<vmem_shared>>
      tpu.wait_dma2 semaphore(%run_scoped3A_91 : memref<!tpu.dma_semaphore, #tpu.memory_space<semaphore_mem>>) src(%dma_wait3A_100 : memref<128x128xf32, #tpu.memory_space<vmem_shared>>) dst(%dma_wait3A_98 : memref<128x128xf32, #tpu.memory_space<hbm>>)
      tpu.yield
    }) : () -> ()
    %mul3A_83 = arith.constant 640 : i32
    %mul3A_84 = arith.muli %arg1, %mul3A_83 : i32
    %add3A_85 = arith.constant 384 : i32
    %add3A_86 = arith.addi %mul3A_84, %add3A_85 : i32
    "tpu.region"() ({
      %run_scoped3A_91 = tpu.sem_alloc : memref<!tpu.dma_semaphore, #tpu.memory_space<semaphore_mem>>
      %dma_start3A_92 = arith.constant 0 : i32
      %dma_start3A_93 = tpu.memref_slice %arg5[%arg0, %add3A_86, %dma_start3A_92] : memref<2x10240x128xf32, #tpu.memory_space<hbm>> -> memref<1x128x128xf32, #tpu.memory_space<hbm>>
      %dma_start3A_94 = tpu.memref_squeeze %dma_start3A_93 : memref<1x128x128xf32, #tpu.memory_space<hbm>> -> memref<128x128xf32, #tpu.memory_space<hbm>>
      %dma_start3A_95 = arith.constant 0 : i32
      %dma_start3A_96 = tpu.memref_slice %arg9[%add3A_86, %dma_start3A_95] : memref<10240x128xf32, #tpu.memory_space<vmem_shared>> -> memref<128x128xf32, #tpu.memory_space<vmem_shared>>
      tpu.enqueue_dma source(%dma_start3A_96 : memref<128x128xf32, #tpu.memory_space<vmem_shared>>) target(%dma_start3A_94 : memref<128x128xf32, #tpu.memory_space<hbm>>) target_semaphore(%run_scoped3A_91 : memref<!tpu.dma_semaphore, #tpu.memory_space<semaphore_mem>>)
      %dma_wait3A = arith.constant 0 : i32
      %dma_wait3A_97 = tpu.memref_slice %arg5[%arg0, %add3A_86, %dma_wait3A] : memref<2x10240x128xf32, #tpu.memory_space<hbm>> -> memref<1x128x128xf32, #tpu.memory_space<hbm>>
      %dma_wait3A_98 = tpu.memref_squeeze %dma_wait3A_97 : memref<1x128x128xf32, #tpu.memory_space<hbm>> -> memref<128x128xf32, #tpu.memory_space<hbm>>
      %dma_wait3A_99 = arith.constant 0 : i32
      %dma_wait3A_100 = tpu.memref_slice %arg9[%add3A_86, %dma_wait3A_99] : memref<10240x128xf32, #tpu.memory_space<vmem_shared>> -> memref<128x128xf32, #tpu.memory_space<vmem_shared>>
      tpu.wait_dma2 semaphore(%run_scoped3A_91 : memref<!tpu.dma_semaphore, #tpu.memory_space<semaphore_mem>>) src(%dma_wait3A_100 : memref<128x128xf32, #tpu.memory_space<vmem_shared>>) dst(%dma_wait3A_98 : memref<128x128xf32, #tpu.memory_space<hbm>>)
      tpu.yield
    }) : () -> ()
    %mul3A_87 = arith.constant 640 : i32
    %mul3A_88 = arith.muli %arg1, %mul3A_87 : i32
    %add3A_89 = arith.constant 512 : i32
    %add3A_90 = arith.addi %mul3A_88, %add3A_89 : i32
    "tpu.region"() ({
      %run_scoped3A_91 = tpu.sem_alloc : memref<!tpu.dma_semaphore, #tpu.memory_space<semaphore_mem>>
      %dma_start3A_92 = arith.constant 0 : i32
      %dma_start3A_93 = tpu.memref_slice %arg5[%arg0, %add3A_90, %dma_start3A_92] : memref<2x10240x128xf32, #tpu.memory_space<hbm>> -> memref<1x128x128xf32, #tpu.memory_space<hbm>>
      %dma_start3A_94 = tpu.memref_squeeze %dma_start3A_93 : memref<1x128x128xf32, #tpu.memory_space<hbm>> -> memref<128x128xf32, #tpu.memory_space<hbm>>
      %dma_start3A_95 = arith.constant 0 : i32
      %dma_start3A_96 = tpu.memref_slice %arg9[%add3A_90, %dma_start3A_95] : memref<10240x128xf32, #tpu.memory_space<vmem_shared>> -> memref<128x128xf32, #tpu.memory_space<vmem_shared>>
      tpu.enqueue_dma source(%dma_start3A_96 : memref<128x128xf32, #tpu.memory_space<vmem_shared>>) target(%dma_start3A_94 : memref<128x128xf32, #tpu.memory_space<hbm>>) target_semaphore(%run_scoped3A_91 : memref<!tpu.dma_semaphore, #tpu.memory_space<semaphore_mem>>)
      %dma_wait3A = arith.constant 0 : i32
      %dma_wait3A_97 = tpu.memref_slice %arg5[%arg0, %add3A_90, %dma_wait3A] : memref<2x10240x128xf32, #tpu.memory_space<hbm>> -> memref<1x128x128xf32, #tpu.memory_space<hbm>>
      %dma_wait3A_98 = tpu.memref_squeeze %dma_wait3A_97 : memref<1x128x128xf32, #tpu.memory_space<hbm>> -> memref<128x128xf32, #tpu.memory_space<hbm>>
      %dma_wait3A_99 = arith.constant 0 : i32
      %dma_wait3A_100 = tpu.memref_slice %arg9[%add3A_90, %dma_wait3A_99] : memref<10240x128xf32, #tpu.memory_space<vmem_shared>> -> memref<128x128xf32, #tpu.memory_space<vmem_shared>>
      tpu.wait_dma2 semaphore(%run_scoped3A_91 : memref<!tpu.dma_semaphore, #tpu.memory_space<semaphore_mem>>) src(%dma_wait3A_100 : memref<128x128xf32, #tpu.memory_space<vmem_shared>>) dst(%dma_wait3A_98 : memref<128x128xf32, #tpu.memory_space<hbm>>)
      tpu.yield
    }) : () -> ()
    return
  }
}

#map = affine_map<(d0, d1) -> (0, 0)>
#map1 = affine_map<(d0, d1) -> (0, 0, 0)>
module attributes {stable_mosaic.version = 14 : i64} {
  func.func @_agg_body(%arg0: i32, %arg1: i32, %arg2: memref<10240x128xf32, #tpu.memory_space<hbm>>, %arg3: memref<2560x128xi32, #tpu.memory_space<hbm>>, %arg4: memref<2560x128xi32, #tpu.memory_space<hbm>>, %arg5: memref<2x10240x128xf32, #tpu.memory_space<hbm>>, %arg6: memref<2x128x128xf32, #tpu.memory_space<vmem>>, %arg7: memref<40x128xi32, #tpu.memory_space<vmem>>, %arg8: memref<40x128xi32, #tpu.memory_space<vmem>>, %arg9: memref<10240x128xf32, #tpu.memory_space<vmem_shared>>, %arg10: memref<!tpu.dma_semaphore, #tpu.memory_space<semaphore_mem>>, %arg11: memref<!tpu.dma_semaphore, #tpu.memory_space<semaphore_mem>>) attributes {dimension_semantics = [#tpu.dimension_semantics<core_parallel>, #tpu.dimension_semantics<subcore_parallel>], iteration_bounds = array<i64: 2, 16>, scalar_prefetch = 0 : i64, scratch_operands = 6 : i64, tpu.core_type = #tpu.core_type<sc_vector_subcore>, window_params = [{transform_indices = #map}, {transform_indices = #map}, {transform_indices = #map}, {transform_indices = #map1}]} {
    %mul3A = arith.constant 16 : i32
    %mul3A_0 = arith.muli %arg0, %mul3A : i32
    %add3A = arith.addi %mul3A_0, %arg1 : i32
    %scan3A = arith.constant 0 : i32
    %scan3A_1 = arith.constant 128 : i32
    %scan3A_2 = arith.addi %scan3A, %scan3A_1 : i32
    %scan3A_3 = arith.constant 1 : i32
    scf.for %scan3A_91 = %scan3A to %scan3A_2 step %scan3A_3  : i32 {
      %mul3A_92 = arith.constant 1 : i32
      %mul3A_93 = arith.muli %scan3A_91, %mul3A_92 : i32
      %add3A_94 = arith.constant 0 : i32
      %add3A_95 = arith.addi %add3A_94, %mul3A_93 : i32
      %broadcast_in_dim3A = arith.constant 0.000000e+00 : f32
      %broadcast_in_dim3A_96 = vector.broadcast %broadcast_in_dim3A : f32 to vector<16xf32>
      %swap3A = arith.constant 0 : i32
      %swap3A_97 = arith.index_cast %swap3A : i32 to index
      %swap3A_98 = arith.index_cast %add3A_95 : i32 to index
      %swap3A_99 = arith.constant 0 : index
      %swap3A_100 = tpu.vector_load %arg6[%swap3A_97, %swap3A_98, %swap3A_99] {strides = array<i32>} : memref<2x128x128xf32, #tpu.memory_space<vmem>>, vector<1x1x16xf32>,
      %swap3A_101 = vector.shape_cast %swap3A_100 : vector<1x1x16xf32> to vector<16xf32>
      %swap3A_102 = vector.shape_cast %broadcast_in_dim3A_96 : vector<16xf32> to vector<1x1x16xf32>
      tpu.vector_store %arg6[%swap3A_97, %swap3A_98, %swap3A_99], %swap3A_102 {strides = array<i32>} : memref<2x128x128xf32, #tpu.memory_space<vmem>>, vector<1x1x16xf32>,
      %broadcast_in_dim3A_103 = arith.constant 0.000000e+00 : f32
      %broadcast_in_dim3A_104 = vector.broadcast %broadcast_in_dim3A_103 : f32 to vector<16xf32>
      %swap3A_105 = arith.constant 0 : i32
      %swap3A_106 = arith.index_cast %swap3A_105 : i32 to index
      %swap3A_107 = arith.index_cast %add3A_95 : i32 to index
      %swap3A_108 = arith.constant 16 : index
      %swap3A_109 = tpu.vector_load %arg6[%swap3A_106, %swap3A_107, %swap3A_108] {strides = array<i32>} : memref<2x128x128xf32, #tpu.memory_space<vmem>>, vector<1x1x16xf32>,
      %swap3A_110 = vector.shape_cast %swap3A_109 : vector<1x1x16xf32> to vector<16xf32>
      %swap3A_111 = vector.shape_cast %broadcast_in_dim3A_104 : vector<16xf32> to vector<1x1x16xf32>
      tpu.vector_store %arg6[%swap3A_106, %swap3A_107, %swap3A_108], %swap3A_111 {strides = array<i32>} : memref<2x128x128xf32, #tpu.memory_space<vmem>>, vector<1x1x16xf32>,
      %broadcast_in_dim3A_112 = arith.constant 0.000000e+00 : f32
      %broadcast_in_dim3A_113 = vector.broadcast %broadcast_in_dim3A_112 : f32 to vector<16xf32>
      %swap3A_114 = arith.constant 0 : i32
      %swap3A_115 = arith.index_cast %swap3A_114 : i32 to index
      %swap3A_116 = arith.index_cast %add3A_95 : i32 to index
      %swap3A_117 = arith.constant 32 : index
      %swap3A_118 = tpu.vector_load %arg6[%swap3A_115, %swap3A_116, %swap3A_117] {strides = array<i32>} : memref<2x128x128xf32, #tpu.memory_space<vmem>>, vector<1x1x16xf32>,
      %swap3A_119 = vector.shape_cast %swap3A_118 : vector<1x1x16xf32> to vector<16xf32>
      %swap3A_120 = vector.shape_cast %broadcast_in_dim3A_113 : vector<16xf32> to vector<1x1x16xf32>
      tpu.vector_store %arg6[%swap3A_115, %swap3A_116, %swap3A_117], %swap3A_120 {strides = array<i32>} : memref<2x128x128xf32, #tpu.memory_space<vmem>>, vector<1x1x16xf32>,
      %broadcast_in_dim3A_121 = arith.constant 0.000000e+00 : f32
      %broadcast_in_dim3A_122 = vector.broadcast %broadcast_in_dim3A_121 : f32 to vector<16xf32>
      %swap3A_123 = arith.constant 0 : i32
      %swap3A_124 = arith.index_cast %swap3A_123 : i32 to index
      %swap3A_125 = arith.index_cast %add3A_95 : i32 to index
      %swap3A_126 = arith.constant 48 : index
      %swap3A_127 = tpu.vector_load %arg6[%swap3A_124, %swap3A_125, %swap3A_126] {strides = array<i32>} : memref<2x128x128xf32, #tpu.memory_space<vmem>>, vector<1x1x16xf32>,
      %swap3A_128 = vector.shape_cast %swap3A_127 : vector<1x1x16xf32> to vector<16xf32>
      %swap3A_129 = vector.shape_cast %broadcast_in_dim3A_122 : vector<16xf32> to vector<1x1x16xf32>
      tpu.vector_store %arg6[%swap3A_124, %swap3A_125, %swap3A_126], %swap3A_129 {strides = array<i32>} : memref<2x128x128xf32, #tpu.memory_space<vmem>>, vector<1x1x16xf32>,
      %broadcast_in_dim3A_130 = arith.constant 0.000000e+00 : f32
      %broadcast_in_dim3A_131 = vector.broadcast %broadcast_in_dim3A_130 : f32 to vector<16xf32>
      %swap3A_132 = arith.constant 0 : i32
      %swap3A_133 = arith.index_cast %swap3A_132 : i32 to index
      %swap3A_134 = arith.index_cast %add3A_95 : i32 to index
      %swap3A_135 = arith.constant 64 : index
      %swap3A_136 = tpu.vector_load %arg6[%swap3A_133, %swap3A_134, %swap3A_135] {strides = array<i32>} : memref<2x128x128xf32, #tpu.memory_space<vmem>>, vector<1x1x16xf32>,
      %swap3A_137 = vector.shape_cast %swap3A_136 : vector<1x1x16xf32> to vector<16xf32>
      %swap3A_138 = vector.shape_cast %broadcast_in_dim3A_131 : vector<16xf32> to vector<1x1x16xf32>
      tpu.vector_store %arg6[%swap3A_133, %swap3A_134, %swap3A_135], %swap3A_138 {strides = array<i32>} : memref<2x128x128xf32, #tpu.memory_space<vmem>>, vector<1x1x16xf32>,
      %broadcast_in_dim3A_139 = arith.constant 0.000000e+00 : f32
      %broadcast_in_dim3A_140 = vector.broadcast %broadcast_in_dim3A_139 : f32 to vector<16xf32>
      %swap3A_141 = arith.constant 0 : i32
      %swap3A_142 = arith.index_cast %swap3A_141 : i32 to index
      %swap3A_143 = arith.index_cast %add3A_95 : i32 to index
      %swap3A_144 = arith.constant 80 : index
      %swap3A_145 = tpu.vector_load %arg6[%swap3A_142, %swap3A_143, %swap3A_144] {strides = array<i32>} : memref<2x128x128xf32, #tpu.memory_space<vmem>>, vector<1x1x16xf32>,
      %swap3A_146 = vector.shape_cast %swap3A_145 : vector<1x1x16xf32> to vector<16xf32>
      %swap3A_147 = vector.shape_cast %broadcast_in_dim3A_140 : vector<16xf32> to vector<1x1x16xf32>
      tpu.vector_store %arg6[%swap3A_142, %swap3A_143, %swap3A_144], %swap3A_147 {strides = array<i32>} : memref<2x128x128xf32, #tpu.memory_space<vmem>>, vector<1x1x16xf32>,
      %broadcast_in_dim3A_148 = arith.constant 0.000000e+00 : f32
      %broadcast_in_dim3A_149 = vector.broadcast %broadcast_in_dim3A_148 : f32 to vector<16xf32>
      %swap3A_150 = arith.constant 0 : i32
      %swap3A_151 = arith.index_cast %swap3A_150 : i32 to index
      %swap3A_152 = arith.index_cast %add3A_95 : i32 to index
      %swap3A_153 = arith.constant 96 : index
      %swap3A_154 = tpu.vector_load %arg6[%swap3A_151, %swap3A_152, %swap3A_153] {strides = array<i32>} : memref<2x128x128xf32, #tpu.memory_space<vmem>>, vector<1x1x16xf32>,
      %swap3A_155 = vector.shape_cast %swap3A_154 : vector<1x1x16xf32> to vector<16xf32>
      %swap3A_156 = vector.shape_cast %broadcast_in_dim3A_149 : vector<16xf32> to vector<1x1x16xf32>
      tpu.vector_store %arg6[%swap3A_151, %swap3A_152, %swap3A_153], %swap3A_156 {strides = array<i32>} : memref<2x128x128xf32, #tpu.memory_space<vmem>>, vector<1x1x16xf32>,
      %broadcast_in_dim3A_157 = arith.constant 0.000000e+00 : f32
      %broadcast_in_dim3A_158 = vector.broadcast %broadcast_in_dim3A_157 : f32 to vector<16xf32>
      %swap3A_159 = arith.constant 0 : i32
      %swap3A_160 = arith.index_cast %swap3A_159 : i32 to index
      %swap3A_161 = arith.index_cast %add3A_95 : i32 to index
      %swap3A_162 = arith.constant 112 : index
      %swap3A_163 = tpu.vector_load %arg6[%swap3A_160, %swap3A_161, %swap3A_162] {strides = array<i32>} : memref<2x128x128xf32, #tpu.memory_space<vmem>>, vector<1x1x16xf32>,
      %swap3A_164 = vector.shape_cast %swap3A_163 : vector<1x1x16xf32> to vector<16xf32>
      %swap3A_165 = vector.shape_cast %broadcast_in_dim3A_158 : vector<16xf32> to vector<1x1x16xf32>
      tpu.vector_store %arg6[%swap3A_160, %swap3A_161, %swap3A_162], %swap3A_165 {strides = array<i32>} : memref<2x128x128xf32, #tpu.memory_space<vmem>>, vector<1x1x16xf32>,
    }
    %scan3A_4 = arith.constant 128 : i32
    %mul3A_5 = arith.constant 640 : i32
    %mul3A_6 = arith.muli %arg1, %mul3A_5 : i32
    %add3A_7 = arith.constant 0 : i32
    %add3A_8 = arith.addi %mul3A_6, %add3A_7 : i32
    %run_scoped3A = arith.constant 0 : i32
    "tpu.region"() ({
      %run_scoped3A_91 = tpu.sem_alloc : memref<!tpu.dma_semaphore, #tpu.memory_space<semaphore_mem>>
      %dma_start3A_92 = arith.constant 0 : i32
      %dma_start3A_93 = arith.constant 0 : i32
      %dma_start3A_94 = tpu.memref_slice %arg6[%run_scoped3A, %dma_start3A_92, %dma_start3A_93] : memref<2x128x128xf32, #tpu.memory_space<vmem>> -> memref<1x128x128xf32, #tpu.memory_space<vmem>>
      %dma_start3A_95 = tpu.memref_squeeze %dma_start3A_94 : memref<1x128x128xf32, #tpu.memory_space<vmem>> -> memref<128x128xf32, #tpu.memory_space<vmem>>
      %dma_start3A_96 = arith.constant 0 : i32
      %dma_start3A_97 = tpu.memref_slice %arg9[%add3A_8, %dma_start3A_96] : memref<10240x128xf32, #tpu.memory_space<vmem_shared>> -> memref<128x128xf32, #tpu.memory_space<vmem_shared>>
      %dma_start3A_98 = arith.constant 0 : i32
      %dma_start3A_99 = tpu.memref_slice %arg9[%add3A_8, %dma_start3A_98] : memref<10240x128xf32, #tpu.memory_space<vmem_shared>> -> memref<128x128xf32, #tpu.memory_space<vmem_shared>>
      %dma_start3A_100 = arith.constant 0 : i32
      %dma_start3A_101 = arith.constant 0 : i32
      %dma_start3A_102 = tpu.memref_slice %arg6[%run_scoped3A, %dma_start3A_100, %dma_start3A_101] : memref<2x128x128xf32, #tpu.memory_space<vmem>> -> memref<1x128x128xf32, #tpu.memory_space<vmem>>
      %dma_start3A_103 = tpu.memref_squeeze %dma_start3A_102 : memref<1x128x128xf32, #tpu.memory_space<vmem>> -> memref<128x128xf32, #tpu.memory_space<vmem>>
      tpu.enqueue_dma source(%dma_start3A_103 : memref<128x128xf32, #tpu.memory_space<vmem>>) target(%dma_start3A_99 : memref<128x128xf32, #tpu.memory_space<vmem_shared>>) target_semaphore(%run_scoped3A_91 : memref<!tpu.dma_semaphore, #tpu.memory_space<semaphore_mem>>)
      %dma_wait3A = arith.constant 0 : i32
      %dma_wait3A_104 = arith.constant 0 : i32
      %dma_wait3A_105 = tpu.memref_slice %arg6[%run_scoped3A, %dma_wait3A, %dma_wait3A_104] : memref<2x128x128xf32, #tpu.memory_space<vmem>> -> memref<1x128x128xf32, #tpu.memory_space<vmem>>
      %dma_wait3A_106 = tpu.memref_squeeze %dma_wait3A_105 : memref<1x128x128xf32, #tpu.memory_space<vmem>> -> memref<128x128xf32, #tpu.memory_space<vmem>>
      %dma_wait3A_107 = arith.constant 0 : i32
      %dma_wait3A_108 = tpu.memref_slice %arg9[%add3A_8, %dma_wait3A_107] : memref<10240x128xf32, #tpu.memory_space<vmem_shared>> -> memref<128x128xf32, #tpu.memory_space<vmem_shared>>
      %dma_wait3A_109 = arith.constant 0 : i32
      %dma_wait3A_110 = tpu.memref_slice %arg9[%add3A_8, %dma_wait3A_109] : memref<10240x128xf32, #tpu.memory_space<vmem_shared>> -> memref<128x128xf32, #tpu.memory_space<vmem_shared>>
      %dma_wait3A_111 = arith.constant 0 : i32
      %dma_wait3A_112 = arith.constant 0 : i32
      %dma_wait3A_113 = tpu.memref_slice %arg6[%run_scoped3A, %dma_wait3A_111, %dma_wait3A_112] : memref<2x128x128xf32, #tpu.memory_space<vmem>> -> memref<1x128x128xf32, #tpu.memory_space<vmem>>
      %dma_wait3A_114 = tpu.memref_squeeze %dma_wait3A_113 : memref<1x128x128xf32, #tpu.memory_space<vmem>> -> memref<128x128xf32, #tpu.memory_space<vmem>>
      tpu.wait_dma2 semaphore(%run_scoped3A_91 : memref<!tpu.dma_semaphore, #tpu.memory_space<semaphore_mem>>) src(%dma_wait3A_114 : memref<128x128xf32, #tpu.memory_space<vmem>>) dst(%dma_wait3A_110 : memref<128x128xf32, #tpu.memory_space<vmem_shared>>)
      tpu.yield
    }) : () -> ()
    %mul3A_9 = arith.constant 640 : i32
    %mul3A_10 = arith.muli %arg1, %mul3A_9 : i32
    %add3A_11 = arith.constant 128 : i32
    %add3A_12 = arith.addi %mul3A_10, %add3A_11 : i32
    %run_scoped3A_13 = arith.constant 0 : i32
    "tpu.region"() ({
      %run_scoped3A_91 = tpu.sem_alloc : memref<!tpu.dma_semaphore, #tpu.memory_space<semaphore_mem>>
      %dma_start3A_92 = arith.constant 0 : i32
      %dma_start3A_93 = arith.constant 0 : i32
      %dma_start3A_94 = tpu.memref_slice %arg6[%run_scoped3A_13, %dma_start3A_92, %dma_start3A_93] : memref<2x128x128xf32, #tpu.memory_space<vmem>> -> memref<1x128x128xf32, #tpu.memory_space<vmem>>
      %dma_start3A_95 = tpu.memref_squeeze %dma_start3A_94 : memref<1x128x128xf32, #tpu.memory_space<vmem>> -> memref<128x128xf32, #tpu.memory_space<vmem>>
      %dma_start3A_96 = arith.constant 0 : i32
      %dma_start3A_97 = tpu.memref_slice %arg9[%add3A_12, %dma_start3A_96] : memref<10240x128xf32, #tpu.memory_space<vmem_shared>> -> memref<128x128xf32, #tpu.memory_space<vmem_shared>>
      %dma_start3A_98 = arith.constant 0 : i32
      %dma_start3A_99 = tpu.memref_slice %arg9[%add3A_12, %dma_start3A_98] : memref<10240x128xf32, #tpu.memory_space<vmem_shared>> -> memref<128x128xf32, #tpu.memory_space<vmem_shared>>
      %dma_start3A_100 = arith.constant 0 : i32
      %dma_start3A_101 = arith.constant 0 : i32
      %dma_start3A_102 = tpu.memref_slice %arg6[%run_scoped3A_13, %dma_start3A_100, %dma_start3A_101] : memref<2x128x128xf32, #tpu.memory_space<vmem>> -> memref<1x128x128xf32, #tpu.memory_space<vmem>>
      %dma_start3A_103 = tpu.memref_squeeze %dma_start3A_102 : memref<1x128x128xf32, #tpu.memory_space<vmem>> -> memref<128x128xf32, #tpu.memory_space<vmem>>
      tpu.enqueue_dma source(%dma_start3A_103 : memref<128x128xf32, #tpu.memory_space<vmem>>) target(%dma_start3A_99 : memref<128x128xf32, #tpu.memory_space<vmem_shared>>) target_semaphore(%run_scoped3A_91 : memref<!tpu.dma_semaphore, #tpu.memory_space<semaphore_mem>>)
      %dma_wait3A = arith.constant 0 : i32
      %dma_wait3A_104 = arith.constant 0 : i32
      %dma_wait3A_105 = tpu.memref_slice %arg6[%run_scoped3A_13, %dma_wait3A, %dma_wait3A_104] : memref<2x128x128xf32, #tpu.memory_space<vmem>> -> memref<1x128x128xf32, #tpu.memory_space<vmem>>
      %dma_wait3A_106 = tpu.memref_squeeze %dma_wait3A_105 : memref<1x128x128xf32, #tpu.memory_space<vmem>> -> memref<128x128xf32, #tpu.memory_space<vmem>>
      %dma_wait3A_107 = arith.constant 0 : i32
      %dma_wait3A_108 = tpu.memref_slice %arg9[%add3A_12, %dma_wait3A_107] : memref<10240x128xf32, #tpu.memory_space<vmem_shared>> -> memref<128x128xf32, #tpu.memory_space<vmem_shared>>
      %dma_wait3A_109 = arith.constant 0 : i32
      %dma_wait3A_110 = tpu.memref_slice %arg9[%add3A_12, %dma_wait3A_109] : memref<10240x128xf32, #tpu.memory_space<vmem_shared>> -> memref<128x128xf32, #tpu.memory_space<vmem_shared>>
      %dma_wait3A_111 = arith.constant 0 : i32
      %dma_wait3A_112 = arith.constant 0 : i32
      %dma_wait3A_113 = tpu.memref_slice %arg6[%run_scoped3A_13, %dma_wait3A_111, %dma_wait3A_112] : memref<2x128x128xf32, #tpu.memory_space<vmem>> -> memref<1x128x128xf32, #tpu.memory_space<vmem>>
      %dma_wait3A_114 = tpu.memref_squeeze %dma_wait3A_113 : memref<1x128x128xf32, #tpu.memory_space<vmem>> -> memref<128x128xf32, #tpu.memory_space<vmem>>
      tpu.wait_dma2 semaphore(%run_scoped3A_91 : memref<!tpu.dma_semaphore, #tpu.memory_space<semaphore_mem>>) src(%dma_wait3A_114 : memref<128x128xf32, #tpu.memory_space<vmem>>) dst(%dma_wait3A_110 : memref<128x128xf32, #tpu.memory_space<vmem_shared>>)
      tpu.yield
    }) : () -> ()
    %mul3A_14 = arith.constant 640 : i32
    %mul3A_15 = arith.muli %arg1, %mul3A_14 : i32
    %add3A_16 = arith.constant 256 : i32
    %add3A_17 = arith.addi %mul3A_15, %add3A_16 : i32
    %run_scoped3A_18 = arith.constant 0 : i32
    "tpu.region"() ({
      %run_scoped3A_91 = tpu.sem_alloc : memref<!tpu.dma_semaphore, #tpu.memory_space<semaphore_mem>>
      %dma_start3A_92 = arith.constant 0 : i32
      %dma_start3A_93 = arith.constant 0 : i32
      %dma_start3A_94 = tpu.memref_slice %arg6[%run_scoped3A_18, %dma_start3A_92, %dma_start3A_93] : memref<2x128x128xf32, #tpu.memory_space<vmem>> -> memref<1x128x128xf32, #tpu.memory_space<vmem>>
      %dma_start3A_95 = tpu.memref_squeeze %dma_start3A_94 : memref<1x128x128xf32, #tpu.memory_space<vmem>> -> memref<128x128xf32, #tpu.memory_space<vmem>>
      %dma_start3A_96 = arith.constant 0 : i32
      %dma_start3A_97 = tpu.memref_slice %arg9[%add3A_17, %dma_start3A_96] : memref<10240x128xf32, #tpu.memory_space<vmem_shared>> -> memref<128x128xf32, #tpu.memory_space<vmem_shared>>
      %dma_start3A_98 = arith.constant 0 : i32
      %dma_start3A_99 = tpu.memref_slice %arg9[%add3A_17, %dma_start3A_98] : memref<10240x128xf32, #tpu.memory_space<vmem_shared>> -> memref<128x128xf32, #tpu.memory_space<vmem_shared>>
      %dma_start3A_100 = arith.constant 0 : i32
      %dma_start3A_101 = arith.constant 0 : i32
      %dma_start3A_102 = tpu.memref_slice %arg6[%run_scoped3A_18, %dma_start3A_100, %dma_start3A_101] : memref<2x128x128xf32, #tpu.memory_space<vmem>> -> memref<1x128x128xf32, #tpu.memory_space<vmem>>
      %dma_start3A_103 = tpu.memref_squeeze %dma_start3A_102 : memref<1x128x128xf32, #tpu.memory_space<vmem>> -> memref<128x128xf32, #tpu.memory_space<vmem>>
      tpu.enqueue_dma source(%dma_start3A_103 : memref<128x128xf32, #tpu.memory_space<vmem>>) target(%dma_start3A_99 : memref<128x128xf32, #tpu.memory_space<vmem_shared>>) target_semaphore(%run_scoped3A_91 : memref<!tpu.dma_semaphore, #tpu.memory_space<semaphore_mem>>)
      %dma_wait3A = arith.constant 0 : i32
      %dma_wait3A_104 = arith.constant 0 : i32
      %dma_wait3A_105 = tpu.memref_slice %arg6[%run_scoped3A_18, %dma_wait3A, %dma_wait3A_104] : memref<2x128x128xf32, #tpu.memory_space<vmem>> -> memref<1x128x128xf32, #tpu.memory_space<vmem>>
      %dma_wait3A_106 = tpu.memref_squeeze %dma_wait3A_105 : memref<1x128x128xf32, #tpu.memory_space<vmem>> -> memref<128x128xf32, #tpu.memory_space<vmem>>
      %dma_wait3A_107 = arith.constant 0 : i32
      %dma_wait3A_108 = tpu.memref_slice %arg9[%add3A_17, %dma_wait3A_107] : memref<10240x128xf32, #tpu.memory_space<vmem_shared>> -> memref<128x128xf32, #tpu.memory_space<vmem_shared>>
      %dma_wait3A_109 = arith.constant 0 : i32
      %dma_wait3A_110 = tpu.memref_slice %arg9[%add3A_17, %dma_wait3A_109] : memref<10240x128xf32, #tpu.memory_space<vmem_shared>> -> memref<128x128xf32, #tpu.memory_space<vmem_shared>>
      %dma_wait3A_111 = arith.constant 0 : i32
      %dma_wait3A_112 = arith.constant 0 : i32
      %dma_wait3A_113 = tpu.memref_slice %arg6[%run_scoped3A_18, %dma_wait3A_111, %dma_wait3A_112] : memref<2x128x128xf32, #tpu.memory_space<vmem>> -> memref<1x128x128xf32, #tpu.memory_space<vmem>>
      %dma_wait3A_114 = tpu.memref_squeeze %dma_wait3A_113 : memref<1x128x128xf32, #tpu.memory_space<vmem>> -> memref<128x128xf32, #tpu.memory_space<vmem>>
      tpu.wait_dma2 semaphore(%run_scoped3A_91 : memref<!tpu.dma_semaphore, #tpu.memory_space<semaphore_mem>>) src(%dma_wait3A_114 : memref<128x128xf32, #tpu.memory_space<vmem>>) dst(%dma_wait3A_110 : memref<128x128xf32, #tpu.memory_space<vmem_shared>>)
      tpu.yield
    }) : () -> ()
    %mul3A_19 = arith.constant 640 : i32
    %mul3A_20 = arith.muli %arg1, %mul3A_19 : i32
    %add3A_21 = arith.constant 384 : i32
    %add3A_22 = arith.addi %mul3A_20, %add3A_21 : i32
    %run_scoped3A_23 = arith.constant 0 : i32
    "tpu.region"() ({
      %run_scoped3A_91 = tpu.sem_alloc : memref<!tpu.dma_semaphore, #tpu.memory_space<semaphore_mem>>
      %dma_start3A_92 = arith.constant 0 : i32
      %dma_start3A_93 = arith.constant 0 : i32
      %dma_start3A_94 = tpu.memref_slice %arg6[%run_scoped3A_23, %dma_start3A_92, %dma_start3A_93] : memref<2x128x128xf32, #tpu.memory_space<vmem>> -> memref<1x128x128xf32, #tpu.memory_space<vmem>>
      %dma_start3A_95 = tpu.memref_squeeze %dma_start3A_94 : memref<1x128x128xf32, #tpu.memory_space<vmem>> -> memref<128x128xf32, #tpu.memory_space<vmem>>
      %dma_start3A_96 = arith.constant 0 : i32
      %dma_start3A_97 = tpu.memref_slice %arg9[%add3A_22, %dma_start3A_96] : memref<10240x128xf32, #tpu.memory_space<vmem_shared>> -> memref<128x128xf32, #tpu.memory_space<vmem_shared>>
      %dma_start3A_98 = arith.constant 0 : i32
      %dma_start3A_99 = tpu.memref_slice %arg9[%add3A_22, %dma_start3A_98] : memref<10240x128xf32, #tpu.memory_space<vmem_shared>> -> memref<128x128xf32, #tpu.memory_space<vmem_shared>>
      %dma_start3A_100 = arith.constant 0 : i32
      %dma_start3A_101 = arith.constant 0 : i32
      %dma_start3A_102 = tpu.memref_slice %arg6[%run_scoped3A_23, %dma_start3A_100, %dma_start3A_101] : memref<2x128x128xf32, #tpu.memory_space<vmem>> -> memref<1x128x128xf32, #tpu.memory_space<vmem>>
      %dma_start3A_103 = tpu.memref_squeeze %dma_start3A_102 : memref<1x128x128xf32, #tpu.memory_space<vmem>> -> memref<128x128xf32, #tpu.memory_space<vmem>>
      tpu.enqueue_dma source(%dma_start3A_103 : memref<128x128xf32, #tpu.memory_space<vmem>>) target(%dma_start3A_99 : memref<128x128xf32, #tpu.memory_space<vmem_shared>>) target_semaphore(%run_scoped3A_91 : memref<!tpu.dma_semaphore, #tpu.memory_space<semaphore_mem>>)
      %dma_wait3A = arith.constant 0 : i32
      %dma_wait3A_104 = arith.constant 0 : i32
      %dma_wait3A_105 = tpu.memref_slice %arg6[%run_scoped3A_23, %dma_wait3A, %dma_wait3A_104] : memref<2x128x128xf32, #tpu.memory_space<vmem>> -> memref<1x128x128xf32, #tpu.memory_space<vmem>>
      %dma_wait3A_106 = tpu.memref_squeeze %dma_wait3A_105 : memref<1x128x128xf32, #tpu.memory_space<vmem>> -> memref<128x128xf32, #tpu.memory_space<vmem>>
      %dma_wait3A_107 = arith.constant 0 : i32
      %dma_wait3A_108 = tpu.memref_slice %arg9[%add3A_22, %dma_wait3A_107] : memref<10240x128xf32, #tpu.memory_space<vmem_shared>> -> memref<128x128xf32, #tpu.memory_space<vmem_shared>>
      %dma_wait3A_109 = arith.constant 0 : i32
      %dma_wait3A_110 = tpu.memref_slice %arg9[%add3A_22, %dma_wait3A_109] : memref<10240x128xf32, #tpu.memory_space<vmem_shared>> -> memref<128x128xf32, #tpu.memory_space<vmem_shared>>
      %dma_wait3A_111 = arith.constant 0 : i32
      %dma_wait3A_112 = arith.constant 0 : i32
      %dma_wait3A_113 = tpu.memref_slice %arg6[%run_scoped3A_23, %dma_wait3A_111, %dma_wait3A_112] : memref<2x128x128xf32, #tpu.memory_space<vmem>> -> memref<1x128x128xf32, #tpu.memory_space<vmem>>
      %dma_wait3A_114 = tpu.memref_squeeze %dma_wait3A_113 : memref<1x128x128xf32, #tpu.memory_space<vmem>> -> memref<128x128xf32, #tpu.memory_space<vmem>>
      tpu.wait_dma2 semaphore(%run_scoped3A_91 : memref<!tpu.dma_semaphore, #tpu.memory_space<semaphore_mem>>) src(%dma_wait3A_114 : memref<128x128xf32, #tpu.memory_space<vmem>>) dst(%dma_wait3A_110 : memref<128x128xf32, #tpu.memory_space<vmem_shared>>)
      tpu.yield
    }) : () -> ()
    %mul3A_24 = arith.constant 640 : i32
    %mul3A_25 = arith.muli %arg1, %mul3A_24 : i32
    %add3A_26 = arith.constant 512 : i32
    %add3A_27 = arith.addi %mul3A_25, %add3A_26 : i32
    %run_scoped3A_28 = arith.constant 0 : i32
    "tpu.region"() ({
      %run_scoped3A_91 = tpu.sem_alloc : memref<!tpu.dma_semaphore, #tpu.memory_space<semaphore_mem>>
      %dma_start3A_92 = arith.constant 0 : i32
      %dma_start3A_93 = arith.constant 0 : i32
      %dma_start3A_94 = tpu.memref_slice %arg6[%run_scoped3A_28, %dma_start3A_92, %dma_start3A_93] : memref<2x128x128xf32, #tpu.memory_space<vmem>> -> memref<1x128x128xf32, #tpu.memory_space<vmem>>
      %dma_start3A_95 = tpu.memref_squeeze %dma_start3A_94 : memref<1x128x128xf32, #tpu.memory_space<vmem>> -> memref<128x128xf32, #tpu.memory_space<vmem>>
      %dma_start3A_96 = arith.constant 0 : i32
      %dma_start3A_97 = tpu.memref_slice %arg9[%add3A_27, %dma_start3A_96] : memref<10240x128xf32, #tpu.memory_space<vmem_shared>> -> memref<128x128xf32, #tpu.memory_space<vmem_shared>>
      %dma_start3A_98 = arith.constant 0 : i32
      %dma_start3A_99 = tpu.memref_slice %arg9[%add3A_27, %dma_start3A_98] : memref<10240x128xf32, #tpu.memory_space<vmem_shared>> -> memref<128x128xf32, #tpu.memory_space<vmem_shared>>
      %dma_start3A_100 = arith.constant 0 : i32
      %dma_start3A_101 = arith.constant 0 : i32
      %dma_start3A_102 = tpu.memref_slice %arg6[%run_scoped3A_28, %dma_start3A_100, %dma_start3A_101] : memref<2x128x128xf32, #tpu.memory_space<vmem>> -> memref<1x128x128xf32, #tpu.memory_space<vmem>>
      %dma_start3A_103 = tpu.memref_squeeze %dma_start3A_102 : memref<1x128x128xf32, #tpu.memory_space<vmem>> -> memref<128x128xf32, #tpu.memory_space<vmem>>
      tpu.enqueue_dma source(%dma_start3A_103 : memref<128x128xf32, #tpu.memory_space<vmem>>) target(%dma_start3A_99 : memref<128x128xf32, #tpu.memory_space<vmem_shared>>) target_semaphore(%run_scoped3A_91 : memref<!tpu.dma_semaphore, #tpu.memory_space<semaphore_mem>>)
      %dma_wait3A = arith.constant 0 : i32
      %dma_wait3A_104 = arith.constant 0 : i32
      %dma_wait3A_105 = tpu.memref_slice %arg6[%run_scoped3A_28, %dma_wait3A, %dma_wait3A_104] : memref<2x128x128xf32, #tpu.memory_space<vmem>> -> memref<1x128x128xf32, #tpu.memory_space<vmem>>
      %dma_wait3A_106 = tpu.memref_squeeze %dma_wait3A_105 : memref<1x128x128xf32, #tpu.memory_space<vmem>> -> memref<128x128xf32, #tpu.memory_space<vmem>>
      %dma_wait3A_107 = arith.constant 0 : i32
      %dma_wait3A_108 = tpu.memref_slice %arg9[%add3A_27, %dma_wait3A_107] : memref<10240x128xf32, #tpu.memory_space<vmem_shared>> -> memref<128x128xf32, #tpu.memory_space<vmem_shared>>
      %dma_wait3A_109 = arith.constant 0 : i32
      %dma_wait3A_110 = tpu.memref_slice %arg9[%add3A_27, %dma_wait3A_109] : memref<10240x128xf32, #tpu.memory_space<vmem_shared>> -> memref<128x128xf32, #tpu.memory_space<vmem_shared>>
      %dma_wait3A_111 = arith.constant 0 : i32
      %dma_wait3A_112 = arith.constant 0 : i32
      %dma_wait3A_113 = tpu.memref_slice %arg6[%run_scoped3A_28, %dma_wait3A_111, %dma_wait3A_112] : memref<2x128x128xf32, #tpu.memory_space<vmem>> -> memref<1x128x128xf32, #tpu.memory_space<vmem>>
      %dma_wait3A_114 = tpu.memref_squeeze %dma_wait3A_113 : memref<1x128x128xf32, #tpu.memory_space<vmem>> -> memref<128x128xf32, #tpu.memory_space<vmem>>
      tpu.wait_dma2 semaphore(%run_scoped3A_91 : memref<!tpu.dma_semaphore, #tpu.memory_space<semaphore_mem>>) src(%dma_wait3A_114 : memref<128x128xf32, #tpu.memory_space<vmem>>) dst(%dma_wait3A_110 : memref<128x128xf32, #tpu.memory_space<vmem_shared>>)
      tpu.yield
    }) : () -> ()
    %barrier3A = arith.constant 0 : index
    tpu.barrier barrier_id(%barrier3A)
    %mul3A_29 = arith.constant 80 : i32
    %mul3A_30 = arith.muli %add3A, %mul3A_29 : i32
    %add3A_31 = arith.constant 0 : i32
    %add3A_32 = arith.addi %mul3A_30, %add3A_31 : i32
    "tpu.region"() ({
      %run_scoped3A_91 = tpu.sem_alloc : memref<!tpu.dma_semaphore, #tpu.memory_space<semaphore_mem>>
      %dma_start3A_92 = arith.constant 0 : i32
      %dma_start3A_93 = tpu.memref_slice %arg3[%add3A_32, %dma_start3A_92] : memref<2560x128xi32, #tpu.memory_space<hbm>> -> memref<40x128xi32, #tpu.memory_space<hbm>>
      %dma_start3A_94 = arith.constant 0 : i32
      %dma_start3A_95 = tpu.memref_slice %arg3[%add3A_32, %dma_start3A_94] : memref<2560x128xi32, #tpu.memory_space<hbm>> -> memref<40x128xi32, #tpu.memory_space<hbm>>
      tpu.enqueue_dma source(%dma_start3A_95 : memref<40x128xi32, #tpu.memory_space<hbm>>) target(%arg7 : memref<40x128xi32, #tpu.memory_space<vmem>>) target_semaphore(%run_scoped3A_91 : memref<!tpu.dma_semaphore, #tpu.memory_space<semaphore_mem>>)
      %dma_wait3A = arith.constant 0 : i32
      %dma_wait3A_96 = tpu.memref_slice %arg3[%add3A_32, %dma_wait3A] : memref<2560x128xi32, #tpu.memory_space<hbm>> -> memref<40x128xi32, #tpu.memory_space<hbm>>
      %dma_wait3A_97 = arith.constant 0 : i32
      %dma_wait3A_98 = tpu.memref_slice %arg3[%add3A_32, %dma_wait3A_97] : memref<2560x128xi32, #tpu.memory_space<hbm>> -> memref<40x128xi32, #tpu.memory_space<hbm>>
      tpu.wait_dma2 semaphore(%run_scoped3A_91 : memref<!tpu.dma_semaphore, #tpu.memory_space<semaphore_mem>>) src(%dma_wait3A_98 : memref<40x128xi32, #tpu.memory_space<hbm>>) dst(%arg7 : memref<40x128xi32, #tpu.memory_space<vmem>>)
      tpu.yield
    }) : () -> ()
    "tpu.region"() ({
      %run_scoped3A_91 = tpu.sem_alloc : memref<!tpu.dma_semaphore, #tpu.memory_space<semaphore_mem>>
      %dma_start3A_92 = arith.constant 0 : i32
      %dma_start3A_93 = tpu.memref_slice %arg4[%add3A_32, %dma_start3A_92] : memref<2560x128xi32, #tpu.memory_space<hbm>> -> memref<40x128xi32, #tpu.memory_space<hbm>>
      %dma_start3A_94 = arith.constant 0 : i32
      %dma_start3A_95 = tpu.memref_slice %arg4[%add3A_32, %dma_start3A_94] : memref<2560x128xi32, #tpu.memory_space<hbm>> -> memref<40x128xi32, #tpu.memory_space<hbm>>
      tpu.enqueue_dma source(%dma_start3A_95 : memref<40x128xi32, #tpu.memory_space<hbm>>) target(%arg8 : memref<40x128xi32, #tpu.memory_space<vmem>>) target_semaphore(%run_scoped3A_91 : memref<!tpu.dma_semaphore, #tpu.memory_space<semaphore_mem>>)
      %dma_wait3A = arith.constant 0 : i32
      %dma_wait3A_96 = tpu.memref_slice %arg4[%add3A_32, %dma_wait3A] : memref<2560x128xi32, #tpu.memory_space<hbm>> -> memref<40x128xi32, #tpu.memory_space<hbm>>
      %dma_wait3A_97 = arith.constant 0 : i32
      %dma_wait3A_98 = tpu.memref_slice %arg4[%add3A_32, %dma_wait3A_97] : memref<2560x128xi32, #tpu.memory_space<hbm>> -> memref<40x128xi32, #tpu.memory_space<hbm>>
      tpu.wait_dma2 semaphore(%run_scoped3A_91 : memref<!tpu.dma_semaphore, #tpu.memory_space<semaphore_mem>>) src(%dma_wait3A_98 : memref<40x128xi32, #tpu.memory_space<hbm>>) dst(%arg8 : memref<40x128xi32, #tpu.memory_space<vmem>>)
      tpu.yield
    }) : () -> ()
    %dma_start3A = arith.constant 0 : i32
    %dma_start3A_33 = arith.constant 0 : i32
    %dma_start3A_34 = arith.constant 0 : i32
    %dma_start3A_35 = arith.constant 0 : i32
    %dma_start3A_36 = tpu.memref_slice %arg6[%dma_start3A_33, %dma_start3A_34, %dma_start3A_35] : memref<2x128x128xf32, #tpu.memory_space<vmem>> -> memref<1x128x128xf32, #tpu.memory_space<vmem>>
    %dma_start3A_37 = tpu.memref_squeeze %dma_start3A_36 : memref<1x128x128xf32, #tpu.memory_space<vmem>> -> memref<128x128xf32, #tpu.memory_space<vmem>>
    %dma_start3A_38 = arith.constant 0 : i32
    %dma_start3A_39 = tpu.memref_slice %arg7[%dma_start3A, %dma_start3A_38] : memref<40x128xi32, #tpu.memory_space<vmem>> -> memref<1x128xi32, #tpu.memory_space<vmem>>
    %dma_start3A_40 = tpu.memref_squeeze %dma_start3A_39 : memref<1x128xi32, #tpu.memory_space<vmem>> -> memref<128xi32, #tpu.memory_space<vmem>>
    %dma_start3A_41 = arith.constant 0 : i32
    %dma_start3A_42 = arith.constant 0 : i32
    %dma_start3A_43 = tpu.memref_slice %arg2[%dma_start3A_41, %dma_start3A_42] : memref<10240x128xf32, #tpu.memory_space<hbm>> -> memref<10240x128xf32, #tpu.memory_space<hbm>>
    tpu.enqueue_indirect_dma source(%dma_start3A_43 : memref<10240x128xf32, #tpu.memory_space<hbm>>) target(%dma_start3A_37 : memref<128x128xf32, #tpu.memory_space<vmem>>) offsets(%dma_start3A_40 : memref<128xi32, #tpu.memory_space<vmem>>) semaphore(%arg10 : memref<!tpu.dma_semaphore, #tpu.memory_space<semaphore_mem>>)
    %scan3A_44 = arith.constant 0 : i32
    %scan3A_45 = arith.constant 20 : i32
    %scan3A_46 = arith.addi %scan3A_44, %scan3A_45 : i32
    %scan3A_47 = arith.constant 1 : i32
    scf.for %scan3A_91 = %scan3A_44 to %scan3A_46 step %scan3A_47  : i32 {
      %mul3A_92 = arith.constant 1 : i32
      %mul3A_93 = arith.muli %scan3A_91, %mul3A_92 : i32
      %add3A_94 = arith.constant 0 : i32
      %add3A_95 = arith.addi %add3A_94, %mul3A_93 : i32
      %mul3A_96 = arith.constant 2 : i32
      %mul3A_97 = arith.muli %add3A_95, %mul3A_96 : i32
      %add3A_98 = arith.constant 1 : i32
      %add3A_99 = arith.addi %mul3A_97, %add3A_98 : i32
      %dma_start3A_100 = arith.constant 1 : i32
      %dma_start3A_101 = arith.constant 0 : i32
      %dma_start3A_102 = arith.constant 0 : i32
      %dma_start3A_103 = tpu.memref_slice %arg6[%dma_start3A_100, %dma_start3A_101, %dma_start3A_102] : memref<2x128x128xf32, #tpu.memory_space<vmem>> -> memref<1x128x128xf32, #tpu.memory_space<vmem>>
      %dma_start3A_104 = tpu.memref_squeeze %dma_start3A_103 : memref<1x128x128xf32, #tpu.memory_space<vmem>> -> memref<128x128xf32, #tpu.memory_space<vmem>>
      %dma_start3A_105 = arith.constant 0 : i32
      %dma_start3A_106 = tpu.memref_slice %arg7[%add3A_99, %dma_start3A_105] : memref<40x128xi32, #tpu.memory_space<vmem>> -> memref<1x128xi32, #tpu.memory_space<vmem>>
      %dma_start3A_107 = tpu.memref_squeeze %dma_start3A_106 : memref<1x128xi32, #tpu.memory_space<vmem>> -> memref<128xi32, #tpu.memory_space<vmem>>
      %dma_start3A_108 = arith.constant 0 : i32
      %dma_start3A_109 = arith.constant 0 : i32
      %dma_start3A_110 = tpu.memref_slice %arg2[%dma_start3A_108, %dma_start3A_109] : memref<10240x128xf32, #tpu.memory_space<hbm>> -> memref<10240x128xf32, #tpu.memory_space<hbm>>
      tpu.enqueue_indirect_dma source(%dma_start3A_110 : memref<10240x128xf32, #tpu.memory_space<hbm>>) target(%dma_start3A_104 : memref<128x128xf32, #tpu.memory_space<vmem>>) offsets(%dma_start3A_107 : memref<128xi32, #tpu.memory_space<vmem>>) semaphore(%arg11 : memref<!tpu.dma_semaphore, #tpu.memory_space<semaphore_mem>>)
      %dma_wait3A = arith.constant 0 : i32
      %dma_wait3A_111 = arith.constant 0 : i32
      %dma_wait3A_112 = arith.constant 0 : i32
      %dma_wait3A_113 = tpu.memref_slice %arg6[%dma_wait3A, %dma_wait3A_111, %dma_wait3A_112] : memref<2x128x128xf32, #tpu.memory_space<vmem>> -> memref<1x128x128xf32, #tpu.memory_space<vmem>>
      %dma_wait3A_114 = tpu.memref_squeeze %dma_wait3A_113 : memref<1x128x128xf32, #tpu.memory_space<vmem>> -> memref<128x128xf32, #tpu.memory_space<vmem>>
      %dma_wait3A_115 = arith.constant 0 : i32
      %dma_wait3A_116 = tpu.memref_slice %arg7[%mul3A_97, %dma_wait3A_115] : memref<40x128xi32, #tpu.memory_space<vmem>> -> memref<1x128xi32, #tpu.memory_space<vmem>>
      %dma_wait3A_117 = tpu.memref_squeeze %dma_wait3A_116 : memref<1x128xi32, #tpu.memory_space<vmem>> -> memref<128xi32, #tpu.memory_space<vmem>>
      %dma_wait3A_118 = arith.constant 0 : i32
      %dma_wait3A_119 = arith.constant 0 : i32
      %dma_wait3A_120 = tpu.memref_slice %arg2[%dma_wait3A_118, %dma_wait3A_119] : memref<10240x128xf32, #tpu.memory_space<hbm>> -> memref<10240x128xf32, #tpu.memory_space<hbm>>
      tpu.wait_indirect_dma semaphore(%arg10 : memref<!tpu.dma_semaphore, #tpu.memory_space<semaphore_mem>>) src(%dma_wait3A_120 : memref<10240x128xf32, #tpu.memory_space<hbm>>) dst(%dma_wait3A_114 : memref<128x128xf32, #tpu.memory_space<vmem>>)
      %run_scoped3A_121 = arith.constant 0 : i32
      "tpu.region"() ({
        %run_scoped3A_140 = tpu.sem_alloc : memref<!tpu.dma_semaphore, #tpu.memory_space<semaphore_mem>>
        %dma_start3A_141 = arith.constant 0 : i32
        %dma_start3A_142 = arith.constant 0 : i32
        %dma_start3A_143 = tpu.memref_slice %arg6[%run_scoped3A_121, %dma_start3A_141, %dma_start3A_142] : memref<2x128x128xf32, #tpu.memory_space<vmem>> -> memref<1x128x128xf32, #tpu.memory_space<vmem>>
        %dma_start3A_144 = tpu.memref_squeeze %dma_start3A_143 : memref<1x128x128xf32, #tpu.memory_space<vmem>> -> memref<128x128xf32, #tpu.memory_space<vmem>>
        %dma_start3A_145 = arith.constant 0 : i32
        %dma_start3A_146 = tpu.memref_slice %arg8[%mul3A_97, %dma_start3A_145] : memref<40x128xi32, #tpu.memory_space<vmem>> -> memref<1x128xi32, #tpu.memory_space<vmem>>
        %dma_start3A_147 = tpu.memref_squeeze %dma_start3A_146 : memref<1x128xi32, #tpu.memory_space<vmem>> -> memref<128xi32, #tpu.memory_space<vmem>>
        %dma_start3A_148 = arith.constant 0 : i32
        %dma_start3A_149 = arith.constant 0 : i32
        %dma_start3A_150 = tpu.memref_slice %arg9[%dma_start3A_148, %dma_start3A_149] : memref<10240x128xf32, #tpu.memory_space<vmem_shared>> -> memref<10240x128xf32, #tpu.memory_space<vmem_shared>>
        tpu.enqueue_indirect_dma source(%dma_start3A_144 : memref<128x128xf32, #tpu.memory_space<vmem>>) target(%dma_start3A_150 : memref<10240x128xf32, #tpu.memory_space<vmem_shared>>) offsets(%dma_start3A_147 : memref<128xi32, #tpu.memory_space<vmem>>) semaphore(%run_scoped3A_140 : memref<!tpu.dma_semaphore, #tpu.memory_space<semaphore_mem>>) {add = true}
        %dma_wait3A_151 = arith.constant 0 : i32
        %dma_wait3A_152 = arith.constant 0 : i32
        %dma_wait3A_153 = tpu.memref_slice %arg6[%run_scoped3A_121, %dma_wait3A_151, %dma_wait3A_152] : memref<2x128x128xf32, #tpu.memory_space<vmem>> -> memref<1x128x128xf32, #tpu.memory_space<vmem>>
        %dma_wait3A_154 = tpu.memref_squeeze %dma_wait3A_153 : memref<1x128x128xf32, #tpu.memory_space<vmem>> -> memref<128x128xf32, #tpu.memory_space<vmem>>
        %dma_wait3A_155 = arith.constant 0 : i32
        %dma_wait3A_156 = tpu.memref_slice %arg8[%mul3A_97, %dma_wait3A_155] : memref<40x128xi32, #tpu.memory_space<vmem>> -> memref<1x128xi32, #tpu.memory_space<vmem>>
        %dma_wait3A_157 = tpu.memref_squeeze %dma_wait3A_156 : memref<1x128xi32, #tpu.memory_space<vmem>> -> memref<128xi32, #tpu.memory_space<vmem>>
        %dma_wait3A_158 = arith.constant 0 : i32
        %dma_wait3A_159 = arith.constant 0 : i32
        %dma_wait3A_160 = tpu.memref_slice %arg9[%dma_wait3A_158, %dma_wait3A_159] : memref<10240x128xf32, #tpu.memory_space<vmem_shared>> -> memref<10240x128xf32, #tpu.memory_space<vmem_shared>>
        tpu.wait_indirect_dma semaphore(%run_scoped3A_140 : memref<!tpu.dma_semaphore, #tpu.memory_space<semaphore_mem>>) src(%dma_wait3A_154 : memref<128x128xf32, #tpu.memory_space<vmem>>) dst(%dma_wait3A_160 : memref<10240x128xf32, #tpu.memory_space<vmem_shared>>)
        tpu.yield
      }) : () -> ()
      %lt3A = arith.constant 19 : i32
      %lt3A_122 = arith.cmpi slt, %add3A_95, %lt3A : i32
      %convert_element_type3A = arith.extui %lt3A_122 : i1 to i32
      %cond3A = arith.constant 0 : i32
      %cond3A_123 = arith.cmpi ne, %convert_element_type3A, %cond3A : i32
      scf.if %cond3A_123 {
        %add3A_140 = arith.constant 2 : i32
        %add3A_141 = arith.addi %mul3A_97, %add3A_140 : i32
        %dma_start3A_142 = arith.constant 0 : i32
        %dma_start3A_143 = arith.constant 0 : i32
        %dma_start3A_144 = arith.constant 0 : i32
        %dma_start3A_145 = tpu.memref_slice %arg6[%dma_start3A_142, %dma_start3A_143, %dma_start3A_144] : memref<2x128x128xf32, #tpu.memory_space<vmem>> -> memref<1x128x128xf32, #tpu.memory_space<vmem>>
        %dma_start3A_146 = tpu.memref_squeeze %dma_start3A_145 : memref<1x128x128xf32, #tpu.memory_space<vmem>> -> memref<128x128xf32, #tpu.memory_space<vmem>>
        %dma_start3A_147 = arith.constant 0 : i32
        %dma_start3A_148 = tpu.memref_slice %arg7[%add3A_141, %dma_start3A_147] : memref<40x128xi32, #tpu.memory_space<vmem>> -> memref<1x128xi32, #tpu.memory_space<vmem>>
        %dma_start3A_149 = tpu.memref_squeeze %dma_start3A_148 : memref<1x128xi32, #tpu.memory_space<vmem>> -> memref<128xi32, #tpu.memory_space<vmem>>
        %dma_start3A_150 = arith.constant 0 : i32
        %dma_start3A_151 = arith.constant 0 : i32
        %dma_start3A_152 = tpu.memref_slice %arg2[%dma_start3A_150, %dma_start3A_151] : memref<10240x128xf32, #tpu.memory_space<hbm>> -> memref<10240x128xf32, #tpu.memory_space<hbm>>
        tpu.enqueue_indirect_dma source(%dma_start3A_152 : memref<10240x128xf32, #tpu.memory_space<hbm>>) target(%dma_start3A_146 : memref<128x128xf32, #tpu.memory_space<vmem>>) offsets(%dma_start3A_149 : memref<128xi32, #tpu.memory_space<vmem>>) semaphore(%arg10 : memref<!tpu.dma_semaphore, #tpu.memory_space<semaphore_mem>>)
      } else {
      }
      %add3A_124 = arith.constant 1 : i32
      %add3A_125 = arith.addi %mul3A_97, %add3A_124 : i32
      %dma_wait3A_126 = arith.constant 1 : i32
      %dma_wait3A_127 = arith.constant 0 : i32
      %dma_wait3A_128 = arith.constant 0 : i32
      %dma_wait3A_129 = tpu.memref_slice %arg6[%dma_wait3A_126, %dma_wait3A_127, %dma_wait3A_128] : memref<2x128x128xf32, #tpu.memory_space<vmem>> -> memref<1x128x128xf32, #tpu.memory_space<vmem>>
      %dma_wait3A_130 = tpu.memref_squeeze %dma_wait3A_129 : memref<1x128x128xf32, #tpu.memory_space<vmem>> -> memref<128x128xf32, #tpu.memory_space<vmem>>
      %dma_wait3A_131 = arith.constant 0 : i32
      %dma_wait3A_132 = tpu.memref_slice %arg7[%add3A_125, %dma_wait3A_131] : memref<40x128xi32, #tpu.memory_space<vmem>> -> memref<1x128xi32, #tpu.memory_space<vmem>>
      %dma_wait3A_133 = tpu.memref_squeeze %dma_wait3A_132 : memref<1x128xi32, #tpu.memory_space<vmem>> -> memref<128xi32, #tpu.memory_space<vmem>>
      %dma_wait3A_134 = arith.constant 0 : i32
      %dma_wait3A_135 = arith.constant 0 : i32
      %dma_wait3A_136 = tpu.memref_slice %arg2[%dma_wait3A_134, %dma_wait3A_135] : memref<10240x128xf32, #tpu.memory_space<hbm>> -> memref<10240x128xf32, #tpu.memory_space<hbm>>
      tpu.wait_indirect_dma semaphore(%arg11 : memref<!tpu.dma_semaphore, #tpu.memory_space<semaphore_mem>>) src(%dma_wait3A_136 : memref<10240x128xf32, #tpu.memory_space<hbm>>) dst(%dma_wait3A_130 : memref<128x128xf32, #tpu.memory_space<vmem>>)
      %add3A_137 = arith.constant 1 : i32
      %add3A_138 = arith.addi %mul3A_97, %add3A_137 : i32
      %run_scoped3A_139 = arith.constant 1 : i32
      "tpu.region"() ({
        %run_scoped3A_140 = tpu.sem_alloc : memref<!tpu.dma_semaphore, #tpu.memory_space<semaphore_mem>>
        %dma_start3A_141 = arith.constant 0 : i32
        %dma_start3A_142 = arith.constant 0 : i32
        %dma_start3A_143 = tpu.memref_slice %arg6[%run_scoped3A_139, %dma_start3A_141, %dma_start3A_142] : memref<2x128x128xf32, #tpu.memory_space<vmem>> -> memref<1x128x128xf32, #tpu.memory_space<vmem>>
        %dma_start3A_144 = tpu.memref_squeeze %dma_start3A_143 : memref<1x128x128xf32, #tpu.memory_space<vmem>> -> memref<128x128xf32, #tpu.memory_space<vmem>>
        %dma_start3A_145 = arith.constant 0 : i32
        %dma_start3A_146 = tpu.memref_slice %arg8[%add3A_138, %dma_start3A_145] : memref<40x128xi32, #tpu.memory_space<vmem>> -> memref<1x128xi32, #tpu.memory_space<vmem>>
        %dma_start3A_147 = tpu.memref_squeeze %dma_start3A_146 : memref<1x128xi32, #tpu.memory_space<vmem>> -> memref<128xi32, #tpu.memory_space<vmem>>
        %dma_start3A_148 = arith.constant 0 : i32
        %dma_start3A_149 = arith.constant 0 : i32
        %dma_start3A_150 = tpu.memref_slice %arg9[%dma_start3A_148, %dma_start3A_149] : memref<10240x128xf32, #tpu.memory_space<vmem_shared>> -> memref<10240x128xf32, #tpu.memory_space<vmem_shared>>
        tpu.enqueue_indirect_dma source(%dma_start3A_144 : memref<128x128xf32, #tpu.memory_space<vmem>>) target(%dma_start3A_150 : memref<10240x128xf32, #tpu.memory_space<vmem_shared>>) offsets(%dma_start3A_147 : memref<128xi32, #tpu.memory_space<vmem>>) semaphore(%run_scoped3A_140 : memref<!tpu.dma_semaphore, #tpu.memory_space<semaphore_mem>>) {add = true}
        %dma_wait3A_151 = arith.constant 0 : i32
        %dma_wait3A_152 = arith.constant 0 : i32
        %dma_wait3A_153 = tpu.memref_slice %arg6[%run_scoped3A_139, %dma_wait3A_151, %dma_wait3A_152] : memref<2x128x128xf32, #tpu.memory_space<vmem>> -> memref<1x128x128xf32, #tpu.memory_space<vmem>>
        %dma_wait3A_154 = tpu.memref_squeeze %dma_wait3A_153 : memref<1x128x128xf32, #tpu.memory_space<vmem>> -> memref<128x128xf32, #tpu.memory_space<vmem>>
        %dma_wait3A_155 = arith.constant 0 : i32
        %dma_wait3A_156 = tpu.memref_slice %arg8[%add3A_138, %dma_wait3A_155] : memref<40x128xi32, #tpu.memory_space<vmem>> -> memref<1x128xi32, #tpu.memory_space<vmem>>
        %dma_wait3A_157 = tpu.memref_squeeze %dma_wait3A_156 : memref<1x128xi32, #tpu.memory_space<vmem>> -> memref<128xi32, #tpu.memory_space<vmem>>
        %dma_wait3A_158 = arith.constant 0 : i32
        %dma_wait3A_159 = arith.constant 0 : i32
        %dma_wait3A_160 = tpu.memref_slice %arg9[%dma_wait3A_158, %dma_wait3A_159] : memref<10240x128xf32, #tpu.memory_space<vmem_shared>> -> memref<10240x128xf32, #tpu.memory_space<vmem_shared>>
        tpu.wait_indirect_dma semaphore(%run_scoped3A_140 : memref<!tpu.dma_semaphore, #tpu.memory_space<semaphore_mem>>) src(%dma_wait3A_154 : memref<128x128xf32, #tpu.memory_space<vmem>>) dst(%dma_wait3A_160 : memref<10240x128xf32, #tpu.memory_space<vmem_shared>>)
        tpu.yield
      }) : () -> ()
    }
    %scan3A_48 = arith.constant 20 : i32
    %mul3A_49 = arith.constant 80 : i32
    %mul3A_50 = arith.muli %add3A, %mul3A_49 : i32
    %add3A_51 = arith.constant 40 : i32
    %add3A_52 = arith.addi %mul3A_50, %add3A_51 : i32
    "tpu.region"() ({
      %run_scoped3A_91 = tpu.sem_alloc : memref<!tpu.dma_semaphore, #tpu.memory_space<semaphore_mem>>
      %dma_start3A_92 = arith.constant 0 : i32
      %dma_start3A_93 = tpu.memref_slice %arg3[%add3A_52, %dma_start3A_92] : memref<2560x128xi32, #tpu.memory_space<hbm>> -> memref<40x128xi32, #tpu.memory_space<hbm>>
      %dma_start3A_94 = arith.constant 0 : i32
      %dma_start3A_95 = tpu.memref_slice %arg3[%add3A_52, %dma_start3A_94] : memref<2560x128xi32, #tpu.memory_space<hbm>> -> memref<40x128xi32, #tpu.memory_space<hbm>>
      tpu.enqueue_dma source(%dma_start3A_95 : memref<40x128xi32, #tpu.memory_space<hbm>>) target(%arg7 : memref<40x128xi32, #tpu.memory_space<vmem>>) target_semaphore(%run_scoped3A_91 : memref<!tpu.dma_semaphore, #tpu.memory_space<semaphore_mem>>)
      %dma_wait3A = arith.constant 0 : i32
      %dma_wait3A_96 = tpu.memref_slice %arg3[%add3A_52, %dma_wait3A] : memref<2560x128xi32, #tpu.memory_space<hbm>> -> memref<40x128xi32, #tpu.memory_space<hbm>>
      %dma_wait3A_97 = arith.constant 0 : i32
      %dma_wait3A_98 = tpu.memref_slice %arg3[%add3A_52, %dma_wait3A_97] : memref<2560x128xi32, #tpu.memory_space<hbm>> -> memref<40x128xi32, #tpu.memory_space<hbm>>
      tpu.wait_dma2 semaphore(%run_scoped3A_91 : memref<!tpu.dma_semaphore, #tpu.memory_space<semaphore_mem>>) src(%dma_wait3A_98 : memref<40x128xi32, #tpu.memory_space<hbm>>) dst(%arg7 : memref<40x128xi32, #tpu.memory_space<vmem>>)
      tpu.yield
    }) : () -> ()
    "tpu.region"() ({
      %run_scoped3A_91 = tpu.sem_alloc : memref<!tpu.dma_semaphore, #tpu.memory_space<semaphore_mem>>
      %dma_start3A_92 = arith.constant 0 : i32
      %dma_start3A_93 = tpu.memref_slice %arg4[%add3A_52, %dma_start3A_92] : memref<2560x128xi32, #tpu.memory_space<hbm>> -> memref<40x128xi32, #tpu.memory_space<hbm>>
      %dma_start3A_94 = arith.constant 0 : i32
      %dma_start3A_95 = tpu.memref_slice %arg4[%add3A_52, %dma_start3A_94] : memref<2560x128xi32, #tpu.memory_space<hbm>> -> memref<40x128xi32, #tpu.memory_space<hbm>>
      tpu.enqueue_dma source(%dma_start3A_95 : memref<40x128xi32, #tpu.memory_space<hbm>>) target(%arg8 : memref<40x128xi32, #tpu.memory_space<vmem>>) target_semaphore(%run_scoped3A_91 : memref<!tpu.dma_semaphore, #tpu.memory_space<semaphore_mem>>)
      %dma_wait3A = arith.constant 0 : i32
      %dma_wait3A_96 = tpu.memref_slice %arg4[%add3A_52, %dma_wait3A] : memref<2560x128xi32, #tpu.memory_space<hbm>> -> memref<40x128xi32, #tpu.memory_space<hbm>>
      %dma_wait3A_97 = arith.constant 0 : i32
      %dma_wait3A_98 = tpu.memref_slice %arg4[%add3A_52, %dma_wait3A_97] : memref<2560x128xi32, #tpu.memory_space<hbm>> -> memref<40x128xi32, #tpu.memory_space<hbm>>
      tpu.wait_dma2 semaphore(%run_scoped3A_91 : memref<!tpu.dma_semaphore, #tpu.memory_space<semaphore_mem>>) src(%dma_wait3A_98 : memref<40x128xi32, #tpu.memory_space<hbm>>) dst(%arg8 : memref<40x128xi32, #tpu.memory_space<vmem>>)
      tpu.yield
    }) : () -> ()
    %dma_start3A_53 = arith.constant 0 : i32
    %dma_start3A_54 = arith.constant 0 : i32
    %dma_start3A_55 = arith.constant 0 : i32
    %dma_start3A_56 = arith.constant 0 : i32
    %dma_start3A_57 = tpu.memref_slice %arg6[%dma_start3A_54, %dma_start3A_55, %dma_start3A_56] : memref<2x128x128xf32, #tpu.memory_space<vmem>> -> memref<1x128x128xf32, #tpu.memory_space<vmem>>
    %dma_start3A_58 = tpu.memref_squeeze %dma_start3A_57 : memref<1x128x128xf32, #tpu.memory_space<vmem>> -> memref<128x128xf32, #tpu.memory_space<vmem>>
    %dma_start3A_59 = arith.constant 0 : i32
    %dma_start3A_60 = tpu.memref_slice %arg7[%dma_start3A_53, %dma_start3A_59] : memref<40x128xi32, #tpu.memory_space<vmem>> -> memref<1x128xi32, #tpu.memory_space<vmem>>
    %dma_start3A_61 = tpu.memref_squeeze %dma_start3A_60 : memref<1x128xi32, #tpu.memory_space<vmem>> -> memref<128xi32, #tpu.memory_space<vmem>>
    %dma_start3A_62 = arith.constant 0 : i32
    %dma_start3A_63 = arith.constant 0 : i32
    %dma_start3A_64 = tpu.memref_slice %arg2[%dma_start3A_62, %dma_start3A_63] : memref<10240x128xf32, #tpu.memory_space<hbm>> -> memref<10240x128xf32, #tpu.memory_space<hbm>>
    tpu.enqueue_indirect_dma source(%dma_start3A_64 : memref<10240x128xf32, #tpu.memory_space<hbm>>) target(%dma_start3A_58 : memref<128x128xf32, #tpu.memory_space<vmem>>) offsets(%dma_start3A_61 : memref<128xi32, #tpu.memory_space<vmem>>) semaphore(%arg10 : memref<!tpu.dma_semaphore, #tpu.memory_space<semaphore_mem>>)
    %scan3A_65 = arith.constant 0 : i32
    %scan3A_66 = arith.constant 20 : i32
    %scan3A_67 = arith.addi %scan3A_65, %scan3A_66 : i32
    %scan3A_68 = arith.constant 1 : i32
    scf.for %scan3A_91 = %scan3A_65 to %scan3A_67 step %scan3A_68  : i32 {
      %mul3A_92 = arith.constant 1 : i32
      %mul3A_93 = arith.muli %scan3A_91, %mul3A_92 : i32
      %add3A_94 = arith.constant 0 : i32
      %add3A_95 = arith.addi %add3A_94, %mul3A_93 : i32
      %mul3A_96 = arith.constant 2 : i32
      %mul3A_97 = arith.muli %add3A_95, %mul3A_96 : i32
      %add3A_98 = arith.constant 1 : i32
      %add3A_99 = arith.addi %mul3A_97, %add3A_98 : i32
      %dma_start3A_100 = arith.constant 1 : i32
      %dma_start3A_101 = arith.constant 0 : i32
      %dma_start3A_102 = arith.constant 0 : i32
      %dma_start3A_103 = tpu.memref_slice %arg6[%dma_start3A_100, %dma_start3A_101, %dma_start3A_102] : memref<2x128x128xf32, #tpu.memory_space<vmem>> -> memref<1x128x128xf32, #tpu.memory_space<vmem>>
      %dma_start3A_104 = tpu.memref_squeeze %dma_start3A_103 : memref<1x128x128xf32, #tpu.memory_space<vmem>> -> memref<128x128xf32, #tpu.memory_space<vmem>>
      %dma_start3A_105 = arith.constant 0 : i32
      %dma_start3A_106 = tpu.memref_slice %arg7[%add3A_99, %dma_start3A_105] : memref<40x128xi32, #tpu.memory_space<vmem>> -> memref<1x128xi32, #tpu.memory_space<vmem>>
      %dma_start3A_107 = tpu.memref_squeeze %dma_start3A_106 : memref<1x128xi32, #tpu.memory_space<vmem>> -> memref<128xi32, #tpu.memory_space<vmem>>
      %dma_start3A_108 = arith.constant 0 : i32
      %dma_start3A_109 = arith.constant 0 : i32
      %dma_start3A_110 = tpu.memref_slice %arg2[%dma_start3A_108, %dma_start3A_109] : memref<10240x128xf32, #tpu.memory_space<hbm>> -> memref<10240x128xf32, #tpu.memory_space<hbm>>
      tpu.enqueue_indirect_dma source(%dma_start3A_110 : memref<10240x128xf32, #tpu.memory_space<hbm>>) target(%dma_start3A_104 : memref<128x128xf32, #tpu.memory_space<vmem>>) offsets(%dma_start3A_107 : memref<128xi32, #tpu.memory_space<vmem>>) semaphore(%arg11 : memref<!tpu.dma_semaphore, #tpu.memory_space<semaphore_mem>>)
      %dma_wait3A = arith.constant 0 : i32
      %dma_wait3A_111 = arith.constant 0 : i32
      %dma_wait3A_112 = arith.constant 0 : i32
      %dma_wait3A_113 = tpu.memref_slice %arg6[%dma_wait3A, %dma_wait3A_111, %dma_wait3A_112] : memref<2x128x128xf32, #tpu.memory_space<vmem>> -> memref<1x128x128xf32, #tpu.memory_space<vmem>>
      %dma_wait3A_114 = tpu.memref_squeeze %dma_wait3A_113 : memref<1x128x128xf32, #tpu.memory_space<vmem>> -> memref<128x128xf32, #tpu.memory_space<vmem>>
      %dma_wait3A_115 = arith.constant 0 : i32
      %dma_wait3A_116 = tpu.memref_slice %arg7[%mul3A_97, %dma_wait3A_115] : memref<40x128xi32, #tpu.memory_space<vmem>> -> memref<1x128xi32, #tpu.memory_space<vmem>>
      %dma_wait3A_117 = tpu.memref_squeeze %dma_wait3A_116 : memref<1x128xi32, #tpu.memory_space<vmem>> -> memref<128xi32, #tpu.memory_space<vmem>>
      %dma_wait3A_118 = arith.constant 0 : i32
      %dma_wait3A_119 = arith.constant 0 : i32
      %dma_wait3A_120 = tpu.memref_slice %arg2[%dma_wait3A_118, %dma_wait3A_119] : memref<10240x128xf32, #tpu.memory_space<hbm>> -> memref<10240x128xf32, #tpu.memory_space<hbm>>
      tpu.wait_indirect_dma semaphore(%arg10 : memref<!tpu.dma_semaphore, #tpu.memory_space<semaphore_mem>>) src(%dma_wait3A_120 : memref<10240x128xf32, #tpu.memory_space<hbm>>) dst(%dma_wait3A_114 : memref<128x128xf32, #tpu.memory_space<vmem>>)
      %run_scoped3A_121 = arith.constant 0 : i32
      "tpu.region"() ({
        %run_scoped3A_140 = tpu.sem_alloc : memref<!tpu.dma_semaphore, #tpu.memory_space<semaphore_mem>>
        %dma_start3A_141 = arith.constant 0 : i32
        %dma_start3A_142 = arith.constant 0 : i32
        %dma_start3A_143 = tpu.memref_slice %arg6[%run_scoped3A_121, %dma_start3A_141, %dma_start3A_142] : memref<2x128x128xf32, #tpu.memory_space<vmem>> -> memref<1x128x128xf32, #tpu.memory_space<vmem>>
        %dma_start3A_144 = tpu.memref_squeeze %dma_start3A_143 : memref<1x128x128xf32, #tpu.memory_space<vmem>> -> memref<128x128xf32, #tpu.memory_space<vmem>>
        %dma_start3A_145 = arith.constant 0 : i32
        %dma_start3A_146 = tpu.memref_slice %arg8[%mul3A_97, %dma_start3A_145] : memref<40x128xi32, #tpu.memory_space<vmem>> -> memref<1x128xi32, #tpu.memory_space<vmem>>
        %dma_start3A_147 = tpu.memref_squeeze %dma_start3A_146 : memref<1x128xi32, #tpu.memory_space<vmem>> -> memref<128xi32, #tpu.memory_space<vmem>>
        %dma_start3A_148 = arith.constant 0 : i32
        %dma_start3A_149 = arith.constant 0 : i32
        %dma_start3A_150 = tpu.memref_slice %arg9[%dma_start3A_148, %dma_start3A_149] : memref<10240x128xf32, #tpu.memory_space<vmem_shared>> -> memref<10240x128xf32, #tpu.memory_space<vmem_shared>>
        tpu.enqueue_indirect_dma source(%dma_start3A_144 : memref<128x128xf32, #tpu.memory_space<vmem>>) target(%dma_start3A_150 : memref<10240x128xf32, #tpu.memory_space<vmem_shared>>) offsets(%dma_start3A_147 : memref<128xi32, #tpu.memory_space<vmem>>) semaphore(%run_scoped3A_140 : memref<!tpu.dma_semaphore, #tpu.memory_space<semaphore_mem>>) {add = true}
        %dma_wait3A_151 = arith.constant 0 : i32
        %dma_wait3A_152 = arith.constant 0 : i32
        %dma_wait3A_153 = tpu.memref_slice %arg6[%run_scoped3A_121, %dma_wait3A_151, %dma_wait3A_152] : memref<2x128x128xf32, #tpu.memory_space<vmem>> -> memref<1x128x128xf32, #tpu.memory_space<vmem>>
        %dma_wait3A_154 = tpu.memref_squeeze %dma_wait3A_153 : memref<1x128x128xf32, #tpu.memory_space<vmem>> -> memref<128x128xf32, #tpu.memory_space<vmem>>
        %dma_wait3A_155 = arith.constant 0 : i32
        %dma_wait3A_156 = tpu.memref_slice %arg8[%mul3A_97, %dma_wait3A_155] : memref<40x128xi32, #tpu.memory_space<vmem>> -> memref<1x128xi32, #tpu.memory_space<vmem>>
        %dma_wait3A_157 = tpu.memref_squeeze %dma_wait3A_156 : memref<1x128xi32, #tpu.memory_space<vmem>> -> memref<128xi32, #tpu.memory_space<vmem>>
        %dma_wait3A_158 = arith.constant 0 : i32
        %dma_wait3A_159 = arith.constant 0 : i32
        %dma_wait3A_160 = tpu.memref_slice %arg9[%dma_wait3A_158, %dma_wait3A_159] : memref<10240x128xf32, #tpu.memory_space<vmem_shared>> -> memref<10240x128xf32, #tpu.memory_space<vmem_shared>>
        tpu.wait_indirect_dma semaphore(%run_scoped3A_140 : memref<!tpu.dma_semaphore, #tpu.memory_space<semaphore_mem>>) src(%dma_wait3A_154 : memref<128x128xf32, #tpu.memory_space<vmem>>) dst(%dma_wait3A_160 : memref<10240x128xf32, #tpu.memory_space<vmem_shared>>)
        tpu.yield
      }) : () -> ()
      %lt3A = arith.constant 19 : i32
      %lt3A_122 = arith.cmpi slt, %add3A_95, %lt3A : i32
      %convert_element_type3A = arith.extui %lt3A_122 : i1 to i32
      %cond3A = arith.constant 0 : i32
      %cond3A_123 = arith.cmpi ne, %convert_element_type3A, %cond3A : i32
      scf.if %cond3A_123 {
        %add3A_140 = arith.constant 2 : i32
        %add3A_141 = arith.addi %mul3A_97, %add3A_140 : i32
        %dma_start3A_142 = arith.constant 0 : i32
        %dma_start3A_143 = arith.constant 0 : i32
        %dma_start3A_144 = arith.constant 0 : i32
        %dma_start3A_145 = tpu.memref_slice %arg6[%dma_start3A_142, %dma_start3A_143, %dma_start3A_144] : memref<2x128x128xf32, #tpu.memory_space<vmem>> -> memref<1x128x128xf32, #tpu.memory_space<vmem>>
        %dma_start3A_146 = tpu.memref_squeeze %dma_start3A_145 : memref<1x128x128xf32, #tpu.memory_space<vmem>> -> memref<128x128xf32, #tpu.memory_space<vmem>>
        %dma_start3A_147 = arith.constant 0 : i32
        %dma_start3A_148 = tpu.memref_slice %arg7[%add3A_141, %dma_start3A_147] : memref<40x128xi32, #tpu.memory_space<vmem>> -> memref<1x128xi32, #tpu.memory_space<vmem>>
        %dma_start3A_149 = tpu.memref_squeeze %dma_start3A_148 : memref<1x128xi32, #tpu.memory_space<vmem>> -> memref<128xi32, #tpu.memory_space<vmem>>
        %dma_start3A_150 = arith.constant 0 : i32
        %dma_start3A_151 = arith.constant 0 : i32
        %dma_start3A_152 = tpu.memref_slice %arg2[%dma_start3A_150, %dma_start3A_151] : memref<10240x128xf32, #tpu.memory_space<hbm>> -> memref<10240x128xf32, #tpu.memory_space<hbm>>
        tpu.enqueue_indirect_dma source(%dma_start3A_152 : memref<10240x128xf32, #tpu.memory_space<hbm>>) target(%dma_start3A_146 : memref<128x128xf32, #tpu.memory_space<vmem>>) offsets(%dma_start3A_149 : memref<128xi32, #tpu.memory_space<vmem>>) semaphore(%arg10 : memref<!tpu.dma_semaphore, #tpu.memory_space<semaphore_mem>>)
      } else {
      }
      %add3A_124 = arith.constant 1 : i32
      %add3A_125 = arith.addi %mul3A_97, %add3A_124 : i32
      %dma_wait3A_126 = arith.constant 1 : i32
      %dma_wait3A_127 = arith.constant 0 : i32
      %dma_wait3A_128 = arith.constant 0 : i32
      %dma_wait3A_129 = tpu.memref_slice %arg6[%dma_wait3A_126, %dma_wait3A_127, %dma_wait3A_128] : memref<2x128x128xf32, #tpu.memory_space<vmem>> -> memref<1x128x128xf32, #tpu.memory_space<vmem>>
      %dma_wait3A_130 = tpu.memref_squeeze %dma_wait3A_129 : memref<1x128x128xf32, #tpu.memory_space<vmem>> -> memref<128x128xf32, #tpu.memory_space<vmem>>
      %dma_wait3A_131 = arith.constant 0 : i32
      %dma_wait3A_132 = tpu.memref_slice %arg7[%add3A_125, %dma_wait3A_131] : memref<40x128xi32, #tpu.memory_space<vmem>> -> memref<1x128xi32, #tpu.memory_space<vmem>>
      %dma_wait3A_133 = tpu.memref_squeeze %dma_wait3A_132 : memref<1x128xi32, #tpu.memory_space<vmem>> -> memref<128xi32, #tpu.memory_space<vmem>>
      %dma_wait3A_134 = arith.constant 0 : i32
      %dma_wait3A_135 = arith.constant 0 : i32
      %dma_wait3A_136 = tpu.memref_slice %arg2[%dma_wait3A_134, %dma_wait3A_135] : memref<10240x128xf32, #tpu.memory_space<hbm>> -> memref<10240x128xf32, #tpu.memory_space<hbm>>
      tpu.wait_indirect_dma semaphore(%arg11 : memref<!tpu.dma_semaphore, #tpu.memory_space<semaphore_mem>>) src(%dma_wait3A_136 : memref<10240x128xf32, #tpu.memory_space<hbm>>) dst(%dma_wait3A_130 : memref<128x128xf32, #tpu.memory_space<vmem>>)
      %add3A_137 = arith.constant 1 : i32
      %add3A_138 = arith.addi %mul3A_97, %add3A_137 : i32
      %run_scoped3A_139 = arith.constant 1 : i32
      "tpu.region"() ({
        %run_scoped3A_140 = tpu.sem_alloc : memref<!tpu.dma_semaphore, #tpu.memory_space<semaphore_mem>>
        %dma_start3A_141 = arith.constant 0 : i32
        %dma_start3A_142 = arith.constant 0 : i32
        %dma_start3A_143 = tpu.memref_slice %arg6[%run_scoped3A_139, %dma_start3A_141, %dma_start3A_142] : memref<2x128x128xf32, #tpu.memory_space<vmem>> -> memref<1x128x128xf32, #tpu.memory_space<vmem>>
        %dma_start3A_144 = tpu.memref_squeeze %dma_start3A_143 : memref<1x128x128xf32, #tpu.memory_space<vmem>> -> memref<128x128xf32, #tpu.memory_space<vmem>>
        %dma_start3A_145 = arith.constant 0 : i32
        %dma_start3A_146 = tpu.memref_slice %arg8[%add3A_138, %dma_start3A_145] : memref<40x128xi32, #tpu.memory_space<vmem>> -> memref<1x128xi32, #tpu.memory_space<vmem>>
        %dma_start3A_147 = tpu.memref_squeeze %dma_start3A_146 : memref<1x128xi32, #tpu.memory_space<vmem>> -> memref<128xi32, #tpu.memory_space<vmem>>
        %dma_start3A_148 = arith.constant 0 : i32
        %dma_start3A_149 = arith.constant 0 : i32
        %dma_start3A_150 = tpu.memref_slice %arg9[%dma_start3A_148, %dma_start3A_149] : memref<10240x128xf32, #tpu.memory_space<vmem_shared>> -> memref<10240x128xf32, #tpu.memory_space<vmem_shared>>
        tpu.enqueue_indirect_dma source(%dma_start3A_144 : memref<128x128xf32, #tpu.memory_space<vmem>>) target(%dma_start3A_150 : memref<10240x128xf32, #tpu.memory_space<vmem_shared>>) offsets(%dma_start3A_147 : memref<128xi32, #tpu.memory_space<vmem>>) semaphore(%run_scoped3A_140 : memref<!tpu.dma_semaphore, #tpu.memory_space<semaphore_mem>>) {add = true}
        %dma_wait3A_151 = arith.constant 0 : i32
        %dma_wait3A_152 = arith.constant 0 : i32
        %dma_wait3A_153 = tpu.memref_slice %arg6[%run_scoped3A_139, %dma_wait3A_151, %dma_wait3A_152] : memref<2x128x128xf32, #tpu.memory_space<vmem>> -> memref<1x128x128xf32, #tpu.memory_space<vmem>>
        %dma_wait3A_154 = tpu.memref_squeeze %dma_wait3A_153 : memref<1x128x128xf32, #tpu.memory_space<vmem>> -> memref<128x128xf32, #tpu.memory_space<vmem>>
        %dma_wait3A_155 = arith.constant 0 : i32
        %dma_wait3A_156 = tpu.memref_slice %arg8[%add3A_138, %dma_wait3A_155] : memref<40x128xi32, #tpu.memory_space<vmem>> -> memref<1x128xi32, #tpu.memory_space<vmem>>
        %dma_wait3A_157 = tpu.memref_squeeze %dma_wait3A_156 : memref<1x128xi32, #tpu.memory_space<vmem>> -> memref<128xi32, #tpu.memory_space<vmem>>
        %dma_wait3A_158 = arith.constant 0 : i32
        %dma_wait3A_159 = arith.constant 0 : i32
        %dma_wait3A_160 = tpu.memref_slice %arg9[%dma_wait3A_158, %dma_wait3A_159] : memref<10240x128xf32, #tpu.memory_space<vmem_shared>> -> memref<10240x128xf32, #tpu.memory_space<vmem_shared>>
        tpu.wait_indirect_dma semaphore(%run_scoped3A_140 : memref<!tpu.dma_semaphore, #tpu.memory_space<semaphore_mem>>) src(%dma_wait3A_154 : memref<128x128xf32, #tpu.memory_space<vmem>>) dst(%dma_wait3A_160 : memref<10240x128xf32, #tpu.memory_space<vmem_shared>>)
        tpu.yield
      }) : () -> ()
    }
    %scan3A_69 = arith.constant 20 : i32
    %barrier3A_70 = arith.constant 0 : index
    tpu.barrier barrier_id(%barrier3A_70)
    %mul3A_71 = arith.constant 640 : i32
    %mul3A_72 = arith.muli %arg1, %mul3A_71 : i32
    %add3A_73 = arith.constant 0 : i32
    %add3A_74 = arith.addi %mul3A_72, %add3A_73 : i32
    "tpu.region"() ({
      %run_scoped3A_91 = tpu.sem_alloc : memref<!tpu.dma_semaphore, #tpu.memory_space<semaphore_mem>>
      %dma_start3A_92 = arith.constant 0 : i32
      %dma_start3A_93 = tpu.memref_slice %arg5[%arg0, %add3A_74, %dma_start3A_92] : memref<2x10240x128xf32, #tpu.memory_space<hbm>> -> memref<1x128x128xf32, #tpu.memory_space<hbm>>
      %dma_start3A_94 = tpu.memref_squeeze %dma_start3A_93 : memref<1x128x128xf32, #tpu.memory_space<hbm>> -> memref<128x128xf32, #tpu.memory_space<hbm>>
      %dma_start3A_95 = arith.constant 0 : i32
      %dma_start3A_96 = tpu.memref_slice %arg9[%add3A_74, %dma_start3A_95] : memref<10240x128xf32, #tpu.memory_space<vmem_shared>> -> memref<128x128xf32, #tpu.memory_space<vmem_shared>>
      tpu.enqueue_dma source(%dma_start3A_96 : memref<128x128xf32, #tpu.memory_space<vmem_shared>>) target(%dma_start3A_94 : memref<128x128xf32, #tpu.memory_space<hbm>>) target_semaphore(%run_scoped3A_91 : memref<!tpu.dma_semaphore, #tpu.memory_space<semaphore_mem>>)
      %dma_wait3A = arith.constant 0 : i32
      %dma_wait3A_97 = tpu.memref_slice %arg5[%arg0, %add3A_74, %dma_wait3A] : memref<2x10240x128xf32, #tpu.memory_space<hbm>> -> memref<1x128x128xf32, #tpu.memory_space<hbm>>
      %dma_wait3A_98 = tpu.memref_squeeze %dma_wait3A_97 : memref<1x128x128xf32, #tpu.memory_space<hbm>> -> memref<128x128xf32, #tpu.memory_space<hbm>>
      %dma_wait3A_99 = arith.constant 0 : i32
      %dma_wait3A_100 = tpu.memref_slice %arg9[%add3A_74, %dma_wait3A_99] : memref<10240x128xf32, #tpu.memory_space<vmem_shared>> -> memref<128x128xf32, #tpu.memory_space<vmem_shared>>
      tpu.wait_dma2 semaphore(%run_scoped3A_91 : memref<!tpu.dma_semaphore, #tpu.memory_space<semaphore_mem>>) src(%dma_wait3A_100 : memref<128x128xf32, #tpu.memory_space<vmem_shared>>) dst(%dma_wait3A_98 : memref<128x128xf32, #tpu.memory_space<hbm>>)
      tpu.yield
    }) : () -> ()
    %mul3A_75 = arith.constant 640 : i32
    %mul3A_76 = arith.muli %arg1, %mul3A_75 : i32
    %add3A_77 = arith.constant 128 : i32
    %add3A_78 = arith.addi %mul3A_76, %add3A_77 : i32
    "tpu.region"() ({
      %run_scoped3A_91 = tpu.sem_alloc : memref<!tpu.dma_semaphore, #tpu.memory_space<semaphore_mem>>
      %dma_start3A_92 = arith.constant 0 : i32
      %dma_start3A_93 = tpu.memref_slice %arg5[%arg0, %add3A_78, %dma_start3A_92] : memref<2x10240x128xf32, #tpu.memory_space<hbm>> -> memref<1x128x128xf32, #tpu.memory_space<hbm>>
      %dma_start3A_94 = tpu.memref_squeeze %dma_start3A_93 : memref<1x128x128xf32, #tpu.memory_space<hbm>> -> memref<128x128xf32, #tpu.memory_space<hbm>>
      %dma_start3A_95 = arith.constant 0 : i32
      %dma_start3A_96 = tpu.memref_slice %arg9[%add3A_78, %dma_start3A_95] : memref<10240x128xf32, #tpu.memory_space<vmem_shared>> -> memref<128x128xf32, #tpu.memory_space<vmem_shared>>
      tpu.enqueue_dma source(%dma_start3A_96 : memref<128x128xf32, #tpu.memory_space<vmem_shared>>) target(%dma_start3A_94 : memref<128x128xf32, #tpu.memory_space<hbm>>) target_semaphore(%run_scoped3A_91 : memref<!tpu.dma_semaphore, #tpu.memory_space<semaphore_mem>>)
      %dma_wait3A = arith.constant 0 : i32
      %dma_wait3A_97 = tpu.memref_slice %arg5[%arg0, %add3A_78, %dma_wait3A] : memref<2x10240x128xf32, #tpu.memory_space<hbm>> -> memref<1x128x128xf32, #tpu.memory_space<hbm>>
      %dma_wait3A_98 = tpu.memref_squeeze %dma_wait3A_97 : memref<1x128x128xf32, #tpu.memory_space<hbm>> -> memref<128x128xf32, #tpu.memory_space<hbm>>
      %dma_wait3A_99 = arith.constant 0 : i32
      %dma_wait3A_100 = tpu.memref_slice %arg9[%add3A_78, %dma_wait3A_99] : memref<10240x128xf32, #tpu.memory_space<vmem_shared>> -> memref<128x128xf32, #tpu.memory_space<vmem_shared>>
      tpu.wait_dma2 semaphore(%run_scoped3A_91 : memref<!tpu.dma_semaphore, #tpu.memory_space<semaphore_mem>>) src(%dma_wait3A_100 : memref<128x128xf32, #tpu.memory_space<vmem_shared>>) dst(%dma_wait3A_98 : memref<128x128xf32, #tpu.memory_space<hbm>>)
      tpu.yield
    }) : () -> ()
    %mul3A_79 = arith.constant 640 : i32
    %mul3A_80 = arith.muli %arg1, %mul3A_79 : i32
    %add3A_81 = arith.constant 256 : i32
    %add3A_82 = arith.addi %mul3A_80, %add3A_81 : i32
    "tpu.region"() ({
      %run_scoped3A_91 = tpu.sem_alloc : memref<!tpu.dma_semaphore, #tpu.memory_space<semaphore_mem>>
      %dma_start3A_92 = arith.constant 0 : i32
      %dma_start3A_93 = tpu.memref_slice %arg5[%arg0, %add3A_82, %dma_start3A_92] : memref<2x10240x128xf32, #tpu.memory_space<hbm>> -> memref<1x128x128xf32, #tpu.memory_space<hbm>>
      %dma_start3A_94 = tpu.memref_squeeze %dma_start3A_93 : memref<1x128x128xf32, #tpu.memory_space<hbm>> -> memref<128x128xf32, #tpu.memory_space<hbm>>
      %dma_start3A_95 = arith.constant 0 : i32
      %dma_start3A_96 = tpu.memref_slice %arg9[%add3A_82, %dma_start3A_95] : memref<10240x128xf32, #tpu.memory_space<vmem_shared>> -> memref<128x128xf32, #tpu.memory_space<vmem_shared>>
      tpu.enqueue_dma source(%dma_start3A_96 : memref<128x128xf32, #tpu.memory_space<vmem_shared>>) target(%dma_start3A_94 : memref<128x128xf32, #tpu.memory_space<hbm>>) target_semaphore(%run_scoped3A_91 : memref<!tpu.dma_semaphore, #tpu.memory_space<semaphore_mem>>)
      %dma_wait3A = arith.constant 0 : i32
      %dma_wait3A_97 = tpu.memref_slice %arg5[%arg0, %add3A_82, %dma_wait3A] : memref<2x10240x128xf32, #tpu.memory_space<hbm>> -> memref<1x128x128xf32, #tpu.memory_space<hbm>>
      %dma_wait3A_98 = tpu.memref_squeeze %dma_wait3A_97 : memref<1x128x128xf32, #tpu.memory_space<hbm>> -> memref<128x128xf32, #tpu.memory_space<hbm>>
      %dma_wait3A_99 = arith.constant 0 : i32
      %dma_wait3A_100 = tpu.memref_slice %arg9[%add3A_82, %dma_wait3A_99] : memref<10240x128xf32, #tpu.memory_space<vmem_shared>> -> memref<128x128xf32, #tpu.memory_space<vmem_shared>>
      tpu.wait_dma2 semaphore(%run_scoped3A_91 : memref<!tpu.dma_semaphore, #tpu.memory_space<semaphore_mem>>) src(%dma_wait3A_100 : memref<128x128xf32, #tpu.memory_space<vmem_shared>>) dst(%dma_wait3A_98 : memref<128x128xf32, #tpu.memory_space<hbm>>)
      tpu.yield
    }) : () -> ()
    %mul3A_83 = arith.constant 640 : i32
    %mul3A_84 = arith.muli %arg1, %mul3A_83 : i32
    %add3A_85 = arith.constant 384 : i32
    %add3A_86 = arith.addi %mul3A_84, %add3A_85 : i32
    "tpu.region"() ({
      %run_scoped3A_91 = tpu.sem_alloc : memref<!tpu.dma_semaphore, #tpu.memory_space<semaphore_mem>>
      %dma_start3A_92 = arith.constant 0 : i32
      %dma_start3A_93 = tpu.memref_slice %arg5[%arg0, %add3A_86, %dma_start3A_92] : memref<2x10240x128xf32, #tpu.memory_space<hbm>> -> memref<1x128x128xf32, #tpu.memory_space<hbm>>
      %dma_start3A_94 = tpu.memref_squeeze %dma_start3A_93 : memref<1x128x128xf32, #tpu.memory_space<hbm>> -> memref<128x128xf32, #tpu.memory_space<hbm>>
      %dma_start3A_95 = arith.constant 0 : i32
      %dma_start3A_96 = tpu.memref_slice %arg9[%add3A_86, %dma_start3A_95] : memref<10240x128xf32, #tpu.memory_space<vmem_shared>> -> memref<128x128xf32, #tpu.memory_space<vmem_shared>>
      tpu.enqueue_dma source(%dma_start3A_96 : memref<128x128xf32, #tpu.memory_space<vmem_shared>>) target(%dma_start3A_94 : memref<128x128xf32, #tpu.memory_space<hbm>>) target_semaphore(%run_scoped3A_91 : memref<!tpu.dma_semaphore, #tpu.memory_space<semaphore_mem>>)
      %dma_wait3A = arith.constant 0 : i32
      %dma_wait3A_97 = tpu.memref_slice %arg5[%arg0, %add3A_86, %dma_wait3A] : memref<2x10240x128xf32, #tpu.memory_space<hbm>> -> memref<1x128x128xf32, #tpu.memory_space<hbm>>
      %dma_wait3A_98 = tpu.memref_squeeze %dma_wait3A_97 : memref<1x128x128xf32, #tpu.memory_space<hbm>> -> memref<128x128xf32, #tpu.memory_space<hbm>>
      %dma_wait3A_99 = arith.constant 0 : i32
      %dma_wait3A_100 = tpu.memref_slice %arg9[%add3A_86, %dma_wait3A_99] : memref<10240x128xf32, #tpu.memory_space<vmem_shared>> -> memref<128x128xf32, #tpu.memory_space<vmem_shared>>
      tpu.wait_dma2 semaphore(%run_scoped3A_91 : memref<!tpu.dma_semaphore, #tpu.memory_space<semaphore_mem>>) src(%dma_wait3A_100 : memref<128x128xf32, #tpu.memory_space<vmem_shared>>) dst(%dma_wait3A_98 : memref<128x128xf32, #tpu.memory_space<hbm>>)
      tpu.yield
    }) : () -> ()
    %mul3A_87 = arith.constant 640 : i32
    %mul3A_88 = arith.muli %arg1, %mul3A_87 : i32
    %add3A_89 = arith.constant 512 : i32
    %add3A_90 = arith.addi %mul3A_88, %add3A_89 : i32
    "tpu.region"() ({
      %run_scoped3A_91 = tpu.sem_alloc : memref<!tpu.dma_semaphore, #tpu.memory_space<semaphore_mem>>
      %dma_start3A_92 = arith.constant 0 : i32
      %dma_start3A_93 = tpu.memref_slice %arg5[%arg0, %add3A_90, %dma_start3A_92] : memref<2x10240x128xf32, #tpu.memory_space<hbm>> -> memref<1x128x128xf32, #tpu.memory_space<hbm>>
      %dma_start3A_94 = tpu.memref_squeeze %dma_start3A_93 : memref<1x128x128xf32, #tpu.memory_space<hbm>> -> memref<128x128xf32, #tpu.memory_space<hbm>>
      %dma_start3A_95 = arith.constant 0 : i32
      %dma_start3A_96 = tpu.memref_slice %arg9[%add3A_90, %dma_start3A_95] : memref<10240x128xf32, #tpu.memory_space<vmem_shared>> -> memref<128x128xf32, #tpu.memory_space<vmem_shared>>
      tpu.enqueue_dma source(%dma_start3A_96 : memref<128x128xf32, #tpu.memory_space<vmem_shared>>) target(%dma_start3A_94 : memref<128x128xf32, #tpu.memory_space<hbm>>) target_semaphore(%run_scoped3A_91 : memref<!tpu.dma_semaphore, #tpu.memory_space<semaphore_mem>>)
      %dma_wait3A = arith.constant 0 : i32
      %dma_wait3A_97 = tpu.memref_slice %arg5[%arg0, %add3A_90, %dma_wait3A] : memref<2x10240x128xf32, #tpu.memory_space<hbm>> -> memref<1x128x128xf32, #tpu.memory_space<hbm>>
      %dma_wait3A_98 = tpu.memref_squeeze %dma_wait3A_97 : memref<1x128x128xf32, #tpu.memory_space<hbm>> -> memref<128x128xf32, #tpu.memory_space<hbm>>
      %dma_wait3A_99 = arith.constant 0 : i32
      %dma_wait3A_100 = tpu.memref_slice %arg9[%add3A_90, %dma_wait3A_99] : memref<10240x128xf32, #tpu.memory_space<vmem_shared>> -> memref<128x128xf32, #tpu.memory_space<vmem_shared>>
      tpu.wait_dma2 semaphore(%run_scoped3A_91 : memref<!tpu.dma_semaphore, #tpu.memory_space<semaphore_mem>>) src(%dma_wait3A_100 : memref<128x128xf32, #tpu.memory_space<vmem_shared>>) dst(%dma_wait3A_98 : memref<128x128xf32, #tpu.memory_space<hbm>>)
      tpu.yield
    }) : () -> ()
    return
  }
}

#map = affine_map<(d0, d1) -> (0, 0)>
#map1 = affine_map<(d0, d1) -> (0, 0, 0)>
module attributes {stable_mosaic.version = 14 : i64} {
  func.func @_agg_body(%arg0: i32, %arg1: i32, %arg2: memref<10240x128xf32, #tpu.memory_space<hbm>>, %arg3: memref<2560x128xi32, #tpu.memory_space<hbm>>, %arg4: memref<2560x128xi32, #tpu.memory_space<hbm>>, %arg5: memref<2x10240x128xf32, #tpu.memory_space<hbm>>, %arg6: memref<2x128x128xf32, #tpu.memory_space<vmem>>, %arg7: memref<40x128xi32, #tpu.memory_space<vmem>>, %arg8: memref<40x128xi32, #tpu.memory_space<vmem>>, %arg9: memref<10240x128xf32, #tpu.memory_space<vmem_shared>>, %arg10: memref<!tpu.dma_semaphore, #tpu.memory_space<semaphore_mem>>, %arg11: memref<!tpu.dma_semaphore, #tpu.memory_space<semaphore_mem>>) attributes {dimension_semantics = [#tpu.dimension_semantics<core_parallel>, #tpu.dimension_semantics<subcore_parallel>], iteration_bounds = array<i64: 2, 16>, scalar_prefetch = 0 : i64, scratch_operands = 6 : i64, tpu.core_type = #tpu.core_type<sc_vector_subcore>, window_params = [{transform_indices = #map}, {transform_indices = #map}, {transform_indices = #map}, {transform_indices = #map1}]} {
    %mul3A = arith.constant 16 : i32
    %mul3A_0 = arith.muli %arg0, %mul3A : i32
    %add3A = arith.addi %mul3A_0, %arg1 : i32
    %scan3A = arith.constant 0 : i32
    %scan3A_1 = arith.constant 128 : i32
    %scan3A_2 = arith.addi %scan3A, %scan3A_1 : i32
    %scan3A_3 = arith.constant 1 : i32
    scf.for %scan3A_91 = %scan3A to %scan3A_2 step %scan3A_3  : i32 {
      %mul3A_92 = arith.constant 1 : i32
      %mul3A_93 = arith.muli %scan3A_91, %mul3A_92 : i32
      %add3A_94 = arith.constant 0 : i32
      %add3A_95 = arith.addi %add3A_94, %mul3A_93 : i32
      %broadcast_in_dim3A = arith.constant 0.000000e+00 : f32
      %broadcast_in_dim3A_96 = vector.broadcast %broadcast_in_dim3A : f32 to vector<16xf32>
      %swap3A = arith.constant 0 : i32
      %swap3A_97 = arith.index_cast %swap3A : i32 to index
      %swap3A_98 = arith.index_cast %add3A_95 : i32 to index
      %swap3A_99 = arith.constant 0 : index
      %swap3A_100 = tpu.vector_load %arg6[%swap3A_97, %swap3A_98, %swap3A_99] {strides = array<i32>} : memref<2x128x128xf32, #tpu.memory_space<vmem>>, vector<1x1x16xf32>,
      %swap3A_101 = vector.shape_cast %swap3A_100 : vector<1x1x16xf32> to vector<16xf32>
      %swap3A_102 = vector.shape_cast %broadcast_in_dim3A_96 : vector<16xf32> to vector<1x1x16xf32>
      tpu.vector_store %arg6[%swap3A_97, %swap3A_98, %swap3A_99], %swap3A_102 {strides = array<i32>} : memref<2x128x128xf32, #tpu.memory_space<vmem>>, vector<1x1x16xf32>,
      %broadcast_in_dim3A_103 = arith.constant 0.000000e+00 : f32
      %broadcast_in_dim3A_104 = vector.broadcast %broadcast_in_dim3A_103 : f32 to vector<16xf32>
      %swap3A_105 = arith.constant 0 : i32
      %swap3A_106 = arith.index_cast %swap3A_105 : i32 to index
      %swap3A_107 = arith.index_cast %add3A_95 : i32 to index
      %swap3A_108 = arith.constant 16 : index
      %swap3A_109 = tpu.vector_load %arg6[%swap3A_106, %swap3A_107, %swap3A_108] {strides = array<i32>} : memref<2x128x128xf32, #tpu.memory_space<vmem>>, vector<1x1x16xf32>,
      %swap3A_110 = vector.shape_cast %swap3A_109 : vector<1x1x16xf32> to vector<16xf32>
      %swap3A_111 = vector.shape_cast %broadcast_in_dim3A_104 : vector<16xf32> to vector<1x1x16xf32>
      tpu.vector_store %arg6[%swap3A_106, %swap3A_107, %swap3A_108], %swap3A_111 {strides = array<i32>} : memref<2x128x128xf32, #tpu.memory_space<vmem>>, vector<1x1x16xf32>,
      %broadcast_in_dim3A_112 = arith.constant 0.000000e+00 : f32
      %broadcast_in_dim3A_113 = vector.broadcast %broadcast_in_dim3A_112 : f32 to vector<16xf32>
      %swap3A_114 = arith.constant 0 : i32
      %swap3A_115 = arith.index_cast %swap3A_114 : i32 to index
      %swap3A_116 = arith.index_cast %add3A_95 : i32 to index
      %swap3A_117 = arith.constant 32 : index
      %swap3A_118 = tpu.vector_load %arg6[%swap3A_115, %swap3A_116, %swap3A_117] {strides = array<i32>} : memref<2x128x128xf32, #tpu.memory_space<vmem>>, vector<1x1x16xf32>,
      %swap3A_119 = vector.shape_cast %swap3A_118 : vector<1x1x16xf32> to vector<16xf32>
      %swap3A_120 = vector.shape_cast %broadcast_in_dim3A_113 : vector<16xf32> to vector<1x1x16xf32>
      tpu.vector_store %arg6[%swap3A_115, %swap3A_116, %swap3A_117], %swap3A_120 {strides = array<i32>} : memref<2x128x128xf32, #tpu.memory_space<vmem>>, vector<1x1x16xf32>,
      %broadcast_in_dim3A_121 = arith.constant 0.000000e+00 : f32
      %broadcast_in_dim3A_122 = vector.broadcast %broadcast_in_dim3A_121 : f32 to vector<16xf32>
      %swap3A_123 = arith.constant 0 : i32
      %swap3A_124 = arith.index_cast %swap3A_123 : i32 to index
      %swap3A_125 = arith.index_cast %add3A_95 : i32 to index
      %swap3A_126 = arith.constant 48 : index
      %swap3A_127 = tpu.vector_load %arg6[%swap3A_124, %swap3A_125, %swap3A_126] {strides = array<i32>} : memref<2x128x128xf32, #tpu.memory_space<vmem>>, vector<1x1x16xf32>,
      %swap3A_128 = vector.shape_cast %swap3A_127 : vector<1x1x16xf32> to vector<16xf32>
      %swap3A_129 = vector.shape_cast %broadcast_in_dim3A_122 : vector<16xf32> to vector<1x1x16xf32>
      tpu.vector_store %arg6[%swap3A_124, %swap3A_125, %swap3A_126], %swap3A_129 {strides = array<i32>} : memref<2x128x128xf32, #tpu.memory_space<vmem>>, vector<1x1x16xf32>,
      %broadcast_in_dim3A_130 = arith.constant 0.000000e+00 : f32
      %broadcast_in_dim3A_131 = vector.broadcast %broadcast_in_dim3A_130 : f32 to vector<16xf32>
      %swap3A_132 = arith.constant 0 : i32
      %swap3A_133 = arith.index_cast %swap3A_132 : i32 to index
      %swap3A_134 = arith.index_cast %add3A_95 : i32 to index
      %swap3A_135 = arith.constant 64 : index
      %swap3A_136 = tpu.vector_load %arg6[%swap3A_133, %swap3A_134, %swap3A_135] {strides = array<i32>} : memref<2x128x128xf32, #tpu.memory_space<vmem>>, vector<1x1x16xf32>,
      %swap3A_137 = vector.shape_cast %swap3A_136 : vector<1x1x16xf32> to vector<16xf32>
      %swap3A_138 = vector.shape_cast %broadcast_in_dim3A_131 : vector<16xf32> to vector<1x1x16xf32>
      tpu.vector_store %arg6[%swap3A_133, %swap3A_134, %swap3A_135], %swap3A_138 {strides = array<i32>} : memref<2x128x128xf32, #tpu.memory_space<vmem>>, vector<1x1x16xf32>,
      %broadcast_in_dim3A_139 = arith.constant 0.000000e+00 : f32
      %broadcast_in_dim3A_140 = vector.broadcast %broadcast_in_dim3A_139 : f32 to vector<16xf32>
      %swap3A_141 = arith.constant 0 : i32
      %swap3A_142 = arith.index_cast %swap3A_141 : i32 to index
      %swap3A_143 = arith.index_cast %add3A_95 : i32 to index
      %swap3A_144 = arith.constant 80 : index
      %swap3A_145 = tpu.vector_load %arg6[%swap3A_142, %swap3A_143, %swap3A_144] {strides = array<i32>} : memref<2x128x128xf32, #tpu.memory_space<vmem>>, vector<1x1x16xf32>,
      %swap3A_146 = vector.shape_cast %swap3A_145 : vector<1x1x16xf32> to vector<16xf32>
      %swap3A_147 = vector.shape_cast %broadcast_in_dim3A_140 : vector<16xf32> to vector<1x1x16xf32>
      tpu.vector_store %arg6[%swap3A_142, %swap3A_143, %swap3A_144], %swap3A_147 {strides = array<i32>} : memref<2x128x128xf32, #tpu.memory_space<vmem>>, vector<1x1x16xf32>,
      %broadcast_in_dim3A_148 = arith.constant 0.000000e+00 : f32
      %broadcast_in_dim3A_149 = vector.broadcast %broadcast_in_dim3A_148 : f32 to vector<16xf32>
      %swap3A_150 = arith.constant 0 : i32
      %swap3A_151 = arith.index_cast %swap3A_150 : i32 to index
      %swap3A_152 = arith.index_cast %add3A_95 : i32 to index
      %swap3A_153 = arith.constant 96 : index
      %swap3A_154 = tpu.vector_load %arg6[%swap3A_151, %swap3A_152, %swap3A_153] {strides = array<i32>} : memref<2x128x128xf32, #tpu.memory_space<vmem>>, vector<1x1x16xf32>,
      %swap3A_155 = vector.shape_cast %swap3A_154 : vector<1x1x16xf32> to vector<16xf32>
      %swap3A_156 = vector.shape_cast %broadcast_in_dim3A_149 : vector<16xf32> to vector<1x1x16xf32>
      tpu.vector_store %arg6[%swap3A_151, %swap3A_152, %swap3A_153], %swap3A_156 {strides = array<i32>} : memref<2x128x128xf32, #tpu.memory_space<vmem>>, vector<1x1x16xf32>,
      %broadcast_in_dim3A_157 = arith.constant 0.000000e+00 : f32
      %broadcast_in_dim3A_158 = vector.broadcast %broadcast_in_dim3A_157 : f32 to vector<16xf32>
      %swap3A_159 = arith.constant 0 : i32
      %swap3A_160 = arith.index_cast %swap3A_159 : i32 to index
      %swap3A_161 = arith.index_cast %add3A_95 : i32 to index
      %swap3A_162 = arith.constant 112 : index
      %swap3A_163 = tpu.vector_load %arg6[%swap3A_160, %swap3A_161, %swap3A_162] {strides = array<i32>} : memref<2x128x128xf32, #tpu.memory_space<vmem>>, vector<1x1x16xf32>,
      %swap3A_164 = vector.shape_cast %swap3A_163 : vector<1x1x16xf32> to vector<16xf32>
      %swap3A_165 = vector.shape_cast %broadcast_in_dim3A_158 : vector<16xf32> to vector<1x1x16xf32>
      tpu.vector_store %arg6[%swap3A_160, %swap3A_161, %swap3A_162], %swap3A_165 {strides = array<i32>} : memref<2x128x128xf32, #tpu.memory_space<vmem>>, vector<1x1x16xf32>,
    }
    %scan3A_4 = arith.constant 128 : i32
    %mul3A_5 = arith.constant 640 : i32
    %mul3A_6 = arith.muli %arg1, %mul3A_5 : i32
    %add3A_7 = arith.constant 0 : i32
    %add3A_8 = arith.addi %mul3A_6, %add3A_7 : i32
    %run_scoped3A = arith.constant 0 : i32
    "tpu.region"() ({
      %run_scoped3A_91 = tpu.sem_alloc : memref<!tpu.dma_semaphore, #tpu.memory_space<semaphore_mem>>
      %dma_start3A_92 = arith.constant 0 : i32
      %dma_start3A_93 = arith.constant 0 : i32
      %dma_start3A_94 = tpu.memref_slice %arg6[%run_scoped3A, %dma_start3A_92, %dma_start3A_93] : memref<2x128x128xf32, #tpu.memory_space<vmem>> -> memref<1x128x128xf32, #tpu.memory_space<vmem>>
      %dma_start3A_95 = tpu.memref_squeeze %dma_start3A_94 : memref<1x128x128xf32, #tpu.memory_space<vmem>> -> memref<128x128xf32, #tpu.memory_space<vmem>>
      %dma_start3A_96 = arith.constant 0 : i32
      %dma_start3A_97 = tpu.memref_slice %arg9[%add3A_8, %dma_start3A_96] : memref<10240x128xf32, #tpu.memory_space<vmem_shared>> -> memref<128x128xf32, #tpu.memory_space<vmem_shared>>
      %dma_start3A_98 = arith.constant 0 : i32
      %dma_start3A_99 = tpu.memref_slice %arg9[%add3A_8, %dma_start3A_98] : memref<10240x128xf32, #tpu.memory_space<vmem_shared>> -> memref<128x128xf32, #tpu.memory_space<vmem_shared>>
      %dma_start3A_100 = arith.constant 0 : i32
      %dma_start3A_101 = arith.constant 0 : i32
      %dma_start3A_102 = tpu.memref_slice %arg6[%run_scoped3A, %dma_start3A_100, %dma_start3A_101] : memref<2x128x128xf32, #tpu.memory_space<vmem>> -> memref<1x128x128xf32, #tpu.memory_space<vmem>>
      %dma_start3A_103 = tpu.memref_squeeze %dma_start3A_102 : memref<1x128x128xf32, #tpu.memory_space<vmem>> -> memref<128x128xf32, #tpu.memory_space<vmem>>
      tpu.enqueue_dma source(%dma_start3A_103 : memref<128x128xf32, #tpu.memory_space<vmem>>) target(%dma_start3A_99 : memref<128x128xf32, #tpu.memory_space<vmem_shared>>) target_semaphore(%run_scoped3A_91 : memref<!tpu.dma_semaphore, #tpu.memory_space<semaphore_mem>>)
      %dma_wait3A = arith.constant 0 : i32
      %dma_wait3A_104 = arith.constant 0 : i32
      %dma_wait3A_105 = tpu.memref_slice %arg6[%run_scoped3A, %dma_wait3A, %dma_wait3A_104] : memref<2x128x128xf32, #tpu.memory_space<vmem>> -> memref<1x128x128xf32, #tpu.memory_space<vmem>>
      %dma_wait3A_106 = tpu.memref_squeeze %dma_wait3A_105 : memref<1x128x128xf32, #tpu.memory_space<vmem>> -> memref<128x128xf32, #tpu.memory_space<vmem>>
      %dma_wait3A_107 = arith.constant 0 : i32
      %dma_wait3A_108 = tpu.memref_slice %arg9[%add3A_8, %dma_wait3A_107] : memref<10240x128xf32, #tpu.memory_space<vmem_shared>> -> memref<128x128xf32, #tpu.memory_space<vmem_shared>>
      %dma_wait3A_109 = arith.constant 0 : i32
      %dma_wait3A_110 = tpu.memref_slice %arg9[%add3A_8, %dma_wait3A_109] : memref<10240x128xf32, #tpu.memory_space<vmem_shared>> -> memref<128x128xf32, #tpu.memory_space<vmem_shared>>
      %dma_wait3A_111 = arith.constant 0 : i32
      %dma_wait3A_112 = arith.constant 0 : i32
      %dma_wait3A_113 = tpu.memref_slice %arg6[%run_scoped3A, %dma_wait3A_111, %dma_wait3A_112] : memref<2x128x128xf32, #tpu.memory_space<vmem>> -> memref<1x128x128xf32, #tpu.memory_space<vmem>>
      %dma_wait3A_114 = tpu.memref_squeeze %dma_wait3A_113 : memref<1x128x128xf32, #tpu.memory_space<vmem>> -> memref<128x128xf32, #tpu.memory_space<vmem>>
      tpu.wait_dma2 semaphore(%run_scoped3A_91 : memref<!tpu.dma_semaphore, #tpu.memory_space<semaphore_mem>>) src(%dma_wait3A_114 : memref<128x128xf32, #tpu.memory_space<vmem>>) dst(%dma_wait3A_110 : memref<128x128xf32, #tpu.memory_space<vmem_shared>>)
      tpu.yield
    }) : () -> ()
    %mul3A_9 = arith.constant 640 : i32
    %mul3A_10 = arith.muli %arg1, %mul3A_9 : i32
    %add3A_11 = arith.constant 128 : i32
    %add3A_12 = arith.addi %mul3A_10, %add3A_11 : i32
    %run_scoped3A_13 = arith.constant 0 : i32
    "tpu.region"() ({
      %run_scoped3A_91 = tpu.sem_alloc : memref<!tpu.dma_semaphore, #tpu.memory_space<semaphore_mem>>
      %dma_start3A_92 = arith.constant 0 : i32
      %dma_start3A_93 = arith.constant 0 : i32
      %dma_start3A_94 = tpu.memref_slice %arg6[%run_scoped3A_13, %dma_start3A_92, %dma_start3A_93] : memref<2x128x128xf32, #tpu.memory_space<vmem>> -> memref<1x128x128xf32, #tpu.memory_space<vmem>>
      %dma_start3A_95 = tpu.memref_squeeze %dma_start3A_94 : memref<1x128x128xf32, #tpu.memory_space<vmem>> -> memref<128x128xf32, #tpu.memory_space<vmem>>
      %dma_start3A_96 = arith.constant 0 : i32
      %dma_start3A_97 = tpu.memref_slice %arg9[%add3A_12, %dma_start3A_96] : memref<10240x128xf32, #tpu.memory_space<vmem_shared>> -> memref<128x128xf32, #tpu.memory_space<vmem_shared>>
      %dma_start3A_98 = arith.constant 0 : i32
      %dma_start3A_99 = tpu.memref_slice %arg9[%add3A_12, %dma_start3A_98] : memref<10240x128xf32, #tpu.memory_space<vmem_shared>> -> memref<128x128xf32, #tpu.memory_space<vmem_shared>>
      %dma_start3A_100 = arith.constant 0 : i32
      %dma_start3A_101 = arith.constant 0 : i32
      %dma_start3A_102 = tpu.memref_slice %arg6[%run_scoped3A_13, %dma_start3A_100, %dma_start3A_101] : memref<2x128x128xf32, #tpu.memory_space<vmem>> -> memref<1x128x128xf32, #tpu.memory_space<vmem>>
      %dma_start3A_103 = tpu.memref_squeeze %dma_start3A_102 : memref<1x128x128xf32, #tpu.memory_space<vmem>> -> memref<128x128xf32, #tpu.memory_space<vmem>>
      tpu.enqueue_dma source(%dma_start3A_103 : memref<128x128xf32, #tpu.memory_space<vmem>>) target(%dma_start3A_99 : memref<128x128xf32, #tpu.memory_space<vmem_shared>>) target_semaphore(%run_scoped3A_91 : memref<!tpu.dma_semaphore, #tpu.memory_space<semaphore_mem>>)
      %dma_wait3A = arith.constant 0 : i32
      %dma_wait3A_104 = arith.constant 0 : i32
      %dma_wait3A_105 = tpu.memref_slice %arg6[%run_scoped3A_13, %dma_wait3A, %dma_wait3A_104] : memref<2x128x128xf32, #tpu.memory_space<vmem>> -> memref<1x128x128xf32, #tpu.memory_space<vmem>>
      %dma_wait3A_106 = tpu.memref_squeeze %dma_wait3A_105 : memref<1x128x128xf32, #tpu.memory_space<vmem>> -> memref<128x128xf32, #tpu.memory_space<vmem>>
      %dma_wait3A_107 = arith.constant 0 : i32
      %dma_wait3A_108 = tpu.memref_slice %arg9[%add3A_12, %dma_wait3A_107] : memref<10240x128xf32, #tpu.memory_space<vmem_shared>> -> memref<128x128xf32, #tpu.memory_space<vmem_shared>>
      %dma_wait3A_109 = arith.constant 0 : i32
      %dma_wait3A_110 = tpu.memref_slice %arg9[%add3A_12, %dma_wait3A_109] : memref<10240x128xf32, #tpu.memory_space<vmem_shared>> -> memref<128x128xf32, #tpu.memory_space<vmem_shared>>
      %dma_wait3A_111 = arith.constant 0 : i32
      %dma_wait3A_112 = arith.constant 0 : i32
      %dma_wait3A_113 = tpu.memref_slice %arg6[%run_scoped3A_13, %dma_wait3A_111, %dma_wait3A_112] : memref<2x128x128xf32, #tpu.memory_space<vmem>> -> memref<1x128x128xf32, #tpu.memory_space<vmem>>
      %dma_wait3A_114 = tpu.memref_squeeze %dma_wait3A_113 : memref<1x128x128xf32, #tpu.memory_space<vmem>> -> memref<128x128xf32, #tpu.memory_space<vmem>>
      tpu.wait_dma2 semaphore(%run_scoped3A_91 : memref<!tpu.dma_semaphore, #tpu.memory_space<semaphore_mem>>) src(%dma_wait3A_114 : memref<128x128xf32, #tpu.memory_space<vmem>>) dst(%dma_wait3A_110 : memref<128x128xf32, #tpu.memory_space<vmem_shared>>)
      tpu.yield
    }) : () -> ()
    %mul3A_14 = arith.constant 640 : i32
    %mul3A_15 = arith.muli %arg1, %mul3A_14 : i32
    %add3A_16 = arith.constant 256 : i32
    %add3A_17 = arith.addi %mul3A_15, %add3A_16 : i32
    %run_scoped3A_18 = arith.constant 0 : i32
    "tpu.region"() ({
      %run_scoped3A_91 = tpu.sem_alloc : memref<!tpu.dma_semaphore, #tpu.memory_space<semaphore_mem>>
      %dma_start3A_92 = arith.constant 0 : i32
      %dma_start3A_93 = arith.constant 0 : i32
      %dma_start3A_94 = tpu.memref_slice %arg6[%run_scoped3A_18, %dma_start3A_92, %dma_start3A_93] : memref<2x128x128xf32, #tpu.memory_space<vmem>> -> memref<1x128x128xf32, #tpu.memory_space<vmem>>
      %dma_start3A_95 = tpu.memref_squeeze %dma_start3A_94 : memref<1x128x128xf32, #tpu.memory_space<vmem>> -> memref<128x128xf32, #tpu.memory_space<vmem>>
      %dma_start3A_96 = arith.constant 0 : i32
      %dma_start3A_97 = tpu.memref_slice %arg9[%add3A_17, %dma_start3A_96] : memref<10240x128xf32, #tpu.memory_space<vmem_shared>> -> memref<128x128xf32, #tpu.memory_space<vmem_shared>>
      %dma_start3A_98 = arith.constant 0 : i32
      %dma_start3A_99 = tpu.memref_slice %arg9[%add3A_17, %dma_start3A_98] : memref<10240x128xf32, #tpu.memory_space<vmem_shared>> -> memref<128x128xf32, #tpu.memory_space<vmem_shared>>
      %dma_start3A_100 = arith.constant 0 : i32
      %dma_start3A_101 = arith.constant 0 : i32
      %dma_start3A_102 = tpu.memref_slice %arg6[%run_scoped3A_18, %dma_start3A_100, %dma_start3A_101] : memref<2x128x128xf32, #tpu.memory_space<vmem>> -> memref<1x128x128xf32, #tpu.memory_space<vmem>>
      %dma_start3A_103 = tpu.memref_squeeze %dma_start3A_102 : memref<1x128x128xf32, #tpu.memory_space<vmem>> -> memref<128x128xf32, #tpu.memory_space<vmem>>
      tpu.enqueue_dma source(%dma_start3A_103 : memref<128x128xf32, #tpu.memory_space<vmem>>) target(%dma_start3A_99 : memref<128x128xf32, #tpu.memory_space<vmem_shared>>) target_semaphore(%run_scoped3A_91 : memref<!tpu.dma_semaphore, #tpu.memory_space<semaphore_mem>>)
      %dma_wait3A = arith.constant 0 : i32
      %dma_wait3A_104 = arith.constant 0 : i32
      %dma_wait3A_105 = tpu.memref_slice %arg6[%run_scoped3A_18, %dma_wait3A, %dma_wait3A_104] : memref<2x128x128xf32, #tpu.memory_space<vmem>> -> memref<1x128x128xf32, #tpu.memory_space<vmem>>
      %dma_wait3A_106 = tpu.memref_squeeze %dma_wait3A_105 : memref<1x128x128xf32, #tpu.memory_space<vmem>> -> memref<128x128xf32, #tpu.memory_space<vmem>>
      %dma_wait3A_107 = arith.constant 0 : i32
      %dma_wait3A_108 = tpu.memref_slice %arg9[%add3A_17, %dma_wait3A_107] : memref<10240x128xf32, #tpu.memory_space<vmem_shared>> -> memref<128x128xf32, #tpu.memory_space<vmem_shared>>
      %dma_wait3A_109 = arith.constant 0 : i32
      %dma_wait3A_110 = tpu.memref_slice %arg9[%add3A_17, %dma_wait3A_109] : memref<10240x128xf32, #tpu.memory_space<vmem_shared>> -> memref<128x128xf32, #tpu.memory_space<vmem_shared>>
      %dma_wait3A_111 = arith.constant 0 : i32
      %dma_wait3A_112 = arith.constant 0 : i32
      %dma_wait3A_113 = tpu.memref_slice %arg6[%run_scoped3A_18, %dma_wait3A_111, %dma_wait3A_112] : memref<2x128x128xf32, #tpu.memory_space<vmem>> -> memref<1x128x128xf32, #tpu.memory_space<vmem>>
      %dma_wait3A_114 = tpu.memref_squeeze %dma_wait3A_113 : memref<1x128x128xf32, #tpu.memory_space<vmem>> -> memref<128x128xf32, #tpu.memory_space<vmem>>
      tpu.wait_dma2 semaphore(%run_scoped3A_91 : memref<!tpu.dma_semaphore, #tpu.memory_space<semaphore_mem>>) src(%dma_wait3A_114 : memref<128x128xf32, #tpu.memory_space<vmem>>) dst(%dma_wait3A_110 : memref<128x128xf32, #tpu.memory_space<vmem_shared>>)
      tpu.yield
    }) : () -> ()
    %mul3A_19 = arith.constant 640 : i32
    %mul3A_20 = arith.muli %arg1, %mul3A_19 : i32
    %add3A_21 = arith.constant 384 : i32
    %add3A_22 = arith.addi %mul3A_20, %add3A_21 : i32
    %run_scoped3A_23 = arith.constant 0 : i32
    "tpu.region"() ({
      %run_scoped3A_91 = tpu.sem_alloc : memref<!tpu.dma_semaphore, #tpu.memory_space<semaphore_mem>>
      %dma_start3A_92 = arith.constant 0 : i32
      %dma_start3A_93 = arith.constant 0 : i32
      %dma_start3A_94 = tpu.memref_slice %arg6[%run_scoped3A_23, %dma_start3A_92, %dma_start3A_93] : memref<2x128x128xf32, #tpu.memory_space<vmem>> -> memref<1x128x128xf32, #tpu.memory_space<vmem>>
      %dma_start3A_95 = tpu.memref_squeeze %dma_start3A_94 : memref<1x128x128xf32, #tpu.memory_space<vmem>> -> memref<128x128xf32, #tpu.memory_space<vmem>>
      %dma_start3A_96 = arith.constant 0 : i32
      %dma_start3A_97 = tpu.memref_slice %arg9[%add3A_22, %dma_start3A_96] : memref<10240x128xf32, #tpu.memory_space<vmem_shared>> -> memref<128x128xf32, #tpu.memory_space<vmem_shared>>
      %dma_start3A_98 = arith.constant 0 : i32
      %dma_start3A_99 = tpu.memref_slice %arg9[%add3A_22, %dma_start3A_98] : memref<10240x128xf32, #tpu.memory_space<vmem_shared>> -> memref<128x128xf32, #tpu.memory_space<vmem_shared>>
      %dma_start3A_100 = arith.constant 0 : i32
      %dma_start3A_101 = arith.constant 0 : i32
      %dma_start3A_102 = tpu.memref_slice %arg6[%run_scoped3A_23, %dma_start3A_100, %dma_start3A_101] : memref<2x128x128xf32, #tpu.memory_space<vmem>> -> memref<1x128x128xf32, #tpu.memory_space<vmem>>
      %dma_start3A_103 = tpu.memref_squeeze %dma_start3A_102 : memref<1x128x128xf32, #tpu.memory_space<vmem>> -> memref<128x128xf32, #tpu.memory_space<vmem>>
      tpu.enqueue_dma source(%dma_start3A_103 : memref<128x128xf32, #tpu.memory_space<vmem>>) target(%dma_start3A_99 : memref<128x128xf32, #tpu.memory_space<vmem_shared>>) target_semaphore(%run_scoped3A_91 : memref<!tpu.dma_semaphore, #tpu.memory_space<semaphore_mem>>)
      %dma_wait3A = arith.constant 0 : i32
      %dma_wait3A_104 = arith.constant 0 : i32
      %dma_wait3A_105 = tpu.memref_slice %arg6[%run_scoped3A_23, %dma_wait3A, %dma_wait3A_104] : memref<2x128x128xf32, #tpu.memory_space<vmem>> -> memref<1x128x128xf32, #tpu.memory_space<vmem>>
      %dma_wait3A_106 = tpu.memref_squeeze %dma_wait3A_105 : memref<1x128x128xf32, #tpu.memory_space<vmem>> -> memref<128x128xf32, #tpu.memory_space<vmem>>
      %dma_wait3A_107 = arith.constant 0 : i32
      %dma_wait3A_108 = tpu.memref_slice %arg9[%add3A_22, %dma_wait3A_107] : memref<10240x128xf32, #tpu.memory_space<vmem_shared>> -> memref<128x128xf32, #tpu.memory_space<vmem_shared>>
      %dma_wait3A_109 = arith.constant 0 : i32
      %dma_wait3A_110 = tpu.memref_slice %arg9[%add3A_22, %dma_wait3A_109] : memref<10240x128xf32, #tpu.memory_space<vmem_shared>> -> memref<128x128xf32, #tpu.memory_space<vmem_shared>>
      %dma_wait3A_111 = arith.constant 0 : i32
      %dma_wait3A_112 = arith.constant 0 : i32
      %dma_wait3A_113 = tpu.memref_slice %arg6[%run_scoped3A_23, %dma_wait3A_111, %dma_wait3A_112] : memref<2x128x128xf32, #tpu.memory_space<vmem>> -> memref<1x128x128xf32, #tpu.memory_space<vmem>>
      %dma_wait3A_114 = tpu.memref_squeeze %dma_wait3A_113 : memref<1x128x128xf32, #tpu.memory_space<vmem>> -> memref<128x128xf32, #tpu.memory_space<vmem>>
      tpu.wait_dma2 semaphore(%run_scoped3A_91 : memref<!tpu.dma_semaphore, #tpu.memory_space<semaphore_mem>>) src(%dma_wait3A_114 : memref<128x128xf32, #tpu.memory_space<vmem>>) dst(%dma_wait3A_110 : memref<128x128xf32, #tpu.memory_space<vmem_shared>>)
      tpu.yield
    }) : () -> ()
    %mul3A_24 = arith.constant 640 : i32
    %mul3A_25 = arith.muli %arg1, %mul3A_24 : i32
    %add3A_26 = arith.constant 512 : i32
    %add3A_27 = arith.addi %mul3A_25, %add3A_26 : i32
    %run_scoped3A_28 = arith.constant 0 : i32
    "tpu.region"() ({
      %run_scoped3A_91 = tpu.sem_alloc : memref<!tpu.dma_semaphore, #tpu.memory_space<semaphore_mem>>
      %dma_start3A_92 = arith.constant 0 : i32
      %dma_start3A_93 = arith.constant 0 : i32
      %dma_start3A_94 = tpu.memref_slice %arg6[%run_scoped3A_28, %dma_start3A_92, %dma_start3A_93] : memref<2x128x128xf32, #tpu.memory_space<vmem>> -> memref<1x128x128xf32, #tpu.memory_space<vmem>>
      %dma_start3A_95 = tpu.memref_squeeze %dma_start3A_94 : memref<1x128x128xf32, #tpu.memory_space<vmem>> -> memref<128x128xf32, #tpu.memory_space<vmem>>
      %dma_start3A_96 = arith.constant 0 : i32
      %dma_start3A_97 = tpu.memref_slice %arg9[%add3A_27, %dma_start3A_96] : memref<10240x128xf32, #tpu.memory_space<vmem_shared>> -> memref<128x128xf32, #tpu.memory_space<vmem_shared>>
      %dma_start3A_98 = arith.constant 0 : i32
      %dma_start3A_99 = tpu.memref_slice %arg9[%add3A_27, %dma_start3A_98] : memref<10240x128xf32, #tpu.memory_space<vmem_shared>> -> memref<128x128xf32, #tpu.memory_space<vmem_shared>>
      %dma_start3A_100 = arith.constant 0 : i32
      %dma_start3A_101 = arith.constant 0 : i32
      %dma_start3A_102 = tpu.memref_slice %arg6[%run_scoped3A_28, %dma_start3A_100, %dma_start3A_101] : memref<2x128x128xf32, #tpu.memory_space<vmem>> -> memref<1x128x128xf32, #tpu.memory_space<vmem>>
      %dma_start3A_103 = tpu.memref_squeeze %dma_start3A_102 : memref<1x128x128xf32, #tpu.memory_space<vmem>> -> memref<128x128xf32, #tpu.memory_space<vmem>>
      tpu.enqueue_dma source(%dma_start3A_103 : memref<128x128xf32, #tpu.memory_space<vmem>>) target(%dma_start3A_99 : memref<128x128xf32, #tpu.memory_space<vmem_shared>>) target_semaphore(%run_scoped3A_91 : memref<!tpu.dma_semaphore, #tpu.memory_space<semaphore_mem>>)
      %dma_wait3A = arith.constant 0 : i32
      %dma_wait3A_104 = arith.constant 0 : i32
      %dma_wait3A_105 = tpu.memref_slice %arg6[%run_scoped3A_28, %dma_wait3A, %dma_wait3A_104] : memref<2x128x128xf32, #tpu.memory_space<vmem>> -> memref<1x128x128xf32, #tpu.memory_space<vmem>>
      %dma_wait3A_106 = tpu.memref_squeeze %dma_wait3A_105 : memref<1x128x128xf32, #tpu.memory_space<vmem>> -> memref<128x128xf32, #tpu.memory_space<vmem>>
      %dma_wait3A_107 = arith.constant 0 : i32
      %dma_wait3A_108 = tpu.memref_slice %arg9[%add3A_27, %dma_wait3A_107] : memref<10240x128xf32, #tpu.memory_space<vmem_shared>> -> memref<128x128xf32, #tpu.memory_space<vmem_shared>>
      %dma_wait3A_109 = arith.constant 0 : i32
      %dma_wait3A_110 = tpu.memref_slice %arg9[%add3A_27, %dma_wait3A_109] : memref<10240x128xf32, #tpu.memory_space<vmem_shared>> -> memref<128x128xf32, #tpu.memory_space<vmem_shared>>
      %dma_wait3A_111 = arith.constant 0 : i32
      %dma_wait3A_112 = arith.constant 0 : i32
      %dma_wait3A_113 = tpu.memref_slice %arg6[%run_scoped3A_28, %dma_wait3A_111, %dma_wait3A_112] : memref<2x128x128xf32, #tpu.memory_space<vmem>> -> memref<1x128x128xf32, #tpu.memory_space<vmem>>
      %dma_wait3A_114 = tpu.memref_squeeze %dma_wait3A_113 : memref<1x128x128xf32, #tpu.memory_space<vmem>> -> memref<128x128xf32, #tpu.memory_space<vmem>>
      tpu.wait_dma2 semaphore(%run_scoped3A_91 : memref<!tpu.dma_semaphore, #tpu.memory_space<semaphore_mem>>) src(%dma_wait3A_114 : memref<128x128xf32, #tpu.memory_space<vmem>>) dst(%dma_wait3A_110 : memref<128x128xf32, #tpu.memory_space<vmem_shared>>)
      tpu.yield
    }) : () -> ()
    %barrier3A = arith.constant 0 : index
    tpu.barrier barrier_id(%barrier3A)
    %mul3A_29 = arith.constant 80 : i32
    %mul3A_30 = arith.muli %add3A, %mul3A_29 : i32
    %add3A_31 = arith.constant 0 : i32
    %add3A_32 = arith.addi %mul3A_30, %add3A_31 : i32
    "tpu.region"() ({
      %run_scoped3A_91 = tpu.sem_alloc : memref<!tpu.dma_semaphore, #tpu.memory_space<semaphore_mem>>
      %dma_start3A_92 = arith.constant 0 : i32
      %dma_start3A_93 = tpu.memref_slice %arg3[%add3A_32, %dma_start3A_92] : memref<2560x128xi32, #tpu.memory_space<hbm>> -> memref<40x128xi32, #tpu.memory_space<hbm>>
      %dma_start3A_94 = arith.constant 0 : i32
      %dma_start3A_95 = tpu.memref_slice %arg3[%add3A_32, %dma_start3A_94] : memref<2560x128xi32, #tpu.memory_space<hbm>> -> memref<40x128xi32, #tpu.memory_space<hbm>>
      tpu.enqueue_dma source(%dma_start3A_95 : memref<40x128xi32, #tpu.memory_space<hbm>>) target(%arg7 : memref<40x128xi32, #tpu.memory_space<vmem>>) target_semaphore(%run_scoped3A_91 : memref<!tpu.dma_semaphore, #tpu.memory_space<semaphore_mem>>)
      %dma_wait3A = arith.constant 0 : i32
      %dma_wait3A_96 = tpu.memref_slice %arg3[%add3A_32, %dma_wait3A] : memref<2560x128xi32, #tpu.memory_space<hbm>> -> memref<40x128xi32, #tpu.memory_space<hbm>>
      %dma_wait3A_97 = arith.constant 0 : i32
      %dma_wait3A_98 = tpu.memref_slice %arg3[%add3A_32, %dma_wait3A_97] : memref<2560x128xi32, #tpu.memory_space<hbm>> -> memref<40x128xi32, #tpu.memory_space<hbm>>
      tpu.wait_dma2 semaphore(%run_scoped3A_91 : memref<!tpu.dma_semaphore, #tpu.memory_space<semaphore_mem>>) src(%dma_wait3A_98 : memref<40x128xi32, #tpu.memory_space<hbm>>) dst(%arg7 : memref<40x128xi32, #tpu.memory_space<vmem>>)
      tpu.yield
    }) : () -> ()
    "tpu.region"() ({
      %run_scoped3A_91 = tpu.sem_alloc : memref<!tpu.dma_semaphore, #tpu.memory_space<semaphore_mem>>
      %dma_start3A_92 = arith.constant 0 : i32
      %dma_start3A_93 = tpu.memref_slice %arg4[%add3A_32, %dma_start3A_92] : memref<2560x128xi32, #tpu.memory_space<hbm>> -> memref<40x128xi32, #tpu.memory_space<hbm>>
      %dma_start3A_94 = arith.constant 0 : i32
      %dma_start3A_95 = tpu.memref_slice %arg4[%add3A_32, %dma_start3A_94] : memref<2560x128xi32, #tpu.memory_space<hbm>> -> memref<40x128xi32, #tpu.memory_space<hbm>>
      tpu.enqueue_dma source(%dma_start3A_95 : memref<40x128xi32, #tpu.memory_space<hbm>>) target(%arg8 : memref<40x128xi32, #tpu.memory_space<vmem>>) target_semaphore(%run_scoped3A_91 : memref<!tpu.dma_semaphore, #tpu.memory_space<semaphore_mem>>)
      %dma_wait3A = arith.constant 0 : i32
      %dma_wait3A_96 = tpu.memref_slice %arg4[%add3A_32, %dma_wait3A] : memref<2560x128xi32, #tpu.memory_space<hbm>> -> memref<40x128xi32, #tpu.memory_space<hbm>>
      %dma_wait3A_97 = arith.constant 0 : i32
      %dma_wait3A_98 = tpu.memref_slice %arg4[%add3A_32, %dma_wait3A_97] : memref<2560x128xi32, #tpu.memory_space<hbm>> -> memref<40x128xi32, #tpu.memory_space<hbm>>
      tpu.wait_dma2 semaphore(%run_scoped3A_91 : memref<!tpu.dma_semaphore, #tpu.memory_space<semaphore_mem>>) src(%dma_wait3A_98 : memref<40x128xi32, #tpu.memory_space<hbm>>) dst(%arg8 : memref<40x128xi32, #tpu.memory_space<vmem>>)
      tpu.yield
    }) : () -> ()
    %dma_start3A = arith.constant 0 : i32
    %dma_start3A_33 = arith.constant 0 : i32
    %dma_start3A_34 = arith.constant 0 : i32
    %dma_start3A_35 = arith.constant 0 : i32
    %dma_start3A_36 = tpu.memref_slice %arg6[%dma_start3A_33, %dma_start3A_34, %dma_start3A_35] : memref<2x128x128xf32, #tpu.memory_space<vmem>> -> memref<1x128x128xf32, #tpu.memory_space<vmem>>
    %dma_start3A_37 = tpu.memref_squeeze %dma_start3A_36 : memref<1x128x128xf32, #tpu.memory_space<vmem>> -> memref<128x128xf32, #tpu.memory_space<vmem>>
    %dma_start3A_38 = arith.constant 0 : i32
    %dma_start3A_39 = tpu.memref_slice %arg7[%dma_start3A, %dma_start3A_38] : memref<40x128xi32, #tpu.memory_space<vmem>> -> memref<1x128xi32, #tpu.memory_space<vmem>>
    %dma_start3A_40 = tpu.memref_squeeze %dma_start3A_39 : memref<1x128xi32, #tpu.memory_space<vmem>> -> memref<128xi32, #tpu.memory_space<vmem>>
    %dma_start3A_41 = arith.constant 0 : i32
    %dma_start3A_42 = arith.constant 0 : i32
    %dma_start3A_43 = tpu.memref_slice %arg2[%dma_start3A_41, %dma_start3A_42] : memref<10240x128xf32, #tpu.memory_space<hbm>> -> memref<10240x128xf32, #tpu.memory_space<hbm>>
    tpu.enqueue_indirect_dma source(%dma_start3A_43 : memref<10240x128xf32, #tpu.memory_space<hbm>>) target(%dma_start3A_37 : memref<128x128xf32, #tpu.memory_space<vmem>>) offsets(%dma_start3A_40 : memref<128xi32, #tpu.memory_space<vmem>>) semaphore(%arg10 : memref<!tpu.dma_semaphore, #tpu.memory_space<semaphore_mem>>)
    %scan3A_44 = arith.constant 0 : i32
    %scan3A_45 = arith.constant 20 : i32
    %scan3A_46 = arith.addi %scan3A_44, %scan3A_45 : i32
    %scan3A_47 = arith.constant 1 : i32
    scf.for %scan3A_91 = %scan3A_44 to %scan3A_46 step %scan3A_47  : i32 {
      %mul3A_92 = arith.constant 1 : i32
      %mul3A_93 = arith.muli %scan3A_91, %mul3A_92 : i32
      %add3A_94 = arith.constant 0 : i32
      %add3A_95 = arith.addi %add3A_94, %mul3A_93 : i32
      %mul3A_96 = arith.constant 2 : i32
      %mul3A_97 = arith.muli %add3A_95, %mul3A_96 : i32
      %add3A_98 = arith.constant 1 : i32
      %add3A_99 = arith.addi %mul3A_97, %add3A_98 : i32
      %dma_start3A_100 = arith.constant 1 : i32
      %dma_start3A_101 = arith.constant 0 : i32
      %dma_start3A_102 = arith.constant 0 : i32
      %dma_start3A_103 = tpu.memref_slice %arg6[%dma_start3A_100, %dma_start3A_101, %dma_start3A_102] : memref<2x128x128xf32, #tpu.memory_space<vmem>> -> memref<1x128x128xf32, #tpu.memory_space<vmem>>
      %dma_start3A_104 = tpu.memref_squeeze %dma_start3A_103 : memref<1x128x128xf32, #tpu.memory_space<vmem>> -> memref<128x128xf32, #tpu.memory_space<vmem>>
      %dma_start3A_105 = arith.constant 0 : i32
      %dma_start3A_106 = tpu.memref_slice %arg7[%add3A_99, %dma_start3A_105] : memref<40x128xi32, #tpu.memory_space<vmem>> -> memref<1x128xi32, #tpu.memory_space<vmem>>
      %dma_start3A_107 = tpu.memref_squeeze %dma_start3A_106 : memref<1x128xi32, #tpu.memory_space<vmem>> -> memref<128xi32, #tpu.memory_space<vmem>>
      %dma_start3A_108 = arith.constant 0 : i32
      %dma_start3A_109 = arith.constant 0 : i32
      %dma_start3A_110 = tpu.memref_slice %arg2[%dma_start3A_108, %dma_start3A_109] : memref<10240x128xf32, #tpu.memory_space<hbm>> -> memref<10240x128xf32, #tpu.memory_space<hbm>>
      tpu.enqueue_indirect_dma source(%dma_start3A_110 : memref<10240x128xf32, #tpu.memory_space<hbm>>) target(%dma_start3A_104 : memref<128x128xf32, #tpu.memory_space<vmem>>) offsets(%dma_start3A_107 : memref<128xi32, #tpu.memory_space<vmem>>) semaphore(%arg11 : memref<!tpu.dma_semaphore, #tpu.memory_space<semaphore_mem>>)
      %dma_wait3A = arith.constant 0 : i32
      %dma_wait3A_111 = arith.constant 0 : i32
      %dma_wait3A_112 = arith.constant 0 : i32
      %dma_wait3A_113 = tpu.memref_slice %arg6[%dma_wait3A, %dma_wait3A_111, %dma_wait3A_112] : memref<2x128x128xf32, #tpu.memory_space<vmem>> -> memref<1x128x128xf32, #tpu.memory_space<vmem>>
      %dma_wait3A_114 = tpu.memref_squeeze %dma_wait3A_113 : memref<1x128x128xf32, #tpu.memory_space<vmem>> -> memref<128x128xf32, #tpu.memory_space<vmem>>
      %dma_wait3A_115 = arith.constant 0 : i32
      %dma_wait3A_116 = tpu.memref_slice %arg7[%mul3A_97, %dma_wait3A_115] : memref<40x128xi32, #tpu.memory_space<vmem>> -> memref<1x128xi32, #tpu.memory_space<vmem>>
      %dma_wait3A_117 = tpu.memref_squeeze %dma_wait3A_116 : memref<1x128xi32, #tpu.memory_space<vmem>> -> memref<128xi32, #tpu.memory_space<vmem>>
      %dma_wait3A_118 = arith.constant 0 : i32
      %dma_wait3A_119 = arith.constant 0 : i32
      %dma_wait3A_120 = tpu.memref_slice %arg2[%dma_wait3A_118, %dma_wait3A_119] : memref<10240x128xf32, #tpu.memory_space<hbm>> -> memref<10240x128xf32, #tpu.memory_space<hbm>>
      tpu.wait_indirect_dma semaphore(%arg10 : memref<!tpu.dma_semaphore, #tpu.memory_space<semaphore_mem>>) src(%dma_wait3A_120 : memref<10240x128xf32, #tpu.memory_space<hbm>>) dst(%dma_wait3A_114 : memref<128x128xf32, #tpu.memory_space<vmem>>)
      %run_scoped3A_121 = arith.constant 0 : i32
      "tpu.region"() ({
        %run_scoped3A_140 = tpu.sem_alloc : memref<!tpu.dma_semaphore, #tpu.memory_space<semaphore_mem>>
        %dma_start3A_141 = arith.constant 0 : i32
        %dma_start3A_142 = arith.constant 0 : i32
        %dma_start3A_143 = tpu.memref_slice %arg6[%run_scoped3A_121, %dma_start3A_141, %dma_start3A_142] : memref<2x128x128xf32, #tpu.memory_space<vmem>> -> memref<1x128x128xf32, #tpu.memory_space<vmem>>
        %dma_start3A_144 = tpu.memref_squeeze %dma_start3A_143 : memref<1x128x128xf32, #tpu.memory_space<vmem>> -> memref<128x128xf32, #tpu.memory_space<vmem>>
        %dma_start3A_145 = arith.constant 0 : i32
        %dma_start3A_146 = tpu.memref_slice %arg8[%mul3A_97, %dma_start3A_145] : memref<40x128xi32, #tpu.memory_space<vmem>> -> memref<1x128xi32, #tpu.memory_space<vmem>>
        %dma_start3A_147 = tpu.memref_squeeze %dma_start3A_146 : memref<1x128xi32, #tpu.memory_space<vmem>> -> memref<128xi32, #tpu.memory_space<vmem>>
        %dma_start3A_148 = arith.constant 0 : i32
        %dma_start3A_149 = arith.constant 0 : i32
        %dma_start3A_150 = tpu.memref_slice %arg9[%dma_start3A_148, %dma_start3A_149] : memref<10240x128xf32, #tpu.memory_space<vmem_shared>> -> memref<10240x128xf32, #tpu.memory_space<vmem_shared>>
        tpu.enqueue_indirect_dma source(%dma_start3A_144 : memref<128x128xf32, #tpu.memory_space<vmem>>) target(%dma_start3A_150 : memref<10240x128xf32, #tpu.memory_space<vmem_shared>>) offsets(%dma_start3A_147 : memref<128xi32, #tpu.memory_space<vmem>>) semaphore(%run_scoped3A_140 : memref<!tpu.dma_semaphore, #tpu.memory_space<semaphore_mem>>) {add = true}
        %dma_wait3A_151 = arith.constant 0 : i32
        %dma_wait3A_152 = arith.constant 0 : i32
        %dma_wait3A_153 = tpu.memref_slice %arg6[%run_scoped3A_121, %dma_wait3A_151, %dma_wait3A_152] : memref<2x128x128xf32, #tpu.memory_space<vmem>> -> memref<1x128x128xf32, #tpu.memory_space<vmem>>
        %dma_wait3A_154 = tpu.memref_squeeze %dma_wait3A_153 : memref<1x128x128xf32, #tpu.memory_space<vmem>> -> memref<128x128xf32, #tpu.memory_space<vmem>>
        %dma_wait3A_155 = arith.constant 0 : i32
        %dma_wait3A_156 = tpu.memref_slice %arg8[%mul3A_97, %dma_wait3A_155] : memref<40x128xi32, #tpu.memory_space<vmem>> -> memref<1x128xi32, #tpu.memory_space<vmem>>
        %dma_wait3A_157 = tpu.memref_squeeze %dma_wait3A_156 : memref<1x128xi32, #tpu.memory_space<vmem>> -> memref<128xi32, #tpu.memory_space<vmem>>
        %dma_wait3A_158 = arith.constant 0 : i32
        %dma_wait3A_159 = arith.constant 0 : i32
        %dma_wait3A_160 = tpu.memref_slice %arg9[%dma_wait3A_158, %dma_wait3A_159] : memref<10240x128xf32, #tpu.memory_space<vmem_shared>> -> memref<10240x128xf32, #tpu.memory_space<vmem_shared>>
        tpu.wait_indirect_dma semaphore(%run_scoped3A_140 : memref<!tpu.dma_semaphore, #tpu.memory_space<semaphore_mem>>) src(%dma_wait3A_154 : memref<128x128xf32, #tpu.memory_space<vmem>>) dst(%dma_wait3A_160 : memref<10240x128xf32, #tpu.memory_space<vmem_shared>>)
        tpu.yield
      }) : () -> ()
      %lt3A = arith.constant 19 : i32
      %lt3A_122 = arith.cmpi slt, %add3A_95, %lt3A : i32
      %convert_element_type3A = arith.extui %lt3A_122 : i1 to i32
      %cond3A = arith.constant 0 : i32
      %cond3A_123 = arith.cmpi ne, %convert_element_type3A, %cond3A : i32
      scf.if %cond3A_123 {
        %add3A_140 = arith.constant 2 : i32
        %add3A_141 = arith.addi %mul3A_97, %add3A_140 : i32
        %dma_start3A_142 = arith.constant 0 : i32
        %dma_start3A_143 = arith.constant 0 : i32
        %dma_start3A_144 = arith.constant 0 : i32
        %dma_start3A_145 = tpu.memref_slice %arg6[%dma_start3A_142, %dma_start3A_143, %dma_start3A_144] : memref<2x128x128xf32, #tpu.memory_space<vmem>> -> memref<1x128x128xf32, #tpu.memory_space<vmem>>
        %dma_start3A_146 = tpu.memref_squeeze %dma_start3A_145 : memref<1x128x128xf32, #tpu.memory_space<vmem>> -> memref<128x128xf32, #tpu.memory_space<vmem>>
        %dma_start3A_147 = arith.constant 0 : i32
        %dma_start3A_148 = tpu.memref_slice %arg7[%add3A_141, %dma_start3A_147] : memref<40x128xi32, #tpu.memory_space<vmem>> -> memref<1x128xi32, #tpu.memory_space<vmem>>
        %dma_start3A_149 = tpu.memref_squeeze %dma_start3A_148 : memref<1x128xi32, #tpu.memory_space<vmem>> -> memref<128xi32, #tpu.memory_space<vmem>>
        %dma_start3A_150 = arith.constant 0 : i32
        %dma_start3A_151 = arith.constant 0 : i32
        %dma_start3A_152 = tpu.memref_slice %arg2[%dma_start3A_150, %dma_start3A_151] : memref<10240x128xf32, #tpu.memory_space<hbm>> -> memref<10240x128xf32, #tpu.memory_space<hbm>>
        tpu.enqueue_indirect_dma source(%dma_start3A_152 : memref<10240x128xf32, #tpu.memory_space<hbm>>) target(%dma_start3A_146 : memref<128x128xf32, #tpu.memory_space<vmem>>) offsets(%dma_start3A_149 : memref<128xi32, #tpu.memory_space<vmem>>) semaphore(%arg10 : memref<!tpu.dma_semaphore, #tpu.memory_space<semaphore_mem>>)
      } else {
      }
      %add3A_124 = arith.constant 1 : i32
      %add3A_125 = arith.addi %mul3A_97, %add3A_124 : i32
      %dma_wait3A_126 = arith.constant 1 : i32
      %dma_wait3A_127 = arith.constant 0 : i32
      %dma_wait3A_128 = arith.constant 0 : i32
      %dma_wait3A_129 = tpu.memref_slice %arg6[%dma_wait3A_126, %dma_wait3A_127, %dma_wait3A_128] : memref<2x128x128xf32, #tpu.memory_space<vmem>> -> memref<1x128x128xf32, #tpu.memory_space<vmem>>
      %dma_wait3A_130 = tpu.memref_squeeze %dma_wait3A_129 : memref<1x128x128xf32, #tpu.memory_space<vmem>> -> memref<128x128xf32, #tpu.memory_space<vmem>>
      %dma_wait3A_131 = arith.constant 0 : i32
      %dma_wait3A_132 = tpu.memref_slice %arg7[%add3A_125, %dma_wait3A_131] : memref<40x128xi32, #tpu.memory_space<vmem>> -> memref<1x128xi32, #tpu.memory_space<vmem>>
      %dma_wait3A_133 = tpu.memref_squeeze %dma_wait3A_132 : memref<1x128xi32, #tpu.memory_space<vmem>> -> memref<128xi32, #tpu.memory_space<vmem>>
      %dma_wait3A_134 = arith.constant 0 : i32
      %dma_wait3A_135 = arith.constant 0 : i32
      %dma_wait3A_136 = tpu.memref_slice %arg2[%dma_wait3A_134, %dma_wait3A_135] : memref<10240x128xf32, #tpu.memory_space<hbm>> -> memref<10240x128xf32, #tpu.memory_space<hbm>>
      tpu.wait_indirect_dma semaphore(%arg11 : memref<!tpu.dma_semaphore, #tpu.memory_space<semaphore_mem>>) src(%dma_wait3A_136 : memref<10240x128xf32, #tpu.memory_space<hbm>>) dst(%dma_wait3A_130 : memref<128x128xf32, #tpu.memory_space<vmem>>)
      %add3A_137 = arith.constant 1 : i32
      %add3A_138 = arith.addi %mul3A_97, %add3A_137 : i32
      %run_scoped3A_139 = arith.constant 1 : i32
      "tpu.region"() ({
        %run_scoped3A_140 = tpu.sem_alloc : memref<!tpu.dma_semaphore, #tpu.memory_space<semaphore_mem>>
        %dma_start3A_141 = arith.constant 0 : i32
        %dma_start3A_142 = arith.constant 0 : i32
        %dma_start3A_143 = tpu.memref_slice %arg6[%run_scoped3A_139, %dma_start3A_141, %dma_start3A_142] : memref<2x128x128xf32, #tpu.memory_space<vmem>> -> memref<1x128x128xf32, #tpu.memory_space<vmem>>
        %dma_start3A_144 = tpu.memref_squeeze %dma_start3A_143 : memref<1x128x128xf32, #tpu.memory_space<vmem>> -> memref<128x128xf32, #tpu.memory_space<vmem>>
        %dma_start3A_145 = arith.constant 0 : i32
        %dma_start3A_146 = tpu.memref_slice %arg8[%add3A_138, %dma_start3A_145] : memref<40x128xi32, #tpu.memory_space<vmem>> -> memref<1x128xi32, #tpu.memory_space<vmem>>
        %dma_start3A_147 = tpu.memref_squeeze %dma_start3A_146 : memref<1x128xi32, #tpu.memory_space<vmem>> -> memref<128xi32, #tpu.memory_space<vmem>>
        %dma_start3A_148 = arith.constant 0 : i32
        %dma_start3A_149 = arith.constant 0 : i32
        %dma_start3A_150 = tpu.memref_slice %arg9[%dma_start3A_148, %dma_start3A_149] : memref<10240x128xf32, #tpu.memory_space<vmem_shared>> -> memref<10240x128xf32, #tpu.memory_space<vmem_shared>>
        tpu.enqueue_indirect_dma source(%dma_start3A_144 : memref<128x128xf32, #tpu.memory_space<vmem>>) target(%dma_start3A_150 : memref<10240x128xf32, #tpu.memory_space<vmem_shared>>) offsets(%dma_start3A_147 : memref<128xi32, #tpu.memory_space<vmem>>) semaphore(%run_scoped3A_140 : memref<!tpu.dma_semaphore, #tpu.memory_space<semaphore_mem>>) {add = true}
        %dma_wait3A_151 = arith.constant 0 : i32
        %dma_wait3A_152 = arith.constant 0 : i32
        %dma_wait3A_153 = tpu.memref_slice %arg6[%run_scoped3A_139, %dma_wait3A_151, %dma_wait3A_152] : memref<2x128x128xf32, #tpu.memory_space<vmem>> -> memref<1x128x128xf32, #tpu.memory_space<vmem>>
        %dma_wait3A_154 = tpu.memref_squeeze %dma_wait3A_153 : memref<1x128x128xf32, #tpu.memory_space<vmem>> -> memref<128x128xf32, #tpu.memory_space<vmem>>
        %dma_wait3A_155 = arith.constant 0 : i32
        %dma_wait3A_156 = tpu.memref_slice %arg8[%add3A_138, %dma_wait3A_155] : memref<40x128xi32, #tpu.memory_space<vmem>> -> memref<1x128xi32, #tpu.memory_space<vmem>>
        %dma_wait3A_157 = tpu.memref_squeeze %dma_wait3A_156 : memref<1x128xi32, #tpu.memory_space<vmem>> -> memref<128xi32, #tpu.memory_space<vmem>>
        %dma_wait3A_158 = arith.constant 0 : i32
        %dma_wait3A_159 = arith.constant 0 : i32
        %dma_wait3A_160 = tpu.memref_slice %arg9[%dma_wait3A_158, %dma_wait3A_159] : memref<10240x128xf32, #tpu.memory_space<vmem_shared>> -> memref<10240x128xf32, #tpu.memory_space<vmem_shared>>
        tpu.wait_indirect_dma semaphore(%run_scoped3A_140 : memref<!tpu.dma_semaphore, #tpu.memory_space<semaphore_mem>>) src(%dma_wait3A_154 : memref<128x128xf32, #tpu.memory_space<vmem>>) dst(%dma_wait3A_160 : memref<10240x128xf32, #tpu.memory_space<vmem_shared>>)
        tpu.yield
      }) : () -> ()
    }
    %scan3A_48 = arith.constant 20 : i32
    %mul3A_49 = arith.constant 80 : i32
    %mul3A_50 = arith.muli %add3A, %mul3A_49 : i32
    %add3A_51 = arith.constant 40 : i32
    %add3A_52 = arith.addi %mul3A_50, %add3A_51 : i32
    "tpu.region"() ({
      %run_scoped3A_91 = tpu.sem_alloc : memref<!tpu.dma_semaphore, #tpu.memory_space<semaphore_mem>>
      %dma_start3A_92 = arith.constant 0 : i32
      %dma_start3A_93 = tpu.memref_slice %arg3[%add3A_52, %dma_start3A_92] : memref<2560x128xi32, #tpu.memory_space<hbm>> -> memref<40x128xi32, #tpu.memory_space<hbm>>
      %dma_start3A_94 = arith.constant 0 : i32
      %dma_start3A_95 = tpu.memref_slice %arg3[%add3A_52, %dma_start3A_94] : memref<2560x128xi32, #tpu.memory_space<hbm>> -> memref<40x128xi32, #tpu.memory_space<hbm>>
      tpu.enqueue_dma source(%dma_start3A_95 : memref<40x128xi32, #tpu.memory_space<hbm>>) target(%arg7 : memref<40x128xi32, #tpu.memory_space<vmem>>) target_semaphore(%run_scoped3A_91 : memref<!tpu.dma_semaphore, #tpu.memory_space<semaphore_mem>>)
      %dma_wait3A = arith.constant 0 : i32
      %dma_wait3A_96 = tpu.memref_slice %arg3[%add3A_52, %dma_wait3A] : memref<2560x128xi32, #tpu.memory_space<hbm>> -> memref<40x128xi32, #tpu.memory_space<hbm>>
      %dma_wait3A_97 = arith.constant 0 : i32
      %dma_wait3A_98 = tpu.memref_slice %arg3[%add3A_52, %dma_wait3A_97] : memref<2560x128xi32, #tpu.memory_space<hbm>> -> memref<40x128xi32, #tpu.memory_space<hbm>>
      tpu.wait_dma2 semaphore(%run_scoped3A_91 : memref<!tpu.dma_semaphore, #tpu.memory_space<semaphore_mem>>) src(%dma_wait3A_98 : memref<40x128xi32, #tpu.memory_space<hbm>>) dst(%arg7 : memref<40x128xi32, #tpu.memory_space<vmem>>)
      tpu.yield
    }) : () -> ()
    "tpu.region"() ({
      %run_scoped3A_91 = tpu.sem_alloc : memref<!tpu.dma_semaphore, #tpu.memory_space<semaphore_mem>>
      %dma_start3A_92 = arith.constant 0 : i32
      %dma_start3A_93 = tpu.memref_slice %arg4[%add3A_52, %dma_start3A_92] : memref<2560x128xi32, #tpu.memory_space<hbm>> -> memref<40x128xi32, #tpu.memory_space<hbm>>
      %dma_start3A_94 = arith.constant 0 : i32
      %dma_start3A_95 = tpu.memref_slice %arg4[%add3A_52, %dma_start3A_94] : memref<2560x128xi32, #tpu.memory_space<hbm>> -> memref<40x128xi32, #tpu.memory_space<hbm>>
      tpu.enqueue_dma source(%dma_start3A_95 : memref<40x128xi32, #tpu.memory_space<hbm>>) target(%arg8 : memref<40x128xi32, #tpu.memory_space<vmem>>) target_semaphore(%run_scoped3A_91 : memref<!tpu.dma_semaphore, #tpu.memory_space<semaphore_mem>>)
      %dma_wait3A = arith.constant 0 : i32
      %dma_wait3A_96 = tpu.memref_slice %arg4[%add3A_52, %dma_wait3A] : memref<2560x128xi32, #tpu.memory_space<hbm>> -> memref<40x128xi32, #tpu.memory_space<hbm>>
      %dma_wait3A_97 = arith.constant 0 : i32
      %dma_wait3A_98 = tpu.memref_slice %arg4[%add3A_52, %dma_wait3A_97] : memref<2560x128xi32, #tpu.memory_space<hbm>> -> memref<40x128xi32, #tpu.memory_space<hbm>>
      tpu.wait_dma2 semaphore(%run_scoped3A_91 : memref<!tpu.dma_semaphore, #tpu.memory_space<semaphore_mem>>) src(%dma_wait3A_98 : memref<40x128xi32, #tpu.memory_space<hbm>>) dst(%arg8 : memref<40x128xi32, #tpu.memory_space<vmem>>)
      tpu.yield
    }) : () -> ()
    %dma_start3A_53 = arith.constant 0 : i32
    %dma_start3A_54 = arith.constant 0 : i32
    %dma_start3A_55 = arith.constant 0 : i32
    %dma_start3A_56 = arith.constant 0 : i32
    %dma_start3A_57 = tpu.memref_slice %arg6[%dma_start3A_54, %dma_start3A_55, %dma_start3A_56] : memref<2x128x128xf32, #tpu.memory_space<vmem>> -> memref<1x128x128xf32, #tpu.memory_space<vmem>>
    %dma_start3A_58 = tpu.memref_squeeze %dma_start3A_57 : memref<1x128x128xf32, #tpu.memory_space<vmem>> -> memref<128x128xf32, #tpu.memory_space<vmem>>
    %dma_start3A_59 = arith.constant 0 : i32
    %dma_start3A_60 = tpu.memref_slice %arg7[%dma_start3A_53, %dma_start3A_59] : memref<40x128xi32, #tpu.memory_space<vmem>> -> memref<1x128xi32, #tpu.memory_space<vmem>>
    %dma_start3A_61 = tpu.memref_squeeze %dma_start3A_60 : memref<1x128xi32, #tpu.memory_space<vmem>> -> memref<128xi32, #tpu.memory_space<vmem>>
    %dma_start3A_62 = arith.constant 0 : i32
    %dma_start3A_63 = arith.constant 0 : i32
    %dma_start3A_64 = tpu.memref_slice %arg2[%dma_start3A_62, %dma_start3A_63] : memref<10240x128xf32, #tpu.memory_space<hbm>> -> memref<10240x128xf32, #tpu.memory_space<hbm>>
    tpu.enqueue_indirect_dma source(%dma_start3A_64 : memref<10240x128xf32, #tpu.memory_space<hbm>>) target(%dma_start3A_58 : memref<128x128xf32, #tpu.memory_space<vmem>>) offsets(%dma_start3A_61 : memref<128xi32, #tpu.memory_space<vmem>>) semaphore(%arg10 : memref<!tpu.dma_semaphore, #tpu.memory_space<semaphore_mem>>)
    %scan3A_65 = arith.constant 0 : i32
    %scan3A_66 = arith.constant 20 : i32
    %scan3A_67 = arith.addi %scan3A_65, %scan3A_66 : i32
    %scan3A_68 = arith.constant 1 : i32
    scf.for %scan3A_91 = %scan3A_65 to %scan3A_67 step %scan3A_68  : i32 {
      %mul3A_92 = arith.constant 1 : i32
      %mul3A_93 = arith.muli %scan3A_91, %mul3A_92 : i32
      %add3A_94 = arith.constant 0 : i32
      %add3A_95 = arith.addi %add3A_94, %mul3A_93 : i32
      %mul3A_96 = arith.constant 2 : i32
      %mul3A_97 = arith.muli %add3A_95, %mul3A_96 : i32
      %add3A_98 = arith.constant 1 : i32
      %add3A_99 = arith.addi %mul3A_97, %add3A_98 : i32
      %dma_start3A_100 = arith.constant 1 : i32
      %dma_start3A_101 = arith.constant 0 : i32
      %dma_start3A_102 = arith.constant 0 : i32
      %dma_start3A_103 = tpu.memref_slice %arg6[%dma_start3A_100, %dma_start3A_101, %dma_start3A_102] : memref<2x128x128xf32, #tpu.memory_space<vmem>> -> memref<1x128x128xf32, #tpu.memory_space<vmem>>
      %dma_start3A_104 = tpu.memref_squeeze %dma_start3A_103 : memref<1x128x128xf32, #tpu.memory_space<vmem>> -> memref<128x128xf32, #tpu.memory_space<vmem>>
      %dma_start3A_105 = arith.constant 0 : i32
      %dma_start3A_106 = tpu.memref_slice %arg7[%add3A_99, %dma_start3A_105] : memref<40x128xi32, #tpu.memory_space<vmem>> -> memref<1x128xi32, #tpu.memory_space<vmem>>
      %dma_start3A_107 = tpu.memref_squeeze %dma_start3A_106 : memref<1x128xi32, #tpu.memory_space<vmem>> -> memref<128xi32, #tpu.memory_space<vmem>>
      %dma_start3A_108 = arith.constant 0 : i32
      %dma_start3A_109 = arith.constant 0 : i32
      %dma_start3A_110 = tpu.memref_slice %arg2[%dma_start3A_108, %dma_start3A_109] : memref<10240x128xf32, #tpu.memory_space<hbm>> -> memref<10240x128xf32, #tpu.memory_space<hbm>>
      tpu.enqueue_indirect_dma source(%dma_start3A_110 : memref<10240x128xf32, #tpu.memory_space<hbm>>) target(%dma_start3A_104 : memref<128x128xf32, #tpu.memory_space<vmem>>) offsets(%dma_start3A_107 : memref<128xi32, #tpu.memory_space<vmem>>) semaphore(%arg11 : memref<!tpu.dma_semaphore, #tpu.memory_space<semaphore_mem>>)
      %dma_wait3A = arith.constant 0 : i32
      %dma_wait3A_111 = arith.constant 0 : i32
      %dma_wait3A_112 = arith.constant 0 : i32
      %dma_wait3A_113 = tpu.memref_slice %arg6[%dma_wait3A, %dma_wait3A_111, %dma_wait3A_112] : memref<2x128x128xf32, #tpu.memory_space<vmem>> -> memref<1x128x128xf32, #tpu.memory_space<vmem>>
      %dma_wait3A_114 = tpu.memref_squeeze %dma_wait3A_113 : memref<1x128x128xf32, #tpu.memory_space<vmem>> -> memref<128x128xf32, #tpu.memory_space<vmem>>
      %dma_wait3A_115 = arith.constant 0 : i32
      %dma_wait3A_116 = tpu.memref_slice %arg7[%mul3A_97, %dma_wait3A_115] : memref<40x128xi32, #tpu.memory_space<vmem>> -> memref<1x128xi32, #tpu.memory_space<vmem>>
      %dma_wait3A_117 = tpu.memref_squeeze %dma_wait3A_116 : memref<1x128xi32, #tpu.memory_space<vmem>> -> memref<128xi32, #tpu.memory_space<vmem>>
      %dma_wait3A_118 = arith.constant 0 : i32
      %dma_wait3A_119 = arith.constant 0 : i32
      %dma_wait3A_120 = tpu.memref_slice %arg2[%dma_wait3A_118, %dma_wait3A_119] : memref<10240x128xf32, #tpu.memory_space<hbm>> -> memref<10240x128xf32, #tpu.memory_space<hbm>>
      tpu.wait_indirect_dma semaphore(%arg10 : memref<!tpu.dma_semaphore, #tpu.memory_space<semaphore_mem>>) src(%dma_wait3A_120 : memref<10240x128xf32, #tpu.memory_space<hbm>>) dst(%dma_wait3A_114 : memref<128x128xf32, #tpu.memory_space<vmem>>)
      %run_scoped3A_121 = arith.constant 0 : i32
      "tpu.region"() ({
        %run_scoped3A_140 = tpu.sem_alloc : memref<!tpu.dma_semaphore, #tpu.memory_space<semaphore_mem>>
        %dma_start3A_141 = arith.constant 0 : i32
        %dma_start3A_142 = arith.constant 0 : i32
        %dma_start3A_143 = tpu.memref_slice %arg6[%run_scoped3A_121, %dma_start3A_141, %dma_start3A_142] : memref<2x128x128xf32, #tpu.memory_space<vmem>> -> memref<1x128x128xf32, #tpu.memory_space<vmem>>
        %dma_start3A_144 = tpu.memref_squeeze %dma_start3A_143 : memref<1x128x128xf32, #tpu.memory_space<vmem>> -> memref<128x128xf32, #tpu.memory_space<vmem>>
        %dma_start3A_145 = arith.constant 0 : i32
        %dma_start3A_146 = tpu.memref_slice %arg8[%mul3A_97, %dma_start3A_145] : memref<40x128xi32, #tpu.memory_space<vmem>> -> memref<1x128xi32, #tpu.memory_space<vmem>>
        %dma_start3A_147 = tpu.memref_squeeze %dma_start3A_146 : memref<1x128xi32, #tpu.memory_space<vmem>> -> memref<128xi32, #tpu.memory_space<vmem>>
        %dma_start3A_148 = arith.constant 0 : i32
        %dma_start3A_149 = arith.constant 0 : i32
        %dma_start3A_150 = tpu.memref_slice %arg9[%dma_start3A_148, %dma_start3A_149] : memref<10240x128xf32, #tpu.memory_space<vmem_shared>> -> memref<10240x128xf32, #tpu.memory_space<vmem_shared>>
        tpu.enqueue_indirect_dma source(%dma_start3A_144 : memref<128x128xf32, #tpu.memory_space<vmem>>) target(%dma_start3A_150 : memref<10240x128xf32, #tpu.memory_space<vmem_shared>>) offsets(%dma_start3A_147 : memref<128xi32, #tpu.memory_space<vmem>>) semaphore(%run_scoped3A_140 : memref<!tpu.dma_semaphore, #tpu.memory_space<semaphore_mem>>) {add = true}
        %dma_wait3A_151 = arith.constant 0 : i32
        %dma_wait3A_152 = arith.constant 0 : i32
        %dma_wait3A_153 = tpu.memref_slice %arg6[%run_scoped3A_121, %dma_wait3A_151, %dma_wait3A_152] : memref<2x128x128xf32, #tpu.memory_space<vmem>> -> memref<1x128x128xf32, #tpu.memory_space<vmem>>
        %dma_wait3A_154 = tpu.memref_squeeze %dma_wait3A_153 : memref<1x128x128xf32, #tpu.memory_space<vmem>> -> memref<128x128xf32, #tpu.memory_space<vmem>>
        %dma_wait3A_155 = arith.constant 0 : i32
        %dma_wait3A_156 = tpu.memref_slice %arg8[%mul3A_97, %dma_wait3A_155] : memref<40x128xi32, #tpu.memory_space<vmem>> -> memref<1x128xi32, #tpu.memory_space<vmem>>
        %dma_wait3A_157 = tpu.memref_squeeze %dma_wait3A_156 : memref<1x128xi32, #tpu.memory_space<vmem>> -> memref<128xi32, #tpu.memory_space<vmem>>
        %dma_wait3A_158 = arith.constant 0 : i32
        %dma_wait3A_159 = arith.constant 0 : i32
        %dma_wait3A_160 = tpu.memref_slice %arg9[%dma_wait3A_158, %dma_wait3A_159] : memref<10240x128xf32, #tpu.memory_space<vmem_shared>> -> memref<10240x128xf32, #tpu.memory_space<vmem_shared>>
        tpu.wait_indirect_dma semaphore(%run_scoped3A_140 : memref<!tpu.dma_semaphore, #tpu.memory_space<semaphore_mem>>) src(%dma_wait3A_154 : memref<128x128xf32, #tpu.memory_space<vmem>>) dst(%dma_wait3A_160 : memref<10240x128xf32, #tpu.memory_space<vmem_shared>>)
        tpu.yield
      }) : () -> ()
      %lt3A = arith.constant 19 : i32
      %lt3A_122 = arith.cmpi slt, %add3A_95, %lt3A : i32
      %convert_element_type3A = arith.extui %lt3A_122 : i1 to i32
      %cond3A = arith.constant 0 : i32
      %cond3A_123 = arith.cmpi ne, %convert_element_type3A, %cond3A : i32
      scf.if %cond3A_123 {
        %add3A_140 = arith.constant 2 : i32
        %add3A_141 = arith.addi %mul3A_97, %add3A_140 : i32
        %dma_start3A_142 = arith.constant 0 : i32
        %dma_start3A_143 = arith.constant 0 : i32
        %dma_start3A_144 = arith.constant 0 : i32
        %dma_start3A_145 = tpu.memref_slice %arg6[%dma_start3A_142, %dma_start3A_143, %dma_start3A_144] : memref<2x128x128xf32, #tpu.memory_space<vmem>> -> memref<1x128x128xf32, #tpu.memory_space<vmem>>
        %dma_start3A_146 = tpu.memref_squeeze %dma_start3A_145 : memref<1x128x128xf32, #tpu.memory_space<vmem>> -> memref<128x128xf32, #tpu.memory_space<vmem>>
        %dma_start3A_147 = arith.constant 0 : i32
        %dma_start3A_148 = tpu.memref_slice %arg7[%add3A_141, %dma_start3A_147] : memref<40x128xi32, #tpu.memory_space<vmem>> -> memref<1x128xi32, #tpu.memory_space<vmem>>
        %dma_start3A_149 = tpu.memref_squeeze %dma_start3A_148 : memref<1x128xi32, #tpu.memory_space<vmem>> -> memref<128xi32, #tpu.memory_space<vmem>>
        %dma_start3A_150 = arith.constant 0 : i32
        %dma_start3A_151 = arith.constant 0 : i32
        %dma_start3A_152 = tpu.memref_slice %arg2[%dma_start3A_150, %dma_start3A_151] : memref<10240x128xf32, #tpu.memory_space<hbm>> -> memref<10240x128xf32, #tpu.memory_space<hbm>>
        tpu.enqueue_indirect_dma source(%dma_start3A_152 : memref<10240x128xf32, #tpu.memory_space<hbm>>) target(%dma_start3A_146 : memref<128x128xf32, #tpu.memory_space<vmem>>) offsets(%dma_start3A_149 : memref<128xi32, #tpu.memory_space<vmem>>) semaphore(%arg10 : memref<!tpu.dma_semaphore, #tpu.memory_space<semaphore_mem>>)
      } else {
      }
      %add3A_124 = arith.constant 1 : i32
      %add3A_125 = arith.addi %mul3A_97, %add3A_124 : i32
      %dma_wait3A_126 = arith.constant 1 : i32
      %dma_wait3A_127 = arith.constant 0 : i32
      %dma_wait3A_128 = arith.constant 0 : i32
      %dma_wait3A_129 = tpu.memref_slice %arg6[%dma_wait3A_126, %dma_wait3A_127, %dma_wait3A_128] : memref<2x128x128xf32, #tpu.memory_space<vmem>> -> memref<1x128x128xf32, #tpu.memory_space<vmem>>
      %dma_wait3A_130 = tpu.memref_squeeze %dma_wait3A_129 : memref<1x128x128xf32, #tpu.memory_space<vmem>> -> memref<128x128xf32, #tpu.memory_space<vmem>>
      %dma_wait3A_131 = arith.constant 0 : i32
      %dma_wait3A_132 = tpu.memref_slice %arg7[%add3A_125, %dma_wait3A_131] : memref<40x128xi32, #tpu.memory_space<vmem>> -> memref<1x128xi32, #tpu.memory_space<vmem>>
      %dma_wait3A_133 = tpu.memref_squeeze %dma_wait3A_132 : memref<1x128xi32, #tpu.memory_space<vmem>> -> memref<128xi32, #tpu.memory_space<vmem>>
      %dma_wait3A_134 = arith.constant 0 : i32
      %dma_wait3A_135 = arith.constant 0 : i32
      %dma_wait3A_136 = tpu.memref_slice %arg2[%dma_wait3A_134, %dma_wait3A_135] : memref<10240x128xf32, #tpu.memory_space<hbm>> -> memref<10240x128xf32, #tpu.memory_space<hbm>>
      tpu.wait_indirect_dma semaphore(%arg11 : memref<!tpu.dma_semaphore, #tpu.memory_space<semaphore_mem>>) src(%dma_wait3A_136 : memref<10240x128xf32, #tpu.memory_space<hbm>>) dst(%dma_wait3A_130 : memref<128x128xf32, #tpu.memory_space<vmem>>)
      %add3A_137 = arith.constant 1 : i32
      %add3A_138 = arith.addi %mul3A_97, %add3A_137 : i32
      %run_scoped3A_139 = arith.constant 1 : i32
      "tpu.region"() ({
        %run_scoped3A_140 = tpu.sem_alloc : memref<!tpu.dma_semaphore, #tpu.memory_space<semaphore_mem>>
        %dma_start3A_141 = arith.constant 0 : i32
        %dma_start3A_142 = arith.constant 0 : i32
        %dma_start3A_143 = tpu.memref_slice %arg6[%run_scoped3A_139, %dma_start3A_141, %dma_start3A_142] : memref<2x128x128xf32, #tpu.memory_space<vmem>> -> memref<1x128x128xf32, #tpu.memory_space<vmem>>
        %dma_start3A_144 = tpu.memref_squeeze %dma_start3A_143 : memref<1x128x128xf32, #tpu.memory_space<vmem>> -> memref<128x128xf32, #tpu.memory_space<vmem>>
        %dma_start3A_145 = arith.constant 0 : i32
        %dma_start3A_146 = tpu.memref_slice %arg8[%add3A_138, %dma_start3A_145] : memref<40x128xi32, #tpu.memory_space<vmem>> -> memref<1x128xi32, #tpu.memory_space<vmem>>
        %dma_start3A_147 = tpu.memref_squeeze %dma_start3A_146 : memref<1x128xi32, #tpu.memory_space<vmem>> -> memref<128xi32, #tpu.memory_space<vmem>>
        %dma_start3A_148 = arith.constant 0 : i32
        %dma_start3A_149 = arith.constant 0 : i32
        %dma_start3A_150 = tpu.memref_slice %arg9[%dma_start3A_148, %dma_start3A_149] : memref<10240x128xf32, #tpu.memory_space<vmem_shared>> -> memref<10240x128xf32, #tpu.memory_space<vmem_shared>>
        tpu.enqueue_indirect_dma source(%dma_start3A_144 : memref<128x128xf32, #tpu.memory_space<vmem>>) target(%dma_start3A_150 : memref<10240x128xf32, #tpu.memory_space<vmem_shared>>) offsets(%dma_start3A_147 : memref<128xi32, #tpu.memory_space<vmem>>) semaphore(%run_scoped3A_140 : memref<!tpu.dma_semaphore, #tpu.memory_space<semaphore_mem>>) {add = true}
        %dma_wait3A_151 = arith.constant 0 : i32
        %dma_wait3A_152 = arith.constant 0 : i32
        %dma_wait3A_153 = tpu.memref_slice %arg6[%run_scoped3A_139, %dma_wait3A_151, %dma_wait3A_152] : memref<2x128x128xf32, #tpu.memory_space<vmem>> -> memref<1x128x128xf32, #tpu.memory_space<vmem>>
        %dma_wait3A_154 = tpu.memref_squeeze %dma_wait3A_153 : memref<1x128x128xf32, #tpu.memory_space<vmem>> -> memref<128x128xf32, #tpu.memory_space<vmem>>
        %dma_wait3A_155 = arith.constant 0 : i32
        %dma_wait3A_156 = tpu.memref_slice %arg8[%add3A_138, %dma_wait3A_155] : memref<40x128xi32, #tpu.memory_space<vmem>> -> memref<1x128xi32, #tpu.memory_space<vmem>>
        %dma_wait3A_157 = tpu.memref_squeeze %dma_wait3A_156 : memref<1x128xi32, #tpu.memory_space<vmem>> -> memref<128xi32, #tpu.memory_space<vmem>>
        %dma_wait3A_158 = arith.constant 0 : i32
        %dma_wait3A_159 = arith.constant 0 : i32
        %dma_wait3A_160 = tpu.memref_slice %arg9[%dma_wait3A_158, %dma_wait3A_159] : memref<10240x128xf32, #tpu.memory_space<vmem_shared>> -> memref<10240x128xf32, #tpu.memory_space<vmem_shared>>
        tpu.wait_indirect_dma semaphore(%run_scoped3A_140 : memref<!tpu.dma_semaphore, #tpu.memory_space<semaphore_mem>>) src(%dma_wait3A_154 : memref<128x128xf32, #tpu.memory_space<vmem>>) dst(%dma_wait3A_160 : memref<10240x128xf32, #tpu.memory_space<vmem_shared>>)
        tpu.yield
      }) : () -> ()
    }
    %scan3A_69 = arith.constant 20 : i32
    %barrier3A_70 = arith.constant 0 : index
    tpu.barrier barrier_id(%barrier3A_70)
    %mul3A_71 = arith.constant 640 : i32
    %mul3A_72 = arith.muli %arg1, %mul3A_71 : i32
    %add3A_73 = arith.constant 0 : i32
    %add3A_74 = arith.addi %mul3A_72, %add3A_73 : i32
    "tpu.region"() ({
      %run_scoped3A_91 = tpu.sem_alloc : memref<!tpu.dma_semaphore, #tpu.memory_space<semaphore_mem>>
      %dma_start3A_92 = arith.constant 0 : i32
      %dma_start3A_93 = tpu.memref_slice %arg5[%arg0, %add3A_74, %dma_start3A_92] : memref<2x10240x128xf32, #tpu.memory_space<hbm>> -> memref<1x128x128xf32, #tpu.memory_space<hbm>>
      %dma_start3A_94 = tpu.memref_squeeze %dma_start3A_93 : memref<1x128x128xf32, #tpu.memory_space<hbm>> -> memref<128x128xf32, #tpu.memory_space<hbm>>
      %dma_start3A_95 = arith.constant 0 : i32
      %dma_start3A_96 = tpu.memref_slice %arg9[%add3A_74, %dma_start3A_95] : memref<10240x128xf32, #tpu.memory_space<vmem_shared>> -> memref<128x128xf32, #tpu.memory_space<vmem_shared>>
      tpu.enqueue_dma source(%dma_start3A_96 : memref<128x128xf32, #tpu.memory_space<vmem_shared>>) target(%dma_start3A_94 : memref<128x128xf32, #tpu.memory_space<hbm>>) target_semaphore(%run_scoped3A_91 : memref<!tpu.dma_semaphore, #tpu.memory_space<semaphore_mem>>)
      %dma_wait3A = arith.constant 0 : i32
      %dma_wait3A_97 = tpu.memref_slice %arg5[%arg0, %add3A_74, %dma_wait3A] : memref<2x10240x128xf32, #tpu.memory_space<hbm>> -> memref<1x128x128xf32, #tpu.memory_space<hbm>>
      %dma_wait3A_98 = tpu.memref_squeeze %dma_wait3A_97 : memref<1x128x128xf32, #tpu.memory_space<hbm>> -> memref<128x128xf32, #tpu.memory_space<hbm>>
      %dma_wait3A_99 = arith.constant 0 : i32
      %dma_wait3A_100 = tpu.memref_slice %arg9[%add3A_74, %dma_wait3A_99] : memref<10240x128xf32, #tpu.memory_space<vmem_shared>> -> memref<128x128xf32, #tpu.memory_space<vmem_shared>>
      tpu.wait_dma2 semaphore(%run_scoped3A_91 : memref<!tpu.dma_semaphore, #tpu.memory_space<semaphore_mem>>) src(%dma_wait3A_100 : memref<128x128xf32, #tpu.memory_space<vmem_shared>>) dst(%dma_wait3A_98 : memref<128x128xf32, #tpu.memory_space<hbm>>)
      tpu.yield
    }) : () -> ()
    %mul3A_75 = arith.constant 640 : i32
    %mul3A_76 = arith.muli %arg1, %mul3A_75 : i32
    %add3A_77 = arith.constant 128 : i32
    %add3A_78 = arith.addi %mul3A_76, %add3A_77 : i32
    "tpu.region"() ({
      %run_scoped3A_91 = tpu.sem_alloc : memref<!tpu.dma_semaphore, #tpu.memory_space<semaphore_mem>>
      %dma_start3A_92 = arith.constant 0 : i32
      %dma_start3A_93 = tpu.memref_slice %arg5[%arg0, %add3A_78, %dma_start3A_92] : memref<2x10240x128xf32, #tpu.memory_space<hbm>> -> memref<1x128x128xf32, #tpu.memory_space<hbm>>
      %dma_start3A_94 = tpu.memref_squeeze %dma_start3A_93 : memref<1x128x128xf32, #tpu.memory_space<hbm>> -> memref<128x128xf32, #tpu.memory_space<hbm>>
      %dma_start3A_95 = arith.constant 0 : i32
      %dma_start3A_96 = tpu.memref_slice %arg9[%add3A_78, %dma_start3A_95] : memref<10240x128xf32, #tpu.memory_space<vmem_shared>> -> memref<128x128xf32, #tpu.memory_space<vmem_shared>>
      tpu.enqueue_dma source(%dma_start3A_96 : memref<128x128xf32, #tpu.memory_space<vmem_shared>>) target(%dma_start3A_94 : memref<128x128xf32, #tpu.memory_space<hbm>>) target_semaphore(%run_scoped3A_91 : memref<!tpu.dma_semaphore, #tpu.memory_space<semaphore_mem>>)
      %dma_wait3A = arith.constant 0 : i32
      %dma_wait3A_97 = tpu.memref_slice %arg5[%arg0, %add3A_78, %dma_wait3A] : memref<2x10240x128xf32, #tpu.memory_space<hbm>> -> memref<1x128x128xf32, #tpu.memory_space<hbm>>
      %dma_wait3A_98 = tpu.memref_squeeze %dma_wait3A_97 : memref<1x128x128xf32, #tpu.memory_space<hbm>> -> memref<128x128xf32, #tpu.memory_space<hbm>>
      %dma_wait3A_99 = arith.constant 0 : i32
      %dma_wait3A_100 = tpu.memref_slice %arg9[%add3A_78, %dma_wait3A_99] : memref<10240x128xf32, #tpu.memory_space<vmem_shared>> -> memref<128x128xf32, #tpu.memory_space<vmem_shared>>
      tpu.wait_dma2 semaphore(%run_scoped3A_91 : memref<!tpu.dma_semaphore, #tpu.memory_space<semaphore_mem>>) src(%dma_wait3A_100 : memref<128x128xf32, #tpu.memory_space<vmem_shared>>) dst(%dma_wait3A_98 : memref<128x128xf32, #tpu.memory_space<hbm>>)
      tpu.yield
    }) : () -> ()
    %mul3A_79 = arith.constant 640 : i32
    %mul3A_80 = arith.muli %arg1, %mul3A_79 : i32
    %add3A_81 = arith.constant 256 : i32
    %add3A_82 = arith.addi %mul3A_80, %add3A_81 : i32
    "tpu.region"() ({
      %run_scoped3A_91 = tpu.sem_alloc : memref<!tpu.dma_semaphore, #tpu.memory_space<semaphore_mem>>
      %dma_start3A_92 = arith.constant 0 : i32
      %dma_start3A_93 = tpu.memref_slice %arg5[%arg0, %add3A_82, %dma_start3A_92] : memref<2x10240x128xf32, #tpu.memory_space<hbm>> -> memref<1x128x128xf32, #tpu.memory_space<hbm>>
      %dma_start3A_94 = tpu.memref_squeeze %dma_start3A_93 : memref<1x128x128xf32, #tpu.memory_space<hbm>> -> memref<128x128xf32, #tpu.memory_space<hbm>>
      %dma_start3A_95 = arith.constant 0 : i32
      %dma_start3A_96 = tpu.memref_slice %arg9[%add3A_82, %dma_start3A_95] : memref<10240x128xf32, #tpu.memory_space<vmem_shared>> -> memref<128x128xf32, #tpu.memory_space<vmem_shared>>
      tpu.enqueue_dma source(%dma_start3A_96 : memref<128x128xf32, #tpu.memory_space<vmem_shared>>) target(%dma_start3A_94 : memref<128x128xf32, #tpu.memory_space<hbm>>) target_semaphore(%run_scoped3A_91 : memref<!tpu.dma_semaphore, #tpu.memory_space<semaphore_mem>>)
      %dma_wait3A = arith.constant 0 : i32
      %dma_wait3A_97 = tpu.memref_slice %arg5[%arg0, %add3A_82, %dma_wait3A] : memref<2x10240x128xf32, #tpu.memory_space<hbm>> -> memref<1x128x128xf32, #tpu.memory_space<hbm>>
      %dma_wait3A_98 = tpu.memref_squeeze %dma_wait3A_97 : memref<1x128x128xf32, #tpu.memory_space<hbm>> -> memref<128x128xf32, #tpu.memory_space<hbm>>
      %dma_wait3A_99 = arith.constant 0 : i32
      %dma_wait3A_100 = tpu.memref_slice %arg9[%add3A_82, %dma_wait3A_99] : memref<10240x128xf32, #tpu.memory_space<vmem_shared>> -> memref<128x128xf32, #tpu.memory_space<vmem_shared>>
      tpu.wait_dma2 semaphore(%run_scoped3A_91 : memref<!tpu.dma_semaphore, #tpu.memory_space<semaphore_mem>>) src(%dma_wait3A_100 : memref<128x128xf32, #tpu.memory_space<vmem_shared>>) dst(%dma_wait3A_98 : memref<128x128xf32, #tpu.memory_space<hbm>>)
      tpu.yield
    }) : () -> ()
    %mul3A_83 = arith.constant 640 : i32
    %mul3A_84 = arith.muli %arg1, %mul3A_83 : i32
    %add3A_85 = arith.constant 384 : i32
    %add3A_86 = arith.addi %mul3A_84, %add3A_85 : i32
    "tpu.region"() ({
      %run_scoped3A_91 = tpu.sem_alloc : memref<!tpu.dma_semaphore, #tpu.memory_space<semaphore_mem>>
      %dma_start3A_92 = arith.constant 0 : i32
      %dma_start3A_93 = tpu.memref_slice %arg5[%arg0, %add3A_86, %dma_start3A_92] : memref<2x10240x128xf32, #tpu.memory_space<hbm>> -> memref<1x128x128xf32, #tpu.memory_space<hbm>>
      %dma_start3A_94 = tpu.memref_squeeze %dma_start3A_93 : memref<1x128x128xf32, #tpu.memory_space<hbm>> -> memref<128x128xf32, #tpu.memory_space<hbm>>
      %dma_start3A_95 = arith.constant 0 : i32
      %dma_start3A_96 = tpu.memref_slice %arg9[%add3A_86, %dma_start3A_95] : memref<10240x128xf32, #tpu.memory_space<vmem_shared>> -> memref<128x128xf32, #tpu.memory_space<vmem_shared>>
      tpu.enqueue_dma source(%dma_start3A_96 : memref<128x128xf32, #tpu.memory_space<vmem_shared>>) target(%dma_start3A_94 : memref<128x128xf32, #tpu.memory_space<hbm>>) target_semaphore(%run_scoped3A_91 : memref<!tpu.dma_semaphore, #tpu.memory_space<semaphore_mem>>)
      %dma_wait3A = arith.constant 0 : i32
      %dma_wait3A_97 = tpu.memref_slice %arg5[%arg0, %add3A_86, %dma_wait3A] : memref<2x10240x128xf32, #tpu.memory_space<hbm>> -> memref<1x128x128xf32, #tpu.memory_space<hbm>>
      %dma_wait3A_98 = tpu.memref_squeeze %dma_wait3A_97 : memref<1x128x128xf32, #tpu.memory_space<hbm>> -> memref<128x128xf32, #tpu.memory_space<hbm>>
      %dma_wait3A_99 = arith.constant 0 : i32
      %dma_wait3A_100 = tpu.memref_slice %arg9[%add3A_86, %dma_wait3A_99] : memref<10240x128xf32, #tpu.memory_space<vmem_shared>> -> memref<128x128xf32, #tpu.memory_space<vmem_shared>>
      tpu.wait_dma2 semaphore(%run_scoped3A_91 : memref<!tpu.dma_semaphore, #tpu.memory_space<semaphore_mem>>) src(%dma_wait3A_100 : memref<128x128xf32, #tpu.memory_space<vmem_shared>>) dst(%dma_wait3A_98 : memref<128x128xf32, #tpu.memory_space<hbm>>)
      tpu.yield
    }) : () -> ()
    %mul3A_87 = arith.constant 640 : i32
    %mul3A_88 = arith.muli %arg1, %mul3A_87 : i32
    %add3A_89 = arith.constant 512 : i32
    %add3A_90 = arith.addi %mul3A_88, %add3A_89 : i32
    "tpu.region"() ({
      %run_scoped3A_91 = tpu.sem_alloc : memref<!tpu.dma_semaphore, #tpu.memory_space<semaphore_mem>>
      %dma_start3A_92 = arith.constant 0 : i32
      %dma_start3A_93 = tpu.memref_slice %arg5[%arg0, %add3A_90, %dma_start3A_92] : memref<2x10240x128xf32, #tpu.memory_space<hbm>> -> memref<1x128x128xf32, #tpu.memory_space<hbm>>
      %dma_start3A_94 = tpu.memref_squeeze %dma_start3A_93 : memref<1x128x128xf32, #tpu.memory_space<hbm>> -> memref<128x128xf32, #tpu.memory_space<hbm>>
      %dma_start3A_95 = arith.constant 0 : i32
      %dma_start3A_96 = tpu.memref_slice %arg9[%add3A_90, %dma_start3A_95] : memref<10240x128xf32, #tpu.memory_space<vmem_shared>> -> memref<128x128xf32, #tpu.memory_space<vmem_shared>>
      tpu.enqueue_dma source(%dma_start3A_96 : memref<128x128xf32, #tpu.memory_space<vmem_shared>>) target(%dma_start3A_94 : memref<128x128xf32, #tpu.memory_space<hbm>>) target_semaphore(%run_scoped3A_91 : memref<!tpu.dma_semaphore, #tpu.memory_space<semaphore_mem>>)
      %dma_wait3A = arith.constant 0 : i32
      %dma_wait3A_97 = tpu.memref_slice %arg5[%arg0, %add3A_90, %dma_wait3A] : memref<2x10240x128xf32, #tpu.memory_space<hbm>> -> memref<1x128x128xf32, #tpu.memory_space<hbm>>
      %dma_wait3A_98 = tpu.memref_squeeze %dma_wait3A_97 : memref<1x128x128xf32, #tpu.memory_space<hbm>> -> memref<128x128xf32, #tpu.memory_space<hbm>>
      %dma_wait3A_99 = arith.constant 0 : i32
      %dma_wait3A_100 = tpu.memref_slice %arg9[%add3A_90, %dma_wait3A_99] : memref<10240x128xf32, #tpu.memory_space<vmem_shared>> -> memref<128x128xf32, #tpu.memory_space<vmem_shared>>
      tpu.wait_dma2 semaphore(%run_scoped3A_91 : memref<!tpu.dma_semaphore, #tpu.memory_space<semaphore_mem>>) src(%dma_wait3A_100 : memref<128x128xf32, #tpu.memory_space<vmem_shared>>) dst(%dma_wait3A_98 : memref<128x128xf32, #tpu.memory_space<hbm>>)
      tpu.yield
    }) : () -> ()
    return
  }
}

module attributes {stable_mosaic.version = 14 : i64} {
  func.func @_dinv_body(%arg0: memref<2x10240x128xf32, #tpu.memory_space<vmem>>, %arg1: memref<10240x1xf32, #tpu.memory_space<vmem>>) attributes {dimension_semantics = [], scalar_prefetch = 0 : i64, scratch_operands = 0 : i64, tpu.core_type = #tpu.core_type<tc>} {
    %get3A = arith.constant 0 : index
    %get3A_0 = arith.constant 0 : index
    %get3A_1 = arith.constant 0 : index
    %get3A_2 = vector.load %arg0[%get3A, %get3A_0, %get3A_1] : memref<2x10240x128xf32, #tpu.memory_space<vmem>>, vector<1x10240x1xf32>
    %get3A_3 = vector.shape_cast %get3A_2 : vector<1x10240x1xf32> to vector<10240x1xf32>
    %add3A = arith.constant 1.000000e+00 : f32
    %add3A_4 = vector.broadcast %add3A : f32 to vector<10240x1xf32>
    %add3A_5 = arith.addf %add3A_4, %get3A_3 : vector<10240x1xf32>
    %get3A_6 = arith.constant 1 : index
    %get3A_7 = arith.constant 0 : index
    %get3A_8 = arith.constant 0 : index
    %get3A_9 = vector.load %arg0[%get3A_6, %get3A_7, %get3A_8] : memref<2x10240x128xf32, #tpu.memory_space<vmem>>, vector<1x10240x1xf32>
    %get3A_10 = vector.shape_cast %get3A_9 : vector<1x10240x1xf32> to vector<10240x1xf32>
    %add3A_11 = arith.addf %add3A_5, %get3A_10 : vector<10240x1xf32>
    %rsqrt3A = math.rsqrt %add3A_11 : vector<10240x1xf32>
    %iota3A = tpu.iota {dimensions = array<i32: 0>} : vector<10240x1xi32>
    %lt3A = arith.constant 10000 : i32
    %lt3A_12 = vector.broadcast %lt3A : i32 to vector<10240x1xi32>
    %lt3A_13 = arith.cmpi slt, %iota3A, %lt3A_12 : vector<10240x1xi32>
    %jit3A = arith.constant 0.000000e+00 : f32
    %broadcast_in_dim3A = vector.broadcast %jit3A : f32 to vector<10240x1xf32>
    %select_n3A = arith.select %lt3A_13, %rsqrt3A, %broadcast_in_dim3A : vector<10240x1xi1>, vector<10240x1xf32>
    %swap3A = arith.constant 0 : index
    %swap3A_14 = arith.constant 0 : index
    %swap3A_15 = vector.load %arg1[%swap3A, %swap3A_14] : memref<10240x1xf32, #tpu.memory_space<vmem>>, vector<10240x1xf32>
    tpu.vector_store %arg1[%swap3A, %swap3A_14], %select_n3A {strides = array<i32>} : memref<10240x1xf32, #tpu.memory_space<vmem>>, vector<10240x1xf32>,
    return
  }
}

module attributes {stable_mosaic.version = 14 : i64} {
  func.func @_mm1_body(%arg0: i32, %arg1: memref<256x128xf32, #tpu.memory_space<vmem>>, %arg2: memref<128x128xf32, #tpu.memory_space<vmem>>, %arg3: memref<256x1xf32, #tpu.memory_space<vmem>>, %arg4: memref<256x128xf32, #tpu.memory_space<vmem>>) attributes {dimension_semantics = [#tpu.dimension_semantics<arbitrary>], iteration_bounds = array<i64: 40>, scalar_prefetch = 0 : i64, scratch_operands = 0 : i64, tpu.core_type = #tpu.core_type<tc>, window_params = [{transform_indices = @transform_0, window_bounds = array<i64: 256, 128>}, {pipeline_mode = #tpu.pipeline_mode<synchronous>, transform_indices = @transform_1, window_bounds = array<i64: 128, 128>}, {transform_indices = @transform_2, window_bounds = array<i64: 256, 1>}, {transform_indices = @transform_3, window_bounds = array<i64: 256, 128>}]} {
    %get3A = arith.constant 0 : index
    %get3A_0 = arith.constant 0 : index
    %get3A_1 = vector.load %arg1[%get3A, %get3A_0] : memref<256x128xf32, #tpu.memory_space<vmem>>, vector<256x128xf32>
    %get3A_2 = arith.constant 0 : index
    %get3A_3 = arith.constant 0 : index
    %get3A_4 = vector.load %arg2[%get3A_2, %get3A_3] : memref<128x128xf32, #tpu.memory_space<vmem>>, vector<128x128xf32>
    %convert_element_type3A = arith.truncf %get3A_1 : vector<256x128xf32> to vector<256x128xbf16>
    %convert_element_type3A_5 = arith.truncf %get3A_4 : vector<128x128xf32> to vector<128x128xbf16>
    %dot_general3A = arith.constant dense<0.000000e+00> : vector<256x128xf32>
    %dot_general3A_6 = tpu.matmul %convert_element_type3A, %convert_element_type3A_5, %dot_general3A {dimension_numbers = #tpu.dot_dimension_numbers<[1], [0], [0], [1], [0, 0, 1, 1], [], []>, transpose_lhs_hint = false} : vector<256x128xbf16>, vector<128x128xbf16>, vector<256x128xf32> -> vector<256x128xf32>
    %get3A_7 = arith.constant 0 : index
    %get3A_8 = arith.constant 0 : index
    %get3A_9 = vector.load %arg3[%get3A_7, %get3A_8] : memref<256x1xf32, #tpu.memory_space<vmem>>, vector<256x1xf32>
    %mul3A = vector.broadcast %get3A_9 : vector<256x1xf32> to vector<256x128xf32>
    %mul3A_10 = arith.mulf %dot_general3A_6, %mul3A : vector<256x128xf32>
    %swap3A = arith.constant 0 : index
    %swap3A_11 = arith.constant 0 : index
    %swap3A_12 = vector.load %arg4[%swap3A, %swap3A_11] : memref<256x128xf32, #tpu.memory_space<vmem>>, vector<256x128xf32>
    tpu.vector_store %arg4[%swap3A, %swap3A_11], %mul3A_10 {strides = array<i32>} : memref<256x128xf32, #tpu.memory_space<vmem>>, vector<256x128xf32>,
    return
  }
  func.func @transform_0(%arg0: i32) -> (i32, i32) {
    %c0_i32 = arith.constant 0 : i32
    %c0_i32_0 = arith.constant 0 : i32
    return %arg0, %c0_i32 : i32, i32
  }
  func.func @transform_1(%arg0: i32) -> (i32, i32) {
    %c0_i32 = arith.constant 0 : i32
    %c0_i32_0 = arith.constant 0 : i32
    %c0_i32_1 = arith.constant 0 : i32
    return %c0_i32, %c0_i32_0 : i32, i32
  }
  func.func @transform_2(%arg0: i32) -> (i32, i32) {
    %c0_i32 = arith.constant 0 : i32
    %c0_i32_0 = arith.constant 0 : i32
    return %arg0, %c0_i32 : i32, i32
  }
  func.func @transform_3(%arg0: i32) -> (i32, i32) {
    %c0_i32 = arith.constant 0 : i32
    %c0_i32_0 = arith.constant 0 : i32
    return %arg0, %c0_i32 : i32, i32
  }
}

module attributes {stable_mosaic.version = 14 : i64} {
  func.func @_mm_bn_body(%arg0: i32, %arg1: memref<256x128xf32, #tpu.memory_space<vmem>>, %arg2: memref<8x128xf32, #tpu.memory_space<vmem>>, %arg3: memref<1x128xf32, #tpu.memory_space<vmem>>, %arg4: memref<1x128xf32, #tpu.memory_space<vmem>>, %arg5: memref<128x128xf32, #tpu.memory_space<vmem>>, %arg6: memref<256x1xf32, #tpu.memory_space<vmem>>, %arg7: memref<256x128xf32, #tpu.memory_space<vmem>>) attributes {dimension_semantics = [#tpu.dimension_semantics<arbitrary>], iteration_bounds = array<i64: 40>, scalar_prefetch = 0 : i64, scratch_operands = 0 : i64, tpu.core_type = #tpu.core_type<tc>, window_params = [{transform_indices = @transform_0, window_bounds = array<i64: 256, 128>}, {pipeline_mode = #tpu.pipeline_mode<synchronous>, transform_indices = @transform_1, window_bounds = array<i64: 8, 128>}, {pipeline_mode = #tpu.pipeline_mode<synchronous>, transform_indices = @transform_2, window_bounds = array<i64: 1, 128>}, {pipeline_mode = #tpu.pipeline_mode<synchronous>, transform_indices = @transform_3, window_bounds = array<i64: 1, 128>}, {pipeline_mode = #tpu.pipeline_mode<synchronous>, transform_indices = @transform_4, window_bounds = array<i64: 128, 128>}, {transform_indices = @transform_5, window_bounds = array<i64: 256, 1>}, {transform_indices = @transform_6, window_bounds = array<i64: 256, 128>}]} {
    %get3A = arith.constant 0 : index
    %get3A_0 = arith.constant 0 : index
    %get3A_1 = vector.load %arg2[%get3A, %get3A_0] : memref<8x128xf32, #tpu.memory_space<vmem>>, vector<1x128xf32>
    %mul3A = arith.constant 9.99999974E-5 : f32
    %mul3A_2 = vector.broadcast %mul3A : f32 to vector<1x128xf32>
    %mul3A_3 = arith.mulf %get3A_1, %mul3A_2 : vector<1x128xf32>
    %get3A_4 = arith.constant 1 : index
    %get3A_5 = arith.constant 0 : index
    %get3A_6 = vector.load %arg2[%get3A_4, %get3A_5] : memref<8x128xf32, #tpu.memory_space<vmem>>, vector<1x128xf32>
    %mul3A_7 = arith.constant 9.99999974E-5 : f32
    %mul3A_8 = vector.broadcast %mul3A_7 : f32 to vector<1x128xf32>
    %mul3A_9 = arith.mulf %get3A_6, %mul3A_8 : vector<1x128xf32>
    %mul3A_10 = arith.mulf %mul3A_3, %mul3A_3 : vector<1x128xf32>
    %sub3A = arith.subf %mul3A_9, %mul3A_10 : vector<1x128xf32>
    %add3A = arith.constant 9.99999974E-6 : f32
    %add3A_11 = vector.broadcast %add3A : f32 to vector<1x128xf32>
    %add3A_12 = arith.addf %sub3A, %add3A_11 : vector<1x128xf32>
    %rsqrt3A = math.rsqrt %add3A_12 : vector<1x128xf32>
    %get3A_13 = arith.constant 0 : index
    %get3A_14 = arith.constant 0 : index
    %get3A_15 = vector.load %arg1[%get3A_13, %get3A_14] : memref<256x128xf32, #tpu.memory_space<vmem>>, vector<256x128xf32>
    %sub3A_16 = vector.broadcast %mul3A_3 : vector<1x128xf32> to vector<256x128xf32>
    %sub3A_17 = arith.subf %get3A_15, %sub3A_16 : vector<256x128xf32>
    %mul3A_18 = vector.broadcast %rsqrt3A : vector<1x128xf32> to vector<256x128xf32>
    %mul3A_19 = arith.mulf %sub3A_17, %mul3A_18 : vector<256x128xf32>
    %get3A_20 = arith.constant 0 : index
    %get3A_21 = arith.constant 0 : index
    %get3A_22 = vector.load %arg3[%get3A_20, %get3A_21] : memref<1x128xf32, #tpu.memory_space<vmem>>, vector<1x128xf32>
    %mul3A_23 = vector.broadcast %get3A_22 : vector<1x128xf32> to vector<256x128xf32>
    %mul3A_24 = arith.mulf %mul3A_19, %mul3A_23 : vector<256x128xf32>
    %get3A_25 = arith.constant 0 : index
    %get3A_26 = arith.constant 0 : index
    %get3A_27 = vector.load %arg4[%get3A_25, %get3A_26] : memref<1x128xf32, #tpu.memory_space<vmem>>, vector<1x128xf32>
    %add3A_28 = vector.broadcast %get3A_27 : vector<1x128xf32> to vector<256x128xf32>
    %add3A_29 = arith.addf %mul3A_24, %add3A_28 : vector<256x128xf32>
    %get3A_30 = arith.constant 0 : index
    %get3A_31 = arith.constant 0 : index
    %get3A_32 = vector.load %arg5[%get3A_30, %get3A_31] : memref<128x128xf32, #tpu.memory_space<vmem>>, vector<128x128xf32>
    %convert_element_type3A = arith.truncf %add3A_29 : vector<256x128xf32> to vector<256x128xbf16>
    %convert_element_type3A_33 = arith.truncf %get3A_32 : vector<128x128xf32> to vector<128x128xbf16>
    %dot_general3A = arith.constant dense<0.000000e+00> : vector<256x128xf32>
    %dot_general3A_34 = tpu.matmul %convert_element_type3A, %convert_element_type3A_33, %dot_general3A {dimension_numbers = #tpu.dot_dimension_numbers<[1], [0], [0], [1], [0, 0, 1, 1], [], []>, transpose_lhs_hint = false} : vector<256x128xbf16>, vector<128x128xbf16>, vector<256x128xf32> -> vector<256x128xf32>
    %get3A_35 = arith.constant 0 : index
    %get3A_36 = arith.constant 0 : index
    %get3A_37 = vector.load %arg6[%get3A_35, %get3A_36] : memref<256x1xf32, #tpu.memory_space<vmem>>, vector<256x1xf32>
    %mul3A_38 = vector.broadcast %get3A_37 : vector<256x1xf32> to vector<256x128xf32>
    %mul3A_39 = arith.mulf %dot_general3A_34, %mul3A_38 : vector<256x128xf32>
    %swap3A = arith.constant 0 : index
    %swap3A_40 = arith.constant 0 : index
    %swap3A_41 = vector.load %arg7[%swap3A, %swap3A_40] : memref<256x128xf32, #tpu.memory_space<vmem>>, vector<256x128xf32>
    tpu.vector_store %arg7[%swap3A, %swap3A_40], %mul3A_39 {strides = array<i32>} : memref<256x128xf32, #tpu.memory_space<vmem>>, vector<256x128xf32>,
    return
  }
  func.func @transform_0(%arg0: i32) -> (i32, i32) {
    %c0_i32 = arith.constant 0 : i32
    %c0_i32_0 = arith.constant 0 : i32
    return %arg0, %c0_i32 : i32, i32
  }
  func.func @transform_1(%arg0: i32) -> (i32, i32) {
    %c0_i32 = arith.constant 0 : i32
    %c0_i32_0 = arith.constant 0 : i32
    %c0_i32_1 = arith.constant 0 : i32
    return %c0_i32, %c0_i32_0 : i32, i32
  }
  func.func @transform_2(%arg0: i32) -> (i32, i32) {
    %c0_i32 = arith.constant 0 : i32
    %c0_i32_0 = arith.constant 0 : i32
    %c0_i32_1 = arith.constant 0 : i32
    return %c0_i32, %c0_i32_0 : i32, i32
  }
  func.func @transform_3(%arg0: i32) -> (i32, i32) {
    %c0_i32 = arith.constant 0 : i32
    %c0_i32_0 = arith.constant 0 : i32
    %c0_i32_1 = arith.constant 0 : i32
    return %c0_i32, %c0_i32_0 : i32, i32
  }
  func.func @transform_4(%arg0: i32) -> (i32, i32) {
    %c0_i32 = arith.constant 0 : i32
    %c0_i32_0 = arith.constant 0 : i32
    %c0_i32_1 = arith.constant 0 : i32
    return %c0_i32, %c0_i32_0 : i32, i32
  }
  func.func @transform_5(%arg0: i32) -> (i32, i32) {
    %c0_i32 = arith.constant 0 : i32
    %c0_i32_0 = arith.constant 0 : i32
    return %arg0, %c0_i32 : i32, i32
  }
  func.func @transform_6(%arg0: i32) -> (i32, i32) {
    %c0_i32 = arith.constant 0 : i32
    %c0_i32_0 = arith.constant 0 : i32
    return %arg0, %c0_i32 : i32, i32
  }
}

module attributes {stable_mosaic.version = 14 : i64} {
  func.func @_post_body(%arg0: i32, %arg1: memref<2x256x128xf32, #tpu.memory_space<vmem>>, %arg2: memref<256x128xf32, #tpu.memory_space<vmem>>, %arg3: memref<256x1xf32, #tpu.memory_space<vmem>>, %arg4: memref<1x128xf32, #tpu.memory_space<vmem>>, %arg5: memref<256x128xf32, #tpu.memory_space<vmem>>, %arg6: memref<8x128xf32, #tpu.memory_space<vmem>>) attributes {dimension_semantics = [#tpu.dimension_semantics<arbitrary>], iteration_bounds = array<i64: 40>, scalar_prefetch = 0 : i64, scratch_operands = 0 : i64, tpu.core_type = #tpu.core_type<tc>, window_params = [{transform_indices = @transform_0, window_bounds = array<i64: 2, 256, 128>}, {transform_indices = @transform_1, window_bounds = array<i64: 256, 128>}, {transform_indices = @transform_2, window_bounds = array<i64: 256, 1>}, {pipeline_mode = #tpu.pipeline_mode<synchronous>, transform_indices = @transform_3, window_bounds = array<i64: 1, 128>}, {transform_indices = @transform_4, window_bounds = array<i64: 256, 128>}, {pipeline_mode = #tpu.pipeline_mode<synchronous>, transform_indices = @transform_5, window_bounds = array<i64: 8, 128>}]} {
    %get3A = arith.constant 0 : index
    %get3A_0 = arith.constant 0 : index
    %get3A_1 = arith.constant 0 : index
    %get3A_2 = vector.load %arg1[%get3A, %get3A_0, %get3A_1] : memref<2x256x128xf32, #tpu.memory_space<vmem>>, vector<1x256x128xf32>
    %get3A_3 = vector.shape_cast %get3A_2 : vector<1x256x128xf32> to vector<256x128xf32>
    %get3A_4 = arith.constant 1 : index
    %get3A_5 = arith.constant 0 : index
    %get3A_6 = arith.constant 0 : index
    %get3A_7 = vector.load %arg1[%get3A_4, %get3A_5, %get3A_6] : memref<2x256x128xf32, #tpu.memory_space<vmem>>, vector<1x256x128xf32>
    %get3A_8 = vector.shape_cast %get3A_7 : vector<1x256x128xf32> to vector<256x128xf32>
    %add3A = arith.addf %get3A_3, %get3A_8 : vector<256x128xf32>
    %get3A_9 = arith.constant 0 : index
    %get3A_10 = arith.constant 0 : index
    %get3A_11 = vector.load %arg3[%get3A_9, %get3A_10] : memref<256x1xf32, #tpu.memory_space<vmem>>, vector<256x1xf32>
    %get3A_12 = arith.constant 0 : index
    %get3A_13 = arith.constant 0 : index
    %get3A_14 = vector.load %arg2[%get3A_12, %get3A_13] : memref<256x128xf32, #tpu.memory_space<vmem>>, vector<256x128xf32>
    %add3A_15 = arith.addf %add3A, %get3A_14 : vector<256x128xf32>
    %mul3A = vector.broadcast %get3A_11 : vector<256x1xf32> to vector<256x128xf32>
    %mul3A_16 = arith.mulf %mul3A, %add3A_15 : vector<256x128xf32>
    %get3A_17 = arith.constant 0 : index
    %get3A_18 = arith.constant 0 : index
    %get3A_19 = vector.load %arg4[%get3A_17, %get3A_18] : memref<1x128xf32, #tpu.memory_space<vmem>>, vector<1x128xf32>
    %add3A_20 = vector.broadcast %get3A_19 : vector<1x128xf32> to vector<256x128xf32>
    %add3A_21 = arith.addf %mul3A_16, %add3A_20 : vector<256x128xf32>
    %max3A = arith.constant 0.000000e+00 : f32
    %max3A_22 = vector.broadcast %max3A : f32 to vector<256x128xf32>
    %max3A_23 = arith.maximumf %add3A_21, %max3A_22 : vector<256x128xf32>
    %iota3A = tpu.iota {dimensions = array<i32: 0>} : vector<256x128xi32>
    %mul3A_24 = arith.constant 256 : i32
    %mul3A_25 = arith.muli %arg0, %mul3A_24 : i32
    %add3A_26 = vector.broadcast %mul3A_25 : i32 to vector<256x128xi32>
    %add3A_27 = arith.addi %iota3A, %add3A_26 : vector<256x128xi32>
    %lt3A = arith.constant 10000 : i32
    %lt3A_28 = vector.broadcast %lt3A : i32 to vector<256x128xi32>
    %lt3A_29 = arith.cmpi slt, %add3A_27, %lt3A_28 : vector<256x128xi32>
    %jit3A = arith.constant 0.000000e+00 : f32
    %broadcast_in_dim3A = vector.broadcast %jit3A : f32 to vector<256x128xf32>
    %select_n3A = arith.select %lt3A_29, %max3A_23, %broadcast_in_dim3A : vector<256x128xi1>, vector<256x128xf32>
    %swap3A = arith.constant 0 : index
    %swap3A_30 = arith.constant 0 : index
    %swap3A_31 = vector.load %arg5[%swap3A, %swap3A_30] : memref<256x128xf32, #tpu.memory_space<vmem>>, vector<256x128xf32>
    tpu.vector_store %arg5[%swap3A, %swap3A_30], %select_n3A {strides = array<i32>} : memref<256x128xf32, #tpu.memory_space<vmem>>, vector<256x128xf32>,
    %eq3A = arith.constant 0 : i32
    %eq3A_32 = arith.cmpi eq, %arg0, %eq3A : i32
    %convert_element_type3A = arith.extui %eq3A_32 : i1 to i32
    %cond3A = arith.constant 0 : i32
    %cond3A_33 = arith.cmpi ne, %convert_element_type3A, %cond3A : i32
    scf.if %cond3A_33 {
      %broadcast_in_dim3A_54 = arith.constant 0.000000e+00 : f32
      %broadcast_in_dim3A_55 = vector.broadcast %broadcast_in_dim3A_54 : f32 to vector<8x128xf32>
      %swap3A_56 = arith.constant 0 : index
      %swap3A_57 = arith.constant 0 : index
      %swap3A_58 = vector.load %arg6[%swap3A_56, %swap3A_57] : memref<8x128xf32, #tpu.memory_space<vmem>>, vector<8x128xf32>
      tpu.vector_store %arg6[%swap3A_56, %swap3A_57], %broadcast_in_dim3A_55 {strides = array<i32>} : memref<8x128xf32, #tpu.memory_space<vmem>>, vector<8x128xf32>,
    } else {
    }
    %get3A_34 = arith.constant 0 : index
    %get3A_35 = arith.constant 0 : index
    %get3A_36 = vector.load %arg6[%get3A_34, %get3A_35] : memref<8x128xf32, #tpu.memory_space<vmem>>, vector<1x128xf32>
    %reduce_sum3A = arith.constant dense<0.000000e+00> : vector<128xf32>
    %reduce_sum3A_37 = vector.multi_reduction <add>, %select_n3A, %reduce_sum3A [0] : vector<256x128xf32> to vector<128xf32>
    %broadcast_in_dim3A_38 = vector.shape_cast %reduce_sum3A_37 : vector<128xf32> to vector<1x128xf32>
    %add3A_39 = arith.addf %get3A_36, %broadcast_in_dim3A_38 : vector<1x128xf32>
    %swap3A_40 = arith.constant 0 : index
    %swap3A_41 = arith.constant 0 : index
    %swap3A_42 = vector.load %arg6[%swap3A_40, %swap3A_41] : memref<8x128xf32, #tpu.memory_space<vmem>>, vector<1x128xf32>
    tpu.vector_store %arg6[%swap3A_40, %swap3A_41], %add3A_39 {strides = array<i32>} : memref<8x128xf32, #tpu.memory_space<vmem>>, vector<1x128xf32>,
    %get3A_43 = arith.constant 1 : index
    %get3A_44 = arith.constant 0 : index
    %get3A_45 = vector.load %arg6[%get3A_43, %get3A_44] : memref<8x128xf32, #tpu.memory_space<vmem>>, vector<1x128xf32>
    %mul3A_46 = arith.mulf %select_n3A, %select_n3A : vector<256x128xf32>
    %reduce_sum3A_47 = arith.constant dense<0.000000e+00> : vector<128xf32>
    %reduce_sum3A_48 = vector.multi_reduction <add>, %mul3A_46, %reduce_sum3A_47 [0] : vector<256x128xf32> to vector<128xf32>
    %broadcast_in_dim3A_49 = vector.shape_cast %reduce_sum3A_48 : vector<128xf32> to vector<1x128xf32>
    %add3A_50 = arith.addf %get3A_45, %broadcast_in_dim3A_49 : vector<1x128xf32>
    %swap3A_51 = arith.constant 1 : index
    %swap3A_52 = arith.constant 0 : index
    %swap3A_53 = vector.load %arg6[%swap3A_51, %swap3A_52] : memref<8x128xf32, #tpu.memory_space<vmem>>, vector<1x128xf32>
    tpu.vector_store %arg6[%swap3A_51, %swap3A_52], %add3A_50 {strides = array<i32>} : memref<8x128xf32, #tpu.memory_space<vmem>>, vector<1x128xf32>,
    return
  }
  func.func @transform_0(%arg0: i32) -> (i32, i32, i32) {
    %c0_i32 = arith.constant 0 : i32
    %c0_i32_0 = arith.constant 0 : i32
    %c0_i32_1 = arith.constant 0 : i32
    return %c0_i32, %arg0, %c0_i32_0 : i32, i32, i32
  }
  func.func @transform_1(%arg0: i32) -> (i32, i32) {
    %c0_i32 = arith.constant 0 : i32
    %c0_i32_0 = arith.constant 0 : i32
    return %arg0, %c0_i32 : i32, i32
  }
  func.func @transform_2(%arg0: i32) -> (i32, i32) {
    %c0_i32 = arith.constant 0 : i32
    %c0_i32_0 = arith.constant 0 : i32
    return %arg0, %c0_i32 : i32, i32
  }
  func.func @transform_3(%arg0: i32) -> (i32, i32) {
    %c0_i32 = arith.constant 0 : i32
    %c0_i32_0 = arith.constant 0 : i32
    %c0_i32_1 = arith.constant 0 : i32
    return %c0_i32, %c0_i32_0 : i32, i32
  }
  func.func @transform_4(%arg0: i32) -> (i32, i32) {
    %c0_i32 = arith.constant 0 : i32
    %c0_i32_0 = arith.constant 0 : i32
    return %arg0, %c0_i32 : i32, i32
  }
  func.func @transform_5(%arg0: i32) -> (i32, i32) {
    %c0_i32 = arith.constant 0 : i32
    %c0_i32_0 = arith.constant 0 : i32
    %c0_i32_1 = arith.constant 0 : i32
    return %c0_i32, %c0_i32_0 : i32, i32
  }
}

module attributes {stable_mosaic.version = 14 : i64} {
  func.func @_bn_apply_body(%arg0: i32, %arg1: memref<256x128xf32, #tpu.memory_space<vmem>>, %arg2: memref<8x128xf32, #tpu.memory_space<vmem>>, %arg3: memref<1x128xf32, #tpu.memory_space<vmem>>, %arg4: memref<1x128xf32, #tpu.memory_space<vmem>>, %arg5: memref<256x128xf32, #tpu.memory_space<vmem>>) attributes {dimension_semantics = [#tpu.dimension_semantics<arbitrary>], iteration_bounds = array<i64: 40>, scalar_prefetch = 0 : i64, scratch_operands = 0 : i64, tpu.core_type = #tpu.core_type<tc>, window_params = [{transform_indices = @transform_0, window_bounds = array<i64: 256, 128>}, {pipeline_mode = #tpu.pipeline_mode<synchronous>, transform_indices = @transform_1, window_bounds = array<i64: 8, 128>}, {pipeline_mode = #tpu.pipeline_mode<synchronous>, transform_indices = @transform_2, window_bounds = array<i64: 1, 128>}, {pipeline_mode = #tpu.pipeline_mode<synchronous>, transform_indices = @transform_3, window_bounds = array<i64: 1, 128>}, {transform_indices = @transform_4, window_bounds = array<i64: 256, 128>}]} {
    %get3A = arith.constant 0 : index
    %get3A_0 = arith.constant 0 : index
    %get3A_1 = vector.load %arg2[%get3A, %get3A_0] : memref<8x128xf32, #tpu.memory_space<vmem>>, vector<1x128xf32>
    %mul3A = arith.constant 9.99999974E-5 : f32
    %mul3A_2 = vector.broadcast %mul3A : f32 to vector<1x128xf32>
    %mul3A_3 = arith.mulf %get3A_1, %mul3A_2 : vector<1x128xf32>
    %get3A_4 = arith.constant 1 : index
    %get3A_5 = arith.constant 0 : index
    %get3A_6 = vector.load %arg2[%get3A_4, %get3A_5] : memref<8x128xf32, #tpu.memory_space<vmem>>, vector<1x128xf32>
    %mul3A_7 = arith.constant 9.99999974E-5 : f32
    %mul3A_8 = vector.broadcast %mul3A_7 : f32 to vector<1x128xf32>
    %mul3A_9 = arith.mulf %get3A_6, %mul3A_8 : vector<1x128xf32>
    %mul3A_10 = arith.mulf %mul3A_3, %mul3A_3 : vector<1x128xf32>
    %sub3A = arith.subf %mul3A_9, %mul3A_10 : vector<1x128xf32>
    %add3A = arith.constant 9.99999974E-6 : f32
    %add3A_11 = vector.broadcast %add3A : f32 to vector<1x128xf32>
    %add3A_12 = arith.addf %sub3A, %add3A_11 : vector<1x128xf32>
    %rsqrt3A = math.rsqrt %add3A_12 : vector<1x128xf32>
    %get3A_13 = arith.constant 0 : index
    %get3A_14 = arith.constant 0 : index
    %get3A_15 = vector.load %arg1[%get3A_13, %get3A_14] : memref<256x128xf32, #tpu.memory_space<vmem>>, vector<256x128xf32>
    %sub3A_16 = vector.broadcast %mul3A_3 : vector<1x128xf32> to vector<256x128xf32>
    %sub3A_17 = arith.subf %get3A_15, %sub3A_16 : vector<256x128xf32>
    %mul3A_18 = vector.broadcast %rsqrt3A : vector<1x128xf32> to vector<256x128xf32>
    %mul3A_19 = arith.mulf %sub3A_17, %mul3A_18 : vector<256x128xf32>
    %get3A_20 = arith.constant 0 : index
    %get3A_21 = arith.constant 0 : index
    %get3A_22 = vector.load %arg3[%get3A_20, %get3A_21] : memref<1x128xf32, #tpu.memory_space<vmem>>, vector<1x128xf32>
    %mul3A_23 = vector.broadcast %get3A_22 : vector<1x128xf32> to vector<256x128xf32>
    %mul3A_24 = arith.mulf %mul3A_19, %mul3A_23 : vector<256x128xf32>
    %get3A_25 = arith.constant 0 : index
    %get3A_26 = arith.constant 0 : index
    %get3A_27 = vector.load %arg4[%get3A_25, %get3A_26] : memref<1x128xf32, #tpu.memory_space<vmem>>, vector<1x128xf32>
    %add3A_28 = vector.broadcast %get3A_27 : vector<1x128xf32> to vector<256x128xf32>
    %add3A_29 = arith.addf %mul3A_24, %add3A_28 : vector<256x128xf32>
    %swap3A = arith.constant 0 : index
    %swap3A_30 = arith.constant 0 : index
    %swap3A_31 = vector.load %arg5[%swap3A, %swap3A_30] : memref<256x128xf32, #tpu.memory_space<vmem>>, vector<256x128xf32>
    tpu.vector_store %arg5[%swap3A, %swap3A_30], %add3A_29 {strides = array<i32>} : memref<256x128xf32, #tpu.memory_space<vmem>>, vector<256x128xf32>,
    return
  }
  func.func @transform_0(%arg0: i32) -> (i32, i32) {
    %c0_i32 = arith.constant 0 : i32
    %c0_i32_0 = arith.constant 0 : i32
    return %arg0, %c0_i32 : i32, i32
  }
  func.func @transform_1(%arg0: i32) -> (i32, i32) {
    %c0_i32 = arith.constant 0 : i32
    %c0_i32_0 = arith.constant 0 : i32
    %c0_i32_1 = arith.constant 0 : i32
    return %c0_i32, %c0_i32_0 : i32, i32
  }
  func.func @transform_2(%arg0: i32) -> (i32, i32) {
    %c0_i32 = arith.constant 0 : i32
    %c0_i32_0 = arith.constant 0 : i32
    %c0_i32_1 = arith.constant 0 : i32
    return %c0_i32, %c0_i32_0 : i32, i32
  }
  func.func @transform_3(%arg0: i32) -> (i32, i32) {
    %c0_i32 = arith.constant 0 : i32
    %c0_i32_0 = arith.constant 0 : i32
    %c0_i32_1 = arith.constant 0 : i32
    return %c0_i32, %c0_i32_0 : i32, i32
  }
  func.func @transform_4(%arg0: i32) -> (i32, i32) {
    %c0_i32 = arith.constant 0 : i32
    %c0_i32_0 = arith.constant 0 : i32
    return %arg0, %c0_i32 : i32, i32
  }
}

</mosaic_0001>

<sc_bundles>
// kernel: kernel.17.cloned.1.call-start
scs
__scs_entry_jumppad:
0x0: {  	(pc) =	sbr.rel $0x88, $3  }
0x1: {  	(tag) =	ssettag $0x0;
	lr =	simm.s32 $0x1  }
0x2: {  	[smem:$0x3F8F] =	sst lr;
	_ =	strace $0xD0000000  }
0x3: {  	_ = 	snop  }
0x4: {  	_ = 	snop  }
0x5: {  	_ = 	snop  }
0x6: {  	_ = 	snop  }
0x7: {  	_ = 	snop  }
__scs_overlays_trampoline_lowered:
0x8: {  	[smem:$0x3F9E] =	sst s0  }
0x9: {  	[smem:$0x3F9F] =	sst s1  }
0xa: {  	[smem:$0x3FA0] =	sst s2  }
0xb: {  	[smem:$0x3FA1] =	sst s3  }
0xc: {  	[smem:$0x3FA2] =	sst s4  }
0xd: {  	[smem:$0x3FA3] =	sst s5  }
0xe: {  	[smem:$0x3FA4] =	sst s6  }
0xf: {  	[smem:$0x3FA5] =	sst s7  }
0x10: {  	[smem:$0x3FA6] =	sst s8  }
0x11: {  	[smem:$0x3FA7] =	sst s9;
	s0 =	simm.s32 @!p0 $0x0  }
0x12: {  	s1 =	sld [smem:$0x3F8D];
	s0 =	simm.s32 @p0 $0x1  }
0x13: {  	[smem:$0x3FA8] =	sst s0;
	s0 =	simm.s32 @!p1 $0x0  }
0x14: {  	s2 =	sld [smem:$0x3F8C];
	s0 =	simm.s32 @p1 $0x1  }
0x15: {  	[smem:$0x3FA9] =	sst s0;
	s0 =	simm.s32 @!p2 $0x0  }
0x16: {  	s3 =	sld [smem:$0x3FDB];
	s0 =	simm.s32 @p2 $0x1  }
0x17: {  	s4 =	simm.s32 $0x1BF5;
	[smem:$0x3FAB] =	sst s0  }
0x18: {  	s0 =	sld [smem:$0x3F8E];
	_ =	swait.ge [sflag:s4], $0x0  }
0x19: {  	s7 =	sld [smem:$0x3F8F]  }
0x1a: {  	s8 =	sadd.s32 $0xFFFFE003, lr  }
0x1b: {  	s9 =	sadd.s32 $0xFFFFFEF7, lr;
	s5 =	simm.s32 $0xFFFFFFFF;
	p2 =	slt.u32 s8, $0xFFFFF086  }
0x1c: {  	p1 =	slt.u32 s9, $0xF7A;
	s5 =	simm.s32 @!p2 $0x0  }
0x1d: {  	s5 =	simm.s32 @p1 $0x1;
	p0 =	seq.s32 s7, s2  }
0x1e: {  	s7 =	smul.u32 @!p0 $0xF7A, s2;
	p2 =	seq.s32 @!p0 s5, $0x0  }
0x1f: {  	s9 =	smul.u32 $0xF7A, s1;
	s8 =	simm.s32 @!p0 $0x1BF5;
	p2 =	por !p2, p0  }
0x20: {  	[sflag:s8] =	ssyncset.s32 @!p0 $0xFFFFF086;
	s6 =	sadd.s32 @!p0 s3, s7;
	s7 =	simm.s32 @!p0 $0x108  }
0x21: {  	s3 =	sadd.s32 s3, s9;
	s6 =	sadd.s32 @!p0 $0x88, s6;
	s7 =	simm.s32 @p2 $0x1082  }
0x22: {  	[simem:s7], [sflag:s8] =	dma.local @!p0 [hbm:s6], $0xF7A  }
0x23: {  	s9 =	sor.u32 $0xD0000000, s2;
	s6 =	simm.s32 $0x108;
	_ =	swait.ge @!p0 [sflag:s8], $0x0  }
0x24: {  	s3 =	sadd.s32 $0x88, s3;
	s6 =	simm.s32 @!p1 $0x1082;
	[sflag:s4] =	ssyncset.s32 $0xFFFFF086  }
0x25: {  	[simem:s6], [sflag:s4] =	dma.local [hbm:s3], $0xF7A  }
0x26: {  	[smem:$0x3F8F] =	sst s1;
	(tag) =	ssettag s2;
	_ =	strace s9  }
0x27: {  	s1 =	sld [smem:$0x3F9F]  }
0x28: {  	s2 =	sld [smem:$0x3FA0]  }
0x29: {  	s4 =	sld [smem:$0x3FA2]  }
0x2a: {  	p0 =	seq.s32 s5, $0x0;
	s5 =	sld [smem:$0x3FA3]  }
0x2b: {  	s6 =	sld [smem:$0x3FA4]  }
0x2c: {  	s7 =	sld [smem:$0x3FA5]  }
0x2d: {  	s3 =	simm.s32 $0x108;
	s8 =	sld [smem:$0x3FA6]  }
0x2e: {  	s3 =	simm.s32 @!p0 $0x1082;
	s9 =	sld [smem:$0x3FA7]  }
0x2f: {  	lr =	sadd.s32 s0, s3;
	s0 =	sld [smem:$0x3F9E]  }
0x30: {  	s3 =	sld [smem:$0x3FA1]  }
0x31: {  	[smem:$0x3FAA] =	sst s10  }
0x32: {  	s10 =	sld [smem:$0x3FA8];
	_ =	sdelay $0x3  }
0x33: {  	p0 =	seq.s32 s10, $0x1;
	s10 =	sld [smem:$0x3FAA];
	_ =	sdelay $0x3  }
0x34: {  	[smem:$0x3FAA] =	sst s10  }
0x35: {  	s10 =	sld [smem:$0x3FA9];
	_ =	sdelay $0x3  }
0x36: {  	p1 =	seq.s32 s10, $0x1;
	s10 =	sld [smem:$0x3FAA];
	_ =	sdelay $0x3  }
0x37: {  	[smem:$0x3FAA] =	sst s10  }
0x38: {  	s10 =	sld [smem:$0x3FAB]  }
0x39: {  	_ = 	snop;
	(pc) =	sbr.ind lr, $3  }
0x3a: {  	_ = 	snop  }
0x3b: {  	_ = 	snop  }
0x3c: {  	p2 =	seq.s32 s10, $0x1;
	s10 =	sld [smem:$0x3FAA]  }
0x3d: {  	_ =	shalt  }
0x3e: {  	_ =	shalt  }
0x3f: {  	_ =	shalt  }
0x40: {  	_ =	shalt  }
0x41: {  	_ =	shalt  }
0x42: {  	_ =	shalt  }
0x43: {  	_ =	shalt  }
0x44: {  	_ =	shalt  }
0x45: {  	_ =	shalt  }
0x46: {  	_ =	shalt  }
0x47: {  	_ =	shalt  }
0x48: {  	_ =	shalt  }
0x49: {  	_ =	shalt  }
0x4a: {  	_ =	shalt  }
0x4b: {  	_ =	shalt  }
0x4c: {  	_ =	shalt  }
0x4d: {  	_ =	shalt  }
0x4e: {  	_ =	shalt  }
0x4f: {  	_ =	shalt  }
0x50: {  	_ =	shalt  }
0x51: {  	_ =	shalt  }
0x52: {  	_ =	shalt  }
0x53: {  	_ =	shalt  }
0x54: {  	_ =	shalt  }
0x55: {  	_ =	shalt  }
0x56: {  	_ =	shalt  }
0x57: {  	_ =	shalt  }
0x58: {  	_ =	shalt  }
0x59: {  	_ =	shalt  }
0x5a: {  	_ =	shalt  }
0x5b: {  	_ =	shalt  }
0x5c: {  	_ =	shalt  }
0x5d: {  	_ =	shalt  }
0x5e: {  	_ =	shalt  }
0x5f: {  	_ =	shalt  }
0x60: {  	_ =	shalt  }
0x61: {  	_ =	shalt  }
0x62: {  	_ =	shalt  }
0x63: {  	_ =	shalt  }
0x64: {  	_ =	shalt  }
0x65: {  	_ =	shalt  }
0x66: {  	_ =	shalt  }
0x67: {  	_ =	shalt  }
0x68: {  	_ =	shalt  }
0x69: {  	_ =	shalt  }
0x6a: {  	_ =	shalt  }
0x6b: {  	_ =	shalt  }
0x6c: {  	_ =	shalt  }
0x6d: {  	_ =	shalt  }
0x6e: {  	_ =	shalt  }
0x6f: {  	_ =	shalt  }
0x70: {  	_ =	shalt  }
0x71: {  	_ =	shalt  }
0x72: {  	_ =	shalt  }
0x73: {  	_ =	shalt  }
0x74: {  	_ =	shalt  }
0x75: {  	_ =	shalt  }
0x76: {  	_ =	shalt  }
0x77: {  	_ =	shalt  }
0x78: {  	_ =	shalt  }
0x79: {  	_ =	shalt  }
0x7a: {  	_ =	shalt  }
0x7b: {  	_ =	shalt  }
0x7c: {  	_ =	shalt  }
0x7d: {  	_ =	shalt  }
0x7e: {  	_ =	shalt  }
0x7f: {  	_ =	shalt  }
0x80: {  	_ =	shalt  }
0x81: {  	_ =	shalt  }
0x82: {  	_ =	shalt  }
0x83: {  	_ =	shalt  }
0x84: {  	_ =	shalt  }
0x85: {  	_ =	shalt  }
0x86: {  	_ =	shalt  }
0x87: {  	_ =	shalt  }
.Lfunc_end0:
.L_simem_size_0:
called_computation_lowered:
.L_overlay_start_0:
0x88: {  	s2 =	sld [smem:$0x3FD9]  }
0x89: {  	s3 =	sld [smem:$0x3FFE];
	_ =	sdelay $0x1  }
0x8a: {  	s1 =	srdreg.scid  }
0x8b: {  	s0 =	sand.u32 $0x1, s1  }
0x8c: {  	s16 =	sshll.u32 s0, $0xA;
	s2 =	sadd.s32 s3, s2  }
0x8d: {  	s2 =	sadd.s32 s2, s16  }
0x8e: {  	[smem:$0x3FB6] =	sst s2  }
0x8f: {  	_ = 	snop  }
0x90: {  	(tm) =	ssettm $0x1  }
0x91: {  	s17 =	sld [smem:$0x3FFB];
	_ =	sdelay $0x3  }
0x92: {  	_ =	strace s17  }
0x93: {  	s2 =	sld [smem:$0x3FFC];
	_ =	sdelay $0x3  }
0x94: {  	_ =	strace s2  }
0x95: {  	s2 =	sld [smem:$0x3FFD];
	_ =	sdelay $0x3  }
0x96: {  	_ =	strace s2  }
0x97: {  	_ =	strace $0x8FFFFFFF  }
0x98: {  	s18 =	sld [smem:$0x3FDB];
	_ =	sdelay $0x1  }
0x99: {  	s19 =	simm.s32 $_scs_section_size  }
0x9a: {  	s4 =	simm.s32 $_size__tile_overlayer_lowered;
	s5 =	simm.s32 $_tile_overlayer_lowered  }
0x9b: {  	s22 =	simm.s32 $0x1BFF;
	s21 =	sshll.u32 s5, $0x1;
	s2 =	sadd.s32 s19, s18  }
0x9c: {  	s6 =	simm.s32 $0x0;
	s20 =	sshll.u32 s4, $0x1;
	s4 =	sadd.s32 s21, s2  }
0x9d: {  	[timem:s6], [sflag:s22] =	dma.local [hbm:s4], s20  }
0x9e: {  	_ =	swait.ge [sflag:s22], s20  }
0x9f: {  	s3 =	ssub.s32 $0x0, s20;
	[sflag:s22] =	ssyncset.done $0x0  }
0xa0: {  	[sflag:s22] =	ssyncadd.s32 s3;
	_ =	sdelay $0x1  }
0xa1: {  	s23 =	simm.s32 $0x1B8B  }
0xa2: {  	_ =	swait.ge [sflag:s23], $0x1  }
0xa3: {  	[sflag:s23] =	ssyncset.done $0x0  }
0xa4: {  	s25 =	simm.s32 $0x1B8E;
	s24 =	sld [smem:$0x3FFE];
	[sflag:s23] =	ssyncadd.s32 $0xFFFFFFFF  }
0xa5: {  	s26 =	simm.s32 $execute0_lowered;
	[smem:$0x3FD2] =	sst s25  }
0xa6: {  	s4 =	sshll.u32 s26, $0x1;
	_ =	strace $0x80000046;
	[dreg:$0x1] =	wrdreg $0xFFFFFFFF  }
0xa7: {  	s28 =	simm.s32 $_size_execute0_lowered;
	s2 =	sadd.s32 s2, s4;
	[dreg:$0x0] =	wrdreg $0x0  }
0xa8: {  	s4 =	sshll.u32 s28, $0x1;
	[dreg:$0x2] =	wrdreg s2  }
0xa9: {  	[dreg:$0x3] =	wrdreg s4  }
0xaa: {  	[dreg:$0x4] =	wrdreg $0xC0  }
0xab: {  	_ =	task [dreg:s6], $0x5FFFF  }
0xac: {  	[dreg:$0x1] =	wrdreg $0xFFFFFFFF  }
0xad: {  	[dreg:$0x0] =	wrdreg $0x60  }
0xae: {  	[dreg:$0x2] =	wrdreg s24  }
0xaf: {  	[dreg:$0x3] =	wrdreg $0x68000  }
0xb0: {  	[dreg:$0x4] =	wrdreg $0x9  }
0xb1: {  	_ =	task.clear_ibuf [dreg:s6], $0x5FFFF;
	_ =	strace $0x90000046  }
0xb2: {  	s29 =	simm.s32 $0x9;
	_ =	strace $0x80000048  }
0xb3: {  	_ =	swait.ge [sflag:s29], $0x1  }
0xb4: {  	[sflag:s29] =	ssyncadd.s32 $0xFFFFFFFF  }
0xb5: {  	_ =	strace $0x90000048  }
0xb6: {  	_ =	sfence  }
0xb7: {  	s30 =	sld [smem:$0x0];
	_ =	sdelay $0x2  }
0xb8: {  	s31 =	sshll.u32 s1, $0xD;
	s1 =	sshrl.u32 s1, $0x2  }
0xb9: {  	s3 =	sand.u32 $0x4000, s31;
	s1 =	sadd.s32 s1, s30  }
0xba: {  	s0 =	sor.u32 s3, s0;
	s1 =	sshll.u32 s1, $0x11  }
0xbb: {  	s0 =	sor.u32 s1, s0  }
0xbc: {  	s0 =	sadd.s32 $0x8F2B, s0  }
0xbd: {  	[sflag:s0] =	ssyncadd.remote.s32 $0x1  }
0xbe: {  	_ =	sfence.sel $0xFFFF  }
0xbf: {  	[dreg:$0x0] =	wrdreg $0xFFFFFFFF;
	(pc) =	sbr.abs _section_cstart, $3  }
0xc0: {  	[dreg:$0x1] =	wrdreg $0xFFFFFFFF  }
0xc1: {  	_ =	task.clear_ibuf [dreg:s6], $0x2FFFF;
	_ =	strace $0x9FFFFFFF  }
0xc2: {  	(tm) =	ssettm $0x7FFFFFFF  }
0xc3: {  	_ =	shalt  }
tec
execute0_lowered:
.L_overlay_start_1:
0x0: {  	(tag) =	ssettag $0x1  }
0x1: {  	s4 =	rddreg [dreg:$0x0]  }
0x2: {  	s0 =	srdreg.scid;
	s2 =	rddreg [dreg:$0x1]  }
0x3: {  	s3 =	simm.s32 $0x0;
	s5 =	sand.u32 $0x1, s0;
	s0 =	stileid.u32  }
0x4: {  	s18 =	simm.s32 $0x80;
	s19 =	simm.s32 $0x0;
	s7 =	smul.u32 $0x50000, s0  }
0x5: {  	[smem:$0x7FF] =	sst s3;
	s14 =	sadd.s32 $0xF000, s4;
	s10 =	smul.u32 $0x14000, s0  }
0x6: {  	s1 =	sshll.u32 s5, $0x4;
	s30 =	ssub.s32 $0x2, s5;
	s13 =	smul.u32 $0x140000, s5  }
0x7: {  	s6 =	sor.u32 s0, s1;
	s1 =	rddreg [dreg:$0x2];
	_ =	strace $0x80000047  }
0x8: {  	s8 =	sshrl.u32 s30, $0x1;
	s6 =	smul.u32 $0x500, s6;
	s7 =	sshrl.u32 s7, $0x2  }
0x9: {  	s15 =	ssub.s32 s30, s8;
	s11 =	sadd.s32 $0x4000, s10;
	s12 =	sadd.s32 $0x8000, s10  }
0xa: {  	s16 =	sadd.s32 $0xC000, s10;
	s17 =	sadd.s32 $0x10000, s10;
	s10 =	sadd.s32 s10, s13  }
0xb: {  	s5 =	sadd.s32 s11, s2;
	s8 =	sadd.s32 s17, s2;
	s10 =	sshrl.u32 s10, $0x3  }
0xc: {  	s11 =	sadd.s32 s13, s11;
	s17 =	sadd.s32 s13, s17;
	s15 =	smax.u32 s15, $0x1  }
0xd: {  	s9 =	sadd.s32 s6, s4;
	s4 =	sadd.s32 s7, s2;
	s6 =	sadd.s32 s12, s2  }
0xe: {  	s7 =	sadd.s32 s16, s2;
	s10 =	sadd.s32 s14, s10;
	s11 =	sshrl.u32 s11, $0x3  }
0xf: {  	s12 =	sadd.s32 s13, s12;
	s16 =	sadd.s32 s13, s16;
	s31 =	sshrl.u32 s17, $0x3  }
0x10: {  	s17 =	simm.s32 $0x4000;
	s9 =	sadd.s32 $0x5000, s9;
	s12 =	sshrl.u32 s12, $0x3  }
0x11: {  	s11 =	sadd.s32 s14, s11;
	s16 =	sshrl.u32 s16, $0x3;
	s12 =	sadd.s32 s14, s12  }
0x12: {  	v0 =	vimm.f32 $0.0e+00;
	v1 =	vimm.f32 $1.000000000e+00;
	s13 =	sadd.s32 s14, s16;
	s14 =	sadd.s32 s14, s31;
	s16 =	simm.s32 $0x1  }
.LBB2_1:
0x13: {  	s20 =	simm.s32 $0x0;
	s21 =	simm.s32 $0x200  }
.LBB2_2:
0x14: {  	p0 =	sne.s32 s21, $0xFE00;
	[tilespmem:s20+$0x70] =	vst v0  }
0x15: {  	[tilespmem:s20+$0x0] =	vst v0  }
0x16: {  	[tilespmem:s20+$0x10] =	vst v0  }
.Ltmp0:
0x17: {  	[tilespmem:s20+$0x20] =	vst v0;
	(pc) =	sbr.rel @p0 .LBB2_2-.Ltmp0, $4  }
0x18: {  	[tilespmem:s20+$0x30] =	vst v0  }
0x19: {  	[tilespmem:s20+$0x40] =	vst v0  }
0x1a: {  	[tilespmem:s20+$0x50] =	vst v0  }
0x1b: {  	[tilespmem:s20+$0x60] =	vst v0;
	s20 =	sshra.s32 s21, $0x2;
	s21 =	sadd.s32 $0x200, s21  }
0x1c: {  	[tilespmem:s20+$0x70] =	vst v0  }
0x1d: {  	[tilespmem:s20+$0x0] =	vst v0  }
0x1e: {  	[tilespmem:s20+$0x10] =	vst v0  }
0x1f: {  	[tilespmem:s20+$0x20] =	vst v0  }
0x20: {  	[tilespmem:s20+$0x30] =	vst v0  }
0x21: {  	[tilespmem:s20+$0x40] =	vst v0  }
0x22: {  	[tilespmem:s20+$0x50] =	vst v0  }
0x23: {  	[tilespmem:s20+$0x60] =	vst v0;
	s31 =	simm.s32 $0x0  }
0x24: {  	[spmem:s4] =	stream.linear.scatter [tilespmem:s31], [sflag:$0x1], $0x4000, $0x38;
	[tilespmem:$0x1A800] =	vst v63  }
0x25: {  	_ =	swait.ge [sflag:s16], $0x4000  }
0x26: {  	[sflag:s16] =	ssyncset.done $0x0  }
0x27: {  	[sflag:s16] =	ssyncadd.s32 $0xFFFFC000  }
0x28: {  	[spmem:s5] =	stream.linear.scatter [tilespmem:s31], [sflag:$0x1], $0x4000, $0x38;
	[tilespmem:$0x1A800] =	vst v63  }
0x29: {  	_ =	swait.ge [sflag:s16], $0x4000  }
0x2a: {  	[sflag:s16] =	ssyncset.done $0x0  }
0x2b: {  	[sflag:s16] =	ssyncadd.s32 $0xFFFFC000  }
0x2c: {  	[spmem:s6] =	stream.linear.scatter [tilespmem:s31], [sflag:$0x1], $0x4000, $0x38;
	[tilespmem:$0x1A800] =	vst v63  }
0x2d: {  	_ =	swait.ge [sflag:s16], $0x4000  }
0x2e: {  	[sflag:s16] =	ssyncset.done $0x0  }
0x2f: {  	[sflag:s16] =	ssyncadd.s32 $0xFFFFC000  }
0x30: {  	[spmem:s7] =	stream.linear.scatter [tilespmem:s31], [sflag:$0x1], $0x4000, $0x38;
	[tilespmem:$0x1A800] =	vst v63  }
0x31: {  	_ =	swait.ge [sflag:s16], $0x4000  }
0x32: {  	[sflag:s16] =	ssyncset.done $0x0  }
0x33: {  	[sflag:s16] =	ssyncadd.s32 $0xFFFFC000  }
0x34: {  	[spmem:s8] =	stream.linear.scatter [tilespmem:s31], [sflag:$0x1], $0x4000, $0x38;
	[tilespmem:$0x1A800] =	vst v63  }
0x35: {  	_ =	swait.ge [sflag:s16], $0x4000  }
0x36: {  	[sflag:s16] =	ssyncset.done $0x0  }
0x37: {  	[sflag:s16] =	ssyncadd.s32 $0xFFFFC000  }
0x38: {  	s20 =	simm.s32 $0x0;
	s21 =	simm.s32 $0x200;
	[bflag:$0x0] =	sbarrier.arrive $0xFFFF  }
.LBB2_4:
0x39: {  	p0 =	sne.s32 s21, $0xFE00;
	[tilespmem:s20+$0x70] =	vst v1  }
0x3a: {  	[tilespmem:s20+$0x0] =	vst v1  }
0x3b: {  	[tilespmem:s20+$0x10] =	vst v1  }
.Ltmp1:
0x3c: {  	[tilespmem:s20+$0x20] =	vst v1;
	(pc) =	sbr.rel @p0 .LBB2_4-.Ltmp1, $4  }
0x3d: {  	[tilespmem:s20+$0x30] =	vst v1  }
0x3e: {  	[tilespmem:s20+$0x40] =	vst v1  }
0x3f: {  	[tilespmem:s20+$0x50] =	vst v1  }
0x40: {  	[tilespmem:s20+$0x60] =	vst v1;
	s20 =	sshra.s32 s21, $0x2;
	s21 =	sadd.s32 $0x200, s21  }
0x41: {  	[tilespmem:s20+$0x70] =	vst v1  }
0x42: {  	[tilespmem:s20+$0x0] =	vst v1  }
0x43: {  	[tilespmem:s20+$0x10] =	vst v1  }
0x44: {  	[tilespmem:s20+$0x20] =	vst v1  }
0x45: {  	[tilespmem:s20+$0x30] =	vst v1  }
0x46: {  	[tilespmem:s20+$0x40] =	vst v1  }
0x47: {  	[tilespmem:s20+$0x50] =	vst v1  }
0x48: {  	[tilespmem:s20+$0x60] =	vst v1;
	s30 =	simm.s32 $0x0  }
0x49: {  	[tilespmem:s17], [sflag:$0x1] =	stream.linear.gather [hbm4b:s9+s30], $0x2800, $0x38;
	[tilespmem:$0x1A800] =	vst v63  }
0x4a: {  	_ =	swait.ge [sflag:s16], $0x2800  }
0x4b: {  	[sflag:s16] =	ssyncset.done $0x0  }
0x4c: {  	s31 =	simm.s32 $0x4000;
	[sflag:s16] =	ssyncadd.s32 $0xFFFFD800  }
0x4d: {  	[spmem:s2] =	stream.indirect.scatter.add.f32 [tilespmem:s3], [sflag:$0x1], $0x80, s31, s18, $0xb8;
	[tilespmem:$0x1A800] =	vst v63  }
0x4e: {  	s20 =	simm.s32 $0x200;
	_ =	swait.ge [sflag:s16], $0x4000  }
.LBB2_6:
0x4f: {  	s21 =	sshra.s32 s20, $0x2;
	[sflag:s16] =	ssyncset.done $0x0;
	p0 =	sne.s32 s20, $0x9E00  }
.Ltmp2:
0x50: {  	s21 =	sadd.s32 $0x4000, s21;
	[sflag:s16] =	ssyncadd.s32 $0xFFFFC000;
	(pc) =	sbr.rel @p0 .LBB2_6-.Ltmp2, $3  }
0x51: {  	[spmem:s2] =	stream.indirect.scatter.add.f32 [tilespmem:s3], [sflag:$0x1], $0x80, s21, s18, $0xb8;
	[tilespmem:$0x1A800] =	vst v63  }
0x52: {  	s20 =	sadd.s32 $0x200, s20;
	_ =	sdelay $0x1  }
0x53: {  	_ =	swait.ge [sflag:s16], $0x4000  }
0x54: {  	[sflag:s16] =	ssyncset.done $0x0  }
0x55: {  	s20 =	sshll.u32 s0, $0x6;
	[sflag:s16] =	ssyncadd.s32 $0xFFFFC000  }
0x56: {  	s21 =	sshrl.u32 s4, $0x3;
	s20 =	sor.u32 $0x1C01, s20;
	[bflag:$0x0] =	sbarrier.arrive $0xFFFF  }
0x57: {  	[hbm:s10], [sflag:s20] =	dma.local [spmem:s21], $0x800  }
0x58: {  	_ =	swait.ge [sflag:s16], $0x800  }
0x59: {  	[sflag:s16] =	ssyncset.done $0x0  }
0x5a: {  	s28 =	sshrl.u32 s5, $0x3;
	[sflag:s16] =	ssyncadd.s32 $0xFFFFF800  }
0x5b: {  	[hbm:s11], [sflag:s20] =	dma.local [spmem:s28], $0x800  }
0x5c: {  	_ =	swait.ge [sflag:s16], $0x800  }
0x5d: {  	[sflag:s16] =	ssyncset.done $0x0  }
0x5e: {  	s29 =	sshrl.u32 s6, $0x3;
	[sflag:s16] =	ssyncadd.s32 $0xFFFFF800  }
0x5f: {  	[hbm:s12], [sflag:s20] =	dma.local [spmem:s29], $0x800  }
0x60: {  	_ =	swait.ge [sflag:s16], $0x800  }
0x61: {  	[sflag:s16] =	ssyncset.done $0x0  }
0x62: {  	s30 =	sshrl.u32 s7, $0x3;
	[sflag:s16] =	ssyncadd.s32 $0xFFFFF800  }
0x63: {  	[hbm:s13], [sflag:s20] =	dma.local [spmem:s30], $0x800  }
0x64: {  	s19 =	sadd.s32 $0x1, s19;
	_ =	swait.ge [sflag:s16], $0x800  }
0x65: {  	p0 =	sne.s32 s19, s15;
	[sflag:s16] =	ssyncset.done $0x0  }
.Ltmp3:
0x66: {  	s31 =	sshrl.u32 s8, $0x3;
	[sflag:s16] =	ssyncadd.s32 $0xFFFFF800;
	(pc) =	sbr.rel @p0 .LBB2_1-.Ltmp3, $4  }
0x67: {  	[hbm:s14], [sflag:s20] =	dma.local [spmem:s31], $0x800  }
0x68: {  	_ =	swait.ge [sflag:s16], $0x800  }
0x69: {  	[sflag:s16] =	ssyncset.done $0x0  }
0x6a: {  	[sflag:s16] =	ssyncadd.s32 $0xFFFFF800  }
0x6b: {  	_ =	sfence.sel $0x180000  }
0x6c: {  	[bflag:$0x0] =	sbarrier.arrive $0xFFFF  }
0x6d: {  	p0 =	sne.s32 s0, $0x0;
	_ =	strace $0x90000047  }
0x6e: {  	s0 =	sadd.s32 @!p0 $0x100000, s1;
	[bflag:$0x2] =	sbarrier.arrive $0xFFFF  }
0x6f: {  	[sflag:s0] =	ssyncadd.tile.s32 @!p0 $0x1;
	_ =	shalt  }
.Lfunc_end2:
_tile_overlayer_lowered:
.L_overlay_start_2:
0x70: {  	(tag) =	ssettag $0x2  }
0x71: {  	s0 =	rddreg [dreg:$0x0];
	s2 =	stileid.u32  }
0x72: {  	s1 =	rddreg [dreg:$0x1];
	p0 =	sne.s32 s2, $0x0  }
0x73: {  	s3 =	rddreg [dreg:$0x2];
	[bflag:$0x3] =	sbarrier.arrive $0xFFFF;
	s2 =	simm.s32 @!p0 $0x1C01  }
0x74: {  	[timem:s3], [sflag:s2] =	dma.local @!p0 [hbm:s0], s1  }
0x75: {  	s0 =	simm.s32 @!p0 $0x1  }
0x76: {  	_ =	swait.ge @!p0 [sflag:s0], s1  }
0x77: {  	s1 =	ssub.s32 @!p0 $0x0, s1;
	[sflag:s0] =	ssyncset.done @!p0 $0x0  }
0x78: {  	[sflag:s0] =	ssyncadd.s32 @!p0 s1  }
0x79: {  	[bflag:$0x3] =	sbarrier.arrive $0xFFFF  }
0x7a: {  	_ =	shalt  }

// kernel: kernel.20.cloned.1.call-start
scs
__scs_entry_jumppad:
0x0: {  	(pc) =	sbr.rel $0x88, $3  }
0x1: {  	(tag) =	ssettag $0x0;
	lr =	simm.s32 $0x1  }
0x2: {  	[smem:$0x3F8F] =	sst lr;
	_ =	strace $0xD0000000  }
0x3: {  	_ = 	snop  }
0x4: {  	_ = 	snop  }
0x5: {  	_ = 	snop  }
0x6: {  	_ = 	snop  }
0x7: {  	_ = 	snop  }
__scs_overlays_trampoline_lowered:
0x8: {  	[smem:$0x3F9E] =	sst s0  }
0x9: {  	[smem:$0x3F9F] =	sst s1  }
0xa: {  	[smem:$0x3FA0] =	sst s2  }
0xb: {  	[smem:$0x3FA1] =	sst s3  }
0xc: {  	[smem:$0x3FA2] =	sst s4  }
0xd: {  	[smem:$0x3FA3] =	sst s5  }
0xe: {  	[smem:$0x3FA4] =	sst s6  }
0xf: {  	[smem:$0x3FA5] =	sst s7  }
0x10: {  	[smem:$0x3FA6] =	sst s8  }
0x11: {  	[smem:$0x3FA7] =	sst s9;
	s0 =	simm.s32 @!p0 $0x0  }
0x12: {  	s1 =	sld [smem:$0x3F8D];
	s0 =	simm.s32 @p0 $0x1  }
0x13: {  	[smem:$0x3FA8] =	sst s0;
	s0 =	simm.s32 @!p1 $0x0  }
0x14: {  	s2 =	sld [smem:$0x3F8C];
	s0 =	simm.s32 @p1 $0x1  }
0x15: {  	[smem:$0x3FA9] =	sst s0;
	s0 =	simm.s32 @!p2 $0x0  }
0x16: {  	s3 =	sld [smem:$0x3FDB];
	s0 =	simm.s32 @p2 $0x1  }
0x17: {  	s4 =	simm.s32 $0x1BF5;
	[smem:$0x3FAB] =	sst s0  }
0x18: {  	s0 =	sld [smem:$0x3F8E];
	_ =	swait.ge [sflag:s4], $0x0  }
0x19: {  	s7 =	sld [smem:$0x3F8F]  }
0x1a: {  	s8 =	sadd.s32 $0xFFFFE003, lr  }
0x1b: {  	s9 =	sadd.s32 $0xFFFFFEF7, lr;
	s5 =	simm.s32 $0xFFFFFFFF;
	p2 =	slt.u32 s8, $0xFFFFF086  }
0x1c: {  	p1 =	slt.u32 s9, $0xF7A;
	s5 =	simm.s32 @!p2 $0x0  }
0x1d: {  	s5 =	simm.s32 @p1 $0x1;
	p0 =	seq.s32 s7, s2  }
0x1e: {  	s7 =	smul.u32 @!p0 $0xF7A, s2;
	p2 =	seq.s32 @!p0 s5, $0x0  }
0x1f: {  	s9 =	smul.u32 $0xF7A, s1;
	s8 =	simm.s32 @!p0 $0x1BF5;
	p2 =	por !p2, p0  }
0x20: {  	[sflag:s8] =	ssyncset.s32 @!p0 $0xFFFFF086;
	s6 =	sadd.s32 @!p0 s3, s7;
	s7 =	simm.s32 @!p0 $0x108  }
0x21: {  	s3 =	sadd.s32 s3, s9;
	s6 =	sadd.s32 @!p0 $0x88, s6;
	s7 =	simm.s32 @p2 $0x1082  }
0x22: {  	[simem:s7], [sflag:s8] =	dma.local @!p0 [hbm:s6], $0xF7A  }
0x23: {  	s9 =	sor.u32 $0xD0000000, s2;
	s6 =	simm.s32 $0x108;
	_ =	swait.ge @!p0 [sflag:s8], $0x0  }
0x24: {  	s3 =	sadd.s32 $0x88, s3;
	s6 =	simm.s32 @!p1 $0x1082;
	[sflag:s4] =	ssyncset.s32 $0xFFFFF086  }
0x25: {  	[simem:s6], [sflag:s4] =	dma.local [hbm:s3], $0xF7A  }
0x26: {  	[smem:$0x3F8F] =	sst s1;
	(tag) =	ssettag s2;
	_ =	strace s9  }
0x27: {  	s1 =	sld [smem:$0x3F9F]  }
0x28: {  	s2 =	sld [smem:$0x3FA0]  }
0x29: {  	s4 =	sld [smem:$0x3FA2]  }
0x2a: {  	p0 =	seq.s32 s5, $0x0;
	s5 =	sld [smem:$0x3FA3]  }
0x2b: {  	s6 =	sld [smem:$0x3FA4]  }
0x2c: {  	s7 =	sld [smem:$0x3FA5]  }
0x2d: {  	s3 =	simm.s32 $0x108;
	s8 =	sld [smem:$0x3FA6]  }
0x2e: {  	s3 =	simm.s32 @!p0 $0x1082;
	s9 =	sld [smem:$0x3FA7]  }
0x2f: {  	lr =	sadd.s32 s0, s3;
	s0 =	sld [smem:$0x3F9E]  }
0x30: {  	s3 =	sld [smem:$0x3FA1]  }
0x31: {  	[smem:$0x3FAA] =	sst s10  }
0x32: {  	s10 =	sld [smem:$0x3FA8];
	_ =	sdelay $0x3  }
0x33: {  	p0 =	seq.s32 s10, $0x1;
	s10 =	sld [smem:$0x3FAA];
	_ =	sdelay $0x3  }
0x34: {  	[smem:$0x3FAA] =	sst s10  }
0x35: {  	s10 =	sld [smem:$0x3FA9];
	_ =	sdelay $0x3  }
0x36: {  	p1 =	seq.s32 s10, $0x1;
	s10 =	sld [smem:$0x3FAA];
	_ =	sdelay $0x3  }
0x37: {  	[smem:$0x3FAA] =	sst s10  }
0x38: {  	s10 =	sld [smem:$0x3FAB]  }
0x39: {  	_ = 	snop;
	(pc) =	sbr.ind lr, $3  }
0x3a: {  	_ = 	snop  }
0x3b: {  	_ = 	snop  }
0x3c: {  	p2 =	seq.s32 s10, $0x1;
	s10 =	sld [smem:$0x3FAA]  }
0x3d: {  	_ =	shalt  }
0x3e: {  	_ =	shalt  }
0x3f: {  	_ =	shalt  }
0x40: {  	_ =	shalt  }
0x41: {  	_ =	shalt  }
0x42: {  	_ =	shalt  }
0x43: {  	_ =	shalt  }
0x44: {  	_ =	shalt  }
0x45: {  	_ =	shalt  }
0x46: {  	_ =	shalt  }
0x47: {  	_ =	shalt  }
0x48: {  	_ =	shalt  }
0x49: {  	_ =	shalt  }
0x4a: {  	_ =	shalt  }
0x4b: {  	_ =	shalt  }
0x4c: {  	_ =	shalt  }
0x4d: {  	_ =	shalt  }
0x4e: {  	_ =	shalt  }
0x4f: {  	_ =	shalt  }
0x50: {  	_ =	shalt  }
0x51: {  	_ =	shalt  }
0x52: {  	_ =	shalt  }
0x53: {  	_ =	shalt  }
0x54: {  	_ =	shalt  }
0x55: {  	_ =	shalt  }
0x56: {  	_ =	shalt  }
0x57: {  	_ =	shalt  }
0x58: {  	_ =	shalt  }
0x59: {  	_ =	shalt  }
0x5a: {  	_ =	shalt  }
0x5b: {  	_ =	shalt  }
0x5c: {  	_ =	shalt  }
0x5d: {  	_ =	shalt  }
0x5e: {  	_ =	shalt  }
0x5f: {  	_ =	shalt  }
0x60: {  	_ =	shalt  }
0x61: {  	_ =	shalt  }
0x62: {  	_ =	shalt  }
0x63: {  	_ =	shalt  }
0x64: {  	_ =	shalt  }
0x65: {  	_ =	shalt  }
0x66: {  	_ =	shalt  }
0x67: {  	_ =	shalt  }
0x68: {  	_ =	shalt  }
0x69: {  	_ =	shalt  }
0x6a: {  	_ =	shalt  }
0x6b: {  	_ =	shalt  }
0x6c: {  	_ =	shalt  }
0x6d: {  	_ =	shalt  }
0x6e: {  	_ =	shalt  }
0x6f: {  	_ =	shalt  }
0x70: {  	_ =	shalt  }
0x71: {  	_ =	shalt  }
0x72: {  	_ =	shalt  }
0x73: {  	_ =	shalt  }
0x74: {  	_ =	shalt  }
0x75: {  	_ =	shalt  }
0x76: {  	_ =	shalt  }
0x77: {  	_ =	shalt  }
0x78: {  	_ =	shalt  }
0x79: {  	_ =	shalt  }
0x7a: {  	_ =	shalt  }
0x7b: {  	_ =	shalt  }
0x7c: {  	_ =	shalt  }
0x7d: {  	_ =	shalt  }
0x7e: {  	_ =	shalt  }
0x7f: {  	_ =	shalt  }
0x80: {  	_ =	shalt  }
0x81: {  	_ =	shalt  }
0x82: {  	_ =	shalt  }
0x83: {  	_ =	shalt  }
0x84: {  	_ =	shalt  }
0x85: {  	_ =	shalt  }
0x86: {  	_ =	shalt  }
0x87: {  	_ =	shalt  }
.Lfunc_end0:
.L_simem_size_0:
called_computation.1_lowered:
.L_overlay_start_0:
0x88: {  	s2 =	sld [smem:$0x3FD9]  }
0x89: {  	s3 =	sld [smem:$0x3FFE];
	_ =	sdelay $0x1  }
0x8a: {  	s1 =	srdreg.scid  }
0x8b: {  	s0 =	sand.u32 $0x1, s1  }
0x8c: {  	s17 =	sshll.u32 s0, $0xA;
	s2 =	sadd.s32 s3, s2  }
0x8d: {  	s2 =	sadd.s32 s2, s17  }
0x8e: {  	[smem:$0x3FB6] =	sst s2  }
0x8f: {  	_ = 	snop  }
0x90: {  	s2 =	sld [smem:$0x3FD0];
	(tm) =	ssettm $0x1  }
0x91: {  	s18 =	sld [smem:$0x3FFB];
	_ =	sdelay $0x3  }
0x92: {  	_ =	strace s18  }
0x93: {  	s3 =	sld [smem:$0x3FFC];
	_ =	sdelay $0x3  }
0x94: {  	_ =	strace s3  }
0x95: {  	s3 =	sld [smem:$0x3FFD];
	_ =	sdelay $0x3  }
0x96: {  	_ =	strace s3  }
0x97: {  	_ =	strace $0x8FFFFFFF  }
0x98: {  	s19 =	sld [smem:$0x3FDB];
	_ =	sdelay $0x1  }
0x99: {  	s4 =	simm.s32 $_scs_section_size  }
0x9a: {  	s5 =	simm.s32 $_size__tile_overlayer_lowered;
	s6 =	simm.s32 $_tile_overlayer_lowered  }
0x9b: {  	s22 =	simm.s32 $0x1BFF;
	s21 =	sshll.u32 s6, $0x1;
	s3 =	sadd.s32 s4, s19  }
0x9c: {  	s7 =	simm.s32 $0x0;
	s20 =	sshll.u32 s5, $0x1;
	s5 =	sadd.s32 s21, s3  }
0x9d: {  	[timem:s7], [sflag:s22] =	dma.local [hbm:s5], s20  }
0x9e: {  	_ =	swait.ge [sflag:s22], s20  }
0x9f: {  	s4 =	ssub.s32 $0x0, s20;
	[sflag:s22] =	ssyncset.done $0x0  }
0xa0: {  	[sflag:s22] =	ssyncadd.s32 s4;
	_ =	sdelay $0x1  }
0xa1: {  	s23 =	simm.s32 $0x1B8B  }
0xa2: {  	_ =	swait.ge [sflag:s23], $0x1  }
0xa3: {  	[sflag:s23] =	ssyncset.done $0x0  }
0xa4: {  	s25 =	simm.s32 $0x1B8E;
	s24 =	sld [smem:$0x3FFE];
	[sflag:s23] =	ssyncadd.s32 $0xFFFFFFFF  }
0xa5: {  	s26 =	simm.s32 $execute0_lowered;
	[smem:$0x3FD2] =	sst s25  }
0xa6: {  	s5 =	sshll.u32 s26, $0x1;
	_ =	strace $0x80000049;
	[dreg:$0x1] =	wrdreg $0xFFFFFFFF  }
0xa7: {  	s28 =	simm.s32 $_size_execute0_lowered;
	s3 =	sadd.s32 s3, s5;
	[dreg:$0x0] =	wrdreg $0x0  }
0xa8: {  	s5 =	sshll.u32 s28, $0x1;
	[dreg:$0x2] =	wrdreg s3  }
0xa9: {  	[dreg:$0x3] =	wrdreg s5  }
0xaa: {  	[dreg:$0x4] =	wrdreg $0xC0  }
0xab: {  	_ =	task [dreg:s7], $0x5FFFF  }
0xac: {  	[dreg:$0x1] =	wrdreg $0xFFFFFFFF  }
0xad: {  	[dreg:$0x0] =	wrdreg $0x60  }
0xae: {  	[dreg:$0x2] =	wrdreg s24  }
0xaf: {  	[dreg:$0x3] =	wrdreg s2  }
0xb0: {  	[dreg:$0x4] =	wrdreg $0xA8000  }
0xb1: {  	[dreg:$0x5] =	wrdreg $0x9  }
0xb2: {  	_ =	task.clear_ibuf [dreg:s7], $0x6FFFF;
	_ =	strace $0x90000049  }
0xb3: {  	s29 =	simm.s32 $0x9;
	_ =	strace $0x8000004B  }
0xb4: {  	_ =	swait.ge [sflag:s29], $0x1  }
0xb5: {  	[sflag:s29] =	ssyncadd.s32 $0xFFFFFFFF  }
0xb6: {  	_ =	strace $0x9000004B  }
0xb7: {  	_ =	sfence  }
0xb8: {  	s30 =	sld [smem:$0x0];
	_ =	sdelay $0x2  }
0xb9: {  	s31 =	sshll.u32 s1, $0xD;
	s1 =	sshrl.u32 s1, $0x2  }
0xba: {  	s3 =	sand.u32 $0x4000, s31;
	s1 =	sadd.s32 s1, s30  }
0xbb: {  	s0 =	sor.u32 s3, s0;
	s1 =	sshll.u32 s1, $0x11  }
0xbc: {  	s0 =	sor.u32 s1, s0  }
0xbd: {  	s0 =	sadd.s32 $0x8F2B, s0  }
0xbe: {  	[sflag:s0] =	ssyncadd.remote.s32 $0x1  }
0xbf: {  	_ =	sfence.sel $0xFFFF  }
0xc0: {  	[dreg:$0x0] =	wrdreg $0xFFFFFFFF;
	(pc) =	sbr.abs _section_cstart, $3  }
0xc1: {  	[dreg:$0x1] =	wrdreg $0xFFFFFFFF  }
0xc2: {  	_ =	task.clear_ibuf [dreg:s7], $0x2FFFF;
	_ =	strace $0x9FFFFFFF  }
0xc3: {  	(tm) =	ssettm $0x7FFFFFFF  }
tec
execute0_lowered:
.L_overlay_start_1:
0x0: {  	(tag) =	ssettag $0x1  }
0x1: {  	s0 =	rddreg [dreg:$0x0]  }
0x2: {  	s3 =	rddreg [dreg:$0x1]  }
0x3: {  	s1 =	rddreg [dreg:$0x2];
	s2 =	simm.s32 $0x0;
	s5 =	srdreg.scid  }
0x4: {  	s9 =	stileid.u32;
	s28 =	simm.s32 $0x9380;
	s29 =	simm.s32 $0xA700  }
0x5: {  	s30 =	simm.s32 $0xA780;
	s31 =	simm.s32 $0x0;
	[smem:$0x7FF] =	sst s2  }
0x6: {  	s4 =	sadd.s32 $0xF000, s0;
	s13 =	sadd.s32 $0x5000, s0;
	s6 =	smul.u32 $0x50000, s9  }
0x7: {  	s10 =	sand.u32 $0x1, s5;
	s0 =	sadd.s32 $0x37000, s0;
	s12 =	smul.u32 $0x14000, s9  }
0x8: {  	_ =	strace $0x8000004A;
	s5 =	ssub.s32 $0x2, s10;
	s8 =	sshll.u32 s10, $0x4  }
0x9: {  	s20 =	smul.u32 $0x140000, s10;
	s7 =	sshrl.u32 s5, $0x1;
	s8 =	sor.u32 s9, s8  }
0xa: {  	s25 =	sshrl.u32 s6, $0x2;
	s14 =	sadd.s32 $0x4000, s12;
	s16 =	sadd.s32 $0x8000, s12  }
0xb: {  	s17 =	sadd.s32 $0xC000, s12;
	s18 =	sadd.s32 $0x10000, s12;
	s19 =	ssub.s32 s5, s7  }
0xc: {  	s5 =	sadd.s32 s25, s1;
	s6 =	sadd.s32 s14, s1;
	s11 =	smul.u32 $0x500, s8  }
0xd: {  	s7 =	sadd.s32 s16, s1;
	s15 =	smul.u32 $0x2800, s8;
	s8 =	sadd.s32 s17, s1  }
0xe: {  	s9 =	sadd.s32 s18, s1;
	s21 =	sadd.s32 s12, s20;
	s14 =	sadd.s32 s20, s14  }
0xf: {  	s23 =	sadd.s32 s20, s16;
	s24 =	sadd.s32 s20, s17;
	s25 =	sadd.s32 s20, s18  }
0x10: {  	s21 =	sshrl.u32 s21, $0x3;
	s22 =	sshrl.u32 s14, $0x3;
	s20 =	sshrl.u32 s25, $0x3  }
0x11: {  	s19 =	smax.u32 s19, $0x1;
	s25 =	simm.s32 $0x1;
	s26 =	sadd.s32 s3, s11  }
0x12: {  	s11 =	sadd.s32 s13, s11;
	s15 =	sshrl.u32 s15, $0x3;
	s14 =	sadd.s32 s0, s21  }
0x13: {  	s18 =	sadd.s32 s0, s20;
	s20 =	simm.s32 $0x3;
	[dreg:$0x4] =	wrdreg s26  }
0x14: {  	s21 =	simm.s32 $0x8000;
	[dreg:$0x5] =	wrdreg s11;
	s15 =	sadd.s32 $0x280, s15  }
0x15: {  	s26 =	sshrl.u32 s24, $0x3;
	s24 =	simm.s32 $0x4000;
	s3 =	sadd.s32 s3, s15  }
0x16: {  	s13 =	sadd.s32 s13, s15;
	s15 =	sadd.s32 s0, s22;
	s17 =	sadd.s32 s0, s26  }
0x17: {  	s22 =	simm.s32 $0x9400;
	[dreg:$0x6] =	wrdreg s3;
	s3 =	sshrl.u32 s23, $0x3  }
0x18: {  	v0 =	vimm.f32 $0.0e+00;
	s26 =	simm.s32 $0x2;
	s23 =	simm.s32 $0x80;
	s16 =	sadd.s32 s0, s3  }
.LBB2_1:
0x19: {  	s0 =	simm.s32 $0x0;
	s3 =	simm.s32 $0x200  }
.LBB2_2:
0x1a: {  	p0 =	sne.s32 s3, $0xFE00;
	[tilespmem:s0+$0x70] =	vst v0  }
0x1b: {  	[tilespmem:s0+$0x0] =	vst v0  }
0x1c: {  	[tilespmem:s0+$0x10] =	vst v0  }
.Ltmp0:
0x1d: {  	[tilespmem:s0+$0x20] =	vst v0;
	(pc) =	sbr.rel @p0 .LBB2_2-.Ltmp0, $4  }
0x1e: {  	[tilespmem:s0+$0x30] =	vst v0  }
0x1f: {  	[tilespmem:s0+$0x40] =	vst v0  }
0x20: {  	[tilespmem:s0+$0x50] =	vst v0  }
0x21: {  	[tilespmem:s0+$0x60] =	vst v0;
	s0 =	sshra.s32 s3, $0x2;
	s3 =	sadd.s32 $0x200, s3  }
0x22: {  	[tilespmem:s0+$0x70] =	vst v0  }
0x23: {  	[tilespmem:s0+$0x0] =	vst v0  }
0x24: {  	[tilespmem:s0+$0x10] =	vst v0  }
0x25: {  	[tilespmem:s0+$0x20] =	vst v0  }
0x26: {  	[tilespmem:s0+$0x30] =	vst v0  }
0x27: {  	[tilespmem:s0+$0x40] =	vst v0  }
0x28: {  	[tilespmem:s0+$0x50] =	vst v0  }
0x29: {  	[tilespmem:s0+$0x60] =	vst v0;
	s11 =	simm.s32 $0x0  }
0x2a: {  	[spmem:s5] =	stream.linear.scatter [tilespmem:s11], [sflag:$0x3], $0x4000, $0x38;
	[tilespmem:$0x1E800] =	vst v63  }
0x2b: {  	_ =	swait.ge [sflag:s20], $0x4000  }
0x2c: {  	[sflag:s20] =	ssyncset.done $0x0  }
0x2d: {  	[sflag:s20] =	ssyncadd.s32 $0xFFFFC000  }
0x2e: {  	[spmem:s6] =	stream.linear.scatter [tilespmem:s11], [sflag:$0x3], $0x4000, $0x38;
	[tilespmem:$0x1E800] =	vst v63  }
0x2f: {  	_ =	swait.ge [sflag:s20], $0x4000  }
0x30: {  	[sflag:s20] =	ssyncset.done $0x0  }
0x31: {  	[sflag:s20] =	ssyncadd.s32 $0xFFFFC000  }
0x32: {  	[spmem:s7] =	stream.linear.scatter [tilespmem:s11], [sflag:$0x3], $0x4000, $0x38;
	[tilespmem:$0x1E800] =	vst v63  }
0x33: {  	_ =	swait.ge [sflag:s20], $0x4000  }
0x34: {  	[sflag:s20] =	ssyncset.done $0x0  }
0x35: {  	[sflag:s20] =	ssyncadd.s32 $0xFFFFC000  }
0x36: {  	[spmem:s8] =	stream.linear.scatter [tilespmem:s11], [sflag:$0x3], $0x4000, $0x38;
	[tilespmem:$0x1E800] =	vst v63  }
0x37: {  	_ =	swait.ge [sflag:s20], $0x4000  }
0x38: {  	[sflag:s20] =	ssyncset.done $0x0  }
0x39: {  	[sflag:s20] =	ssyncadd.s32 $0xFFFFC000  }
0x3a: {  	[spmem:s9] =	stream.linear.scatter [tilespmem:s11], [sflag:$0x3], $0x4000, $0x38;
	[tilespmem:$0x1E800] =	vst v63  }
0x3b: {  	_ =	swait.ge [sflag:s20], $0x4000  }
0x3c: {  	[sflag:s20] =	ssyncset.done $0x0  }
0x3d: {  	[sflag:s20] =	ssyncadd.s32 $0xFFFFC000  }
0x3e: {  	[bflag:$0x0] =	sbarrier.arrive $0xFFFF  }
0x3f: {  	s3 =	rddreg [dreg:$0x4]  }
0x40: {  	[tilespmem:s21], [sflag:$0x3] =	stream.linear.gather [hbm4b:s3+s11], $0x1400, $0x38;
	[tilespmem:$0x1E800] =	vst v63  }
0x41: {  	_ =	swait.ge [sflag:s20], $0x1400  }
0x42: {  	[sflag:s20] =	ssyncset.done $0x0  }
0x43: {  	s12 =	rddreg [dreg:$0x5];
	[sflag:s20] =	ssyncadd.s32 $0xFFFFEC00  }
0x44: {  	[tilespmem:s22], [sflag:$0x3] =	stream.linear.gather [hbm4b:s12+s11], $0x1400, $0x38;
	[tilespmem:$0x1E800] =	vst v63  }
0x45: {  	_ =	swait.ge [sflag:s20], $0x1400  }
0x46: {  	[sflag:s20] =	ssyncset.done $0x0  }
0x47: {  	[sflag:s20] =	ssyncadd.s32 $0xFFFFEC00  }
0x48: {  	[tilespmem:s11], [sflag:$0x1] =	stream.indirect.gather [hbm4b:s4+s23], $0x80, s21, s23, $0xb8;
	[tilespmem:$0x1E800] =	vst v63  }
0x49: {  	s3 =	simm.s32 $0x8080  }
0x4a: {  	[tilespmem:s24], [sflag:$0x2] =	stream.indirect.gather [hbm4b:s4+s23], $0x80, s3, s23, $0xb8;
	[tilespmem:$0x1E800] =	vst v63  }
0x4b: {  	_ =	swait.ge [sflag:s25], $0x4000  }
0x4c: {  	[sflag:s25] =	ssyncset.done $0x0  }
0x4d: {  	s10 =	simm.s32 $0x9400;
	[sflag:s25] =	ssyncadd.s32 $0xFFFFC000  }
0x4e: {  	[spmem:s1] =	stream.indirect.scatter.add.f32 [tilespmem:s2], [sflag:$0x3], $0x80, s10, s23, $0xb8;
	[tilespmem:$0x1E800] =	vst v63  }
0x4f: {  	_ =	swait.ge [sflag:s20], $0x4000  }
0x50: {  	[sflag:s20] =	ssyncset.done $0x0  }
0x51: {  	s11 =	simm.s32 $0x8100;
	[sflag:s20] =	ssyncadd.s32 $0xFFFFC000  }
0x52: {  	[tilespmem:s2], [sflag:$0x1] =	stream.indirect.gather [hbm4b:s4+s23], $0x80, s11, s23, $0xb8;
	[tilespmem:$0x1E800] =	vst v63  }
0x53: {  	_ =	swait.ge [sflag:s26], $0x4000  }
0x54: {  	[sflag:s26] =	ssyncset.done $0x0  }
0x55: {  	s12 =	simm.s32 $0x9480;
	[sflag:s26] =	ssyncadd.s32 $0xFFFFC000  }
0x56: {  	[spmem:s1] =	stream.indirect.scatter.add.f32 [tilespmem:s24], [sflag:$0x3], $0x80, s12, s23, $0xb8;
	[tilespmem:$0x1E800] =	vst v63  }
0x57: {  	_ =	swait.ge [sflag:s20], $0x4000  }
0x58: {  	s0 =	simm.s32 $0x100;
	s3 =	simm.s32 $0x800;
	[sflag:s20] =	ssyncset.done $0x0  }
.LBB2_4:
0x59: {  	s10 =	sadd.s32 $0x8080, s0  }
0x5a: {  	[sflag:s20] =	ssyncadd.s32 $0xFFFFC000;
	s11 =	smov.u32 s3;
	s12 =	sadd.s32 $0x400, s3  }
0x5b: {  	[tilespmem:s24], [sflag:$0x2] =	stream.indirect.gather [hbm4b:s4+s23], $0x80, s10, s23, $0xb8;
	[tilespmem:$0x1E800] =	vst v63  }
0x5c: {  	p0 =	sne.s32 s3, $0x4800;
	_ =	swait.ge [sflag:s25], $0x4000  }
0x5d: {  	[sflag:s25] =	ssyncset.done $0x0  }
0x5e: {  	s3 =	sadd.s32 $0x9400, s0;
	[sflag:s25] =	ssyncadd.s32 $0xFFFFC000  }
0x5f: {  	[spmem:s1] =	stream.indirect.scatter.add.f32 [tilespmem:s2], [sflag:$0x3], $0x80, s3, s23, $0xb8;
	[tilespmem:$0x1E800] =	vst v63  }
0x60: {  	_ =	swait.ge [sflag:s20], $0x4000  }
0x61: {  	[sflag:s20] =	ssyncset.done $0x0  }
0x62: {  	s3 =	sadd.s32 $0x8100, s0;
	[sflag:s20] =	ssyncadd.s32 $0xFFFFC000  }
0x63: {  	[tilespmem:s2], [sflag:$0x1] =	stream.indirect.gather [hbm4b:s4+s23], $0x80, s3, s23, $0xb8;
	[tilespmem:$0x1E800] =	vst v63  }
0x64: {  	_ =	swait.ge [sflag:s26], $0x4000  }
.Ltmp1:
0x65: {  	[sflag:s26] =	ssyncset.done $0x0;
	(pc) =	sbr.rel @p0 .LBB2_4-.Ltmp1, $4  }
0x66: {  	s0 =	sadd.s32 $0x9480, s0;
	[sflag:s26] =	ssyncadd.s32 $0xFFFFC000  }
0x67: {  	[spmem:s1] =	stream.indirect.scatter.add.f32 [tilespmem:s24], [sflag:$0x3], $0x80, s0, s23, $0xb8;
	[tilespmem:$0x1E800] =	vst v63  }
0x68: {  	_ =	swait.ge [sflag:s20], $0x4000  }
0x69: {  	s3 =	smov.u32 s12;
	s0 =	sshra.s32 s11, $0x2;
	[sflag:s20] =	ssyncset.done $0x0  }
0x6a: {  	s3 =	sadd.s32 $0x8080, s0;
	[sflag:s20] =	ssyncadd.s32 $0xFFFFC000  }
0x6b: {  	[tilespmem:s24], [sflag:$0x2] =	stream.indirect.gather [hbm4b:s4+s23], $0x80, s3, s23, $0xb8;
	[tilespmem:$0x1E800] =	vst v63  }
0x6c: {  	_ =	swait.ge [sflag:s25], $0x4000  }
0x6d: {  	[sflag:s25] =	ssyncset.done $0x0  }
0x6e: {  	s11 =	sadd.s32 $0x9400, s0;
	[sflag:s25] =	ssyncadd.s32 $0xFFFFC000  }
0x6f: {  	[spmem:s1] =	stream.indirect.scatter.add.f32 [tilespmem:s2], [sflag:$0x3], $0x80, s11, s23, $0xb8;
	[tilespmem:$0x1E800] =	vst v63  }
0x70: {  	_ =	swait.ge [sflag:s20], $0x4000  }
0x71: {  	[sflag:s20] =	ssyncset.done $0x0  }
0x72: {  	s12 =	sadd.s32 $0x8100, s0;
	[sflag:s20] =	ssyncadd.s32 $0xFFFFC000  }
0x73: {  	[tilespmem:s2], [sflag:$0x1] =	stream.indirect.gather [hbm4b:s4+s23], $0x80, s12, s23, $0xb8;
	[tilespmem:$0x1E800] =	vst v63  }
0x74: {  	_ =	swait.ge [sflag:s26], $0x4000  }
0x75: {  	[sflag:s26] =	ssyncset.done $0x0  }
0x76: {  	s10 =	sadd.s32 $0x9480, s0;
	[sflag:s26] =	ssyncadd.s32 $0xFFFFC000  }
0x77: {  	[spmem:s1] =	stream.indirect.scatter.add.f32 [tilespmem:s24], [sflag:$0x3], $0x80, s10, s23, $0xb8;
	[tilespmem:$0x1E800] =	vst v63  }
0x78: {  	_ =	swait.ge [sflag:s20], $0x4000  }
0x79: {  	[sflag:s20] =	ssyncset.done $0x0  }
0x7a: {  	[sflag:s20] =	ssyncadd.s32 $0xFFFFC000  }
0x7b: {  	[tilespmem:s24], [sflag:$0x2] =	stream.indirect.gather [hbm4b:s4+s23], $0x80, s28, s23, $0xb8;
	[tilespmem:$0x1E800] =	vst v63  }
0x7c: {  	_ =	swait.ge [sflag:s25], $0x4000  }
0x7d: {  	[sflag:s25] =	ssyncset.done $0x0  }
0x7e: {  	s11 =	simm.s32 $0x0;
	[sflag:s25] =	ssyncadd.s32 $0xFFFFC000  }
0x7f: {  	[spmem:s1] =	stream.indirect.scatter.add.f32 [tilespmem:s11], [sflag:$0x3], $0x80, s29, s23, $0xb8;
	[tilespmem:$0x1E800] =	vst v63  }
0x80: {  	_ =	swait.ge [sflag:s20], $0x4000  }
0x81: {  	[sflag:s20] =	ssyncset.done $0x0  }
0x82: {  	[sflag:s20] =	ssyncadd.s32 $0xFFFFC000  }
0x83: {  	_ =	swait.ge [sflag:s26], $0x4000  }
0x84: {  	[sflag:s26] =	ssyncset.done $0x0  }
0x85: {  	[sflag:s26] =	ssyncadd.s32 $0xFFFFC000  }
0x86: {  	[spmem:s1] =	stream.indirect.scatter.add.f32 [tilespmem:s24], [sflag:$0x3], $0x80, s30, s23, $0xb8;
	[tilespmem:$0x1E800] =	vst v63  }
0x87: {  	_ =	swait.ge [sflag:s20], $0x4000  }
0x88: {  	[sflag:s20] =	ssyncset.done $0x0  }
0x89: {  	s12 =	rddreg [dreg:$0x6];
	[sflag:s20] =	ssyncadd.s32 $0xFFFFC000  }
0x8a: {  	[tilespmem:s21], [sflag:$0x3] =	stream.linear.gather [hbm4b:s12+s11], $0x1400, $0x38;
	[tilespmem:$0x1E800] =	vst v63  }
0x8b: {  	_ =	swait.ge [sflag:s20], $0x1400  }
0x8c: {  	[sflag:s20] =	ssyncset.done $0x0  }
0x8d: {  	[sflag:s20] =	ssyncadd.s32 $0xFFFFEC00  }
0x8e: {  	[tilespmem:s22], [sflag:$0x3] =	stream.linear.gather [hbm4b:s13+s11], $0x1400, $0x38;
	[tilespmem:$0x1E800] =	vst v63  }
0x8f: {  	_ =	swait.ge [sflag:s20], $0x1400  }
0x90: {  	[sflag:s20] =	ssyncset.done $0x0  }
0x91: {  	[sflag:s20] =	ssyncadd.s32 $0xFFFFEC00  }
0x92: {  	[tilespmem:s11], [sflag:$0x1] =	stream.indirect.gather [hbm4b:s4+s23], $0x80, s21, s23, $0xb8;
	[tilespmem:$0x1E800] =	vst v63  }
0x93: {  	s3 =	simm.s32 $0x8080  }
0x94: {  	[tilespmem:s24], [sflag:$0x2] =	stream.indirect.gather [hbm4b:s4+s23], $0x80, s3, s23, $0xb8;
	[tilespmem:$0x1E800] =	vst v63  }
0x95: {  	_ =	swait.ge [sflag:s25], $0x4000  }
0x96: {  	[sflag:s25] =	ssyncset.done $0x0  }
0x97: {  	s10 =	simm.s32 $0x9400;
	[sflag:s25] =	ssyncadd.s32 $0xFFFFC000  }
0x98: {  	[spmem:s1] =	stream.indirect.scatter.add.f32 [tilespmem:s2], [sflag:$0x3], $0x80, s10, s23, $0xb8;
	[tilespmem:$0x1E800] =	vst v63  }
0x99: {  	_ =	swait.ge [sflag:s20], $0x4000  }
0x9a: {  	[sflag:s20] =	ssyncset.done $0x0  }
0x9b: {  	s11 =	simm.s32 $0x8100;
	[sflag:s20] =	ssyncadd.s32 $0xFFFFC000  }
0x9c: {  	[tilespmem:s2], [sflag:$0x1] =	stream.indirect.gather [hbm4b:s4+s23], $0x80, s11, s23, $0xb8;
	[tilespmem:$0x1E800] =	vst v63  }
0x9d: {  	_ =	swait.ge [sflag:s26], $0x4000  }
0x9e: {  	[sflag:s26] =	ssyncset.done $0x0  }
0x9f: {  	s12 =	simm.s32 $0x9480;
	[sflag:s26] =	ssyncadd.s32 $0xFFFFC000  }
0xa0: {  	[spmem:s1] =	stream.indirect.scatter.add.f32 [tilespmem:s24], [sflag:$0x3], $0x80, s12, s23, $0xb8;
	[tilespmem:$0x1E800] =	vst v63  }
0xa1: {  	_ =	swait.ge [sflag:s20], $0x4000  }
0xa2: {  	s0 =	simm.s32 $0x100;
	s3 =	simm.s32 $0x800;
	[sflag:s20] =	ssyncset.done $0x0  }
.LBB2_6:
0xa3: {  	s10 =	sadd.s32 $0x8080, s0  }
0xa4: {  	[sflag:s20] =	ssyncadd.s32 $0xFFFFC000;
	s11 =	smov.u32 s3;
	s12 =	sadd.s32 $0x400, s3  }
0xa5: {  	[tilespmem:s24], [sflag:$0x2] =	stream.indirect.gather [hbm4b:s4+s23], $0x80, s10, s23, $0xb8;
	[tilespmem:$0x1E800] =	vst v63  }
0xa6: {  	p0 =	sne.s32 s3, $0x4800;
	_ =	swait.ge [sflag:s25], $0x4000  }
0xa7: {  	[sflag:s25] =	ssyncset.done $0x0  }
0xa8: {  	s3 =	sadd.s32 $0x9400, s0;
	[sflag:s25] =	ssyncadd.s32 $0xFFFFC000  }
0xa9: {  	[spmem:s1] =	stream.indirect.scatter.add.f32 [tilespmem:s2], [sflag:$0x3], $0x80, s3, s23, $0xb8;
	[tilespmem:$0x1E800] =	vst v63  }
0xaa: {  	_ =	swait.ge [sflag:s20], $0x4000  }
0xab: {  	[sflag:s20] =	ssyncset.done $0x0  }
0xac: {  	s3 =	sadd.s32 $0x8100, s0;
	[sflag:s20] =	ssyncadd.s32 $0xFFFFC000  }
0xad: {  	[tilespmem:s2], [sflag:$0x1] =	stream.indirect.gather [hbm4b:s4+s23], $0x80, s3, s23, $0xb8;
	[tilespmem:$0x1E800] =	vst v63  }
0xae: {  	_ =	swait.ge [sflag:s26], $0x4000  }
.Ltmp2:
0xaf: {  	[sflag:s26] =	ssyncset.done $0x0;
	(pc) =	sbr.rel @p0 .LBB2_6-.Ltmp2, $4  }
0xb0: {  	s0 =	sadd.s32 $0x9480, s0;
	[sflag:s26] =	ssyncadd.s32 $0xFFFFC000  }
0xb1: {  	[spmem:s1] =	stream.indirect.scatter.add.f32 [tilespmem:s24], [sflag:$0x3], $0x80, s0, s23, $0xb8;
	[tilespmem:$0x1E800] =	vst v63  }
0xb2: {  	_ =	swait.ge [sflag:s20], $0x4000  }
0xb3: {  	s3 =	smov.u32 s12;
	s0 =	sshra.s32 s11, $0x2;
	[sflag:s20] =	ssyncset.done $0x0  }
0xb4: {  	s3 =	sadd.s32 $0x8080, s0;
	[sflag:s20] =	ssyncadd.s32 $0xFFFFC000  }
0xb5: {  	[tilespmem:s24], [sflag:$0x2] =	stream.indirect.gather [hbm4b:s4+s23], $0x80, s3, s23, $0xb8;
	[tilespmem:$0x1E800] =	vst v63  }
0xb6: {  	_ =	swait.ge [sflag:s25], $0x4000  }
0xb7: {  	[sflag:s25] =	ssyncset.done $0x0  }
0xb8: {  	s11 =	sadd.s32 $0x9400, s0;
	[sflag:s25] =	ssyncadd.s32 $0xFFFFC000  }
0xb9: {  	[spmem:s1] =	stream.indirect.scatter.add.f32 [tilespmem:s2], [sflag:$0x3], $0x80, s11, s23, $0xb8;
	[tilespmem:$0x1E800] =	vst v63  }
0xba: {  	_ =	swait.ge [sflag:s20], $0x4000  }
0xbb: {  	[sflag:s20] =	ssyncset.done $0x0  }
0xbc: {  	s12 =	sadd.s32 $0x8100, s0;
	[sflag:s20] =	ssyncadd.s32 $0xFFFFC000  }
0xbd: {  	[tilespmem:s2], [sflag:$0x1] =	stream.indirect.gather [hbm4b:s4+s23], $0x80, s12, s23, $0xb8;
	[tilespmem:$0x1E800] =	vst v63  }
0xbe: {  	_ =	swait.ge [sflag:s26], $0x4000  }
0xbf: {  	[sflag:s26] =	ssyncset.done $0x0  }
0xc0: {  	s3 =	sadd.s32 $0x9480, s0;
	[sflag:s26] =	ssyncadd.s32 $0xFFFFC000  }
0xc1: {  	[spmem:s1] =	stream.indirect.scatter.add.f32 [tilespmem:s24], [sflag:$0x3], $0x80, s3, s23, $0xb8;
	[tilespmem:$0x1E800] =	vst v63  }
0xc2: {  	_ =	swait.ge [sflag:s20], $0x4000  }
0xc3: {  	[sflag:s20] =	ssyncset.done $0x0  }
0xc4: {  	[sflag:s20] =	ssyncadd.s32 $0xFFFFC000  }
0xc5: {  	[tilespmem:s24], [sflag:$0x2] =	stream.indirect.gather [hbm4b:s4+s23], $0x80, s28, s23, $0xb8;
	[tilespmem:$0x1E800] =	vst v63  }
0xc6: {  	_ =	swait.ge [sflag:s25], $0x4000  }
0xc7: {  	[sflag:s25] =	ssyncset.done $0x0  }
0xc8: {  	[sflag:s25] =	ssyncadd.s32 $0xFFFFC000  }
0xc9: {  	[spmem:s1] =	stream.indirect.scatter.add.f32 [tilespmem:s2], [sflag:$0x3], $0x80, s29, s23, $0xb8;
	[tilespmem:$0x1E800] =	vst v63  }
0xca: {  	_ =	swait.ge [sflag:s20], $0x4000  }
0xcb: {  	[sflag:s20] =	ssyncset.done $0x0  }
0xcc: {  	[sflag:s20] =	ssyncadd.s32 $0xFFFFC000  }
0xcd: {  	_ =	swait.ge [sflag:s26], $0x4000  }
0xce: {  	[sflag:s26] =	ssyncset.done $0x0  }
0xcf: {  	[sflag:s26] =	ssyncadd.s32 $0xFFFFC000  }
0xd0: {  	[spmem:s1] =	stream.indirect.scatter.add.f32 [tilespmem:s24], [sflag:$0x3], $0x80, s30, s23, $0xb8;
	[tilespmem:$0x1E800] =	vst v63  }
0xd1: {  	_ =	swait.ge [sflag:s20], $0x4000  }
0xd2: {  	s10 =	stileid.u32;
	[sflag:s20] =	ssyncset.done $0x0  }
0xd3: {  	s0 =	sshll.u32 s10, $0x6;
	[sflag:s20] =	ssyncadd.s32 $0xFFFFC000  }
0xd4: {  	s0 =	sor.u32 $0x1C03, s0;
	s11 =	sshrl.u32 s5, $0x3;
	[bflag:$0x0] =	sbarrier.arrive $0xFFFF  }
0xd5: {  	[hbm:s14], [sflag:s0] =	dma.local [spmem:s11], $0x800  }
0xd6: {  	_ =	swait.ge [sflag:s20], $0x800  }
0xd7: {  	[sflag:s20] =	ssyncset.done $0x0  }
0xd8: {  	s12 =	sshrl.u32 s6, $0x3;
	[sflag:s20] =	ssyncadd.s32 $0xFFFFF800  }
0xd9: {  	[hbm:s15], [sflag:s0] =	dma.local [spmem:s12], $0x800  }
0xda: {  	_ =	swait.ge [sflag:s20], $0x800  }
0xdb: {  	[sflag:s20] =	ssyncset.done $0x0  }
0xdc: {  	s10 =	sshrl.u32 s7, $0x3;
	[sflag:s20] =	ssyncadd.s32 $0xFFFFF800  }
0xdd: {  	[hbm:s16], [sflag:s0] =	dma.local [spmem:s10], $0x800  }
0xde: {  	_ =	swait.ge [sflag:s20], $0x800  }
0xdf: {  	[sflag:s20] =	ssyncset.done $0x0  }
0xe0: {  	s11 =	sshrl.u32 s8, $0x3;
	[sflag:s20] =	ssyncadd.s32 $0xFFFFF800  }
0xe1: {  	[hbm:s17], [sflag:s0] =	dma.local [spmem:s11], $0x800  }
0xe2: {  	s31 =	sadd.s32 $0x1, s31;
	_ =	swait.ge [sflag:s20], $0x800  }
0xe3: {  	p0 =	sne.s32 s31, s19;
	[sflag:s20] =	ssyncset.done $0x0  }
.Ltmp3:
0xe4: {  	s12 =	sshrl.u32 s9, $0x3;
	[sflag:s20] =	ssyncadd.s32 $0xFFFFF800;
	(pc) =	sbr.rel @p0 .LBB2_1-.Ltmp3, $4  }
0xe5: {  	[hbm:s18], [sflag:s0] =	dma.local [spmem:s12], $0x800  }
0xe6: {  	_ =	swait.ge [sflag:s20], $0x800  }
0xe7: {  	[sflag:s20] =	ssyncset.done $0x0  }
0xe8: {  	[sflag:s20] =	ssyncadd.s32 $0xFFFFF800  }
0xe9: {  	_ =	sfence.sel $0x180000  }
0xea: {  	[bflag:$0x0] =	sbarrier.arrive $0xFFFF  }
0xeb: {  	_ =	strace $0x9000004A  }
0xec: {  	s0 =	stileid.u32;
	[bflag:$0x2] =	sbarrier.arrive $0xFFFF  }
0xed: {  	p0 =	sne.s32 s0, $0x0;
	s0 =	rddreg [dreg:$0x3]  }
0xee: {  	s0 =	sadd.s32 @!p0 $0x100000, s0  }
0xef: {  	[sflag:s0] =	ssyncadd.tile.s32 @!p0 $0x1;
	_ =	shalt  }
.Lfunc_end2:
_tile_overlayer_lowered:
.L_overlay_start_2:
0xf0: {  	(tag) =	ssettag $0x2  }
0xf1: {  	s0 =	rddreg [dreg:$0x0];
	s2 =	stileid.u32  }
0xf2: {  	s1 =	rddreg [dreg:$0x1];
	p0 =	sne.s32 s2, $0x0  }
0xf3: {  	s3 =	rddreg [dreg:$0x2];
	[bflag:$0x3] =	sbarrier.arrive $0xFFFF;
	s2 =	simm.s32 @!p0 $0x1C03  }
0xf4: {  	[timem:s3], [sflag:s2] =	dma.local @!p0 [hbm:s0], s1  }
0xf5: {  	s0 =	simm.s32 @!p0 $0x3  }
0xf6: {  	_ =	swait.ge @!p0 [sflag:s0], s1  }
0xf7: {  	s1 =	ssub.s32 @!p0 $0x0, s1;
	[sflag:s0] =	ssyncset.done @!p0 $0x0  }
0xf8: {  	[sflag:s0] =	ssyncadd.s32 @!p0 s1  }
0xf9: {  	[bflag:$0x3] =	sbarrier.arrive $0xFFFF  }
0xfa: {  	_ =	shalt  }

// kernel: kernel.23.cloned.1.call-start
scs
__scs_entry_jumppad:
0x0: {  	(pc) =	sbr.rel $0x88, $3  }
0x1: {  	(tag) =	ssettag $0x0;
	lr =	simm.s32 $0x1  }
0x2: {  	[smem:$0x3F8F] =	sst lr;
	_ =	strace $0xD0000000  }
0x3: {  	_ = 	snop  }
0x4: {  	_ = 	snop  }
0x5: {  	_ = 	snop  }
0x6: {  	_ = 	snop  }
0x7: {  	_ = 	snop  }
__scs_overlays_trampoline_lowered:
0x8: {  	[smem:$0x3F9E] =	sst s0  }
0x9: {  	[smem:$0x3F9F] =	sst s1  }
0xa: {  	[smem:$0x3FA0] =	sst s2  }
0xb: {  	[smem:$0x3FA1] =	sst s3  }
0xc: {  	[smem:$0x3FA2] =	sst s4  }
0xd: {  	[smem:$0x3FA3] =	sst s5  }
0xe: {  	[smem:$0x3FA4] =	sst s6  }
0xf: {  	[smem:$0x3FA5] =	sst s7  }
0x10: {  	[smem:$0x3FA6] =	sst s8  }
0x11: {  	[smem:$0x3FA7] =	sst s9;
	s0 =	simm.s32 @!p0 $0x0  }
0x12: {  	s1 =	sld [smem:$0x3F8D];
	s0 =	simm.s32 @p0 $0x1  }
0x13: {  	[smem:$0x3FA8] =	sst s0;
	s0 =	simm.s32 @!p1 $0x0  }
0x14: {  	s2 =	sld [smem:$0x3F8C];
	s0 =	simm.s32 @p1 $0x1  }
0x15: {  	[smem:$0x3FA9] =	sst s0;
	s0 =	simm.s32 @!p2 $0x0  }
0x16: {  	s3 =	sld [smem:$0x3FDB];
	s0 =	simm.s32 @p2 $0x1  }
0x17: {  	s4 =	simm.s32 $0x1BF5;
	[smem:$0x3FAB] =	sst s0  }
0x18: {  	s0 =	sld [smem:$0x3F8E];
	_ =	swait.ge [sflag:s4], $0x0  }
0x19: {  	s7 =	sld [smem:$0x3F8F]  }
0x1a: {  	s8 =	sadd.s32 $0xFFFFE003, lr  }
0x1b: {  	s9 =	sadd.s32 $0xFFFFFEF7, lr;
	s5 =	simm.s32 $0xFFFFFFFF;
	p2 =	slt.u32 s8, $0xFFFFF086  }
0x1c: {  	p1 =	slt.u32 s9, $0xF7A;
	s5 =	simm.s32 @!p2 $0x0  }
0x1d: {  	s5 =	simm.s32 @p1 $0x1;
	p0 =	seq.s32 s7, s2  }
0x1e: {  	s7 =	smul.u32 @!p0 $0xF7A, s2;
	p2 =	seq.s32 @!p0 s5, $0x0  }
0x1f: {  	s9 =	smul.u32 $0xF7A, s1;
	s8 =	simm.s32 @!p0 $0x1BF5;
	p2 =	por !p2, p0  }
0x20: {  	[sflag:s8] =	ssyncset.s32 @!p0 $0xFFFFF086;
	s6 =	sadd.s32 @!p0 s3, s7;
	s7 =	simm.s32 @!p0 $0x108  }
0x21: {  	s3 =	sadd.s32 s3, s9;
	s6 =	sadd.s32 @!p0 $0x88, s6;
	s7 =	simm.s32 @p2 $0x1082  }
0x22: {  	[simem:s7], [sflag:s8] =	dma.local @!p0 [hbm:s6], $0xF7A  }
0x23: {  	s9 =	sor.u32 $0xD0000000, s2;
	s6 =	simm.s32 $0x108;
	_ =	swait.ge @!p0 [sflag:s8], $0x0  }
0x24: {  	s3 =	sadd.s32 $0x88, s3;
	s6 =	simm.s32 @!p1 $0x1082;
	[sflag:s4] =	ssyncset.s32 $0xFFFFF086  }
0x25: {  	[simem:s6], [sflag:s4] =	dma.local [hbm:s3], $0xF7A  }
0x26: {  	[smem:$0x3F8F] =	sst s1;
	(tag) =	ssettag s2;
	_ =	strace s9  }
0x27: {  	s1 =	sld [smem:$0x3F9F]  }
0x28: {  	s2 =	sld [smem:$0x3FA0]  }
0x29: {  	s4 =	sld [smem:$0x3FA2]  }
0x2a: {  	p0 =	seq.s32 s5, $0x0;
	s5 =	sld [smem:$0x3FA3]  }
0x2b: {  	s6 =	sld [smem:$0x3FA4]  }
0x2c: {  	s7 =	sld [smem:$0x3FA5]  }
0x2d: {  	s3 =	simm.s32 $0x108;
	s8 =	sld [smem:$0x3FA6]  }
0x2e: {  	s3 =	simm.s32 @!p0 $0x1082;
	s9 =	sld [smem:$0x3FA7]  }
0x2f: {  	lr =	sadd.s32 s0, s3;
	s0 =	sld [smem:$0x3F9E]  }
0x30: {  	s3 =	sld [smem:$0x3FA1]  }
0x31: {  	[smem:$0x3FAA] =	sst s10  }
0x32: {  	s10 =	sld [smem:$0x3FA8];
	_ =	sdelay $0x3  }
0x33: {  	p0 =	seq.s32 s10, $0x1;
	s10 =	sld [smem:$0x3FAA];
	_ =	sdelay $0x3  }
0x34: {  	[smem:$0x3FAA] =	sst s10  }
0x35: {  	s10 =	sld [smem:$0x3FA9];
	_ =	sdelay $0x3  }
0x36: {  	p1 =	seq.s32 s10, $0x1;
	s10 =	sld [smem:$0x3FAA];
	_ =	sdelay $0x3  }
0x37: {  	[smem:$0x3FAA] =	sst s10  }
0x38: {  	s10 =	sld [smem:$0x3FAB]  }
0x39: {  	_ = 	snop;
	(pc) =	sbr.ind lr, $3  }
0x3a: {  	_ = 	snop  }
0x3b: {  	_ = 	snop  }
0x3c: {  	p2 =	seq.s32 s10, $0x1;
	s10 =	sld [smem:$0x3FAA]  }
0x3d: {  	_ =	shalt  }
0x3e: {  	_ =	shalt  }
0x3f: {  	_ =	shalt  }
0x40: {  	_ =	shalt  }
0x41: {  	_ =	shalt  }
0x42: {  	_ =	shalt  }
0x43: {  	_ =	shalt  }
0x44: {  	_ =	shalt  }
0x45: {  	_ =	shalt  }
0x46: {  	_ =	shalt  }
0x47: {  	_ =	shalt  }
0x48: {  	_ =	shalt  }
0x49: {  	_ =	shalt  }
0x4a: {  	_ =	shalt  }
0x4b: {  	_ =	shalt  }
0x4c: {  	_ =	shalt  }
0x4d: {  	_ =	shalt  }
0x4e: {  	_ =	shalt  }
0x4f: {  	_ =	shalt  }
0x50: {  	_ =	shalt  }
0x51: {  	_ =	shalt  }
0x52: {  	_ =	shalt  }
0x53: {  	_ =	shalt  }
0x54: {  	_ =	shalt  }
0x55: {  	_ =	shalt  }
0x56: {  	_ =	shalt  }
0x57: {  	_ =	shalt  }
0x58: {  	_ =	shalt  }
0x59: {  	_ =	shalt  }
0x5a: {  	_ =	shalt  }
0x5b: {  	_ =	shalt  }
0x5c: {  	_ =	shalt  }
0x5d: {  	_ =	shalt  }
0x5e: {  	_ =	shalt  }
0x5f: {  	_ =	shalt  }
0x60: {  	_ =	shalt  }
0x61: {  	_ =	shalt  }
0x62: {  	_ =	shalt  }
0x63: {  	_ =	shalt  }
0x64: {  	_ =	shalt  }
0x65: {  	_ =	shalt  }
0x66: {  	_ =	shalt  }
0x67: {  	_ =	shalt  }
0x68: {  	_ =	shalt  }
0x69: {  	_ =	shalt  }
0x6a: {  	_ =	shalt  }
0x6b: {  	_ =	shalt  }
0x6c: {  	_ =	shalt  }
0x6d: {  	_ =	shalt  }
0x6e: {  	_ =	shalt  }
0x6f: {  	_ =	shalt  }
0x70: {  	_ =	shalt  }
0x71: {  	_ =	shalt  }
0x72: {  	_ =	shalt  }
0x73: {  	_ =	shalt  }
0x74: {  	_ =	shalt  }
0x75: {  	_ =	shalt  }
0x76: {  	_ =	shalt  }
0x77: {  	_ =	shalt  }
0x78: {  	_ =	shalt  }
0x79: {  	_ =	shalt  }
0x7a: {  	_ =	shalt  }
0x7b: {  	_ =	shalt  }
0x7c: {  	_ =	shalt  }
0x7d: {  	_ =	shalt  }
0x7e: {  	_ =	shalt  }
0x7f: {  	_ =	shalt  }
0x80: {  	_ =	shalt  }
0x81: {  	_ =	shalt  }
0x82: {  	_ =	shalt  }
0x83: {  	_ =	shalt  }
0x84: {  	_ =	shalt  }
0x85: {  	_ =	shalt  }
0x86: {  	_ =	shalt  }
0x87: {  	_ =	shalt  }
.Lfunc_end0:
.L_simem_size_0:
called_computation.2_lowered:
.L_overlay_start_0:
0x88: {  	s2 =	sld [smem:$0x3FD9]  }
0x89: {  	s3 =	sld [smem:$0x3FFE];
	_ =	sdelay $0x1  }
0x8a: {  	s1 =	srdreg.scid  }
0x8b: {  	s0 =	sand.u32 $0x1, s1  }
0x8c: {  	s17 =	sshll.u32 s0, $0xA;
	s2 =	sadd.s32 s3, s2  }
0x8d: {  	s2 =	sadd.s32 s2, s17  }
0x8e: {  	[smem:$0x3FB6] =	sst s2  }
0x8f: {  	_ = 	snop  }
0x90: {  	s2 =	sld [smem:$0x3FD0];
	(tm) =	ssettm $0x1  }
0x91: {  	s18 =	sld [smem:$0x3FFB];
	_ =	sdelay $0x3  }
0x92: {  	_ =	strace s18  }
0x93: {  	s3 =	sld [smem:$0x3FFC];
	_ =	sdelay $0x3  }
0x94: {  	_ =	strace s3  }
0x95: {  	s3 =	sld [smem:$0x3FFD];
	_ =	sdelay $0x3  }
0x96: {  	_ =	strace s3  }
0x97: {  	_ =	strace $0x8FFFFFFF  }
0x98: {  	s19 =	sld [smem:$0x3FDB];
	_ =	sdelay $0x1  }
0x99: {  	s4 =	simm.s32 $_scs_section_size  }
0x9a: {  	s5 =	simm.s32 $_size__tile_overlayer_lowered;
	s6 =	simm.s32 $_tile_overlayer_lowered  }
0x9b: {  	s22 =	simm.s32 $0x1BFF;
	s21 =	sshll.u32 s6, $0x1;
	s3 =	sadd.s32 s4, s19  }
0x9c: {  	s7 =	simm.s32 $0x0;
	s20 =	sshll.u32 s5, $0x1;
	s5 =	sadd.s32 s21, s3  }
0x9d: {  	[timem:s7], [sflag:s22] =	dma.local [hbm:s5], s20  }
0x9e: {  	_ =	swait.ge [sflag:s22], s20  }
0x9f: {  	s4 =	ssub.s32 $0x0, s20;
	[sflag:s22] =	ssyncset.done $0x0  }
0xa0: {  	[sflag:s22] =	ssyncadd.s32 s4;
	_ =	sdelay $0x1  }
0xa1: {  	s23 =	simm.s32 $0x1B8B  }
0xa2: {  	_ =	swait.ge [sflag:s23], $0x1  }
0xa3: {  	[sflag:s23] =	ssyncset.done $0x0  }
0xa4: {  	s25 =	simm.s32 $0x1B8E;
	s24 =	sld [smem:$0x3FFE];
	[sflag:s23] =	ssyncadd.s32 $0xFFFFFFFF  }
0xa5: {  	s26 =	simm.s32 $execute0_lowered;
	[smem:$0x3FD2] =	sst s25  }
0xa6: {  	s5 =	sshll.u32 s26, $0x1;
	_ =	strace $0x8000004C;
	[dreg:$0x1] =	wrdreg $0xFFFFFFFF  }
0xa7: {  	s28 =	simm.s32 $_size_execute0_lowered;
	s3 =	sadd.s32 s3, s5;
	[dreg:$0x0] =	wrdreg $0x0  }
0xa8: {  	s5 =	sshll.u32 s28, $0x1;
	[dreg:$0x2] =	wrdreg s3  }
0xa9: {  	[dreg:$0x3] =	wrdreg s5  }
0xaa: {  	[dreg:$0x4] =	wrdreg $0xC0  }
0xab: {  	_ =	task [dreg:s7], $0x5FFFF  }
0xac: {  	[dreg:$0x1] =	wrdreg $0xFFFFFFFF  }
0xad: {  	[dreg:$0x0] =	wrdreg $0x60  }
0xae: {  	[dreg:$0x2] =	wrdreg s24  }
0xaf: {  	[dreg:$0x3] =	wrdreg s2  }
0xb0: {  	[dreg:$0x4] =	wrdreg $0xA8000  }
0xb1: {  	[dreg:$0x5] =	wrdreg $0x9  }
0xb2: {  	_ =	task.clear_ibuf [dreg:s7], $0x6FFFF;
	_ =	strace $0x9000004C  }
0xb3: {  	s29 =	simm.s32 $0x9;
	_ =	strace $0x8000004E  }
0xb4: {  	_ =	swait.ge [sflag:s29], $0x1  }
0xb5: {  	[sflag:s29] =	ssyncadd.s32 $0xFFFFFFFF  }
0xb6: {  	_ =	strace $0x9000004E  }
0xb7: {  	_ =	sfence  }
0xb8: {  	s30 =	sld [smem:$0x0];
	_ =	sdelay $0x2  }
0xb9: {  	s31 =	sshll.u32 s1, $0xD;
	s1 =	sshrl.u32 s1, $0x2  }
0xba: {  	s3 =	sand.u32 $0x4000, s31;
	s1 =	sadd.s32 s1, s30  }
0xbb: {  	s0 =	sor.u32 s3, s0;
	s1 =	sshll.u32 s1, $0x11  }
0xbc: {  	s0 =	sor.u32 s1, s0  }
0xbd: {  	s0 =	sadd.s32 $0x8F2B, s0  }
0xbe: {  	[sflag:s0] =	ssyncadd.remote.s32 $0x1  }
0xbf: {  	_ =	sfence.sel $0xFFFF  }
0xc0: {  	[dreg:$0x0] =	wrdreg $0xFFFFFFFF;
	(pc) =	sbr.abs _section_cstart, $3  }
0xc1: {  	[dreg:$0x1] =	wrdreg $0xFFFFFFFF  }
0xc2: {  	_ =	task.clear_ibuf [dreg:s7], $0x2FFFF;
	_ =	strace $0x9FFFFFFF  }
0xc3: {  	(tm) =	ssettm $0x7FFFFFFF  }
tec
execute0_lowered:
.L_overlay_start_1:
0x0: {  	(tag) =	ssettag $0x1  }
0x1: {  	s0 =	rddreg [dreg:$0x0]  }
0x2: {  	s3 =	rddreg [dreg:$0x1]  }
0x3: {  	s1 =	rddreg [dreg:$0x2];
	s2 =	simm.s32 $0x0;
	s5 =	srdreg.scid  }
0x4: {  	s9 =	stileid.u32;
	s28 =	simm.s32 $0x9380;
	s29 =	simm.s32 $0xA700  }
0x5: {  	s30 =	simm.s32 $0xA780;
	s31 =	simm.s32 $0x0;
	[smem:$0x7FF] =	sst s2  }
0x6: {  	s4 =	sadd.s32 $0xF000, s0;
	s13 =	sadd.s32 $0x5000, s0;
	s6 =	smul.u32 $0x50000, s9  }
0x7: {  	s10 =	sand.u32 $0x1, s5;
	s0 =	sadd.s32 $0x37000, s0;
	s12 =	smul.u32 $0x14000, s9  }
0x8: {  	_ =	strace $0x8000004D;
	s5 =	ssub.s32 $0x2, s10;
	s8 =	sshll.u32 s10, $0x4  }
0x9: {  	s20 =	smul.u32 $0x140000, s10;
	s7 =	sshrl.u32 s5, $0x1;
	s8 =	sor.u32 s9, s8  }
0xa: {  	s25 =	sshrl.u32 s6, $0x2;
	s14 =	sadd.s32 $0x4000, s12;
	s16 =	sadd.s32 $0x8000, s12  }
0xb: {  	s17 =	sadd.s32 $0xC000, s12;
	s18 =	sadd.s32 $0x10000, s12;
	s19 =	ssub.s32 s5, s7  }
0xc: {  	s5 =	sadd.s32 s25, s1;
	s6 =	sadd.s32 s14, s1;
	s11 =	smul.u32 $0x500, s8  }
0xd: {  	s7 =	sadd.s32 s16, s1;
	s15 =	smul.u32 $0x2800, s8;
	s8 =	sadd.s32 s17, s1  }
0xe: {  	s9 =	sadd.s32 s18, s1;
	s21 =	sadd.s32 s12, s20;
	s14 =	sadd.s32 s20, s14  }
0xf: {  	s23 =	sadd.s32 s20, s16;
	s24 =	sadd.s32 s20, s17;
	s25 =	sadd.s32 s20, s18  }
0x10: {  	s21 =	sshrl.u32 s21, $0x3;
	s22 =	sshrl.u32 s14, $0x3;
	s20 =	sshrl.u32 s25, $0x3  }
0x11: {  	s19 =	smax.u32 s19, $0x1;
	s25 =	simm.s32 $0x1;
	s26 =	sadd.s32 s3, s11  }
0x12: {  	s11 =	sadd.s32 s13, s11;
	s15 =	sshrl.u32 s15, $0x3;
	s14 =	sadd.s32 s0, s21  }
0x13: {  	s18 =	sadd.s32 s0, s20;
	s20 =	simm.s32 $0x3;
	[dreg:$0x4] =	wrdreg s26  }
0x14: {  	s21 =	simm.s32 $0x8000;
	[dreg:$0x5] =	wrdreg s11;
	s15 =	sadd.s32 $0x280, s15  }
0x15: {  	s26 =	sshrl.u32 s24, $0x3;
	s24 =	simm.s32 $0x4000;
	s3 =	sadd.s32 s3, s15  }
0x16: {  	s13 =	sadd.s32 s13, s15;
	s15 =	sadd.s32 s0, s22;
	s17 =	sadd.s32 s0, s26  }
0x17: {  	s22 =	simm.s32 $0x9400;
	[dreg:$0x6] =	wrdreg s3;
	s3 =	sshrl.u32 s23, $0x3  }
0x18: {  	v0 =	vimm.f32 $0.0e+00;
	s26 =	simm.s32 $0x2;
	s23 =	simm.s32 $0x80;
	s16 =	sadd.s32 s0, s3  }
.LBB2_1:
0x19: {  	s0 =	simm.s32 $0x0;
	s3 =	simm.s32 $0x200  }
.LBB2_2:
0x1a: {  	p0 =	sne.s32 s3, $0xFE00;
	[tilespmem:s0+$0x70] =	vst v0  }
0x1b: {  	[tilespmem:s0+$0x0] =	vst v0  }
0x1c: {  	[tilespmem:s0+$0x10] =	vst v0  }
.Ltmp0:
0x1d: {  	[tilespmem:s0+$0x20] =	vst v0;
	(pc) =	sbr.rel @p0 .LBB2_2-.Ltmp0, $4  }
0x1e: {  	[tilespmem:s0+$0x30] =	vst v0  }
0x1f: {  	[tilespmem:s0+$0x40] =	vst v0  }
0x20: {  	[tilespmem:s0+$0x50] =	vst v0  }
0x21: {  	[tilespmem:s0+$0x60] =	vst v0;
	s0 =	sshra.s32 s3, $0x2;
	s3 =	sadd.s32 $0x200, s3  }
0x22: {  	[tilespmem:s0+$0x70] =	vst v0  }
0x23: {  	[tilespmem:s0+$0x0] =	vst v0  }
0x24: {  	[tilespmem:s0+$0x10] =	vst v0  }
0x25: {  	[tilespmem:s0+$0x20] =	vst v0  }
0x26: {  	[tilespmem:s0+$0x30] =	vst v0  }
0x27: {  	[tilespmem:s0+$0x40] =	vst v0  }
0x28: {  	[tilespmem:s0+$0x50] =	vst v0  }
0x29: {  	[tilespmem:s0+$0x60] =	vst v0;
	s11 =	simm.s32 $0x0  }
0x2a: {  	[spmem:s5] =	stream.linear.scatter [tilespmem:s11], [sflag:$0x3], $0x4000, $0x38;
	[tilespmem:$0x1E800] =	vst v63  }
0x2b: {  	_ =	swait.ge [sflag:s20], $0x4000  }
0x2c: {  	[sflag:s20] =	ssyncset.done $0x0  }
0x2d: {  	[sflag:s20] =	ssyncadd.s32 $0xFFFFC000  }
0x2e: {  	[spmem:s6] =	stream.linear.scatter [tilespmem:s11], [sflag:$0x3], $0x4000, $0x38;
	[tilespmem:$0x1E800] =	vst v63  }
0x2f: {  	_ =	swait.ge [sflag:s20], $0x4000  }
0x30: {  	[sflag:s20] =	ssyncset.done $0x0  }
0x31: {  	[sflag:s20] =	ssyncadd.s32 $0xFFFFC000  }
0x32: {  	[spmem:s7] =	stream.linear.scatter [tilespmem:s11], [sflag:$0x3], $0x4000, $0x38;
	[tilespmem:$0x1E800] =	vst v63  }
0x33: {  	_ =	swait.ge [sflag:s20], $0x4000  }
0x34: {  	[sflag:s20] =	ssyncset.done $0x0  }
0x35: {  	[sflag:s20] =	ssyncadd.s32 $0xFFFFC000  }
0x36: {  	[spmem:s8] =	stream.linear.scatter [tilespmem:s11], [sflag:$0x3], $0x4000, $0x38;
	[tilespmem:$0x1E800] =	vst v63  }
0x37: {  	_ =	swait.ge [sflag:s20], $0x4000  }
0x38: {  	[sflag:s20] =	ssyncset.done $0x0  }
0x39: {  	[sflag:s20] =	ssyncadd.s32 $0xFFFFC000  }
0x3a: {  	[spmem:s9] =	stream.linear.scatter [tilespmem:s11], [sflag:$0x3], $0x4000, $0x38;
	[tilespmem:$0x1E800] =	vst v63  }
0x3b: {  	_ =	swait.ge [sflag:s20], $0x4000  }
0x3c: {  	[sflag:s20] =	ssyncset.done $0x0  }
0x3d: {  	[sflag:s20] =	ssyncadd.s32 $0xFFFFC000  }
0x3e: {  	[bflag:$0x0] =	sbarrier.arrive $0xFFFF  }
0x3f: {  	s3 =	rddreg [dreg:$0x4]  }
0x40: {  	[tilespmem:s21], [sflag:$0x3] =	stream.linear.gather [hbm4b:s3+s11], $0x1400, $0x38;
	[tilespmem:$0x1E800] =	vst v63  }
0x41: {  	_ =	swait.ge [sflag:s20], $0x1400  }
0x42: {  	[sflag:s20] =	ssyncset.done $0x0  }
0x43: {  	s12 =	rddreg [dreg:$0x5];
	[sflag:s20] =	ssyncadd.s32 $0xFFFFEC00  }
0x44: {  	[tilespmem:s22], [sflag:$0x3] =	stream.linear.gather [hbm4b:s12+s11], $0x1400, $0x38;
	[tilespmem:$0x1E800] =	vst v63  }
0x45: {  	_ =	swait.ge [sflag:s20], $0x1400  }
0x46: {  	[sflag:s20] =	ssyncset.done $0x0  }
0x47: {  	[sflag:s20] =	ssyncadd.s32 $0xFFFFEC00  }
0x48: {  	[tilespmem:s11], [sflag:$0x1] =	stream.indirect.gather [hbm4b:s4+s23], $0x80, s21, s23, $0xb8;
	[tilespmem:$0x1E800] =	vst v63  }
0x49: {  	s3 =	simm.s32 $0x8080  }
0x4a: {  	[tilespmem:s24], [sflag:$0x2] =	stream.indirect.gather [hbm4b:s4+s23], $0x80, s3, s23, $0xb8;
	[tilespmem:$0x1E800] =	vst v63  }
0x4b: {  	_ =	swait.ge [sflag:s25], $0x4000  }
0x4c: {  	[sflag:s25] =	ssyncset.done $0x0  }
0x4d: {  	s10 =	simm.s32 $0x9400;
	[sflag:s25] =	ssyncadd.s32 $0xFFFFC000  }
0x4e: {  	[spmem:s1] =	stream.indirect.scatter.add.f32 [tilespmem:s2], [sflag:$0x3], $0x80, s10, s23, $0xb8;
	[tilespmem:$0x1E800] =	vst v63  }
0x4f: {  	_ =	swait.ge [sflag:s20], $0x4000  }
0x50: {  	[sflag:s20] =	ssyncset.done $0x0  }
0x51: {  	s11 =	simm.s32 $0x8100;
	[sflag:s20] =	ssyncadd.s32 $0xFFFFC000  }
0x52: {  	[tilespmem:s2], [sflag:$0x1] =	stream.indirect.gather [hbm4b:s4+s23], $0x80, s11, s23, $0xb8;
	[tilespmem:$0x1E800] =	vst v63  }
0x53: {  	_ =	swait.ge [sflag:s26], $0x4000  }
0x54: {  	[sflag:s26] =	ssyncset.done $0x0  }
0x55: {  	s12 =	simm.s32 $0x9480;
	[sflag:s26] =	ssyncadd.s32 $0xFFFFC000  }
0x56: {  	[spmem:s1] =	stream.indirect.scatter.add.f32 [tilespmem:s24], [sflag:$0x3], $0x80, s12, s23, $0xb8;
	[tilespmem:$0x1E800] =	vst v63  }
0x57: {  	_ =	swait.ge [sflag:s20], $0x4000  }
0x58: {  	s0 =	simm.s32 $0x100;
	s3 =	simm.s32 $0x800;
	[sflag:s20] =	ssyncset.done $0x0  }
.LBB2_4:
0x59: {  	s10 =	sadd.s32 $0x8080, s0  }
0x5a: {  	[sflag:s20] =	ssyncadd.s32 $0xFFFFC000;
	s11 =	smov.u32 s3;
	s12 =	sadd.s32 $0x400, s3  }
0x5b: {  	[tilespmem:s24], [sflag:$0x2] =	stream.indirect.gather [hbm4b:s4+s23], $0x80, s10, s23, $0xb8;
	[tilespmem:$0x1E800] =	vst v63  }
0x5c: {  	p0 =	sne.s32 s3, $0x4800;
	_ =	swait.ge [sflag:s25], $0x4000  }
0x5d: {  	[sflag:s25] =	ssyncset.done $0x0  }
0x5e: {  	s3 =	sadd.s32 $0x9400, s0;
	[sflag:s25] =	ssyncadd.s32 $0xFFFFC000  }
0x5f: {  	[spmem:s1] =	stream.indirect.scatter.add.f32 [tilespmem:s2], [sflag:$0x3], $0x80, s3, s23, $0xb8;
	[tilespmem:$0x1E800] =	vst v63  }
0x60: {  	_ =	swait.ge [sflag:s20], $0x4000  }
0x61: {  	[sflag:s20] =	ssyncset.done $0x0  }
0x62: {  	s3 =	sadd.s32 $0x8100, s0;
	[sflag:s20] =	ssyncadd.s32 $0xFFFFC000  }
0x63: {  	[tilespmem:s2], [sflag:$0x1] =	stream.indirect.gather [hbm4b:s4+s23], $0x80, s3, s23, $0xb8;
	[tilespmem:$0x1E800] =	vst v63  }
0x64: {  	_ =	swait.ge [sflag:s26], $0x4000  }
.Ltmp1:
0x65: {  	[sflag:s26] =	ssyncset.done $0x0;
	(pc) =	sbr.rel @p0 .LBB2_4-.Ltmp1, $4  }
0x66: {  	s0 =	sadd.s32 $0x9480, s0;
	[sflag:s26] =	ssyncadd.s32 $0xFFFFC000  }
0x67: {  	[spmem:s1] =	stream.indirect.scatter.add.f32 [tilespmem:s24], [sflag:$0x3], $0x80, s0, s23, $0xb8;
	[tilespmem:$0x1E800] =	vst v63  }
0x68: {  	_ =	swait.ge [sflag:s20], $0x4000  }
0x69: {  	s3 =	smov.u32 s12;
	s0 =	sshra.s32 s11, $0x2;
	[sflag:s20] =	ssyncset.done $0x0  }
0x6a: {  	s3 =	sadd.s32 $0x8080, s0;
	[sflag:s20] =	ssyncadd.s32 $0xFFFFC000  }
0x6b: {  	[tilespmem:s24], [sflag:$0x2] =	stream.indirect.gather [hbm4b:s4+s23], $0x80, s3, s23, $0xb8;
	[tilespmem:$0x1E800] =	vst v63  }
0x6c: {  	_ =	swait.ge [sflag:s25], $0x4000  }
0x6d: {  	[sflag:s25] =	ssyncset.done $0x0  }
0x6e: {  	s11 =	sadd.s32 $0x9400, s0;
	[sflag:s25] =	ssyncadd.s32 $0xFFFFC000  }
0x6f: {  	[spmem:s1] =	stream.indirect.scatter.add.f32 [tilespmem:s2], [sflag:$0x3], $0x80, s11, s23, $0xb8;
	[tilespmem:$0x1E800] =	vst v63  }
0x70: {  	_ =	swait.ge [sflag:s20], $0x4000  }
0x71: {  	[sflag:s20] =	ssyncset.done $0x0  }
0x72: {  	s12 =	sadd.s32 $0x8100, s0;
	[sflag:s20] =	ssyncadd.s32 $0xFFFFC000  }
0x73: {  	[tilespmem:s2], [sflag:$0x1] =	stream.indirect.gather [hbm4b:s4+s23], $0x80, s12, s23, $0xb8;
	[tilespmem:$0x1E800] =	vst v63  }
0x74: {  	_ =	swait.ge [sflag:s26], $0x4000  }
0x75: {  	[sflag:s26] =	ssyncset.done $0x0  }
0x76: {  	s10 =	sadd.s32 $0x9480, s0;
	[sflag:s26] =	ssyncadd.s32 $0xFFFFC000  }
0x77: {  	[spmem:s1] =	stream.indirect.scatter.add.f32 [tilespmem:s24], [sflag:$0x3], $0x80, s10, s23, $0xb8;
	[tilespmem:$0x1E800] =	vst v63  }
0x78: {  	_ =	swait.ge [sflag:s20], $0x4000  }
0x79: {  	[sflag:s20] =	ssyncset.done $0x0  }
0x7a: {  	[sflag:s20] =	ssyncadd.s32 $0xFFFFC000  }
0x7b: {  	[tilespmem:s24], [sflag:$0x2] =	stream.indirect.gather [hbm4b:s4+s23], $0x80, s28, s23, $0xb8;
	[tilespmem:$0x1E800] =	vst v63  }
0x7c: {  	_ =	swait.ge [sflag:s25], $0x4000  }
0x7d: {  	[sflag:s25] =	ssyncset.done $0x0  }
0x7e: {  	s11 =	simm.s32 $0x0;
	[sflag:s25] =	ssyncadd.s32 $0xFFFFC000  }
0x7f: {  	[spmem:s1] =	stream.indirect.scatter.add.f32 [tilespmem:s11], [sflag:$0x3], $0x80, s29, s23, $0xb8;
	[tilespmem:$0x1E800] =	vst v63  }
0x80: {  	_ =	swait.ge [sflag:s20], $0x4000  }
0x81: {  	[sflag:s20] =	ssyncset.done $0x0  }
0x82: {  	[sflag:s20] =	ssyncadd.s32 $0xFFFFC000  }
0x83: {  	_ =	swait.ge [sflag:s26], $0x4000  }
0x84: {  	[sflag:s26] =	ssyncset.done $0x0  }
0x85: {  	[sflag:s26] =	ssyncadd.s32 $0xFFFFC000  }
0x86: {  	[spmem:s1] =	stream.indirect.scatter.add.f32 [tilespmem:s24], [sflag:$0x3], $0x80, s30, s23, $0xb8;
	[tilespmem:$0x1E800] =	vst v63  }
0x87: {  	_ =	swait.ge [sflag:s20], $0x4000  }
0x88: {  	[sflag:s20] =	ssyncset.done $0x0  }
0x89: {  	s12 =	rddreg [dreg:$0x6];
	[sflag:s20] =	ssyncadd.s32 $0xFFFFC000  }
0x8a: {  	[tilespmem:s21], [sflag:$0x3] =	stream.linear.gather [hbm4b:s12+s11], $0x1400, $0x38;
	[tilespmem:$0x1E800] =	vst v63  }
0x8b: {  	_ =	swait.ge [sflag:s20], $0x1400  }
0x8c: {  	[sflag:s20] =	ssyncset.done $0x0  }
0x8d: {  	[sflag:s20] =	ssyncadd.s32 $0xFFFFEC00  }
0x8e: {  	[tilespmem:s22], [sflag:$0x3] =	stream.linear.gather [hbm4b:s13+s11], $0x1400, $0x38;
	[tilespmem:$0x1E800] =	vst v63  }
0x8f: {  	_ =	swait.ge [sflag:s20], $0x1400  }
0x90: {  	[sflag:s20] =	ssyncset.done $0x0  }
0x91: {  	[sflag:s20] =	ssyncadd.s32 $0xFFFFEC00  }
0x92: {  	[tilespmem:s11], [sflag:$0x1] =	stream.indirect.gather [hbm4b:s4+s23], $0x80, s21, s23, $0xb8;
	[tilespmem:$0x1E800] =	vst v63  }
0x93: {  	s3 =	simm.s32 $0x8080  }
0x94: {  	[tilespmem:s24], [sflag:$0x2] =	stream.indirect.gather [hbm4b:s4+s23], $0x80, s3, s23, $0xb8;
	[tilespmem:$0x1E800] =	vst v63  }
0x95: {  	_ =	swait.ge [sflag:s25], $0x4000  }
0x96: {  	[sflag:s25] =	ssyncset.done $0x0  }
0x97: {  	s10 =	simm.s32 $0x9400;
	[sflag:s25] =	ssyncadd.s32 $0xFFFFC000  }
0x98: {  	[spmem:s1] =	stream.indirect.scatter.add.f32 [tilespmem:s2], [sflag:$0x3], $0x80, s10, s23, $0xb8;
	[tilespmem:$0x1E800] =	vst v63  }
0x99: {  	_ =	swait.ge [sflag:s20], $0x4000  }
0x9a: {  	[sflag:s20] =	ssyncset.done $0x0  }
0x9b: {  	s11 =	simm.s32 $0x8100;
	[sflag:s20] =	ssyncadd.s32 $0xFFFFC000  }
0x9c: {  	[tilespmem:s2], [sflag:$0x1] =	stream.indirect.gather [hbm4b:s4+s23], $0x80, s11, s23, $0xb8;
	[tilespmem:$0x1E800] =	vst v63  }
0x9d: {  	_ =	swait.ge [sflag:s26], $0x4000  }
0x9e: {  	[sflag:s26] =	ssyncset.done $0x0  }
0x9f: {  	s12 =	simm.s32 $0x9480;
	[sflag:s26] =	ssyncadd.s32 $0xFFFFC000  }
0xa0: {  	[spmem:s1] =	stream.indirect.scatter.add.f32 [tilespmem:s24], [sflag:$0x3], $0x80, s12, s23, $0xb8;
	[tilespmem:$0x1E800] =	vst v63  }
0xa1: {  	_ =	swait.ge [sflag:s20], $0x4000  }
0xa2: {  	s0 =	simm.s32 $0x100;
	s3 =	simm.s32 $0x800;
	[sflag:s20] =	ssyncset.done $0x0  }
.LBB2_6:
0xa3: {  	s10 =	sadd.s32 $0x8080, s0  }
0xa4: {  	[sflag:s20] =	ssyncadd.s32 $0xFFFFC000;
	s11 =	smov.u32 s3;
	s12 =	sadd.s32 $0x400, s3  }
0xa5: {  	[tilespmem:s24], [sflag:$0x2] =	stream.indirect.gather [hbm4b:s4+s23], $0x80, s10, s23, $0xb8;
	[tilespmem:$0x1E800] =	vst v63  }
0xa6: {  	p0 =	sne.s32 s3, $0x4800;
	_ =	swait.ge [sflag:s25], $0x4000  }
0xa7: {  	[sflag:s25] =	ssyncset.done $0x0  }
0xa8: {  	s3 =	sadd.s32 $0x9400, s0;
	[sflag:s25] =	ssyncadd.s32 $0xFFFFC000  }
0xa9: {  	[spmem:s1] =	stream.indirect.scatter.add.f32 [tilespmem:s2], [sflag:$0x3], $0x80, s3, s23, $0xb8;
	[tilespmem:$0x1E800] =	vst v63  }
0xaa: {  	_ =	swait.ge [sflag:s20], $0x4000  }
0xab: {  	[sflag:s20] =	ssyncset.done $0x0  }
0xac: {  	s3 =	sadd.s32 $0x8100, s0;
	[sflag:s20] =	ssyncadd.s32 $0xFFFFC000  }
0xad: {  	[tilespmem:s2], [sflag:$0x1] =	stream.indirect.gather [hbm4b:s4+s23], $0x80, s3, s23, $0xb8;
	[tilespmem:$0x1E800] =	vst v63  }
0xae: {  	_ =	swait.ge [sflag:s26], $0x4000  }
.Ltmp2:
0xaf: {  	[sflag:s26] =	ssyncset.done $0x0;
	(pc) =	sbr.rel @p0 .LBB2_6-.Ltmp2, $4  }
0xb0: {  	s0 =	sadd.s32 $0x9480, s0;
	[sflag:s26] =	ssyncadd.s32 $0xFFFFC000  }
0xb1: {  	[spmem:s1] =	stream.indirect.scatter.add.f32 [tilespmem:s24], [sflag:$0x3], $0x80, s0, s23, $0xb8;
	[tilespmem:$0x1E800] =	vst v63  }
0xb2: {  	_ =	swait.ge [sflag:s20], $0x4000  }
0xb3: {  	s3 =	smov.u32 s12;
	s0 =	sshra.s32 s11, $0x2;
	[sflag:s20] =	ssyncset.done $0x0  }
0xb4: {  	s3 =	sadd.s32 $0x8080, s0;
	[sflag:s20] =	ssyncadd.s32 $0xFFFFC000  }
0xb5: {  	[tilespmem:s24], [sflag:$0x2] =	stream.indirect.gather [hbm4b:s4+s23], $0x80, s3, s23, $0xb8;
	[tilespmem:$0x1E800] =	vst v63  }
0xb6: {  	_ =	swait.ge [sflag:s25], $0x4000  }
0xb7: {  	[sflag:s25] =	ssyncset.done $0x0  }
0xb8: {  	s11 =	sadd.s32 $0x9400, s0;
	[sflag:s25] =	ssyncadd.s32 $0xFFFFC000  }
0xb9: {  	[spmem:s1] =	stream.indirect.scatter.add.f32 [tilespmem:s2], [sflag:$0x3], $0x80, s11, s23, $0xb8;
	[tilespmem:$0x1E800] =	vst v63  }
0xba: {  	_ =	swait.ge [sflag:s20], $0x4000  }
0xbb: {  	[sflag:s20] =	ssyncset.done $0x0  }
0xbc: {  	s12 =	sadd.s32 $0x8100, s0;
	[sflag:s20] =	ssyncadd.s32 $0xFFFFC000  }
0xbd: {  	[tilespmem:s2], [sflag:$0x1] =	stream.indirect.gather [hbm4b:s4+s23], $0x80, s12, s23, $0xb8;
	[tilespmem:$0x1E800] =	vst v63  }
0xbe: {  	_ =	swait.ge [sflag:s26], $0x4000  }
0xbf: {  	[sflag:s26] =	ssyncset.done $0x0  }
0xc0: {  	s3 =	sadd.s32 $0x9480, s0;
	[sflag:s26] =	ssyncadd.s32 $0xFFFFC000  }
0xc1: {  	[spmem:s1] =	stream.indirect.scatter.add.f32 [tilespmem:s24], [sflag:$0x3], $0x80, s3, s23, $0xb8;
	[tilespmem:$0x1E800] =	vst v63  }
0xc2: {  	_ =	swait.ge [sflag:s20], $0x4000  }
0xc3: {  	[sflag:s20] =	ssyncset.done $0x0  }
0xc4: {  	[sflag:s20] =	ssyncadd.s32 $0xFFFFC000  }
0xc5: {  	[tilespmem:s24], [sflag:$0x2] =	stream.indirect.gather [hbm4b:s4+s23], $0x80, s28, s23, $0xb8;
	[tilespmem:$0x1E800] =	vst v63  }
0xc6: {  	_ =	swait.ge [sflag:s25], $0x4000  }
0xc7: {  	[sflag:s25] =	ssyncset.done $0x0  }
0xc8: {  	[sflag:s25] =	ssyncadd.s32 $0xFFFFC000  }
0xc9: {  	[spmem:s1] =	stream.indirect.scatter.add.f32 [tilespmem:s2], [sflag:$0x3], $0x80, s29, s23, $0xb8;
	[tilespmem:$0x1E800] =	vst v63  }
0xca: {  	_ =	swait.ge [sflag:s20], $0x4000  }
0xcb: {  	[sflag:s20] =	ssyncset.done $0x0  }
0xcc: {  	[sflag:s20] =	ssyncadd.s32 $0xFFFFC000  }
0xcd: {  	_ =	swait.ge [sflag:s26], $0x4000  }
0xce: {  	[sflag:s26] =	ssyncset.done $0x0  }
0xcf: {  	[sflag:s26] =	ssyncadd.s32 $0xFFFFC000  }
0xd0: {  	[spmem:s1] =	stream.indirect.scatter.add.f32 [tilespmem:s24], [sflag:$0x3], $0x80, s30, s23, $0xb8;
	[tilespmem:$0x1E800] =	vst v63  }
0xd1: {  	_ =	swait.ge [sflag:s20], $0x4000  }
0xd2: {  	s10 =	stileid.u32;
	[sflag:s20] =	ssyncset.done $0x0  }
0xd3: {  	s0 =	sshll.u32 s10, $0x6;
	[sflag:s20] =	ssyncadd.s32 $0xFFFFC000  }
0xd4: {  	s0 =	sor.u32 $0x1C03, s0;
	s11 =	sshrl.u32 s5, $0x3;
	[bflag:$0x0] =	sbarrier.arrive $0xFFFF  }
0xd5: {  	[hbm:s14], [sflag:s0] =	dma.local [spmem:s11], $0x800  }
0xd6: {  	_ =	swait.ge [sflag:s20], $0x800  }
0xd7: {  	[sflag:s20] =	ssyncset.done $0x0  }
0xd8: {  	s12 =	sshrl.u32 s6, $0x3;
	[sflag:s20] =	ssyncadd.s32 $0xFFFFF800  }
0xd9: {  	[hbm:s15], [sflag:s0] =	dma.local [spmem:s12], $0x800  }
0xda: {  	_ =	swait.ge [sflag:s20], $0x800  }
0xdb: {  	[sflag:s20] =	ssyncset.done $0x0  }
0xdc: {  	s10 =	sshrl.u32 s7, $0x3;
	[sflag:s20] =	ssyncadd.s32 $0xFFFFF800  }
0xdd: {  	[hbm:s16], [sflag:s0] =	dma.local [spmem:s10], $0x800  }
0xde: {  	_ =	swait.ge [sflag:s20], $0x800  }
0xdf: {  	[sflag:s20] =	ssyncset.done $0x0  }
0xe0: {  	s11 =	sshrl.u32 s8, $0x3;
	[sflag:s20] =	ssyncadd.s32 $0xFFFFF800  }
0xe1: {  	[hbm:s17], [sflag:s0] =	dma.local [spmem:s11], $0x800  }
0xe2: {  	s31 =	sadd.s32 $0x1, s31;
	_ =	swait.ge [sflag:s20], $0x800  }
0xe3: {  	p0 =	sne.s32 s31, s19;
	[sflag:s20] =	ssyncset.done $0x0  }
.Ltmp3:
0xe4: {  	s12 =	sshrl.u32 s9, $0x3;
	[sflag:s20] =	ssyncadd.s32 $0xFFFFF800;
	(pc) =	sbr.rel @p0 .LBB2_1-.Ltmp3, $4  }
0xe5: {  	[hbm:s18], [sflag:s0] =	dma.local [spmem:s12], $0x800  }
0xe6: {  	_ =	swait.ge [sflag:s20], $0x800  }
0xe7: {  	[sflag:s20] =	ssyncset.done $0x0  }
0xe8: {  	[sflag:s20] =	ssyncadd.s32 $0xFFFFF800  }
0xe9: {  	_ =	sfence.sel $0x180000  }
0xea: {  	[bflag:$0x0] =	sbarrier.arrive $0xFFFF  }
0xeb: {  	_ =	strace $0x9000004D  }
0xec: {  	s0 =	stileid.u32;
	[bflag:$0x2] =	sbarrier.arrive $0xFFFF  }
0xed: {  	p0 =	sne.s32 s0, $0x0;
	s0 =	rddreg [dreg:$0x3]  }
0xee: {  	s0 =	sadd.s32 @!p0 $0x100000, s0  }
0xef: {  	[sflag:s0] =	ssyncadd.tile.s32 @!p0 $0x1;
	_ =	shalt  }
.Lfunc_end2:
_tile_overlayer_lowered:
.L_overlay_start_2:
0xf0: {  	(tag) =	ssettag $0x2  }
0xf1: {  	s0 =	rddreg [dreg:$0x0];
	s2 =	stileid.u32  }
0xf2: {  	s1 =	rddreg [dreg:$0x1];
	p0 =	sne.s32 s2, $0x0  }
0xf3: {  	s3 =	rddreg [dreg:$0x2];
	[bflag:$0x3] =	sbarrier.arrive $0xFFFF;
	s2 =	simm.s32 @!p0 $0x1C03  }
0xf4: {  	[timem:s3], [sflag:s2] =	dma.local @!p0 [hbm:s0], s1  }
0xf5: {  	s0 =	simm.s32 @!p0 $0x3  }
0xf6: {  	_ =	swait.ge @!p0 [sflag:s0], s1  }
0xf7: {  	s1 =	ssub.s32 @!p0 $0x0, s1;
	[sflag:s0] =	ssyncset.done @!p0 $0x0  }
0xf8: {  	[sflag:s0] =	ssyncadd.s32 @!p0 s1  }
0xf9: {  	[bflag:$0x3] =	sbarrier.arrive $0xFFFF  }
0xfa: {  	_ =	shalt  }

// kernel: kernel.26.cloned.1.call-start
scs
__scs_entry_jumppad:
0x0: {  	(pc) =	sbr.rel $0x88, $3  }
0x1: {  	(tag) =	ssettag $0x0;
	lr =	simm.s32 $0x1  }
0x2: {  	[smem:$0x3F8F] =	sst lr;
	_ =	strace $0xD0000000  }
0x3: {  	_ = 	snop  }
0x4: {  	_ = 	snop  }
0x5: {  	_ = 	snop  }
0x6: {  	_ = 	snop  }
0x7: {  	_ = 	snop  }
__scs_overlays_trampoline_lowered:
0x8: {  	[smem:$0x3F9E] =	sst s0  }
0x9: {  	[smem:$0x3F9F] =	sst s1  }
0xa: {  	[smem:$0x3FA0] =	sst s2  }
0xb: {  	[smem:$0x3FA1] =	sst s3  }
0xc: {  	[smem:$0x3FA2] =	sst s4  }
0xd: {  	[smem:$0x3FA3] =	sst s5  }
0xe: {  	[smem:$0x3FA4] =	sst s6  }
0xf: {  	[smem:$0x3FA5] =	sst s7  }
0x10: {  	[smem:$0x3FA6] =	sst s8  }
0x11: {  	[smem:$0x3FA7] =	sst s9;
	s0 =	simm.s32 @!p0 $0x0  }
0x12: {  	s1 =	sld [smem:$0x3F8D];
	s0 =	simm.s32 @p0 $0x1  }
0x13: {  	[smem:$0x3FA8] =	sst s0;
	s0 =	simm.s32 @!p1 $0x0  }
0x14: {  	s2 =	sld [smem:$0x3F8C];
	s0 =	simm.s32 @p1 $0x1  }
0x15: {  	[smem:$0x3FA9] =	sst s0;
	s0 =	simm.s32 @!p2 $0x0  }
0x16: {  	s3 =	sld [smem:$0x3FDB];
	s0 =	simm.s32 @p2 $0x1  }
0x17: {  	s4 =	simm.s32 $0x1BF5;
	[smem:$0x3FAB] =	sst s0  }
0x18: {  	s0 =	sld [smem:$0x3F8E];
	_ =	swait.ge [sflag:s4], $0x0  }
0x19: {  	s7 =	sld [smem:$0x3F8F]  }
0x1a: {  	s8 =	sadd.s32 $0xFFFFE003, lr  }
0x1b: {  	s9 =	sadd.s32 $0xFFFFFEF7, lr;
	s5 =	simm.s32 $0xFFFFFFFF;
	p2 =	slt.u32 s8, $0xFFFFF086  }
0x1c: {  	p1 =	slt.u32 s9, $0xF7A;
	s5 =	simm.s32 @!p2 $0x0  }
0x1d: {  	s5 =	simm.s32 @p1 $0x1;
	p0 =	seq.s32 s7, s2  }
0x1e: {  	s7 =	smul.u32 @!p0 $0xF7A, s2;
	p2 =	seq.s32 @!p0 s5, $0x0  }
0x1f: {  	s9 =	smul.u32 $0xF7A, s1;
	s8 =	simm.s32 @!p0 $0x1BF5;
	p2 =	por !p2, p0  }
0x20: {  	[sflag:s8] =	ssyncset.s32 @!p0 $0xFFFFF086;
	s6 =	sadd.s32 @!p0 s3, s7;
	s7 =	simm.s32 @!p0 $0x108  }
0x21: {  	s3 =	sadd.s32 s3, s9;
	s6 =	sadd.s32 @!p0 $0x88, s6;
	s7 =	simm.s32 @p2 $0x1082  }
0x22: {  	[simem:s7], [sflag:s8] =	dma.local @!p0 [hbm:s6], $0xF7A  }
0x23: {  	s9 =	sor.u32 $0xD0000000, s2;
	s6 =	simm.s32 $0x108;
	_ =	swait.ge @!p0 [sflag:s8], $0x0  }
0x24: {  	s3 =	sadd.s32 $0x88, s3;
	s6 =	simm.s32 @!p1 $0x1082;
	[sflag:s4] =	ssyncset.s32 $0xFFFFF086  }
0x25: {  	[simem:s6], [sflag:s4] =	dma.local [hbm:s3], $0xF7A  }
0x26: {  	[smem:$0x3F8F] =	sst s1;
	(tag) =	ssettag s2;
	_ =	strace s9  }
0x27: {  	s1 =	sld [smem:$0x3F9F]  }
0x28: {  	s2 =	sld [smem:$0x3FA0]  }
0x29: {  	s4 =	sld [smem:$0x3FA2]  }
0x2a: {  	p0 =	seq.s32 s5, $0x0;
	s5 =	sld [smem:$0x3FA3]  }
0x2b: {  	s6 =	sld [smem:$0x3FA4]  }
0x2c: {  	s7 =	sld [smem:$0x3FA5]  }
0x2d: {  	s3 =	simm.s32 $0x108;
	s8 =	sld [smem:$0x3FA6]  }
0x2e: {  	s3 =	simm.s32 @!p0 $0x1082;
	s9 =	sld [smem:$0x3FA7]  }
0x2f: {  	lr =	sadd.s32 s0, s3;
	s0 =	sld [smem:$0x3F9E]  }
0x30: {  	s3 =	sld [smem:$0x3FA1]  }
0x31: {  	[smem:$0x3FAA] =	sst s10  }
0x32: {  	s10 =	sld [smem:$0x3FA8];
	_ =	sdelay $0x3  }
0x33: {  	p0 =	seq.s32 s10, $0x1;
	s10 =	sld [smem:$0x3FAA];
	_ =	sdelay $0x3  }
0x34: {  	[smem:$0x3FAA] =	sst s10  }
0x35: {  	s10 =	sld [smem:$0x3FA9];
	_ =	sdelay $0x3  }
0x36: {  	p1 =	seq.s32 s10, $0x1;
	s10 =	sld [smem:$0x3FAA];
	_ =	sdelay $0x3  }
0x37: {  	[smem:$0x3FAA] =	sst s10  }
0x38: {  	s10 =	sld [smem:$0x3FAB]  }
0x39: {  	_ = 	snop;
	(pc) =	sbr.ind lr, $3  }
0x3a: {  	_ = 	snop  }
0x3b: {  	_ = 	snop  }
0x3c: {  	p2 =	seq.s32 s10, $0x1;
	s10 =	sld [smem:$0x3FAA]  }
0x3d: {  	_ =	shalt  }
0x3e: {  	_ =	shalt  }
0x3f: {  	_ =	shalt  }
0x40: {  	_ =	shalt  }
0x41: {  	_ =	shalt  }
0x42: {  	_ =	shalt  }
0x43: {  	_ =	shalt  }
0x44: {  	_ =	shalt  }
0x45: {  	_ =	shalt  }
0x46: {  	_ =	shalt  }
0x47: {  	_ =	shalt  }
0x48: {  	_ =	shalt  }
0x49: {  	_ =	shalt  }
0x4a: {  	_ =	shalt  }
0x4b: {  	_ =	shalt  }
0x4c: {  	_ =	shalt  }
0x4d: {  	_ =	shalt  }
0x4e: {  	_ =	shalt  }
0x4f: {  	_ =	shalt  }
0x50: {  	_ =	shalt  }
0x51: {  	_ =	shalt  }
0x52: {  	_ =	shalt  }
0x53: {  	_ =	shalt  }
0x54: {  	_ =	shalt  }
0x55: {  	_ =	shalt  }
0x56: {  	_ =	shalt  }
0x57: {  	_ =	shalt  }
0x58: {  	_ =	shalt  }
0x59: {  	_ =	shalt  }
0x5a: {  	_ =	shalt  }
0x5b: {  	_ =	shalt  }
0x5c: {  	_ =	shalt  }
0x5d: {  	_ =	shalt  }
0x5e: {  	_ =	shalt  }
0x5f: {  	_ =	shalt  }
0x60: {  	_ =	shalt  }
0x61: {  	_ =	shalt  }
0x62: {  	_ =	shalt  }
0x63: {  	_ =	shalt  }
0x64: {  	_ =	shalt  }
0x65: {  	_ =	shalt  }
0x66: {  	_ =	shalt  }
0x67: {  	_ =	shalt  }
0x68: {  	_ =	shalt  }
0x69: {  	_ =	shalt  }
0x6a: {  	_ =	shalt  }
0x6b: {  	_ =	shalt  }
0x6c: {  	_ =	shalt  }
0x6d: {  	_ =	shalt  }
0x6e: {  	_ =	shalt  }
0x6f: {  	_ =	shalt  }
0x70: {  	_ =	shalt  }
0x71: {  	_ =	shalt  }
0x72: {  	_ =	shalt  }
0x73: {  	_ =	shalt  }
0x74: {  	_ =	shalt  }
0x75: {  	_ =	shalt  }
0x76: {  	_ =	shalt  }
0x77: {  	_ =	shalt  }
0x78: {  	_ =	shalt  }
0x79: {  	_ =	shalt  }
0x7a: {  	_ =	shalt  }
0x7b: {  	_ =	shalt  }
0x7c: {  	_ =	shalt  }
0x7d: {  	_ =	shalt  }
0x7e: {  	_ =	shalt  }
0x7f: {  	_ =	shalt  }
0x80: {  	_ =	shalt  }
0x81: {  	_ =	shalt  }
0x82: {  	_ =	shalt  }
0x83: {  	_ =	shalt  }
0x84: {  	_ =	shalt  }
0x85: {  	_ =	shalt  }
0x86: {  	_ =	shalt  }
0x87: {  	_ =	shalt  }
.Lfunc_end0:
.L_simem_size_0:
called_computation.3_lowered:
.L_overlay_start_0:
0x88: {  	s2 =	sld [smem:$0x3FD9]  }
0x89: {  	s3 =	sld [smem:$0x3FFE];
	_ =	sdelay $0x1  }
0x8a: {  	s1 =	srdreg.scid  }
0x8b: {  	s0 =	sand.u32 $0x1, s1  }
0x8c: {  	s17 =	sshll.u32 s0, $0xA;
	s2 =	sadd.s32 s3, s2  }
0x8d: {  	s2 =	sadd.s32 s2, s17  }
0x8e: {  	[smem:$0x3FB6] =	sst s2  }
0x8f: {  	_ = 	snop  }
0x90: {  	s2 =	sld [smem:$0x3FD0];
	(tm) =	ssettm $0x1  }
0x91: {  	s18 =	sld [smem:$0x3FFB];
	_ =	sdelay $0x3  }
0x92: {  	_ =	strace s18  }
0x93: {  	s3 =	sld [smem:$0x3FFC];
	_ =	sdelay $0x3  }
0x94: {  	_ =	strace s3  }
0x95: {  	s3 =	sld [smem:$0x3FFD];
	_ =	sdelay $0x3  }
0x96: {  	_ =	strace s3  }
0x97: {  	_ =	strace $0x8FFFFFFF  }
0x98: {  	s19 =	sld [smem:$0x3FDB];
	_ =	sdelay $0x1  }
0x99: {  	s4 =	simm.s32 $_scs_section_size  }
0x9a: {  	s5 =	simm.s32 $_size__tile_overlayer_lowered;
	s6 =	simm.s32 $_tile_overlayer_lowered  }
0x9b: {  	s22 =	simm.s32 $0x1BFF;
	s21 =	sshll.u32 s6, $0x1;
	s3 =	sadd.s32 s4, s19  }
0x9c: {  	s7 =	simm.s32 $0x0;
	s20 =	sshll.u32 s5, $0x1;
	s5 =	sadd.s32 s21, s3  }
0x9d: {  	[timem:s7], [sflag:s22] =	dma.local [hbm:s5], s20  }
0x9e: {  	_ =	swait.ge [sflag:s22], s20  }
0x9f: {  	s4 =	ssub.s32 $0x0, s20;
	[sflag:s22] =	ssyncset.done $0x0  }
0xa0: {  	[sflag:s22] =	ssyncadd.s32 s4;
	_ =	sdelay $0x1  }
0xa1: {  	s23 =	simm.s32 $0x1B8B  }
0xa2: {  	_ =	swait.ge [sflag:s23], $0x1  }
0xa3: {  	[sflag:s23] =	ssyncset.done $0x0  }
0xa4: {  	s25 =	simm.s32 $0x1B8E;
	s24 =	sld [smem:$0x3FFE];
	[sflag:s23] =	ssyncadd.s32 $0xFFFFFFFF  }
0xa5: {  	s26 =	simm.s32 $execute0_lowered;
	[smem:$0x3FD2] =	sst s25  }
0xa6: {  	s5 =	sshll.u32 s26, $0x1;
	_ =	strace $0x8000004F;
	[dreg:$0x1] =	wrdreg $0xFFFFFFFF  }
0xa7: {  	s28 =	simm.s32 $_size_execute0_lowered;
	s3 =	sadd.s32 s3, s5;
	[dreg:$0x0] =	wrdreg $0x0  }
0xa8: {  	s5 =	sshll.u32 s28, $0x1;
	[dreg:$0x2] =	wrdreg s3  }
0xa9: {  	[dreg:$0x3] =	wrdreg s5  }
0xaa: {  	[dreg:$0x4] =	wrdreg $0xC0  }
0xab: {  	_ =	task [dreg:s7], $0x5FFFF  }
0xac: {  	[dreg:$0x1] =	wrdreg $0xFFFFFFFF  }
0xad: {  	[dreg:$0x0] =	wrdreg $0x60  }
0xae: {  	[dreg:$0x2] =	wrdreg s24  }
0xaf: {  	[dreg:$0x3] =	wrdreg s2  }
0xb0: {  	[dreg:$0x4] =	wrdreg $0xA8000  }
0xb1: {  	[dreg:$0x5] =	wrdreg $0x9  }
0xb2: {  	_ =	task.clear_ibuf [dreg:s7], $0x6FFFF;
	_ =	strace $0x9000004F  }
0xb3: {  	s29 =	simm.s32 $0x9;
	_ =	strace $0x80000051  }
0xb4: {  	_ =	swait.ge [sflag:s29], $0x1  }
0xb5: {  	[sflag:s29] =	ssyncadd.s32 $0xFFFFFFFF  }
0xb6: {  	_ =	strace $0x90000051  }
0xb7: {  	_ =	sfence  }
0xb8: {  	s30 =	sld [smem:$0x0];
	_ =	sdelay $0x2  }
0xb9: {  	s31 =	sshll.u32 s1, $0xD;
	s1 =	sshrl.u32 s1, $0x2  }
0xba: {  	s3 =	sand.u32 $0x4000, s31;
	s1 =	sadd.s32 s1, s30  }
0xbb: {  	s0 =	sor.u32 s3, s0;
	s1 =	sshll.u32 s1, $0x11  }
0xbc: {  	s0 =	sor.u32 s1, s0  }
0xbd: {  	s0 =	sadd.s32 $0x8F2B, s0  }
0xbe: {  	[sflag:s0] =	ssyncadd.remote.s32 $0x1  }
0xbf: {  	_ =	sfence.sel $0xFFFF  }
0xc0: {  	[dreg:$0x0] =	wrdreg $0xFFFFFFFF;
	(pc) =	sbr.abs _section_cstart, $3  }
0xc1: {  	[dreg:$0x1] =	wrdreg $0xFFFFFFFF  }
0xc2: {  	_ =	task.clear_ibuf [dreg:s7], $0x2FFFF;
	_ =	strace $0x9FFFFFFF  }
0xc3: {  	(tm) =	ssettm $0x7FFFFFFF  }
tec
execute0_lowered:
.L_overlay_start_1:
0x0: {  	(tag) =	ssettag $0x1  }
0x1: {  	s0 =	rddreg [dreg:$0x0]  }
0x2: {  	s3 =	rddreg [dreg:$0x1]  }
0x3: {  	s1 =	rddreg [dreg:$0x2];
	s2 =	simm.s32 $0x0;
	s5 =	srdreg.scid  }
0x4: {  	s9 =	stileid.u32;
	s28 =	simm.s32 $0x9380;
	s29 =	simm.s32 $0xA700  }
0x5: {  	s30 =	simm.s32 $0xA780;
	s31 =	simm.s32 $0x0;
	[smem:$0x7FF] =	sst s2  }
0x6: {  	s4 =	sadd.s32 $0xF000, s0;
	s13 =	sadd.s32 $0x5000, s0;
	s6 =	smul.u32 $0x50000, s9  }
0x7: {  	s10 =	sand.u32 $0x1, s5;
	s0 =	sadd.s32 $0x37000, s0;
	s12 =	smul.u32 $0x14000, s9  }
0x8: {  	_ =	strace $0x80000050;
	s5 =	ssub.s32 $0x2, s10;
	s8 =	sshll.u32 s10, $0x4  }
0x9: {  	s20 =	smul.u32 $0x140000, s10;
	s7 =	sshrl.u32 s5, $0x1;
	s8 =	sor.u32 s9, s8  }
0xa: {  	s25 =	sshrl.u32 s6, $0x2;
	s14 =	sadd.s32 $0x4000, s12;
	s16 =	sadd.s32 $0x8000, s12  }
0xb: {  	s17 =	sadd.s32 $0xC000, s12;
	s18 =	sadd.s32 $0x10000, s12;
	s19 =	ssub.s32 s5, s7  }
0xc: {  	s5 =	sadd.s32 s25, s1;
	s6 =	sadd.s32 s14, s1;
	s11 =	smul.u32 $0x500, s8  }
0xd: {  	s7 =	sadd.s32 s16, s1;
	s15 =	smul.u32 $0x2800, s8;
	s8 =	sadd.s32 s17, s1  }
0xe: {  	s9 =	sadd.s32 s18, s1;
	s21 =	sadd.s32 s12, s20;
	s14 =	sadd.s32 s20, s14  }
0xf: {  	s23 =	sadd.s32 s20, s16;
	s24 =	sadd.s32 s20, s17;
	s25 =	sadd.s32 s20, s18  }
0x10: {  	s21 =	sshrl.u32 s21, $0x3;
	s22 =	sshrl.u32 s14, $0x3;
	s20 =	sshrl.u32 s25, $0x3  }
0x11: {  	s19 =	smax.u32 s19, $0x1;
	s25 =	simm.s32 $0x1;
	s26 =	sadd.s32 s3, s11  }
0x12: {  	s11 =	sadd.s32 s13, s11;
	s15 =	sshrl.u32 s15, $0x3;
	s14 =	sadd.s32 s0, s21  }
0x13: {  	s18 =	sadd.s32 s0, s20;
	s20 =	simm.s32 $0x3;
	[dreg:$0x4] =	wrdreg s26  }
0x14: {  	s21 =	simm.s32 $0x8000;
	[dreg:$0x5] =	wrdreg s11;
	s15 =	sadd.s32 $0x280, s15  }
0x15: {  	s26 =	sshrl.u32 s24, $0x3;
	s24 =	simm.s32 $0x4000;
	s3 =	sadd.s32 s3, s15  }
0x16: {  	s13 =	sadd.s32 s13, s15;
	s15 =	sadd.s32 s0, s22;
	s17 =	sadd.s32 s0, s26  }
0x17: {  	s22 =	simm.s32 $0x9400;
	[dreg:$0x6] =	wrdreg s3;
	s3 =	sshrl.u32 s23, $0x3  }
0x18: {  	v0 =	vimm.f32 $0.0e+00;
	s26 =	simm.s32 $0x2;
	s23 =	simm.s32 $0x80;
	s16 =	sadd.s32 s0, s3  }
.LBB2_1:
0x19: {  	s0 =	simm.s32 $0x0;
	s3 =	simm.s32 $0x200  }
.LBB2_2:
0x1a: {  	p0 =	sne.s32 s3, $0xFE00;
	[tilespmem:s0+$0x70] =	vst v0  }
0x1b: {  	[tilespmem:s0+$0x0] =	vst v0  }
0x1c: {  	[tilespmem:s0+$0x10] =	vst v0  }
.Ltmp0:
0x1d: {  	[tilespmem:s0+$0x20] =	vst v0;
	(pc) =	sbr.rel @p0 .LBB2_2-.Ltmp0, $4  }
0x1e: {  	[tilespmem:s0+$0x30] =	vst v0  }
0x1f: {  	[tilespmem:s0+$0x40] =	vst v0  }
0x20: {  	[tilespmem:s0+$0x50] =	vst v0  }
0x21: {  	[tilespmem:s0+$0x60] =	vst v0;
	s0 =	sshra.s32 s3, $0x2;
	s3 =	sadd.s32 $0x200, s3  }
0x22: {  	[tilespmem:s0+$0x70] =	vst v0  }
0x23: {  	[tilespmem:s0+$0x0] =	vst v0  }
0x24: {  	[tilespmem:s0+$0x10] =	vst v0  }
0x25: {  	[tilespmem:s0+$0x20] =	vst v0  }
0x26: {  	[tilespmem:s0+$0x30] =	vst v0  }
0x27: {  	[tilespmem:s0+$0x40] =	vst v0  }
0x28: {  	[tilespmem:s0+$0x50] =	vst v0  }
0x29: {  	[tilespmem:s0+$0x60] =	vst v0;
	s11 =	simm.s32 $0x0  }
0x2a: {  	[spmem:s5] =	stream.linear.scatter [tilespmem:s11], [sflag:$0x3], $0x4000, $0x38;
	[tilespmem:$0x1E800] =	vst v63  }
0x2b: {  	_ =	swait.ge [sflag:s20], $0x4000  }
0x2c: {  	[sflag:s20] =	ssyncset.done $0x0  }
0x2d: {  	[sflag:s20] =	ssyncadd.s32 $0xFFFFC000  }
0x2e: {  	[spmem:s6] =	stream.linear.scatter [tilespmem:s11], [sflag:$0x3], $0x4000, $0x38;
	[tilespmem:$0x1E800] =	vst v63  }
0x2f: {  	_ =	swait.ge [sflag:s20], $0x4000  }
0x30: {  	[sflag:s20] =	ssyncset.done $0x0  }
0x31: {  	[sflag:s20] =	ssyncadd.s32 $0xFFFFC000  }
0x32: {  	[spmem:s7] =	stream.linear.scatter [tilespmem:s11], [sflag:$0x3], $0x4000, $0x38;
	[tilespmem:$0x1E800] =	vst v63  }
0x33: {  	_ =	swait.ge [sflag:s20], $0x4000  }
0x34: {  	[sflag:s20] =	ssyncset.done $0x0  }
0x35: {  	[sflag:s20] =	ssyncadd.s32 $0xFFFFC000  }
0x36: {  	[spmem:s8] =	stream.linear.scatter [tilespmem:s11], [sflag:$0x3], $0x4000, $0x38;
	[tilespmem:$0x1E800] =	vst v63  }
0x37: {  	_ =	swait.ge [sflag:s20], $0x4000  }
0x38: {  	[sflag:s20] =	ssyncset.done $0x0  }
0x39: {  	[sflag:s20] =	ssyncadd.s32 $0xFFFFC000  }
0x3a: {  	[spmem:s9] =	stream.linear.scatter [tilespmem:s11], [sflag:$0x3], $0x4000, $0x38;
	[tilespmem:$0x1E800] =	vst v63  }
0x3b: {  	_ =	swait.ge [sflag:s20], $0x4000  }
0x3c: {  	[sflag:s20] =	ssyncset.done $0x0  }
0x3d: {  	[sflag:s20] =	ssyncadd.s32 $0xFFFFC000  }
0x3e: {  	[bflag:$0x0] =	sbarrier.arrive $0xFFFF  }
0x3f: {  	s3 =	rddreg [dreg:$0x4]  }
0x40: {  	[tilespmem:s21], [sflag:$0x3] =	stream.linear.gather [hbm4b:s3+s11], $0x1400, $0x38;
	[tilespmem:$0x1E800] =	vst v63  }
0x41: {  	_ =	swait.ge [sflag:s20], $0x1400  }
0x42: {  	[sflag:s20] =	ssyncset.done $0x0  }
0x43: {  	s12 =	rddreg [dreg:$0x5];
	[sflag:s20] =	ssyncadd.s32 $0xFFFFEC00  }
0x44: {  	[tilespmem:s22], [sflag:$0x3] =	stream.linear.gather [hbm4b:s12+s11], $0x1400, $0x38;
	[tilespmem:$0x1E800] =	vst v63  }
0x45: {  	_ =	swait.ge [sflag:s20], $0x1400  }
0x46: {  	[sflag:s20] =	ssyncset.done $0x0  }
0x47: {  	[sflag:s20] =	ssyncadd.s32 $0xFFFFEC00  }
0x48: {  	[tilespmem:s11], [sflag:$0x1] =	stream.indirect.gather [hbm4b:s4+s23], $0x80, s21, s23, $0xb8;
	[tilespmem:$0x1E800] =	vst v63  }
0x49: {  	s3 =	simm.s32 $0x8080  }
0x4a: {  	[tilespmem:s24], [sflag:$0x2] =	stream.indirect.gather [hbm4b:s4+s23], $0x80, s3, s23, $0xb8;
	[tilespmem:$0x1E800] =	vst v63  }
0x4b: {  	_ =	swait.ge [sflag:s25], $0x4000  }
0x4c: {  	[sflag:s25] =	ssyncset.done $0x0  }
0x4d: {  	s10 =	simm.s32 $0x9400;
	[sflag:s25] =	ssyncadd.s32 $0xFFFFC000  }
0x4e: {  	[spmem:s1] =	stream.indirect.scatter.add.f32 [tilespmem:s2], [sflag:$0x3], $0x80, s10, s23, $0xb8;
	[tilespmem:$0x1E800] =	vst v63  }
0x4f: {  	_ =	swait.ge [sflag:s20], $0x4000  }
0x50: {  	[sflag:s20] =	ssyncset.done $0x0  }
0x51: {  	s11 =	simm.s32 $0x8100;
	[sflag:s20] =	ssyncadd.s32 $0xFFFFC000  }
0x52: {  	[tilespmem:s2], [sflag:$0x1] =	stream.indirect.gather [hbm4b:s4+s23], $0x80, s11, s23, $0xb8;
	[tilespmem:$0x1E800] =	vst v63  }
0x53: {  	_ =	swait.ge [sflag:s26], $0x4000  }
0x54: {  	[sflag:s26] =	ssyncset.done $0x0  }
0x55: {  	s12 =	simm.s32 $0x9480;
	[sflag:s26] =	ssyncadd.s32 $0xFFFFC000  }
0x56: {  	[spmem:s1] =	stream.indirect.scatter.add.f32 [tilespmem:s24], [sflag:$0x3], $0x80, s12, s23, $0xb8;
	[tilespmem:$0x1E800] =	vst v63  }
0x57: {  	_ =	swait.ge [sflag:s20], $0x4000  }
0x58: {  	s0 =	simm.s32 $0x100;
	s3 =	simm.s32 $0x800;
	[sflag:s20] =	ssyncset.done $0x0  }
.LBB2_4:
0x59: {  	s10 =	sadd.s32 $0x8080, s0  }
0x5a: {  	[sflag:s20] =	ssyncadd.s32 $0xFFFFC000;
	s11 =	smov.u32 s3;
	s12 =	sadd.s32 $0x400, s3  }
0x5b: {  	[tilespmem:s24], [sflag:$0x2] =	stream.indirect.gather [hbm4b:s4+s23], $0x80, s10, s23, $0xb8;
	[tilespmem:$0x1E800] =	vst v63  }
0x5c: {  	p0 =	sne.s32 s3, $0x4800;
	_ =	swait.ge [sflag:s25], $0x4000  }
0x5d: {  	[sflag:s25] =	ssyncset.done $0x0  }
0x5e: {  	s3 =	sadd.s32 $0x9400, s0;
	[sflag:s25] =	ssyncadd.s32 $0xFFFFC000  }
0x5f: {  	[spmem:s1] =	stream.indirect.scatter.add.f32 [tilespmem:s2], [sflag:$0x3], $0x80, s3, s23, $0xb8;
	[tilespmem:$0x1E800] =	vst v63  }
0x60: {  	_ =	swait.ge [sflag:s20], $0x4000  }
0x61: {  	[sflag:s20] =	ssyncset.done $0x0  }
0x62: {  	s3 =	sadd.s32 $0x8100, s0;
	[sflag:s20] =	ssyncadd.s32 $0xFFFFC000  }
0x63: {  	[tilespmem:s2], [sflag:$0x1] =	stream.indirect.gather [hbm4b:s4+s23], $0x80, s3, s23, $0xb8;
	[tilespmem:$0x1E800] =	vst v63  }
0x64: {  	_ =	swait.ge [sflag:s26], $0x4000  }
.Ltmp1:
0x65: {  	[sflag:s26] =	ssyncset.done $0x0;
	(pc) =	sbr.rel @p0 .LBB2_4-.Ltmp1, $4  }
0x66: {  	s0 =	sadd.s32 $0x9480, s0;
	[sflag:s26] =	ssyncadd.s32 $0xFFFFC000  }
0x67: {  	[spmem:s1] =	stream.indirect.scatter.add.f32 [tilespmem:s24], [sflag:$0x3], $0x80, s0, s23, $0xb8;
	[tilespmem:$0x1E800] =	vst v63  }
0x68: {  	_ =	swait.ge [sflag:s20], $0x4000  }
0x69: {  	s3 =	smov.u32 s12;
	s0 =	sshra.s32 s11, $0x2;
	[sflag:s20] =	ssyncset.done $0x0  }
0x6a: {  	s3 =	sadd.s32 $0x8080, s0;
	[sflag:s20] =	ssyncadd.s32 $0xFFFFC000  }
0x6b: {  	[tilespmem:s24], [sflag:$0x2] =	stream.indirect.gather [hbm4b:s4+s23], $0x80, s3, s23, $0xb8;
	[tilespmem:$0x1E800] =	vst v63  }
0x6c: {  	_ =	swait.ge [sflag:s25], $0x4000  }
0x6d: {  	[sflag:s25] =	ssyncset.done $0x0  }
0x6e: {  	s11 =	sadd.s32 $0x9400, s0;
	[sflag:s25] =	ssyncadd.s32 $0xFFFFC000  }
0x6f: {  	[spmem:s1] =	stream.indirect.scatter.add.f32 [tilespmem:s2], [sflag:$0x3], $0x80, s11, s23, $0xb8;
	[tilespmem:$0x1E800] =	vst v63  }
0x70: {  	_ =	swait.ge [sflag:s20], $0x4000  }
0x71: {  	[sflag:s20] =	ssyncset.done $0x0  }
0x72: {  	s12 =	sadd.s32 $0x8100, s0;
	[sflag:s20] =	ssyncadd.s32 $0xFFFFC000  }
0x73: {  	[tilespmem:s2], [sflag:$0x1] =	stream.indirect.gather [hbm4b:s4+s23], $0x80, s12, s23, $0xb8;
	[tilespmem:$0x1E800] =	vst v63  }
0x74: {  	_ =	swait.ge [sflag:s26], $0x4000  }
0x75: {  	[sflag:s26] =	ssyncset.done $0x0  }
0x76: {  	s10 =	sadd.s32 $0x9480, s0;
	[sflag:s26] =	ssyncadd.s32 $0xFFFFC000  }
0x77: {  	[spmem:s1] =	stream.indirect.scatter.add.f32 [tilespmem:s24], [sflag:$0x3], $0x80, s10, s23, $0xb8;
	[tilespmem:$0x1E800] =	vst v63  }
0x78: {  	_ =	swait.ge [sflag:s20], $0x4000  }
0x79: {  	[sflag:s20] =	ssyncset.done $0x0  }
0x7a: {  	[sflag:s20] =	ssyncadd.s32 $0xFFFFC000  }
0x7b: {  	[tilespmem:s24], [sflag:$0x2] =	stream.indirect.gather [hbm4b:s4+s23], $0x80, s28, s23, $0xb8;
	[tilespmem:$0x1E800] =	vst v63  }
0x7c: {  	_ =	swait.ge [sflag:s25], $0x4000  }
0x7d: {  	[sflag:s25] =	ssyncset.done $0x0  }
0x7e: {  	s11 =	simm.s32 $0x0;
	[sflag:s25] =	ssyncadd.s32 $0xFFFFC000  }
0x7f: {  	[spmem:s1] =	stream.indirect.scatter.add.f32 [tilespmem:s11], [sflag:$0x3], $0x80, s29, s23, $0xb8;
	[tilespmem:$0x1E800] =	vst v63  }
0x80: {  	_ =	swait.ge [sflag:s20], $0x4000  }
0x81: {  	[sflag:s20] =	ssyncset.done $0x0  }
0x82: {  	[sflag:s20] =	ssyncadd.s32 $0xFFFFC000  }
0x83: {  	_ =	swait.ge [sflag:s26], $0x4000  }
0x84: {  	[sflag:s26] =	ssyncset.done $0x0  }
0x85: {  	[sflag:s26] =	ssyncadd.s32 $0xFFFFC000  }
0x86: {  	[spmem:s1] =	stream.indirect.scatter.add.f32 [tilespmem:s24], [sflag:$0x3], $0x80, s30, s23, $0xb8;
	[tilespmem:$0x1E800] =	vst v63  }
0x87: {  	_ =	swait.ge [sflag:s20], $0x4000  }
0x88: {  	[sflag:s20] =	ssyncset.done $0x0  }
0x89: {  	s12 =	rddreg [dreg:$0x6];
	[sflag:s20] =	ssyncadd.s32 $0xFFFFC000  }
0x8a: {  	[tilespmem:s21], [sflag:$0x3] =	stream.linear.gather [hbm4b:s12+s11], $0x1400, $0x38;
	[tilespmem:$0x1E800] =	vst v63  }
0x8b: {  	_ =	swait.ge [sflag:s20], $0x1400  }
0x8c: {  	[sflag:s20] =	ssyncset.done $0x0  }
0x8d: {  	[sflag:s20] =	ssyncadd.s32 $0xFFFFEC00  }
0x8e: {  	[tilespmem:s22], [sflag:$0x3] =	stream.linear.gather [hbm4b:s13+s11], $0x1400, $0x38;
	[tilespmem:$0x1E800] =	vst v63  }
0x8f: {  	_ =	swait.ge [sflag:s20], $0x1400  }
0x90: {  	[sflag:s20] =	ssyncset.done $0x0  }
0x91: {  	[sflag:s20] =	ssyncadd.s32 $0xFFFFEC00  }
0x92: {  	[tilespmem:s11], [sflag:$0x1] =	stream.indirect.gather [hbm4b:s4+s23], $0x80, s21, s23, $0xb8;
	[tilespmem:$0x1E800] =	vst v63  }
0x93: {  	s3 =	simm.s32 $0x8080  }
0x94: {  	[tilespmem:s24], [sflag:$0x2] =	stream.indirect.gather [hbm4b:s4+s23], $0x80, s3, s23, $0xb8;
	[tilespmem:$0x1E800] =	vst v63  }
0x95: {  	_ =	swait.ge [sflag:s25], $0x4000  }
0x96: {  	[sflag:s25] =	ssyncset.done $0x0  }
0x97: {  	s10 =	simm.s32 $0x9400;
	[sflag:s25] =	ssyncadd.s32 $0xFFFFC000  }
0x98: {  	[spmem:s1] =	stream.indirect.scatter.add.f32 [tilespmem:s2], [sflag:$0x3], $0x80, s10, s23, $0xb8;
	[tilespmem:$0x1E800] =	vst v63  }
0x99: {  	_ =	swait.ge [sflag:s20], $0x4000  }
0x9a: {  	[sflag:s20] =	ssyncset.done $0x0  }
0x9b: {  	s11 =	simm.s32 $0x8100;
	[sflag:s20] =	ssyncadd.s32 $0xFFFFC000  }
0x9c: {  	[tilespmem:s2], [sflag:$0x1] =	stream.indirect.gather [hbm4b:s4+s23], $0x80, s11, s23, $0xb8;
	[tilespmem:$0x1E800] =	vst v63  }
0x9d: {  	_ =	swait.ge [sflag:s26], $0x4000  }
0x9e: {  	[sflag:s26] =	ssyncset.done $0x0  }
0x9f: {  	s12 =	simm.s32 $0x9480;
	[sflag:s26] =	ssyncadd.s32 $0xFFFFC000  }
0xa0: {  	[spmem:s1] =	stream.indirect.scatter.add.f32 [tilespmem:s24], [sflag:$0x3], $0x80, s12, s23, $0xb8;
	[tilespmem:$0x1E800] =	vst v63  }
0xa1: {  	_ =	swait.ge [sflag:s20], $0x4000  }
0xa2: {  	s0 =	simm.s32 $0x100;
	s3 =	simm.s32 $0x800;
	[sflag:s20] =	ssyncset.done $0x0  }
.LBB2_6:
0xa3: {  	s10 =	sadd.s32 $0x8080, s0  }
0xa4: {  	[sflag:s20] =	ssyncadd.s32 $0xFFFFC000;
	s11 =	smov.u32 s3;
	s12 =	sadd.s32 $0x400, s3  }
0xa5: {  	[tilespmem:s24], [sflag:$0x2] =	stream.indirect.gather [hbm4b:s4+s23], $0x80, s10, s23, $0xb8;
	[tilespmem:$0x1E800] =	vst v63  }
0xa6: {  	p0 =	sne.s32 s3, $0x4800;
	_ =	swait.ge [sflag:s25], $0x4000  }
0xa7: {  	[sflag:s25] =	ssyncset.done $0x0  }
0xa8: {  	s3 =	sadd.s32 $0x9400, s0;
	[sflag:s25] =	ssyncadd.s32 $0xFFFFC000  }
0xa9: {  	[spmem:s1] =	stream.indirect.scatter.add.f32 [tilespmem:s2], [sflag:$0x3], $0x80, s3, s23, $0xb8;
	[tilespmem:$0x1E800] =	vst v63  }
0xaa: {  	_ =	swait.ge [sflag:s20], $0x4000  }
0xab: {  	[sflag:s20] =	ssyncset.done $0x0  }
0xac: {  	s3 =	sadd.s32 $0x8100, s0;
	[sflag:s20] =	ssyncadd.s32 $0xFFFFC000  }
0xad: {  	[tilespmem:s2], [sflag:$0x1] =	stream.indirect.gather [hbm4b:s4+s23], $0x80, s3, s23, $0xb8;
	[tilespmem:$0x1E800] =	vst v63  }
0xae: {  	_ =	swait.ge [sflag:s26], $0x4000  }
.Ltmp2:
0xaf: {  	[sflag:s26] =	ssyncset.done $0x0;
	(pc) =	sbr.rel @p0 .LBB2_6-.Ltmp2, $4  }
0xb0: {  	s0 =	sadd.s32 $0x9480, s0;
	[sflag:s26] =	ssyncadd.s32 $0xFFFFC000  }
0xb1: {  	[spmem:s1] =	stream.indirect.scatter.add.f32 [tilespmem:s24], [sflag:$0x3], $0x80, s0, s23, $0xb8;
	[tilespmem:$0x1E800] =	vst v63  }
0xb2: {  	_ =	swait.ge [sflag:s20], $0x4000  }
0xb3: {  	s3 =	smov.u32 s12;
	s0 =	sshra.s32 s11, $0x2;
	[sflag:s20] =	ssyncset.done $0x0  }
0xb4: {  	s3 =	sadd.s32 $0x8080, s0;
	[sflag:s20] =	ssyncadd.s32 $0xFFFFC000  }
0xb5: {  	[tilespmem:s24], [sflag:$0x2] =	stream.indirect.gather [hbm4b:s4+s23], $0x80, s3, s23, $0xb8;
	[tilespmem:$0x1E800] =	vst v63  }
0xb6: {  	_ =	swait.ge [sflag:s25], $0x4000  }
0xb7: {  	[sflag:s25] =	ssyncset.done $0x0  }
0xb8: {  	s11 =	sadd.s32 $0x9400, s0;
	[sflag:s25] =	ssyncadd.s32 $0xFFFFC000  }
0xb9: {  	[spmem:s1] =	stream.indirect.scatter.add.f32 [tilespmem:s2], [sflag:$0x3], $0x80, s11, s23, $0xb8;
	[tilespmem:$0x1E800] =	vst v63  }
0xba: {  	_ =	swait.ge [sflag:s20], $0x4000  }
0xbb: {  	[sflag:s20] =	ssyncset.done $0x0  }
0xbc: {  	s12 =	sadd.s32 $0x8100, s0;
	[sflag:s20] =	ssyncadd.s32 $0xFFFFC000  }
0xbd: {  	[tilespmem:s2], [sflag:$0x1] =	stream.indirect.gather [hbm4b:s4+s23], $0x80, s12, s23, $0xb8;
	[tilespmem:$0x1E800] =	vst v63  }
0xbe: {  	_ =	swait.ge [sflag:s26], $0x4000  }
0xbf: {  	[sflag:s26] =	ssyncset.done $0x0  }
0xc0: {  	s3 =	sadd.s32 $0x9480, s0;
	[sflag:s26] =	ssyncadd.s32 $0xFFFFC000  }
0xc1: {  	[spmem:s1] =	stream.indirect.scatter.add.f32 [tilespmem:s24], [sflag:$0x3], $0x80, s3, s23, $0xb8;
	[tilespmem:$0x1E800] =	vst v63  }
0xc2: {  	_ =	swait.ge [sflag:s20], $0x4000  }
0xc3: {  	[sflag:s20] =	ssyncset.done $0x0  }
0xc4: {  	[sflag:s20] =	ssyncadd.s32 $0xFFFFC000  }
0xc5: {  	[tilespmem:s24], [sflag:$0x2] =	stream.indirect.gather [hbm4b:s4+s23], $0x80, s28, s23, $0xb8;
	[tilespmem:$0x1E800] =	vst v63  }
0xc6: {  	_ =	swait.ge [sflag:s25], $0x4000  }
0xc7: {  	[sflag:s25] =	ssyncset.done $0x0  }
0xc8: {  	[sflag:s25] =	ssyncadd.s32 $0xFFFFC000  }
0xc9: {  	[spmem:s1] =	stream.indirect.scatter.add.f32 [tilespmem:s2], [sflag:$0x3], $0x80, s29, s23, $0xb8;
	[tilespmem:$0x1E800] =	vst v63  }
0xca: {  	_ =	swait.ge [sflag:s20], $0x4000  }
0xcb: {  	[sflag:s20] =	ssyncset.done $0x0  }
0xcc: {  	[sflag:s20] =	ssyncadd.s32 $0xFFFFC000  }
0xcd: {  	_ =	swait.ge [sflag:s26], $0x4000  }
0xce: {  	[sflag:s26] =	ssyncset.done $0x0  }
0xcf: {  	[sflag:s26] =	ssyncadd.s32 $0xFFFFC000  }
0xd0: {  	[spmem:s1] =	stream.indirect.scatter.add.f32 [tilespmem:s24], [sflag:$0x3], $0x80, s30, s23, $0xb8;
	[tilespmem:$0x1E800] =	vst v63  }
0xd1: {  	_ =	swait.ge [sflag:s20], $0x4000  }
0xd2: {  	s10 =	stileid.u32;
	[sflag:s20] =	ssyncset.done $0x0  }
0xd3: {  	s0 =	sshll.u32 s10, $0x6;
	[sflag:s20] =	ssyncadd.s32 $0xFFFFC000  }
0xd4: {  	s0 =	sor.u32 $0x1C03, s0;
	s11 =	sshrl.u32 s5, $0x3;
	[bflag:$0x0] =	sbarrier.arrive $0xFFFF  }
0xd5: {  	[hbm:s14], [sflag:s0] =	dma.local [spmem:s11], $0x800  }
0xd6: {  	_ =	swait.ge [sflag:s20], $0x800  }
0xd7: {  	[sflag:s20] =	ssyncset.done $0x0  }
0xd8: {  	s12 =	sshrl.u32 s6, $0x3;
	[sflag:s20] =	ssyncadd.s32 $0xFFFFF800  }
0xd9: {  	[hbm:s15], [sflag:s0] =	dma.local [spmem:s12], $0x800  }
0xda: {  	_ =	swait.ge [sflag:s20], $0x800  }
0xdb: {  	[sflag:s20] =	ssyncset.done $0x0  }
0xdc: {  	s10 =	sshrl.u32 s7, $0x3;
	[sflag:s20] =	ssyncadd.s32 $0xFFFFF800  }
0xdd: {  	[hbm:s16], [sflag:s0] =	dma.local [spmem:s10], $0x800  }
0xde: {  	_ =	swait.ge [sflag:s20], $0x800  }
0xdf: {  	[sflag:s20] =	ssyncset.done $0x0  }
0xe0: {  	s11 =	sshrl.u32 s8, $0x3;
	[sflag:s20] =	ssyncadd.s32 $0xFFFFF800  }
0xe1: {  	[hbm:s17], [sflag:s0] =	dma.local [spmem:s11], $0x800  }
0xe2: {  	s31 =	sadd.s32 $0x1, s31;
	_ =	swait.ge [sflag:s20], $0x800  }
0xe3: {  	p0 =	sne.s32 s31, s19;
	[sflag:s20] =	ssyncset.done $0x0  }
.Ltmp3:
0xe4: {  	s12 =	sshrl.u32 s9, $0x3;
	[sflag:s20] =	ssyncadd.s32 $0xFFFFF800;
	(pc) =	sbr.rel @p0 .LBB2_1-.Ltmp3, $4  }
0xe5: {  	[hbm:s18], [sflag:s0] =	dma.local [spmem:s12], $0x800  }
0xe6: {  	_ =	swait.ge [sflag:s20], $0x800  }
0xe7: {  	[sflag:s20] =	ssyncset.done $0x0  }
0xe8: {  	[sflag:s20] =	ssyncadd.s32 $0xFFFFF800  }
0xe9: {  	_ =	sfence.sel $0x180000  }
0xea: {  	[bflag:$0x0] =	sbarrier.arrive $0xFFFF  }
0xeb: {  	_ =	strace $0x90000050  }
0xec: {  	s0 =	stileid.u32;
	[bflag:$0x2] =	sbarrier.arrive $0xFFFF  }
0xed: {  	p0 =	sne.s32 s0, $0x0;
	s0 =	rddreg [dreg:$0x3]  }
0xee: {  	s0 =	sadd.s32 @!p0 $0x100000, s0  }
0xef: {  	[sflag:s0] =	ssyncadd.tile.s32 @!p0 $0x1;
	_ =	shalt  }
.Lfunc_end2:
_tile_overlayer_lowered:
.L_overlay_start_2:
0xf0: {  	(tag) =	ssettag $0x2  }
0xf1: {  	s0 =	rddreg [dreg:$0x0];
	s2 =	stileid.u32  }
0xf2: {  	s1 =	rddreg [dreg:$0x1];
	p0 =	sne.s32 s2, $0x0  }
0xf3: {  	s3 =	rddreg [dreg:$0x2];
	[bflag:$0x3] =	sbarrier.arrive $0xFFFF;
	s2 =	simm.s32 @!p0 $0x1C03  }
0xf4: {  	[timem:s3], [sflag:s2] =	dma.local @!p0 [hbm:s0], s1  }
0xf5: {  	s0 =	simm.s32 @!p0 $0x3  }
0xf6: {  	_ =	swait.ge @!p0 [sflag:s0], s1  }
0xf7: {  	s1 =	ssub.s32 @!p0 $0x0, s1;
	[sflag:s0] =	ssyncset.done @!p0 $0x0  }
0xf8: {  	[sflag:s0] =	ssyncadd.s32 @!p0 s1  }
0xf9: {  	[bflag:$0x3] =	sbarrier.arrive $0xFFFF  }
0xfa: {  	_ =	shalt  }

// kernel: kernel.29.cloned.1.call-start
scs
__scs_entry_jumppad:
0x0: {  	(pc) =	sbr.rel $0x88, $3  }
0x1: {  	(tag) =	ssettag $0x0;
	lr =	simm.s32 $0x1  }
0x2: {  	[smem:$0x3F8F] =	sst lr;
	_ =	strace $0xD0000000  }
0x3: {  	_ = 	snop  }
0x4: {  	_ = 	snop  }
0x5: {  	_ = 	snop  }
0x6: {  	_ = 	snop  }
0x7: {  	_ = 	snop  }
__scs_overlays_trampoline_lowered:
0x8: {  	[smem:$0x3F9E] =	sst s0  }
0x9: {  	[smem:$0x3F9F] =	sst s1  }
0xa: {  	[smem:$0x3FA0] =	sst s2  }
0xb: {  	[smem:$0x3FA1] =	sst s3  }
0xc: {  	[smem:$0x3FA2] =	sst s4  }
0xd: {  	[smem:$0x3FA3] =	sst s5  }
0xe: {  	[smem:$0x3FA4] =	sst s6  }
0xf: {  	[smem:$0x3FA5] =	sst s7  }
0x10: {  	[smem:$0x3FA6] =	sst s8  }
0x11: {  	[smem:$0x3FA7] =	sst s9;
	s0 =	simm.s32 @!p0 $0x0  }
0x12: {  	s1 =	sld [smem:$0x3F8D];
	s0 =	simm.s32 @p0 $0x1  }
0x13: {  	[smem:$0x3FA8] =	sst s0;
	s0 =	simm.s32 @!p1 $0x0  }
0x14: {  	s2 =	sld [smem:$0x3F8C];
	s0 =	simm.s32 @p1 $0x1  }
0x15: {  	[smem:$0x3FA9] =	sst s0;
	s0 =	simm.s32 @!p2 $0x0  }
0x16: {  	s3 =	sld [smem:$0x3FDB];
	s0 =	simm.s32 @p2 $0x1  }
0x17: {  	s4 =	simm.s32 $0x1BF5;
	[smem:$0x3FAB] =	sst s0  }
0x18: {  	s0 =	sld [smem:$0x3F8E];
	_ =	swait.ge [sflag:s4], $0x0  }
0x19: {  	s7 =	sld [smem:$0x3F8F]  }
0x1a: {  	s8 =	sadd.s32 $0xFFFFE003, lr  }
0x1b: {  	s9 =	sadd.s32 $0xFFFFFEF7, lr;
	s5 =	simm.s32 $0xFFFFFFFF;
	p2 =	slt.u32 s8, $0xFFFFF086  }
0x1c: {  	p1 =	slt.u32 s9, $0xF7A;
	s5 =	simm.s32 @!p2 $0x0  }
0x1d: {  	s5 =	simm.s32 @p1 $0x1;
	p0 =	seq.s32 s7, s2  }
0x1e: {  	s7 =	smul.u32 @!p0 $0xF7A, s2;
	p2 =	seq.s32 @!p0 s5, $0x0  }
0x1f: {  	s9 =	smul.u32 $0xF7A, s1;
	s8 =	simm.s32 @!p0 $0x1BF5;
	p2 =	por !p2, p0  }
0x20: {  	[sflag:s8] =	ssyncset.s32 @!p0 $0xFFFFF086;
	s6 =	sadd.s32 @!p0 s3, s7;
	s7 =	simm.s32 @!p0 $0x108  }
0x21: {  	s3 =	sadd.s32 s3, s9;
	s6 =	sadd.s32 @!p0 $0x88, s6;
	s7 =	simm.s32 @p2 $0x1082  }
0x22: {  	[simem:s7], [sflag:s8] =	dma.local @!p0 [hbm:s6], $0xF7A  }
0x23: {  	s9 =	sor.u32 $0xD0000000, s2;
	s6 =	simm.s32 $0x108;
	_ =	swait.ge @!p0 [sflag:s8], $0x0  }
0x24: {  	s3 =	sadd.s32 $0x88, s3;
	s6 =	simm.s32 @!p1 $0x1082;
	[sflag:s4] =	ssyncset.s32 $0xFFFFF086  }
0x25: {  	[simem:s6], [sflag:s4] =	dma.local [hbm:s3], $0xF7A  }
0x26: {  	[smem:$0x3F8F] =	sst s1;
	(tag) =	ssettag s2;
	_ =	strace s9  }
0x27: {  	s1 =	sld [smem:$0x3F9F]  }
0x28: {  	s2 =	sld [smem:$0x3FA0]  }
0x29: {  	s4 =	sld [smem:$0x3FA2]  }
0x2a: {  	p0 =	seq.s32 s5, $0x0;
	s5 =	sld [smem:$0x3FA3]  }
0x2b: {  	s6 =	sld [smem:$0x3FA4]  }
0x2c: {  	s7 =	sld [smem:$0x3FA5]  }
0x2d: {  	s3 =	simm.s32 $0x108;
	s8 =	sld [smem:$0x3FA6]  }
0x2e: {  	s3 =	simm.s32 @!p0 $0x1082;
	s9 =	sld [smem:$0x3FA7]  }
0x2f: {  	lr =	sadd.s32 s0, s3;
	s0 =	sld [smem:$0x3F9E]  }
0x30: {  	s3 =	sld [smem:$0x3FA1]  }
0x31: {  	[smem:$0x3FAA] =	sst s10  }
0x32: {  	s10 =	sld [smem:$0x3FA8];
	_ =	sdelay $0x3  }
0x33: {  	p0 =	seq.s32 s10, $0x1;
	s10 =	sld [smem:$0x3FAA];
	_ =	sdelay $0x3  }
0x34: {  	[smem:$0x3FAA] =	sst s10  }
0x35: {  	s10 =	sld [smem:$0x3FA9];
	_ =	sdelay $0x3  }
0x36: {  	p1 =	seq.s32 s10, $0x1;
	s10 =	sld [smem:$0x3FAA];
	_ =	sdelay $0x3  }
0x37: {  	[smem:$0x3FAA] =	sst s10  }
0x38: {  	s10 =	sld [smem:$0x3FAB]  }
0x39: {  	_ = 	snop;
	(pc) =	sbr.ind lr, $3  }
0x3a: {  	_ = 	snop  }
0x3b: {  	_ = 	snop  }
0x3c: {  	p2 =	seq.s32 s10, $0x1;
	s10 =	sld [smem:$0x3FAA]  }
0x3d: {  	_ =	shalt  }
0x3e: {  	_ =	shalt  }
0x3f: {  	_ =	shalt  }
0x40: {  	_ =	shalt  }
0x41: {  	_ =	shalt  }
0x42: {  	_ =	shalt  }
0x43: {  	_ =	shalt  }
0x44: {  	_ =	shalt  }
0x45: {  	_ =	shalt  }
0x46: {  	_ =	shalt  }
0x47: {  	_ =	shalt  }
0x48: {  	_ =	shalt  }
0x49: {  	_ =	shalt  }
0x4a: {  	_ =	shalt  }
0x4b: {  	_ =	shalt  }
0x4c: {  	_ =	shalt  }
0x4d: {  	_ =	shalt  }
0x4e: {  	_ =	shalt  }
0x4f: {  	_ =	shalt  }
0x50: {  	_ =	shalt  }
0x51: {  	_ =	shalt  }
0x52: {  	_ =	shalt  }
0x53: {  	_ =	shalt  }
0x54: {  	_ =	shalt  }
0x55: {  	_ =	shalt  }
0x56: {  	_ =	shalt  }
0x57: {  	_ =	shalt  }
0x58: {  	_ =	shalt  }
0x59: {  	_ =	shalt  }
0x5a: {  	_ =	shalt  }
0x5b: {  	_ =	shalt  }
0x5c: {  	_ =	shalt  }
0x5d: {  	_ =	shalt  }
0x5e: {  	_ =	shalt  }
0x5f: {  	_ =	shalt  }
0x60: {  	_ =	shalt  }
0x61: {  	_ =	shalt  }
0x62: {  	_ =	shalt  }
0x63: {  	_ =	shalt  }
0x64: {  	_ =	shalt  }
0x65: {  	_ =	shalt  }
0x66: {  	_ =	shalt  }
0x67: {  	_ =	shalt  }
0x68: {  	_ =	shalt  }
0x69: {  	_ =	shalt  }
0x6a: {  	_ =	shalt  }
0x6b: {  	_ =	shalt  }
0x6c: {  	_ =	shalt  }
0x6d: {  	_ =	shalt  }
0x6e: {  	_ =	shalt  }
0x6f: {  	_ =	shalt  }
0x70: {  	_ =	shalt  }
0x71: {  	_ =	shalt  }
0x72: {  	_ =	shalt  }
0x73: {  	_ =	shalt  }
0x74: {  	_ =	shalt  }
0x75: {  	_ =	shalt  }
0x76: {  	_ =	shalt  }
0x77: {  	_ =	shalt  }
0x78: {  	_ =	shalt  }
0x79: {  	_ =	shalt  }
0x7a: {  	_ =	shalt  }
0x7b: {  	_ =	shalt  }
0x7c: {  	_ =	shalt  }
0x7d: {  	_ =	shalt  }
0x7e: {  	_ =	shalt  }
0x7f: {  	_ =	shalt  }
0x80: {  	_ =	shalt  }
0x81: {  	_ =	shalt  }
0x82: {  	_ =	shalt  }
0x83: {  	_ =	shalt  }
0x84: {  	_ =	shalt  }
0x85: {  	_ =	shalt  }
0x86: {  	_ =	shalt  }
0x87: {  	_ =	shalt  }
.Lfunc_end0:
.L_simem_size_0:
called_computation.4_lowered:
.L_overlay_start_0:
0x88: {  	s2 =	sld [smem:$0x3FD9]  }
0x89: {  	s3 =	sld [smem:$0x3FFE];
	_ =	sdelay $0x1  }
0x8a: {  	s1 =	srdreg.scid  }
0x8b: {  	s0 =	sand.u32 $0x1, s1  }
0x8c: {  	s17 =	sshll.u32 s0, $0xA;
	s2 =	sadd.s32 s3, s2  }
0x8d: {  	s2 =	sadd.s32 s2, s17  }
0x8e: {  	[smem:$0x3FB6] =	sst s2  }
0x8f: {  	_ = 	snop  }
0x90: {  	s2 =	sld [smem:$0x3FD0];
	(tm) =	ssettm $0x1  }
0x91: {  	s18 =	sld [smem:$0x3FFB];
	_ =	sdelay $0x3  }
0x92: {  	_ =	strace s18  }
0x93: {  	s3 =	sld [smem:$0x3FFC];
	_ =	sdelay $0x3  }
0x94: {  	_ =	strace s3  }
0x95: {  	s3 =	sld [smem:$0x3FFD];
	_ =	sdelay $0x3  }
0x96: {  	_ =	strace s3  }
0x97: {  	_ =	strace $0x8FFFFFFF  }
0x98: {  	s19 =	sld [smem:$0x3FDB];
	_ =	sdelay $0x1  }
0x99: {  	s4 =	simm.s32 $_scs_section_size  }
0x9a: {  	s5 =	simm.s32 $_size__tile_overlayer_lowered;
	s6 =	simm.s32 $_tile_overlayer_lowered  }
0x9b: {  	s22 =	simm.s32 $0x1BFF;
	s21 =	sshll.u32 s6, $0x1;
	s3 =	sadd.s32 s4, s19  }
0x9c: {  	s7 =	simm.s32 $0x0;
	s20 =	sshll.u32 s5, $0x1;
	s5 =	sadd.s32 s21, s3  }
0x9d: {  	[timem:s7], [sflag:s22] =	dma.local [hbm:s5], s20  }
0x9e: {  	_ =	swait.ge [sflag:s22], s20  }
0x9f: {  	s4 =	ssub.s32 $0x0, s20;
	[sflag:s22] =	ssyncset.done $0x0  }
0xa0: {  	[sflag:s22] =	ssyncadd.s32 s4;
	_ =	sdelay $0x1  }
0xa1: {  	s23 =	simm.s32 $0x1B8B  }
0xa2: {  	_ =	swait.ge [sflag:s23], $0x1  }
0xa3: {  	[sflag:s23] =	ssyncset.done $0x0  }
0xa4: {  	s25 =	simm.s32 $0x1B8E;
	s24 =	sld [smem:$0x3FFE];
	[sflag:s23] =	ssyncadd.s32 $0xFFFFFFFF  }
0xa5: {  	s26 =	simm.s32 $execute0_lowered;
	[smem:$0x3FD2] =	sst s25  }
0xa6: {  	s5 =	sshll.u32 s26, $0x1;
	_ =	strace $0x80000052;
	[dreg:$0x1] =	wrdreg $0xFFFFFFFF  }
0xa7: {  	s28 =	simm.s32 $_size_execute0_lowered;
	s3 =	sadd.s32 s3, s5;
	[dreg:$0x0] =	wrdreg $0x0  }
0xa8: {  	s5 =	sshll.u32 s28, $0x1;
	[dreg:$0x2] =	wrdreg s3  }
0xa9: {  	[dreg:$0x3] =	wrdreg s5  }
0xaa: {  	[dreg:$0x4] =	wrdreg $0xC0  }
0xab: {  	_ =	task [dreg:s7], $0x5FFFF  }
0xac: {  	[dreg:$0x1] =	wrdreg $0xFFFFFFFF  }
0xad: {  	[dreg:$0x0] =	wrdreg $0x60  }
0xae: {  	[dreg:$0x2] =	wrdreg s24  }
0xaf: {  	[dreg:$0x3] =	wrdreg s2  }
0xb0: {  	[dreg:$0x4] =	wrdreg $0xA8000  }
0xb1: {  	[dreg:$0x5] =	wrdreg $0x9  }
0xb2: {  	_ =	task.clear_ibuf [dreg:s7], $0x6FFFF;
	_ =	strace $0x90000052  }
0xb3: {  	s29 =	simm.s32 $0x9;
	_ =	strace $0x80000054  }
0xb4: {  	_ =	swait.ge [sflag:s29], $0x1  }
0xb5: {  	[sflag:s29] =	ssyncadd.s32 $0xFFFFFFFF  }
0xb6: {  	_ =	strace $0x90000054  }
0xb7: {  	_ =	sfence  }
0xb8: {  	s30 =	sld [smem:$0x0];
	_ =	sdelay $0x2  }
0xb9: {  	s31 =	sshll.u32 s1, $0xD;
	s1 =	sshrl.u32 s1, $0x2  }
0xba: {  	s3 =	sand.u32 $0x4000, s31;
	s1 =	sadd.s32 s1, s30  }
0xbb: {  	s0 =	sor.u32 s3, s0;
	s1 =	sshll.u32 s1, $0x11  }
0xbc: {  	s0 =	sor.u32 s1, s0  }
0xbd: {  	s0 =	sadd.s32 $0x8F2B, s0  }
0xbe: {  	[sflag:s0] =	ssyncadd.remote.s32 $0x1  }
0xbf: {  	_ =	sfence.sel $0xFFFF  }
0xc0: {  	[dreg:$0x0] =	wrdreg $0xFFFFFFFF;
	(pc) =	sbr.abs _section_cstart, $3  }
0xc1: {  	[dreg:$0x1] =	wrdreg $0xFFFFFFFF  }
0xc2: {  	_ =	task.clear_ibuf [dreg:s7], $0x2FFFF;
	_ =	strace $0x9FFFFFFF  }
0xc3: {  	(tm) =	ssettm $0x7FFFFFFF  }
tec
execute0_lowered:
.L_overlay_start_1:
0x0: {  	(tag) =	ssettag $0x1  }
0x1: {  	s0 =	rddreg [dreg:$0x0]  }
0x2: {  	s3 =	rddreg [dreg:$0x1]  }
0x3: {  	s1 =	rddreg [dreg:$0x2];
	s2 =	simm.s32 $0x0;
	s5 =	srdreg.scid  }
0x4: {  	s9 =	stileid.u32;
	s28 =	simm.s32 $0x9380;
	s29 =	simm.s32 $0xA700  }
0x5: {  	s30 =	simm.s32 $0xA780;
	s31 =	simm.s32 $0x0;
	[smem:$0x7FF] =	sst s2  }
0x6: {  	s4 =	sadd.s32 $0xF000, s0;
	s13 =	sadd.s32 $0x5000, s0;
	s6 =	smul.u32 $0x50000, s9  }
0x7: {  	s10 =	sand.u32 $0x1, s5;
	s0 =	sadd.s32 $0x37000, s0;
	s12 =	smul.u32 $0x14000, s9  }
0x8: {  	_ =	strace $0x80000053;
	s5 =	ssub.s32 $0x2, s10;
	s8 =	sshll.u32 s10, $0x4  }
0x9: {  	s20 =	smul.u32 $0x140000, s10;
	s7 =	sshrl.u32 s5, $0x1;
	s8 =	sor.u32 s9, s8  }
0xa: {  	s25 =	sshrl.u32 s6, $0x2;
	s14 =	sadd.s32 $0x4000, s12;
	s16 =	sadd.s32 $0x8000, s12  }
0xb: {  	s17 =	sadd.s32 $0xC000, s12;
	s18 =	sadd.s32 $0x10000, s12;
	s19 =	ssub.s32 s5, s7  }
0xc: {  	s5 =	sadd.s32 s25, s1;
	s6 =	sadd.s32 s14, s1;
	s11 =	smul.u32 $0x500, s8  }
0xd: {  	s7 =	sadd.s32 s16, s1;
	s15 =	smul.u32 $0x2800, s8;
	s8 =	sadd.s32 s17, s1  }
0xe: {  	s9 =	sadd.s32 s18, s1;
	s21 =	sadd.s32 s12, s20;
	s14 =	sadd.s32 s20, s14  }
0xf: {  	s23 =	sadd.s32 s20, s16;
	s24 =	sadd.s32 s20, s17;
	s25 =	sadd.s32 s20, s18  }
0x10: {  	s21 =	sshrl.u32 s21, $0x3;
	s22 =	sshrl.u32 s14, $0x3;
	s20 =	sshrl.u32 s25, $0x3  }
0x11: {  	s19 =	smax.u32 s19, $0x1;
	s25 =	simm.s32 $0x1;
	s26 =	sadd.s32 s3, s11  }
0x12: {  	s11 =	sadd.s32 s13, s11;
	s15 =	sshrl.u32 s15, $0x3;
	s14 =	sadd.s32 s0, s21  }
0x13: {  	s18 =	sadd.s32 s0, s20;
	s20 =	simm.s32 $0x3;
	[dreg:$0x4] =	wrdreg s26  }
0x14: {  	s21 =	simm.s32 $0x8000;
	[dreg:$0x5] =	wrdreg s11;
	s15 =	sadd.s32 $0x280, s15  }
0x15: {  	s26 =	sshrl.u32 s24, $0x3;
	s24 =	simm.s32 $0x4000;
	s3 =	sadd.s32 s3, s15  }
0x16: {  	s13 =	sadd.s32 s13, s15;
	s15 =	sadd.s32 s0, s22;
	s17 =	sadd.s32 s0, s26  }
0x17: {  	s22 =	simm.s32 $0x9400;
	[dreg:$0x6] =	wrdreg s3;
	s3 =	sshrl.u32 s23, $0x3  }
0x18: {  	v0 =	vimm.f32 $0.0e+00;
	s26 =	simm.s32 $0x2;
	s23 =	simm.s32 $0x80;
	s16 =	sadd.s32 s0, s3  }
.LBB2_1:
0x19: {  	s0 =	simm.s32 $0x0;
	s3 =	simm.s32 $0x200  }
.LBB2_2:
0x1a: {  	p0 =	sne.s32 s3, $0xFE00;
	[tilespmem:s0+$0x70] =	vst v0  }
0x1b: {  	[tilespmem:s0+$0x0] =	vst v0  }
0x1c: {  	[tilespmem:s0+$0x10] =	vst v0  }
.Ltmp0:
0x1d: {  	[tilespmem:s0+$0x20] =	vst v0;
	(pc) =	sbr.rel @p0 .LBB2_2-.Ltmp0, $4  }
0x1e: {  	[tilespmem:s0+$0x30] =	vst v0  }
0x1f: {  	[tilespmem:s0+$0x40] =	vst v0  }
0x20: {  	[tilespmem:s0+$0x50] =	vst v0  }
0x21: {  	[tilespmem:s0+$0x60] =	vst v0;
	s0 =	sshra.s32 s3, $0x2;
	s3 =	sadd.s32 $0x200, s3  }
0x22: {  	[tilespmem:s0+$0x70] =	vst v0  }
0x23: {  	[tilespmem:s0+$0x0] =	vst v0  }
0x24: {  	[tilespmem:s0+$0x10] =	vst v0  }
0x25: {  	[tilespmem:s0+$0x20] =	vst v0  }
0x26: {  	[tilespmem:s0+$0x30] =	vst v0  }
0x27: {  	[tilespmem:s0+$0x40] =	vst v0  }
0x28: {  	[tilespmem:s0+$0x50] =	vst v0  }
0x29: {  	[tilespmem:s0+$0x60] =	vst v0;
	s11 =	simm.s32 $0x0  }
0x2a: {  	[spmem:s5] =	stream.linear.scatter [tilespmem:s11], [sflag:$0x3], $0x4000, $0x38;
	[tilespmem:$0x1E800] =	vst v63  }
0x2b: {  	_ =	swait.ge [sflag:s20], $0x4000  }
0x2c: {  	[sflag:s20] =	ssyncset.done $0x0  }
0x2d: {  	[sflag:s20] =	ssyncadd.s32 $0xFFFFC000  }
0x2e: {  	[spmem:s6] =	stream.linear.scatter [tilespmem:s11], [sflag:$0x3], $0x4000, $0x38;
	[tilespmem:$0x1E800] =	vst v63  }
0x2f: {  	_ =	swait.ge [sflag:s20], $0x4000  }
0x30: {  	[sflag:s20] =	ssyncset.done $0x0  }
0x31: {  	[sflag:s20] =	ssyncadd.s32 $0xFFFFC000  }
0x32: {  	[spmem:s7] =	stream.linear.scatter [tilespmem:s11], [sflag:$0x3], $0x4000, $0x38;
	[tilespmem:$0x1E800] =	vst v63  }
0x33: {  	_ =	swait.ge [sflag:s20], $0x4000  }
0x34: {  	[sflag:s20] =	ssyncset.done $0x0  }
0x35: {  	[sflag:s20] =	ssyncadd.s32 $0xFFFFC000  }
0x36: {  	[spmem:s8] =	stream.linear.scatter [tilespmem:s11], [sflag:$0x3], $0x4000, $0x38;
	[tilespmem:$0x1E800] =	vst v63  }
0x37: {  	_ =	swait.ge [sflag:s20], $0x4000  }
0x38: {  	[sflag:s20] =	ssyncset.done $0x0  }
0x39: {  	[sflag:s20] =	ssyncadd.s32 $0xFFFFC000  }
0x3a: {  	[spmem:s9] =	stream.linear.scatter [tilespmem:s11], [sflag:$0x3], $0x4000, $0x38;
	[tilespmem:$0x1E800] =	vst v63  }
0x3b: {  	_ =	swait.ge [sflag:s20], $0x4000  }
0x3c: {  	[sflag:s20] =	ssyncset.done $0x0  }
0x3d: {  	[sflag:s20] =	ssyncadd.s32 $0xFFFFC000  }
0x3e: {  	[bflag:$0x0] =	sbarrier.arrive $0xFFFF  }
0x3f: {  	s3 =	rddreg [dreg:$0x4]  }
0x40: {  	[tilespmem:s21], [sflag:$0x3] =	stream.linear.gather [hbm4b:s3+s11], $0x1400, $0x38;
	[tilespmem:$0x1E800] =	vst v63  }
0x41: {  	_ =	swait.ge [sflag:s20], $0x1400  }
0x42: {  	[sflag:s20] =	ssyncset.done $0x0  }
0x43: {  	s12 =	rddreg [dreg:$0x5];
	[sflag:s20] =	ssyncadd.s32 $0xFFFFEC00  }
0x44: {  	[tilespmem:s22], [sflag:$0x3] =	stream.linear.gather [hbm4b:s12+s11], $0x1400, $0x38;
	[tilespmem:$0x1E800] =	vst v63  }
0x45: {  	_ =	swait.ge [sflag:s20], $0x1400  }
0x46: {  	[sflag:s20] =	ssyncset.done $0x0  }
0x47: {  	[sflag:s20] =	ssyncadd.s32 $0xFFFFEC00  }
0x48: {  	[tilespmem:s11], [sflag:$0x1] =	stream.indirect.gather [hbm4b:s4+s23], $0x80, s21, s23, $0xb8;
	[tilespmem:$0x1E800] =	vst v63  }
0x49: {  	s3 =	simm.s32 $0x8080  }
0x4a: {  	[tilespmem:s24], [sflag:$0x2] =	stream.indirect.gather [hbm4b:s4+s23], $0x80, s3, s23, $0xb8;
	[tilespmem:$0x1E800] =	vst v63  }
0x4b: {  	_ =	swait.ge [sflag:s25], $0x4000  }
0x4c: {  	[sflag:s25] =	ssyncset.done $0x0  }
0x4d: {  	s10 =	simm.s32 $0x9400;
	[sflag:s25] =	ssyncadd.s32 $0xFFFFC000  }
0x4e: {  	[spmem:s1] =	stream.indirect.scatter.add.f32 [tilespmem:s2], [sflag:$0x3], $0x80, s10, s23, $0xb8;
	[tilespmem:$0x1E800] =	vst v63  }
0x4f: {  	_ =	swait.ge [sflag:s20], $0x4000  }
0x50: {  	[sflag:s20] =	ssyncset.done $0x0  }
0x51: {  	s11 =	simm.s32 $0x8100;
	[sflag:s20] =	ssyncadd.s32 $0xFFFFC000  }
0x52: {  	[tilespmem:s2], [sflag:$0x1] =	stream.indirect.gather [hbm4b:s4+s23], $0x80, s11, s23, $0xb8;
	[tilespmem:$0x1E800] =	vst v63  }
0x53: {  	_ =	swait.ge [sflag:s26], $0x4000  }
0x54: {  	[sflag:s26] =	ssyncset.done $0x0  }
0x55: {  	s12 =	simm.s32 $0x9480;
	[sflag:s26] =	ssyncadd.s32 $0xFFFFC000  }
0x56: {  	[spmem:s1] =	stream.indirect.scatter.add.f32 [tilespmem:s24], [sflag:$0x3], $0x80, s12, s23, $0xb8;
	[tilespmem:$0x1E800] =	vst v63  }
0x57: {  	_ =	swait.ge [sflag:s20], $0x4000  }
0x58: {  	s0 =	simm.s32 $0x100;
	s3 =	simm.s32 $0x800;
	[sflag:s20] =	ssyncset.done $0x0  }
.LBB2_4:
0x59: {  	s10 =	sadd.s32 $0x8080, s0  }
0x5a: {  	[sflag:s20] =	ssyncadd.s32 $0xFFFFC000;
	s11 =	smov.u32 s3;
	s12 =	sadd.s32 $0x400, s3  }
0x5b: {  	[tilespmem:s24], [sflag:$0x2] =	stream.indirect.gather [hbm4b:s4+s23], $0x80, s10, s23, $0xb8;
	[tilespmem:$0x1E800] =	vst v63  }
0x5c: {  	p0 =	sne.s32 s3, $0x4800;
	_ =	swait.ge [sflag:s25], $0x4000  }
0x5d: {  	[sflag:s25] =	ssyncset.done $0x0  }
0x5e: {  	s3 =	sadd.s32 $0x9400, s0;
	[sflag:s25] =	ssyncadd.s32 $0xFFFFC000  }
0x5f: {  	[spmem:s1] =	stream.indirect.scatter.add.f32 [tilespmem:s2], [sflag:$0x3], $0x80, s3, s23, $0xb8;
	[tilespmem:$0x1E800] =	vst v63  }
0x60: {  	_ =	swait.ge [sflag:s20], $0x4000  }
0x61: {  	[sflag:s20] =	ssyncset.done $0x0  }
0x62: {  	s3 =	sadd.s32 $0x8100, s0;
	[sflag:s20] =	ssyncadd.s32 $0xFFFFC000  }
0x63: {  	[tilespmem:s2], [sflag:$0x1] =	stream.indirect.gather [hbm4b:s4+s23], $0x80, s3, s23, $0xb8;
	[tilespmem:$0x1E800] =	vst v63  }
0x64: {  	_ =	swait.ge [sflag:s26], $0x4000  }
.Ltmp1:
0x65: {  	[sflag:s26] =	ssyncset.done $0x0;
	(pc) =	sbr.rel @p0 .LBB2_4-.Ltmp1, $4  }
0x66: {  	s0 =	sadd.s32 $0x9480, s0;
	[sflag:s26] =	ssyncadd.s32 $0xFFFFC000  }
0x67: {  	[spmem:s1] =	stream.indirect.scatter.add.f32 [tilespmem:s24], [sflag:$0x3], $0x80, s0, s23, $0xb8;
	[tilespmem:$0x1E800] =	vst v63  }
0x68: {  	_ =	swait.ge [sflag:s20], $0x4000  }
0x69: {  	s3 =	smov.u32 s12;
	s0 =	sshra.s32 s11, $0x2;
	[sflag:s20] =	ssyncset.done $0x0  }
0x6a: {  	s3 =	sadd.s32 $0x8080, s0;
	[sflag:s20] =	ssyncadd.s32 $0xFFFFC000  }
0x6b: {  	[tilespmem:s24], [sflag:$0x2] =	stream.indirect.gather [hbm4b:s4+s23], $0x80, s3, s23, $0xb8;
	[tilespmem:$0x1E800] =	vst v63  }
0x6c: {  	_ =	swait.ge [sflag:s25], $0x4000  }
0x6d: {  	[sflag:s25] =	ssyncset.done $0x0  }
0x6e: {  	s11 =	sadd.s32 $0x9400, s0;
	[sflag:s25] =	ssyncadd.s32 $0xFFFFC000  }
0x6f: {  	[spmem:s1] =	stream.indirect.scatter.add.f32 [tilespmem:s2], [sflag:$0x3], $0x80, s11, s23, $0xb8;
	[tilespmem:$0x1E800] =	vst v63  }
0x70: {  	_ =	swait.ge [sflag:s20], $0x4000  }
0x71: {  	[sflag:s20] =	ssyncset.done $0x0  }
0x72: {  	s12 =	sadd.s32 $0x8100, s0;
	[sflag:s20] =	ssyncadd.s32 $0xFFFFC000  }
0x73: {  	[tilespmem:s2], [sflag:$0x1] =	stream.indirect.gather [hbm4b:s4+s23], $0x80, s12, s23, $0xb8;
	[tilespmem:$0x1E800] =	vst v63  }
0x74: {  	_ =	swait.ge [sflag:s26], $0x4000  }
0x75: {  	[sflag:s26] =	ssyncset.done $0x0  }
0x76: {  	s10 =	sadd.s32 $0x9480, s0;
	[sflag:s26] =	ssyncadd.s32 $0xFFFFC000  }
0x77: {  	[spmem:s1] =	stream.indirect.scatter.add.f32 [tilespmem:s24], [sflag:$0x3], $0x80, s10, s23, $0xb8;
	[tilespmem:$0x1E800] =	vst v63  }
0x78: {  	_ =	swait.ge [sflag:s20], $0x4000  }
0x79: {  	[sflag:s20] =	ssyncset.done $0x0  }
0x7a: {  	[sflag:s20] =	ssyncadd.s32 $0xFFFFC000  }
0x7b: {  	[tilespmem:s24], [sflag:$0x2] =	stream.indirect.gather [hbm4b:s4+s23], $0x80, s28, s23, $0xb8;
	[tilespmem:$0x1E800] =	vst v63  }
0x7c: {  	_ =	swait.ge [sflag:s25], $0x4000  }
0x7d: {  	[sflag:s25] =	ssyncset.done $0x0  }
0x7e: {  	s11 =	simm.s32 $0x0;
	[sflag:s25] =	ssyncadd.s32 $0xFFFFC000  }
0x7f: {  	[spmem:s1] =	stream.indirect.scatter.add.f32 [tilespmem:s11], [sflag:$0x3], $0x80, s29, s23, $0xb8;
	[tilespmem:$0x1E800] =	vst v63  }
0x80: {  	_ =	swait.ge [sflag:s20], $0x4000  }
0x81: {  	[sflag:s20] =	ssyncset.done $0x0  }
0x82: {  	[sflag:s20] =	ssyncadd.s32 $0xFFFFC000  }
0x83: {  	_ =	swait.ge [sflag:s26], $0x4000  }
0x84: {  	[sflag:s26] =	ssyncset.done $0x0  }
0x85: {  	[sflag:s26] =	ssyncadd.s32 $0xFFFFC000  }
0x86: {  	[spmem:s1] =	stream.indirect.scatter.add.f32 [tilespmem:s24], [sflag:$0x3], $0x80, s30, s23, $0xb8;
	[tilespmem:$0x1E800] =	vst v63  }
0x87: {  	_ =	swait.ge [sflag:s20], $0x4000  }
0x88: {  	[sflag:s20] =	ssyncset.done $0x0  }
0x89: {  	s12 =	rddreg [dreg:$0x6];
	[sflag:s20] =	ssyncadd.s32 $0xFFFFC000  }
0x8a: {  	[tilespmem:s21], [sflag:$0x3] =	stream.linear.gather [hbm4b:s12+s11], $0x1400, $0x38;
	[tilespmem:$0x1E800] =	vst v63  }
0x8b: {  	_ =	swait.ge [sflag:s20], $0x1400  }
0x8c: {  	[sflag:s20] =	ssyncset.done $0x0  }
0x8d: {  	[sflag:s20] =	ssyncadd.s32 $0xFFFFEC00  }
0x8e: {  	[tilespmem:s22], [sflag:$0x3] =	stream.linear.gather [hbm4b:s13+s11], $0x1400, $0x38;
	[tilespmem:$0x1E800] =	vst v63  }
0x8f: {  	_ =	swait.ge [sflag:s20], $0x1400  }
0x90: {  	[sflag:s20] =	ssyncset.done $0x0  }
0x91: {  	[sflag:s20] =	ssyncadd.s32 $0xFFFFEC00  }
0x92: {  	[tilespmem:s11], [sflag:$0x1] =	stream.indirect.gather [hbm4b:s4+s23], $0x80, s21, s23, $0xb8;
	[tilespmem:$0x1E800] =	vst v63  }
0x93: {  	s3 =	simm.s32 $0x8080  }
0x94: {  	[tilespmem:s24], [sflag:$0x2] =	stream.indirect.gather [hbm4b:s4+s23], $0x80, s3, s23, $0xb8;
	[tilespmem:$0x1E800] =	vst v63  }
0x95: {  	_ =	swait.ge [sflag:s25], $0x4000  }
0x96: {  	[sflag:s25] =	ssyncset.done $0x0  }
0x97: {  	s10 =	simm.s32 $0x9400;
	[sflag:s25] =	ssyncadd.s32 $0xFFFFC000  }
0x98: {  	[spmem:s1] =	stream.indirect.scatter.add.f32 [tilespmem:s2], [sflag:$0x3], $0x80, s10, s23, $0xb8;
	[tilespmem:$0x1E800] =	vst v63  }
0x99: {  	_ =	swait.ge [sflag:s20], $0x4000  }
0x9a: {  	[sflag:s20] =	ssyncset.done $0x0  }
0x9b: {  	s11 =	simm.s32 $0x8100;
	[sflag:s20] =	ssyncadd.s32 $0xFFFFC000  }
0x9c: {  	[tilespmem:s2], [sflag:$0x1] =	stream.indirect.gather [hbm4b:s4+s23], $0x80, s11, s23, $0xb8;
	[tilespmem:$0x1E800] =	vst v63  }
0x9d: {  	_ =	swait.ge [sflag:s26], $0x4000  }
0x9e: {  	[sflag:s26] =	ssyncset.done $0x0  }
0x9f: {  	s12 =	simm.s32 $0x9480;
	[sflag:s26] =	ssyncadd.s32 $0xFFFFC000  }
0xa0: {  	[spmem:s1] =	stream.indirect.scatter.add.f32 [tilespmem:s24], [sflag:$0x3], $0x80, s12, s23, $0xb8;
	[tilespmem:$0x1E800] =	vst v63  }
0xa1: {  	_ =	swait.ge [sflag:s20], $0x4000  }
0xa2: {  	s0 =	simm.s32 $0x100;
	s3 =	simm.s32 $0x800;
	[sflag:s20] =	ssyncset.done $0x0  }
.LBB2_6:
0xa3: {  	s10 =	sadd.s32 $0x8080, s0  }
0xa4: {  	[sflag:s20] =	ssyncadd.s32 $0xFFFFC000;
	s11 =	smov.u32 s3;
	s12 =	sadd.s32 $0x400, s3  }
0xa5: {  	[tilespmem:s24], [sflag:$0x2] =	stream.indirect.gather [hbm4b:s4+s23], $0x80, s10, s23, $0xb8;
	[tilespmem:$0x1E800] =	vst v63  }
0xa6: {  	p0 =	sne.s32 s3, $0x4800;
	_ =	swait.ge [sflag:s25], $0x4000  }
0xa7: {  	[sflag:s25] =	ssyncset.done $0x0  }
0xa8: {  	s3 =	sadd.s32 $0x9400, s0;
	[sflag:s25] =	ssyncadd.s32 $0xFFFFC000  }
0xa9: {  	[spmem:s1] =	stream.indirect.scatter.add.f32 [tilespmem:s2], [sflag:$0x3], $0x80, s3, s23, $0xb8;
	[tilespmem:$0x1E800] =	vst v63  }
0xaa: {  	_ =	swait.ge [sflag:s20], $0x4000  }
0xab: {  	[sflag:s20] =	ssyncset.done $0x0  }
0xac: {  	s3 =	sadd.s32 $0x8100, s0;
	[sflag:s20] =	ssyncadd.s32 $0xFFFFC000  }
0xad: {  	[tilespmem:s2], [sflag:$0x1] =	stream.indirect.gather [hbm4b:s4+s23], $0x80, s3, s23, $0xb8;
	[tilespmem:$0x1E800] =	vst v63  }
0xae: {  	_ =	swait.ge [sflag:s26], $0x4000  }
.Ltmp2:
0xaf: {  	[sflag:s26] =	ssyncset.done $0x0;
	(pc) =	sbr.rel @p0 .LBB2_6-.Ltmp2, $4  }
0xb0: {  	s0 =	sadd.s32 $0x9480, s0;
	[sflag:s26] =	ssyncadd.s32 $0xFFFFC000  }
0xb1: {  	[spmem:s1] =	stream.indirect.scatter.add.f32 [tilespmem:s24], [sflag:$0x3], $0x80, s0, s23, $0xb8;
	[tilespmem:$0x1E800] =	vst v63  }
0xb2: {  	_ =	swait.ge [sflag:s20], $0x4000  }
0xb3: {  	s3 =	smov.u32 s12;
	s0 =	sshra.s32 s11, $0x2;
	[sflag:s20] =	ssyncset.done $0x0  }
0xb4: {  	s3 =	sadd.s32 $0x8080, s0;
	[sflag:s20] =	ssyncadd.s32 $0xFFFFC000  }
0xb5: {  	[tilespmem:s24], [sflag:$0x2] =	stream.indirect.gather [hbm4b:s4+s23], $0x80, s3, s23, $0xb8;
	[tilespmem:$0x1E800] =	vst v63  }
0xb6: {  	_ =	swait.ge [sflag:s25], $0x4000  }
0xb7: {  	[sflag:s25] =	ssyncset.done $0x0  }
0xb8: {  	s11 =	sadd.s32 $0x9400, s0;
	[sflag:s25] =	ssyncadd.s32 $0xFFFFC000  }
0xb9: {  	[spmem:s1] =	stream.indirect.scatter.add.f32 [tilespmem:s2], [sflag:$0x3], $0x80, s11, s23, $0xb8;
	[tilespmem:$0x1E800] =	vst v63  }
0xba: {  	_ =	swait.ge [sflag:s20], $0x4000  }
0xbb: {  	[sflag:s20] =	ssyncset.done $0x0  }
0xbc: {  	s12 =	sadd.s32 $0x8100, s0;
	[sflag:s20] =	ssyncadd.s32 $0xFFFFC000  }
0xbd: {  	[tilespmem:s2], [sflag:$0x1] =	stream.indirect.gather [hbm4b:s4+s23], $0x80, s12, s23, $0xb8;
	[tilespmem:$0x1E800] =	vst v63  }
0xbe: {  	_ =	swait.ge [sflag:s26], $0x4000  }
0xbf: {  	[sflag:s26] =	ssyncset.done $0x0  }
0xc0: {  	s3 =	sadd.s32 $0x9480, s0;
	[sflag:s26] =	ssyncadd.s32 $0xFFFFC000  }
0xc1: {  	[spmem:s1] =	stream.indirect.scatter.add.f32 [tilespmem:s24], [sflag:$0x3], $0x80, s3, s23, $0xb8;
	[tilespmem:$0x1E800] =	vst v63  }
0xc2: {  	_ =	swait.ge [sflag:s20], $0x4000  }
0xc3: {  	[sflag:s20] =	ssyncset.done $0x0  }
0xc4: {  	[sflag:s20] =	ssyncadd.s32 $0xFFFFC000  }
0xc5: {  	[tilespmem:s24], [sflag:$0x2] =	stream.indirect.gather [hbm4b:s4+s23], $0x80, s28, s23, $0xb8;
	[tilespmem:$0x1E800] =	vst v63  }
0xc6: {  	_ =	swait.ge [sflag:s25], $0x4000  }
0xc7: {  	[sflag:s25] =	ssyncset.done $0x0  }
0xc8: {  	[sflag:s25] =	ssyncadd.s32 $0xFFFFC000  }
0xc9: {  	[spmem:s1] =	stream.indirect.scatter.add.f32 [tilespmem:s2], [sflag:$0x3], $0x80, s29, s23, $0xb8;
	[tilespmem:$0x1E800] =	vst v63  }
0xca: {  	_ =	swait.ge [sflag:s20], $0x4000  }
0xcb: {  	[sflag:s20] =	ssyncset.done $0x0  }
0xcc: {  	[sflag:s20] =	ssyncadd.s32 $0xFFFFC000  }
0xcd: {  	_ =	swait.ge [sflag:s26], $0x4000  }
0xce: {  	[sflag:s26] =	ssyncset.done $0x0  }
0xcf: {  	[sflag:s26] =	ssyncadd.s32 $0xFFFFC000  }
0xd0: {  	[spmem:s1] =	stream.indirect.scatter.add.f32 [tilespmem:s24], [sflag:$0x3], $0x80, s30, s23, $0xb8;
	[tilespmem:$0x1E800] =	vst v63  }
0xd1: {  	_ =	swait.ge [sflag:s20], $0x4000  }
0xd2: {  	s10 =	stileid.u32;
	[sflag:s20] =	ssyncset.done $0x0  }
0xd3: {  	s0 =	sshll.u32 s10, $0x6;
	[sflag:s20] =	ssyncadd.s32 $0xFFFFC000  }
0xd4: {  	s0 =	sor.u32 $0x1C03, s0;
	s11 =	sshrl.u32 s5, $0x3;
	[bflag:$0x0] =	sbarrier.arrive $0xFFFF  }
0xd5: {  	[hbm:s14], [sflag:s0] =	dma.local [spmem:s11], $0x800  }
0xd6: {  	_ =	swait.ge [sflag:s20], $0x800  }
0xd7: {  	[sflag:s20] =	ssyncset.done $0x0  }
0xd8: {  	s12 =	sshrl.u32 s6, $0x3;
	[sflag:s20] =	ssyncadd.s32 $0xFFFFF800  }
0xd9: {  	[hbm:s15], [sflag:s0] =	dma.local [spmem:s12], $0x800  }
0xda: {  	_ =	swait.ge [sflag:s20], $0x800  }
0xdb: {  	[sflag:s20] =	ssyncset.done $0x0  }
0xdc: {  	s10 =	sshrl.u32 s7, $0x3;
	[sflag:s20] =	ssyncadd.s32 $0xFFFFF800  }
0xdd: {  	[hbm:s16], [sflag:s0] =	dma.local [spmem:s10], $0x800  }
0xde: {  	_ =	swait.ge [sflag:s20], $0x800  }
0xdf: {  	[sflag:s20] =	ssyncset.done $0x0  }
0xe0: {  	s11 =	sshrl.u32 s8, $0x3;
	[sflag:s20] =	ssyncadd.s32 $0xFFFFF800  }
0xe1: {  	[hbm:s17], [sflag:s0] =	dma.local [spmem:s11], $0x800  }
0xe2: {  	s31 =	sadd.s32 $0x1, s31;
	_ =	swait.ge [sflag:s20], $0x800  }
0xe3: {  	p0 =	sne.s32 s31, s19;
	[sflag:s20] =	ssyncset.done $0x0  }
.Ltmp3:
0xe4: {  	s12 =	sshrl.u32 s9, $0x3;
	[sflag:s20] =	ssyncadd.s32 $0xFFFFF800;
	(pc) =	sbr.rel @p0 .LBB2_1-.Ltmp3, $4  }
0xe5: {  	[hbm:s18], [sflag:s0] =	dma.local [spmem:s12], $0x800  }
0xe6: {  	_ =	swait.ge [sflag:s20], $0x800  }
0xe7: {  	[sflag:s20] =	ssyncset.done $0x0  }
0xe8: {  	[sflag:s20] =	ssyncadd.s32 $0xFFFFF800  }
0xe9: {  	_ =	sfence.sel $0x180000  }
0xea: {  	[bflag:$0x0] =	sbarrier.arrive $0xFFFF  }
0xeb: {  	_ =	strace $0x90000053  }
0xec: {  	s0 =	stileid.u32;
	[bflag:$0x2] =	sbarrier.arrive $0xFFFF  }
0xed: {  	p0 =	sne.s32 s0, $0x0;
	s0 =	rddreg [dreg:$0x3]  }
0xee: {  	s0 =	sadd.s32 @!p0 $0x100000, s0  }
0xef: {  	[sflag:s0] =	ssyncadd.tile.s32 @!p0 $0x1;
	_ =	shalt  }
.Lfunc_end2:
_tile_overlayer_lowered:
.L_overlay_start_2:
0xf0: {  	(tag) =	ssettag $0x2  }
0xf1: {  	s0 =	rddreg [dreg:$0x0];
	s2 =	stileid.u32  }
0xf2: {  	s1 =	rddreg [dreg:$0x1];
	p0 =	sne.s32 s2, $0x0  }
0xf3: {  	s3 =	rddreg [dreg:$0x2];
	[bflag:$0x3] =	sbarrier.arrive $0xFFFF;
	s2 =	simm.s32 @!p0 $0x1C03  }
0xf4: {  	[timem:s3], [sflag:s2] =	dma.local @!p0 [hbm:s0], s1  }
0xf5: {  	s0 =	simm.s32 @!p0 $0x3  }
0xf6: {  	_ =	swait.ge @!p0 [sflag:s0], s1  }
0xf7: {  	s1 =	ssub.s32 @!p0 $0x0, s1;
	[sflag:s0] =	ssyncset.done @!p0 $0x0  }
0xf8: {  	[sflag:s0] =	ssyncadd.s32 @!p0 s1  }
0xf9: {  	[bflag:$0x3] =	sbarrier.arrive $0xFFFF  }
0xfa: {  	_ =	shalt  }

</sc_bundles>
